<compile_context>
chip_gen: v7x
topology: tpu7x:2x2x1
jax: 0.10.2.dev20260603
libtpu: 0.0.44.dev20260713+nightly
codegen_flags: <defaults>
</compile_context>

<pallas_src>
import functools

import jax
import jax.numpy as jnp
from jax import lax
from jax.experimental import pallas as pl
from jax.experimental.pallas import tpu as pltpu
from jax.experimental.pallas import tpu_sc as plsc

_B = 16384
_L = 50
_D = 32
_NC = 2
_NS = 16
_NW = _NC * _NS
_BPW = _B // _NW
_CB = 32
_NCHUNK = _BPW // _CB
_CL = _CB * _L
_SLICES = [(j * 128, min(128, _CL - j * 128)) for j in range((_CL + 127) // 128)]

_mesh = plsc.VectorSubcoreMesh(core_axis_name="c", subcore_axis_name="s")


@functools.partial(
    pl.kernel,
    out_type=jax.ShapeDtypeStruct((_B, 4 * _D), jnp.float32),
    mesh=_mesh,
    scratch_types=[
        pltpu.VMEM((2, _CL), jnp.int32),
        pltpu.VMEM((2, _CL, _D), jnp.float32),
        pltpu.VMEM((2, _CB), jnp.int32),
        pltpu.VMEM((2, _CB), jnp.int32),
        pltpu.VMEM((2, _CB), jnp.int32),
        pltpu.VMEM((2, _CB, _D), jnp.float32),
        pltpu.VMEM((2, _CB, _D), jnp.float32),
        pltpu.VMEM((2, _CB, _D), jnp.float32),
        pltpu.VMEM((_CB, 4 * _D), jnp.float32),
        pltpu.SemaphoreType.DMA,
        pltpu.SemaphoreType.DMA,
    ],
    compiler_params=pltpu.CompilerParams(use_tc_tiling_on_sc=False),
)
def _sc_embed(uid_hbm, age_hbm, gen_hbm, clicks_hbm, ut_hbm, at_hbm, gt_hbm,
              it_hbm, out_hbm, idx_v, rows_v, uidx_v, aidx_v, gidx_v,
              urows_v, arows_v, grows_v, outc_v, sem0, sem1):
    wid = lax.axis_index("s") * _NC + lax.axis_index("c")
    base = wid * _BPW
    inv = jnp.full((16,), 1.0 / _L, dtype=jnp.float32)
    sems = (sem0, sem1)

    def stage_and_fire(n, p, sem):
        rowbase = pl.multiple_of(base + n * _CB, _CB)
        ibase = pl.multiple_of(rowbase * _L, _CL)
        pltpu.sync_copy(clicks_hbm.at[pl.ds(ibase, _CL)], idx_v.at[p])
        for off, ln in _SLICES:
            pltpu.async_copy(
                it_hbm.at[idx_v.at[p].at[pl.ds(off, ln)]],
                rows_v.at[p].at[pl.ds(off, ln)], sem)
        pltpu.sync_copy(uid_hbm.at[pl.ds(rowbase, _CB)], uidx_v.at[p])
        pltpu.sync_copy(age_hbm.at[pl.ds(rowbase, _CB)], aidx_v.at[p])
        pltpu.sync_copy(gen_hbm.at[pl.ds(rowbase, _CB)], gidx_v.at[p])
        pltpu.async_copy(ut_hbm.at[uidx_v.at[p]], urows_v.at[p], sem)
        pltpu.async_copy(at_hbm.at[aidx_v.at[p]], arows_v.at[p], sem)
        pltpu.async_copy(gt_hbm.at[gidx_v.at[p]], grows_v.at[p], sem)

    def drain(p, sem):
        for off, ln in _SLICES:
            pltpu.make_async_copy(
                it_hbm.at[pl.ds(0, ln)], rows_v.at[p].at[pl.ds(off, ln)],
                sem).wait()
        pltpu.make_async_copy(ut_hbm.at[pl.ds(0, _CB)], urows_v.at[p],
                              sem).wait()
        pltpu.make_async_copy(ut_hbm.at[pl.ds(0, _CB)], arows_v.at[p],
                              sem).wait()
        pltpu.make_async_copy(ut_hbm.at[pl.ds(0, _CB)], grows_v.at[p],
                              sem).wait()

    def pool_and_store(n, p):
        rowbase = pl.multiple_of(base + n * _CB, _CB)

        def row_body(r, rcarry):
            slab = rows_v.at[p].at[pl.ds(r * _L, _L)]
            urow = urows_v.at[p].at[r]
            arow = arows_v.at[p].at[r]
            grow = grows_v.at[p].at[r]
            orow = outc_v.at[r]
            a0 = jnp.zeros((16,), jnp.float32)
            b0 = jnp.zeros((16,), jnp.float32)
            a1 = jnp.zeros((16,), jnp.float32)
            b1 = jnp.zeros((16,), jnp.float32)
            for jj in range(_L):
                lo = slab[jj, pl.ds(0, 16)]
                hi = slab[jj, pl.ds(16, 16)]
                if jj % 2 == 0:
                    a0 = a0 + lo
                    a1 = a1 + hi
                else:
                    b0 = b0 + lo
                    b1 = b1 + hi
            orow[pl.ds(0, 16)] = urow[pl.ds(0, 16)]
            orow[pl.ds(16, 16)] = urow[pl.ds(16, 16)]
            orow[pl.ds(32, 16)] = arow[pl.ds(0, 16)]
            orow[pl.ds(48, 16)] = arow[pl.ds(16, 16)]
            orow[pl.ds(64, 16)] = grow[pl.ds(0, 16)]
            orow[pl.ds(80, 16)] = grow[pl.ds(16, 16)]
            orow[pl.ds(96, 16)] = (a0 + b0) * inv
            orow[pl.ds(112, 16)] = (a1 + b1) * inv
            return rcarry

        lax.fori_loop(0, _CB, row_body, 0)
        pltpu.sync_copy(outc_v, out_hbm.at[pl.ds(rowbase, _CB)])

    stage_and_fire(0, 0, sems[0])

    def pair_body(t, carry):
        n0 = t * 2
        stage_and_fire(n0 + 1, 1, sems[1])
        drain(0, sems[0])
        pool_and_store(n0, 0)

        @pl.when(t < _NCHUNK // 2 - 1)
        def _():
            stage_and_fire(n0 + 2, 0, sems[0])

        drain(1, sems[1])
        pool_and_store(n0 + 1, 1)
        return carry

    lax.fori_loop(0, _NCHUNK // 2, pair_body, 0)


def _dense_body(x_ref, w_ref, b_ref, o_ref):
    acc = jnp.dot(x_ref[...], w_ref[...], preferred_element_type=jnp.float32)
    o_ref[...] = jnp.maximum(acc + b_ref[...], 0.0)


_BM = 1024
_dense = pl.pallas_call(
    _dense_body,
    grid=(_B // _BM,),
    in_specs=[
        pl.BlockSpec((_BM, 4 * _D), lambda i: (i, 0)),
        pl.BlockSpec((4 * _D, 64), lambda i: (0, 0)),
        pl.BlockSpec((1, 64), lambda i: (0, 0)),
    ],
    out_specs=pl.BlockSpec((_BM, 64), lambda i: (i, 0)),
    out_shape=jax.ShapeDtypeStruct((_B, 64), jnp.float32),
)


def kernel(user_id, age, gender, recent_clicks, user_table, age_table,
           gender_table, item_table, W, b):
    clicks_flat = recent_clicks.reshape(_B * _L)
    concat = _sc_embed(user_id, age, gender, clicks_flat, user_table,
                       age_table, gender_table, item_table)
    return _dense(concat, W, b.reshape(1, 64))

# --- scband reference (transcript-rebuilt; emitter-appended) ---
"""Pipeline reference for scband-user-tower-62285615727313 (READ-ONLY COPY).

The authoritative reference and input builder live on the scoring server;
editing this copy changes nothing except your own understanding.
"""

import jax, jax.numpy as jnp
import numpy as np

B = 16384
L = 50
D = 32
USER_VOCAB = 100001
ITEM_VOCAB = 1000001
GENDER_VOCAB = 3
AGE_VOCAB = 100


def setup_inputs(seed: int = 0) -> dict:
    key = jax.random.key(seed)
    ks = [jax.random.fold_in(key, i) for i in range(10)]
    user_id = jax.random.randint(ks[0], (B,), 0, USER_VOCAB, dtype=jnp.int64 if jax.config.jax_enable_x64 else jnp.int32).astype(jnp.int32)
    age = jax.random.randint(ks[1], (B,), 0, AGE_VOCAB).astype(jnp.int32)
    gender = jax.random.randint(ks[2], (B,), 0, GENDER_VOCAB).astype(jnp.int32)
    recent_clicks = jax.random.randint(ks[3], (B, L), 0, ITEM_VOCAB).astype(jnp.int32)
    user_table = jax.random.normal(ks[4], (USER_VOCAB, D), dtype=jnp.float32)
    age_table = jax.random.normal(ks[5], (AGE_VOCAB, D), dtype=jnp.float32)
    gender_table = jax.random.normal(ks[6], (GENDER_VOCAB, D), dtype=jnp.float32)
    item_table = jax.random.normal(ks[7], (ITEM_VOCAB, D), dtype=jnp.float32)
    W = jax.random.normal(ks[8], (4 * D, 64), dtype=jnp.float32) * (1.0 / np.sqrt(4 * D))
    b = jnp.zeros((64,), dtype=jnp.float32)
    return {
        "user_id": user_id,
        "age": age,
        "gender": gender,
        "recent_clicks": recent_clicks,
        "user_table": user_table,
        "age_table": age_table,
        "gender_table": gender_table,
        "item_table": item_table,
        "W": W,
        "b": b,
    }


def reference(user_id, age, gender, recent_clicks, user_table, age_table, gender_table, item_table, W, b):
    # Embedding lookups (gather)
    user_emb = jnp.take(user_table, user_id, axis=0)            # [B, D]
    age_emb = jnp.take(age_table, age, axis=0)                  # [B, D]
    gender_emb = jnp.take(gender_table, gender, axis=0)         # [B, D]
    rc_emb = jnp.take(item_table, recent_clicks, axis=0)        # [B, L, D]
    # Mean pooling over sequence axis
    rc_pooled = jnp.mean(rc_emb, axis=1)                        # [B, D]
    concat = jnp.concatenate([user_emb, age_emb, gender_emb, rc_pooled], axis=1)  # [B, 4D]
    out = jax.nn.relu(concat @ W + b)                            # [B, 64]
    return out

if __name__ == "__main__":
    import jax
    _d = setup_inputs()
    print(jax.jit(kernel)(*tuple(_d.values())))

</pallas_src>

<mosaic_0001>
#map = affine_map<(d0, d1) -> (0)>
#map1 = affine_map<(d0, d1) -> (0, 0)>
module attributes {stable_mosaic.version = 14 : i64} {
  func.func @_sc_embed(%arg0: i32, %arg1: i32, %arg2: memref<16384xi32, #tpu.memory_space<hbm>>, %arg3: memref<16384xi32, #tpu.memory_space<hbm>>, %arg4: memref<16384xi32, #tpu.memory_space<hbm>>, %arg5: memref<819200xi32, #tpu.memory_space<hbm>>, %arg6: memref<100001x32xf32, #tpu.memory_space<hbm>>, %arg7: memref<100x32xf32, #tpu.memory_space<hbm>>, %arg8: memref<3x32xf32, #tpu.memory_space<hbm>>, %arg9: memref<1000001x32xf32, #tpu.memory_space<hbm>>, %arg10: memref<16384x128xf32, #tpu.memory_space<hbm>>, %arg11: memref<2x1600xi32, #tpu.memory_space<vmem>>, %arg12: memref<2x1600x32xf32, #tpu.memory_space<vmem>>, %arg13: memref<2x32xi32, #tpu.memory_space<vmem>>, %arg14: memref<2x32xi32, #tpu.memory_space<vmem>>, %arg15: memref<2x32xi32, #tpu.memory_space<vmem>>, %arg16: memref<2x32x32xf32, #tpu.memory_space<vmem>>, %arg17: memref<2x32x32xf32, #tpu.memory_space<vmem>>, %arg18: memref<2x32x32xf32, #tpu.memory_space<vmem>>, %arg19: memref<32x128xf32, #tpu.memory_space<vmem>>, %arg20: memref<!tpu.dma_semaphore, #tpu.memory_space<semaphore_mem>>, %arg21: memref<!tpu.dma_semaphore, #tpu.memory_space<semaphore_mem>>) attributes {dimension_semantics = [#tpu.dimension_semantics<core_parallel>, #tpu.dimension_semantics<subcore_parallel>], iteration_bounds = array<i64: 2, 16>, scalar_prefetch = 0 : i64, scratch_operands = 11 : i64, tpu.core_type = #tpu.core_type<sc_vector_subcore>, window_params = [{transform_indices = #map}, {transform_indices = #map}, {transform_indices = #map}, {transform_indices = #map}, {transform_indices = #map1}, {transform_indices = #map1}, {transform_indices = #map1}, {transform_indices = #map1}, {transform_indices = #map1}]} {
    %mul3A = arith.constant 2 : i32
    %mul3A_0 = arith.muli %arg1, %mul3A : i32
    %add3A = arith.addi %mul3A_0, %arg0 : i32
    %mul3A_1 = arith.constant 512 : i32
    %mul3A_2 = arith.muli %add3A, %mul3A_1 : i32
    %broadcast_in_dim3A = arith.constant 2.000000e-02 : f32
    %broadcast_in_dim3A_3 = vector.broadcast %broadcast_in_dim3A : f32 to vector<16xf32>
    %add3A_4 = arith.constant 0 : i32
    %add3A_5 = arith.addi %mul3A_2, %add3A_4 : i32
    %multiple_of3A = tpu.assume_multiple %add3A_5, 32 : i32
    %mul3A_6 = arith.constant 50 : i32
    %mul3A_7 = arith.muli %multiple_of3A, %mul3A_6 : i32
    %multiple_of3A_8 = tpu.assume_multiple %mul3A_7, 1600 : i32
    %run_scoped3A = arith.constant 0 : i32
    "tpu.region"() ({
      %run_scoped3A_273 = tpu.sem_alloc : memref<!tpu.dma_semaphore, #tpu.memory_space<semaphore_mem>>
      %dma_start3A_274 = arith.constant 0 : i32
      %dma_start3A_275 = tpu.memref_slice %arg11[%run_scoped3A, %dma_start3A_274] : memref<2x1600xi32, #tpu.memory_space<vmem>> -> memref<1x1600xi32, #tpu.memory_space<vmem>>
      %dma_start3A_276 = tpu.memref_squeeze %dma_start3A_275 : memref<1x1600xi32, #tpu.memory_space<vmem>> -> memref<1600xi32, #tpu.memory_space<vmem>>
      %dma_start3A_277 = tpu.memref_slice %arg5[%multiple_of3A_8] : memref<819200xi32, #tpu.memory_space<hbm>> -> memref<1600xi32, #tpu.memory_space<hbm>>
      %dma_start3A_278 = arith.constant 0 : i32
      %dma_start3A_279 = tpu.memref_slice %arg11[%run_scoped3A, %dma_start3A_278] : memref<2x1600xi32, #tpu.memory_space<vmem>> -> memref<1x1600xi32, #tpu.memory_space<vmem>>
      %dma_start3A_280 = tpu.memref_squeeze %dma_start3A_279 : memref<1x1600xi32, #tpu.memory_space<vmem>> -> memref<1600xi32, #tpu.memory_space<vmem>>
      %dma_start3A_281 = tpu.memref_slice %arg5[%multiple_of3A_8] : memref<819200xi32, #tpu.memory_space<hbm>> -> memref<1600xi32, #tpu.memory_space<hbm>>
      tpu.enqueue_dma source(%dma_start3A_281 : memref<1600xi32, #tpu.memory_space<hbm>>) target(%dma_start3A_280 : memref<1600xi32, #tpu.memory_space<vmem>>) target_semaphore(%run_scoped3A_273 : memref<!tpu.dma_semaphore, #tpu.memory_space<semaphore_mem>>)
      %dma_wait3A = arith.constant 0 : i32
      %dma_wait3A_282 = tpu.memref_slice %arg11[%run_scoped3A, %dma_wait3A] : memref<2x1600xi32, #tpu.memory_space<vmem>> -> memref<1x1600xi32, #tpu.memory_space<vmem>>
      %dma_wait3A_283 = tpu.memref_squeeze %dma_wait3A_282 : memref<1x1600xi32, #tpu.memory_space<vmem>> -> memref<1600xi32, #tpu.memory_space<vmem>>
      %dma_wait3A_284 = tpu.memref_slice %arg5[%multiple_of3A_8] : memref<819200xi32, #tpu.memory_space<hbm>> -> memref<1600xi32, #tpu.memory_space<hbm>>
      %dma_wait3A_285 = arith.constant 0 : i32
      %dma_wait3A_286 = tpu.memref_slice %arg11[%run_scoped3A, %dma_wait3A_285] : memref<2x1600xi32, #tpu.memory_space<vmem>> -> memref<1x1600xi32, #tpu.memory_space<vmem>>
      %dma_wait3A_287 = tpu.memref_squeeze %dma_wait3A_286 : memref<1x1600xi32, #tpu.memory_space<vmem>> -> memref<1600xi32, #tpu.memory_space<vmem>>
      %dma_wait3A_288 = tpu.memref_slice %arg5[%multiple_of3A_8] : memref<819200xi32, #tpu.memory_space<hbm>> -> memref<1600xi32, #tpu.memory_space<hbm>>
      tpu.wait_dma2 semaphore(%run_scoped3A_273 : memref<!tpu.dma_semaphore, #tpu.memory_space<semaphore_mem>>) src(%dma_wait3A_288 : memref<1600xi32, #tpu.memory_space<hbm>>) dst(%dma_wait3A_287 : memref<1600xi32, #tpu.memory_space<vmem>>)
      tpu.yield
    }) : () -> ()
    %dma_start3A = arith.constant 0 : i32
    %dma_start3A_9 = arith.constant 0 : i32
    %dma_start3A_10 = arith.constant 0 : i32
    %dma_start3A_11 = arith.constant 0 : i32
    %dma_start3A_12 = tpu.memref_slice %arg12[%dma_start3A_9, %dma_start3A_10, %dma_start3A_11] : memref<2x1600x32xf32, #tpu.memory_space<vmem>> -> memref<1x1600x32xf32, #tpu.memory_space<vmem>>
    %dma_start3A_13 = tpu.memref_squeeze %dma_start3A_12 : memref<1x1600x32xf32, #tpu.memory_space<vmem>> -> memref<1600x32xf32, #tpu.memory_space<vmem>>
    %dma_start3A_14 = arith.constant 0 : i32
    %dma_start3A_15 = arith.constant 0 : i32
    %dma_start3A_16 = tpu.memref_slice %dma_start3A_13[%dma_start3A_14, %dma_start3A_15] : memref<1600x32xf32, #tpu.memory_space<vmem>> -> memref<128x32xf32, #tpu.memory_space<vmem>>
    %dma_start3A_17 = arith.constant 0 : i32
    %dma_start3A_18 = tpu.memref_slice %arg11[%dma_start3A, %dma_start3A_17] : memref<2x1600xi32, #tpu.memory_space<vmem>> -> memref<1x1600xi32, #tpu.memory_space<vmem>>
    %dma_start3A_19 = tpu.memref_squeeze %dma_start3A_18 : memref<1x1600xi32, #tpu.memory_space<vmem>> -> memref<1600xi32, #tpu.memory_space<vmem>>
    %dma_start3A_20 = arith.constant 0 : i32
    %dma_start3A_21 = tpu.memref_slice %dma_start3A_19[%dma_start3A_20] : memref<1600xi32, #tpu.memory_space<vmem>> -> memref<128xi32, #tpu.memory_space<vmem>>
    %dma_start3A_22 = arith.constant 0 : i32
    %dma_start3A_23 = arith.constant 0 : i32
    %dma_start3A_24 = tpu.memref_slice %arg9[%dma_start3A_22, %dma_start3A_23] : memref<1000001x32xf32, #tpu.memory_space<hbm>> -> memref<1000001x32xf32, #tpu.memory_space<hbm>>
    tpu.enqueue_indirect_dma source(%dma_start3A_24 : memref<1000001x32xf32, #tpu.memory_space<hbm>>) target(%dma_start3A_16 : memref<128x32xf32, #tpu.memory_space<vmem>>) offsets(%dma_start3A_21 : memref<128xi32, #tpu.memory_space<vmem>>) semaphore(%arg20 : memref<!tpu.dma_semaphore, #tpu.memory_space<semaphore_mem>>)
    %dma_start3A_25 = arith.constant 0 : i32
    %dma_start3A_26 = arith.constant 0 : i32
    %dma_start3A_27 = arith.constant 0 : i32
    %dma_start3A_28 = arith.constant 0 : i32
    %dma_start3A_29 = tpu.memref_slice %arg12[%dma_start3A_26, %dma_start3A_27, %dma_start3A_28] : memref<2x1600x32xf32, #tpu.memory_space<vmem>> -> memref<1x1600x32xf32, #tpu.memory_space<vmem>>
    %dma_start3A_30 = tpu.memref_squeeze %dma_start3A_29 : memref<1x1600x32xf32, #tpu.memory_space<vmem>> -> memref<1600x32xf32, #tpu.memory_space<vmem>>
    %dma_start3A_31 = arith.constant 128 : i32
    %dma_start3A_32 = arith.constant 0 : i32
    %dma_start3A_33 = tpu.memref_slice %dma_start3A_30[%dma_start3A_31, %dma_start3A_32] : memref<1600x32xf32, #tpu.memory_space<vmem>> -> memref<128x32xf32, #tpu.memory_space<vmem>>
    %dma_start3A_34 = arith.constant 0 : i32
    %dma_start3A_35 = tpu.memref_slice %arg11[%dma_start3A_25, %dma_start3A_34] : memref<2x1600xi32, #tpu.memory_space<vmem>> -> memref<1x1600xi32, #tpu.memory_space<vmem>>
    %dma_start3A_36 = tpu.memref_squeeze %dma_start3A_35 : memref<1x1600xi32, #tpu.memory_space<vmem>> -> memref<1600xi32, #tpu.memory_space<vmem>>
    %dma_start3A_37 = arith.constant 128 : i32
    %dma_start3A_38 = tpu.memref_slice %dma_start3A_36[%dma_start3A_37] : memref<1600xi32, #tpu.memory_space<vmem>> -> memref<128xi32, #tpu.memory_space<vmem>>
    %dma_start3A_39 = arith.constant 0 : i32
    %dma_start3A_40 = arith.constant 0 : i32
    %dma_start3A_41 = tpu.memref_slice %arg9[%dma_start3A_39, %dma_start3A_40] : memref<1000001x32xf32, #tpu.memory_space<hbm>> -> memref<1000001x32xf32, #tpu.memory_space<hbm>>
    tpu.enqueue_indirect_dma source(%dma_start3A_41 : memref<1000001x32xf32, #tpu.memory_space<hbm>>) target(%dma_start3A_33 : memref<128x32xf32, #tpu.memory_space<vmem>>) offsets(%dma_start3A_38 : memref<128xi32, #tpu.memory_space<vmem>>) semaphore(%arg20 : memref<!tpu.dma_semaphore, #tpu.memory_space<semaphore_mem>>)
    %dma_start3A_42 = arith.constant 0 : i32
    %dma_start3A_43 = arith.constant 0 : i32
    %dma_start3A_44 = arith.constant 0 : i32
    %dma_start3A_45 = arith.constant 0 : i32
    %dma_start3A_46 = tpu.memref_slice %arg12[%dma_start3A_43, %dma_start3A_44, %dma_start3A_45] : memref<2x1600x32xf32, #tpu.memory_space<vmem>> -> memref<1x1600x32xf32, #tpu.memory_space<vmem>>
    %dma_start3A_47 = tpu.memref_squeeze %dma_start3A_46 : memref<1x1600x32xf32, #tpu.memory_space<vmem>> -> memref<1600x32xf32, #tpu.memory_space<vmem>>
    %dma_start3A_48 = arith.constant 256 : i32
    %dma_start3A_49 = arith.constant 0 : i32
    %dma_start3A_50 = tpu.memref_slice %dma_start3A_47[%dma_start3A_48, %dma_start3A_49] : memref<1600x32xf32, #tpu.memory_space<vmem>> -> memref<128x32xf32, #tpu.memory_space<vmem>>
    %dma_start3A_51 = arith.constant 0 : i32
    %dma_start3A_52 = tpu.memref_slice %arg11[%dma_start3A_42, %dma_start3A_51] : memref<2x1600xi32, #tpu.memory_space<vmem>> -> memref<1x1600xi32, #tpu.memory_space<vmem>>
    %dma_start3A_53 = tpu.memref_squeeze %dma_start3A_52 : memref<1x1600xi32, #tpu.memory_space<vmem>> -> memref<1600xi32, #tpu.memory_space<vmem>>
    %dma_start3A_54 = arith.constant 256 : i32
    %dma_start3A_55 = tpu.memref_slice %dma_start3A_53[%dma_start3A_54] : memref<1600xi32, #tpu.memory_space<vmem>> -> memref<128xi32, #tpu.memory_space<vmem>>
    %dma_start3A_56 = arith.constant 0 : i32
    %dma_start3A_57 = arith.constant 0 : i32
    %dma_start3A_58 = tpu.memref_slice %arg9[%dma_start3A_56, %dma_start3A_57] : memref<1000001x32xf32, #tpu.memory_space<hbm>> -> memref<1000001x32xf32, #tpu.memory_space<hbm>>
    tpu.enqueue_indirect_dma source(%dma_start3A_58 : memref<1000001x32xf32, #tpu.memory_space<hbm>>) target(%dma_start3A_50 : memref<128x32xf32, #tpu.memory_space<vmem>>) offsets(%dma_start3A_55 : memref<128xi32, #tpu.memory_space<vmem>>) semaphore(%arg20 : memref<!tpu.dma_semaphore, #tpu.memory_space<semaphore_mem>>)
    %dma_start3A_59 = arith.constant 0 : i32
    %dma_start3A_60 = arith.constant 0 : i32
    %dma_start3A_61 = arith.constant 0 : i32
    %dma_start3A_62 = arith.constant 0 : i32
    %dma_start3A_63 = tpu.memref_slice %arg12[%dma_start3A_60, %dma_start3A_61, %dma_start3A_62] : memref<2x1600x32xf32, #tpu.memory_space<vmem>> -> memref<1x1600x32xf32, #tpu.memory_space<vmem>>
    %dma_start3A_64 = tpu.memref_squeeze %dma_start3A_63 : memref<1x1600x32xf32, #tpu.memory_space<vmem>> -> memref<1600x32xf32, #tpu.memory_space<vmem>>
    %dma_start3A_65 = arith.constant 384 : i32
    %dma_start3A_66 = arith.constant 0 : i32
    %dma_start3A_67 = tpu.memref_slice %dma_start3A_64[%dma_start3A_65, %dma_start3A_66] : memref<1600x32xf32, #tpu.memory_space<vmem>> -> memref<128x32xf32, #tpu.memory_space<vmem>>
    %dma_start3A_68 = arith.constant 0 : i32
    %dma_start3A_69 = tpu.memref_slice %arg11[%dma_start3A_59, %dma_start3A_68] : memref<2x1600xi32, #tpu.memory_space<vmem>> -> memref<1x1600xi32, #tpu.memory_space<vmem>>
    %dma_start3A_70 = tpu.memref_squeeze %dma_start3A_69 : memref<1x1600xi32, #tpu.memory_space<vmem>> -> memref<1600xi32, #tpu.memory_space<vmem>>
    %dma_start3A_71 = arith.constant 384 : i32
    %dma_start3A_72 = tpu.memref_slice %dma_start3A_70[%dma_start3A_71] : memref<1600xi32, #tpu.memory_space<vmem>> -> memref<128xi32, #tpu.memory_space<vmem>>
    %dma_start3A_73 = arith.constant 0 : i32
    %dma_start3A_74 = arith.constant 0 : i32
    %dma_start3A_75 = tpu.memref_slice %arg9[%dma_start3A_73, %dma_start3A_74] : memref<1000001x32xf32, #tpu.memory_space<hbm>> -> memref<1000001x32xf32, #tpu.memory_space<hbm>>
    tpu.enqueue_indirect_dma source(%dma_start3A_75 : memref<1000001x32xf32, #tpu.memory_space<hbm>>) target(%dma_start3A_67 : memref<128x32xf32, #tpu.memory_space<vmem>>) offsets(%dma_start3A_72 : memref<128xi32, #tpu.memory_space<vmem>>) semaphore(%arg20 : memref<!tpu.dma_semaphore, #tpu.memory_space<semaphore_mem>>)
    %dma_start3A_76 = arith.constant 0 : i32
    %dma_start3A_77 = arith.constant 0 : i32
    %dma_start3A_78 = arith.constant 0 : i32
    %dma_start3A_79 = arith.constant 0 : i32
    %dma_start3A_80 = tpu.memref_slice %arg12[%dma_start3A_77, %dma_start3A_78, %dma_start3A_79] : memref<2x1600x32xf32, #tpu.memory_space<vmem>> -> memref<1x1600x32xf32, #tpu.memory_space<vmem>>
    %dma_start3A_81 = tpu.memref_squeeze %dma_start3A_80 : memref<1x1600x32xf32, #tpu.memory_space<vmem>> -> memref<1600x32xf32, #tpu.memory_space<vmem>>
    %dma_start3A_82 = arith.constant 512 : i32
    %dma_start3A_83 = arith.constant 0 : i32
    %dma_start3A_84 = tpu.memref_slice %dma_start3A_81[%dma_start3A_82, %dma_start3A_83] : memref<1600x32xf32, #tpu.memory_space<vmem>> -> memref<128x32xf32, #tpu.memory_space<vmem>>
    %dma_start3A_85 = arith.constant 0 : i32
    %dma_start3A_86 = tpu.memref_slice %arg11[%dma_start3A_76, %dma_start3A_85] : memref<2x1600xi32, #tpu.memory_space<vmem>> -> memref<1x1600xi32, #tpu.memory_space<vmem>>
    %dma_start3A_87 = tpu.memref_squeeze %dma_start3A_86 : memref<1x1600xi32, #tpu.memory_space<vmem>> -> memref<1600xi32, #tpu.memory_space<vmem>>
    %dma_start3A_88 = arith.constant 512 : i32
    %dma_start3A_89 = tpu.memref_slice %dma_start3A_87[%dma_start3A_88] : memref<1600xi32, #tpu.memory_space<vmem>> -> memref<128xi32, #tpu.memory_space<vmem>>
    %dma_start3A_90 = arith.constant 0 : i32
    %dma_start3A_91 = arith.constant 0 : i32
    %dma_start3A_92 = tpu.memref_slice %arg9[%dma_start3A_90, %dma_start3A_91] : memref<1000001x32xf32, #tpu.memory_space<hbm>> -> memref<1000001x32xf32, #tpu.memory_space<hbm>>
    tpu.enqueue_indirect_dma source(%dma_start3A_92 : memref<1000001x32xf32, #tpu.memory_space<hbm>>) target(%dma_start3A_84 : memref<128x32xf32, #tpu.memory_space<vmem>>) offsets(%dma_start3A_89 : memref<128xi32, #tpu.memory_space<vmem>>) semaphore(%arg20 : memref<!tpu.dma_semaphore, #tpu.memory_space<semaphore_mem>>)
    %dma_start3A_93 = arith.constant 0 : i32
    %dma_start3A_94 = arith.constant 0 : i32
    %dma_start3A_95 = arith.constant 0 : i32
    %dma_start3A_96 = arith.constant 0 : i32
    %dma_start3A_97 = tpu.memref_slice %arg12[%dma_start3A_94, %dma_start3A_95, %dma_start3A_96] : memref<2x1600x32xf32, #tpu.memory_space<vmem>> -> memref<1x1600x32xf32, #tpu.memory_space<vmem>>
    %dma_start3A_98 = tpu.memref_squeeze %dma_start3A_97 : memref<1x1600x32xf32, #tpu.memory_space<vmem>> -> memref<1600x32xf32, #tpu.memory_space<vmem>>
    %dma_start3A_99 = arith.constant 640 : i32
    %dma_start3A_100 = arith.constant 0 : i32
    %dma_start3A_101 = tpu.memref_slice %dma_start3A_98[%dma_start3A_99, %dma_start3A_100] : memref<1600x32xf32, #tpu.memory_space<vmem>> -> memref<128x32xf32, #tpu.memory_space<vmem>>
    %dma_start3A_102 = arith.constant 0 : i32
    %dma_start3A_103 = tpu.memref_slice %arg11[%dma_start3A_93, %dma_start3A_102] : memref<2x1600xi32, #tpu.memory_space<vmem>> -> memref<1x1600xi32, #tpu.memory_space<vmem>>
    %dma_start3A_104 = tpu.memref_squeeze %dma_start3A_103 : memref<1x1600xi32, #tpu.memory_space<vmem>> -> memref<1600xi32, #tpu.memory_space<vmem>>
    %dma_start3A_105 = arith.constant 640 : i32
    %dma_start3A_106 = tpu.memref_slice %dma_start3A_104[%dma_start3A_105] : memref<1600xi32, #tpu.memory_space<vmem>> -> memref<128xi32, #tpu.memory_space<vmem>>
    %dma_start3A_107 = arith.constant 0 : i32
    %dma_start3A_108 = arith.constant 0 : i32
    %dma_start3A_109 = tpu.memref_slice %arg9[%dma_start3A_107, %dma_start3A_108] : memref<1000001x32xf32, #tpu.memory_space<hbm>> -> memref<1000001x32xf32, #tpu.memory_space<hbm>>
    tpu.enqueue_indirect_dma source(%dma_start3A_109 : memref<1000001x32xf32, #tpu.memory_space<hbm>>) target(%dma_start3A_101 : memref<128x32xf32, #tpu.memory_space<vmem>>) offsets(%dma_start3A_106 : memref<128xi32, #tpu.memory_space<vmem>>) semaphore(%arg20 : memref<!tpu.dma_semaphore, #tpu.memory_space<semaphore_mem>>)
    %dma_start3A_110 = arith.constant 0 : i32
    %dma_start3A_111 = arith.constant 0 : i32
    %dma_start3A_112 = arith.constant 0 : i32
    %dma_start3A_113 = arith.constant 0 : i32
    %dma_start3A_114 = tpu.memref_slice %arg12[%dma_start3A_111, %dma_start3A_112, %dma_start3A_113] : memref<2x1600x32xf32, #tpu.memory_space<vmem>> -> memref<1x1600x32xf32, #tpu.memory_space<vmem>>
    %dma_start3A_115 = tpu.memref_squeeze %dma_start3A_114 : memref<1x1600x32xf32, #tpu.memory_space<vmem>> -> memref<1600x32xf32, #tpu.memory_space<vmem>>
    %dma_start3A_116 = arith.constant 768 : i32
    %dma_start3A_117 = arith.constant 0 : i32
    %dma_start3A_118 = tpu.memref_slice %dma_start3A_115[%dma_start3A_116, %dma_start3A_117] : memref<1600x32xf32, #tpu.memory_space<vmem>> -> memref<128x32xf32, #tpu.memory_space<vmem>>
    %dma_start3A_119 = arith.constant 0 : i32
    %dma_start3A_120 = tpu.memref_slice %arg11[%dma_start3A_110, %dma_start3A_119] : memref<2x1600xi32, #tpu.memory_space<vmem>> -> memref<1x1600xi32, #tpu.memory_space<vmem>>
    %dma_start3A_121 = tpu.memref_squeeze %dma_start3A_120 : memref<1x1600xi32, #tpu.memory_space<vmem>> -> memref<1600xi32, #tpu.memory_space<vmem>>
    %dma_start3A_122 = arith.constant 768 : i32
    %dma_start3A_123 = tpu.memref_slice %dma_start3A_121[%dma_start3A_122] : memref<1600xi32, #tpu.memory_space<vmem>> -> memref<128xi32, #tpu.memory_space<vmem>>
    %dma_start3A_124 = arith.constant 0 : i32
    %dma_start3A_125 = arith.constant 0 : i32
    %dma_start3A_126 = tpu.memref_slice %arg9[%dma_start3A_124, %dma_start3A_125] : memref<1000001x32xf32, #tpu.memory_space<hbm>> -> memref<1000001x32xf32, #tpu.memory_space<hbm>>
    tpu.enqueue_indirect_dma source(%dma_start3A_126 : memref<1000001x32xf32, #tpu.memory_space<hbm>>) target(%dma_start3A_118 : memref<128x32xf32, #tpu.memory_space<vmem>>) offsets(%dma_start3A_123 : memref<128xi32, #tpu.memory_space<vmem>>) semaphore(%arg20 : memref<!tpu.dma_semaphore, #tpu.memory_space<semaphore_mem>>)
    %dma_start3A_127 = arith.constant 0 : i32
    %dma_start3A_128 = arith.constant 0 : i32
    %dma_start3A_129 = arith.constant 0 : i32
    %dma_start3A_130 = arith.constant 0 : i32
    %dma_start3A_131 = tpu.memref_slice %arg12[%dma_start3A_128, %dma_start3A_129, %dma_start3A_130] : memref<2x1600x32xf32, #tpu.memory_space<vmem>> -> memref<1x1600x32xf32, #tpu.memory_space<vmem>>
    %dma_start3A_132 = tpu.memref_squeeze %dma_start3A_131 : memref<1x1600x32xf32, #tpu.memory_space<vmem>> -> memref<1600x32xf32, #tpu.memory_space<vmem>>
    %dma_start3A_133 = arith.constant 896 : i32
    %dma_start3A_134 = arith.constant 0 : i32
    %dma_start3A_135 = tpu.memref_slice %dma_start3A_132[%dma_start3A_133, %dma_start3A_134] : memref<1600x32xf32, #tpu.memory_space<vmem>> -> memref<128x32xf32, #tpu.memory_space<vmem>>
    %dma_start3A_136 = arith.constant 0 : i32
    %dma_start3A_137 = tpu.memref_slice %arg11[%dma_start3A_127, %dma_start3A_136] : memref<2x1600xi32, #tpu.memory_space<vmem>> -> memref<1x1600xi32, #tpu.memory_space<vmem>>
    %dma_start3A_138 = tpu.memref_squeeze %dma_start3A_137 : memref<1x1600xi32, #tpu.memory_space<vmem>> -> memref<1600xi32, #tpu.memory_space<vmem>>
    %dma_start3A_139 = arith.constant 896 : i32
    %dma_start3A_140 = tpu.memref_slice %dma_start3A_138[%dma_start3A_139] : memref<1600xi32, #tpu.memory_space<vmem>> -> memref<128xi32, #tpu.memory_space<vmem>>
    %dma_start3A_141 = arith.constant 0 : i32
    %dma_start3A_142 = arith.constant 0 : i32
    %dma_start3A_143 = tpu.memref_slice %arg9[%dma_start3A_141, %dma_start3A_142] : memref<1000001x32xf32, #tpu.memory_space<hbm>> -> memref<1000001x32xf32, #tpu.memory_space<hbm>>
    tpu.enqueue_indirect_dma source(%dma_start3A_143 : memref<1000001x32xf32, #tpu.memory_space<hbm>>) target(%dma_start3A_135 : memref<128x32xf32, #tpu.memory_space<vmem>>) offsets(%dma_start3A_140 : memref<128xi32, #tpu.memory_space<vmem>>) semaphore(%arg20 : memref<!tpu.dma_semaphore, #tpu.memory_space<semaphore_mem>>)
    %dma_start3A_144 = arith.constant 0 : i32
    %dma_start3A_145 = arith.constant 0 : i32
    %dma_start3A_146 = arith.constant 0 : i32
    %dma_start3A_147 = arith.constant 0 : i32
    %dma_start3A_148 = tpu.memref_slice %arg12[%dma_start3A_145, %dma_start3A_146, %dma_start3A_147] : memref<2x1600x32xf32, #tpu.memory_space<vmem>> -> memref<1x1600x32xf32, #tpu.memory_space<vmem>>
    %dma_start3A_149 = tpu.memref_squeeze %dma_start3A_148 : memref<1x1600x32xf32, #tpu.memory_space<vmem>> -> memref<1600x32xf32, #tpu.memory_space<vmem>>
    %dma_start3A_150 = arith.constant 1024 : i32
    %dma_start3A_151 = arith.constant 0 : i32
    %dma_start3A_152 = tpu.memref_slice %dma_start3A_149[%dma_start3A_150, %dma_start3A_151] : memref<1600x32xf32, #tpu.memory_space<vmem>> -> memref<128x32xf32, #tpu.memory_space<vmem>>
    %dma_start3A_153 = arith.constant 0 : i32
    %dma_start3A_154 = tpu.memref_slice %arg11[%dma_start3A_144, %dma_start3A_153] : memref<2x1600xi32, #tpu.memory_space<vmem>> -> memref<1x1600xi32, #tpu.memory_space<vmem>>
    %dma_start3A_155 = tpu.memref_squeeze %dma_start3A_154 : memref<1x1600xi32, #tpu.memory_space<vmem>> -> memref<1600xi32, #tpu.memory_space<vmem>>
    %dma_start3A_156 = arith.constant 1024 : i32
    %dma_start3A_157 = tpu.memref_slice %dma_start3A_155[%dma_start3A_156] : memref<1600xi32, #tpu.memory_space<vmem>> -> memref<128xi32, #tpu.memory_space<vmem>>
    %dma_start3A_158 = arith.constant 0 : i32
    %dma_start3A_159 = arith.constant 0 : i32
    %dma_start3A_160 = tpu.memref_slice %arg9[%dma_start3A_158, %dma_start3A_159] : memref<1000001x32xf32, #tpu.memory_space<hbm>> -> memref<1000001x32xf32, #tpu.memory_space<hbm>>
    tpu.enqueue_indirect_dma source(%dma_start3A_160 : memref<1000001x32xf32, #tpu.memory_space<hbm>>) target(%dma_start3A_152 : memref<128x32xf32, #tpu.memory_space<vmem>>) offsets(%dma_start3A_157 : memref<128xi32, #tpu.memory_space<vmem>>) semaphore(%arg20 : memref<!tpu.dma_semaphore, #tpu.memory_space<semaphore_mem>>)
    %dma_start3A_161 = arith.constant 0 : i32
    %dma_start3A_162 = arith.constant 0 : i32
    %dma_start3A_163 = arith.constant 0 : i32
    %dma_start3A_164 = arith.constant 0 : i32
    %dma_start3A_165 = tpu.memref_slice %arg12[%dma_start3A_162, %dma_start3A_163, %dma_start3A_164] : memref<2x1600x32xf32, #tpu.memory_space<vmem>> -> memref<1x1600x32xf32, #tpu.memory_space<vmem>>
    %dma_start3A_166 = tpu.memref_squeeze %dma_start3A_165 : memref<1x1600x32xf32, #tpu.memory_space<vmem>> -> memref<1600x32xf32, #tpu.memory_space<vmem>>
    %dma_start3A_167 = arith.constant 1152 : i32
    %dma_start3A_168 = arith.constant 0 : i32
    %dma_start3A_169 = tpu.memref_slice %dma_start3A_166[%dma_start3A_167, %dma_start3A_168] : memref<1600x32xf32, #tpu.memory_space<vmem>> -> memref<128x32xf32, #tpu.memory_space<vmem>>
    %dma_start3A_170 = arith.constant 0 : i32
    %dma_start3A_171 = tpu.memref_slice %arg11[%dma_start3A_161, %dma_start3A_170] : memref<2x1600xi32, #tpu.memory_space<vmem>> -> memref<1x1600xi32, #tpu.memory_space<vmem>>
    %dma_start3A_172 = tpu.memref_squeeze %dma_start3A_171 : memref<1x1600xi32, #tpu.memory_space<vmem>> -> memref<1600xi32, #tpu.memory_space<vmem>>
    %dma_start3A_173 = arith.constant 1152 : i32
    %dma_start3A_174 = tpu.memref_slice %dma_start3A_172[%dma_start3A_173] : memref<1600xi32, #tpu.memory_space<vmem>> -> memref<128xi32, #tpu.memory_space<vmem>>
    %dma_start3A_175 = arith.constant 0 : i32
    %dma_start3A_176 = arith.constant 0 : i32
    %dma_start3A_177 = tpu.memref_slice %arg9[%dma_start3A_175, %dma_start3A_176] : memref<1000001x32xf32, #tpu.memory_space<hbm>> -> memref<1000001x32xf32, #tpu.memory_space<hbm>>
    tpu.enqueue_indirect_dma source(%dma_start3A_177 : memref<1000001x32xf32, #tpu.memory_space<hbm>>) target(%dma_start3A_169 : memref<128x32xf32, #tpu.memory_space<vmem>>) offsets(%dma_start3A_174 : memref<128xi32, #tpu.memory_space<vmem>>) semaphore(%arg20 : memref<!tpu.dma_semaphore, #tpu.memory_space<semaphore_mem>>)
    %dma_start3A_178 = arith.constant 0 : i32
    %dma_start3A_179 = arith.constant 0 : i32
    %dma_start3A_180 = arith.constant 0 : i32
    %dma_start3A_181 = arith.constant 0 : i32
    %dma_start3A_182 = tpu.memref_slice %arg12[%dma_start3A_179, %dma_start3A_180, %dma_start3A_181] : memref<2x1600x32xf32, #tpu.memory_space<vmem>> -> memref<1x1600x32xf32, #tpu.memory_space<vmem>>
    %dma_start3A_183 = tpu.memref_squeeze %dma_start3A_182 : memref<1x1600x32xf32, #tpu.memory_space<vmem>> -> memref<1600x32xf32, #tpu.memory_space<vmem>>
    %dma_start3A_184 = arith.constant 1280 : i32
    %dma_start3A_185 = arith.constant 0 : i32
    %dma_start3A_186 = tpu.memref_slice %dma_start3A_183[%dma_start3A_184, %dma_start3A_185] : memref<1600x32xf32, #tpu.memory_space<vmem>> -> memref<128x32xf32, #tpu.memory_space<vmem>>
    %dma_start3A_187 = arith.constant 0 : i32
    %dma_start3A_188 = tpu.memref_slice %arg11[%dma_start3A_178, %dma_start3A_187] : memref<2x1600xi32, #tpu.memory_space<vmem>> -> memref<1x1600xi32, #tpu.memory_space<vmem>>
    %dma_start3A_189 = tpu.memref_squeeze %dma_start3A_188 : memref<1x1600xi32, #tpu.memory_space<vmem>> -> memref<1600xi32, #tpu.memory_space<vmem>>
    %dma_start3A_190 = arith.constant 1280 : i32
    %dma_start3A_191 = tpu.memref_slice %dma_start3A_189[%dma_start3A_190] : memref<1600xi32, #tpu.memory_space<vmem>> -> memref<128xi32, #tpu.memory_space<vmem>>
    %dma_start3A_192 = arith.constant 0 : i32
    %dma_start3A_193 = arith.constant 0 : i32
    %dma_start3A_194 = tpu.memref_slice %arg9[%dma_start3A_192, %dma_start3A_193] : memref<1000001x32xf32, #tpu.memory_space<hbm>> -> memref<1000001x32xf32, #tpu.memory_space<hbm>>
    tpu.enqueue_indirect_dma source(%dma_start3A_194 : memref<1000001x32xf32, #tpu.memory_space<hbm>>) target(%dma_start3A_186 : memref<128x32xf32, #tpu.memory_space<vmem>>) offsets(%dma_start3A_191 : memref<128xi32, #tpu.memory_space<vmem>>) semaphore(%arg20 : memref<!tpu.dma_semaphore, #tpu.memory_space<semaphore_mem>>)
    %dma_start3A_195 = arith.constant 0 : i32
    %dma_start3A_196 = arith.constant 0 : i32
    %dma_start3A_197 = arith.constant 0 : i32
    %dma_start3A_198 = arith.constant 0 : i32
    %dma_start3A_199 = tpu.memref_slice %arg12[%dma_start3A_196, %dma_start3A_197, %dma_start3A_198] : memref<2x1600x32xf32, #tpu.memory_space<vmem>> -> memref<1x1600x32xf32, #tpu.memory_space<vmem>>
    %dma_start3A_200 = tpu.memref_squeeze %dma_start3A_199 : memref<1x1600x32xf32, #tpu.memory_space<vmem>> -> memref<1600x32xf32, #tpu.memory_space<vmem>>
    %dma_start3A_201 = arith.constant 1408 : i32
    %dma_start3A_202 = arith.constant 0 : i32
    %dma_start3A_203 = tpu.memref_slice %dma_start3A_200[%dma_start3A_201, %dma_start3A_202] : memref<1600x32xf32, #tpu.memory_space<vmem>> -> memref<128x32xf32, #tpu.memory_space<vmem>>
    %dma_start3A_204 = arith.constant 0 : i32
    %dma_start3A_205 = tpu.memref_slice %arg11[%dma_start3A_195, %dma_start3A_204] : memref<2x1600xi32, #tpu.memory_space<vmem>> -> memref<1x1600xi32, #tpu.memory_space<vmem>>
    %dma_start3A_206 = tpu.memref_squeeze %dma_start3A_205 : memref<1x1600xi32, #tpu.memory_space<vmem>> -> memref<1600xi32, #tpu.memory_space<vmem>>
    %dma_start3A_207 = arith.constant 1408 : i32
    %dma_start3A_208 = tpu.memref_slice %dma_start3A_206[%dma_start3A_207] : memref<1600xi32, #tpu.memory_space<vmem>> -> memref<128xi32, #tpu.memory_space<vmem>>
    %dma_start3A_209 = arith.constant 0 : i32
    %dma_start3A_210 = arith.constant 0 : i32
    %dma_start3A_211 = tpu.memref_slice %arg9[%dma_start3A_209, %dma_start3A_210] : memref<1000001x32xf32, #tpu.memory_space<hbm>> -> memref<1000001x32xf32, #tpu.memory_space<hbm>>
    tpu.enqueue_indirect_dma source(%dma_start3A_211 : memref<1000001x32xf32, #tpu.memory_space<hbm>>) target(%dma_start3A_203 : memref<128x32xf32, #tpu.memory_space<vmem>>) offsets(%dma_start3A_208 : memref<128xi32, #tpu.memory_space<vmem>>) semaphore(%arg20 : memref<!tpu.dma_semaphore, #tpu.memory_space<semaphore_mem>>)
    %dma_start3A_212 = arith.constant 0 : i32
    %dma_start3A_213 = arith.constant 0 : i32
    %dma_start3A_214 = arith.constant 0 : i32
    %dma_start3A_215 = arith.constant 0 : i32
    %dma_start3A_216 = tpu.memref_slice %arg12[%dma_start3A_213, %dma_start3A_214, %dma_start3A_215] : memref<2x1600x32xf32, #tpu.memory_space<vmem>> -> memref<1x1600x32xf32, #tpu.memory_space<vmem>>
    %dma_start3A_217 = tpu.memref_squeeze %dma_start3A_216 : memref<1x1600x32xf32, #tpu.memory_space<vmem>> -> memref<1600x32xf32, #tpu.memory_space<vmem>>
    %dma_start3A_218 = arith.constant 1536 : i32
    %dma_start3A_219 = arith.constant 0 : i32
    %dma_start3A_220 = tpu.memref_slice %dma_start3A_217[%dma_start3A_218, %dma_start3A_219] : memref<1600x32xf32, #tpu.memory_space<vmem>> -> memref<64x32xf32, #tpu.memory_space<vmem>>
    %dma_start3A_221 = arith.constant 0 : i32
    %dma_start3A_222 = tpu.memref_slice %arg11[%dma_start3A_212, %dma_start3A_221] : memref<2x1600xi32, #tpu.memory_space<vmem>> -> memref<1x1600xi32, #tpu.memory_space<vmem>>
    %dma_start3A_223 = tpu.memref_squeeze %dma_start3A_222 : memref<1x1600xi32, #tpu.memory_space<vmem>> -> memref<1600xi32, #tpu.memory_space<vmem>>
    %dma_start3A_224 = arith.constant 1536 : i32
    %dma_start3A_225 = tpu.memref_slice %dma_start3A_223[%dma_start3A_224] : memref<1600xi32, #tpu.memory_space<vmem>> -> memref<64xi32, #tpu.memory_space<vmem>>
    %dma_start3A_226 = arith.constant 0 : i32
    %dma_start3A_227 = arith.constant 0 : i32
    %dma_start3A_228 = tpu.memref_slice %arg9[%dma_start3A_226, %dma_start3A_227] : memref<1000001x32xf32, #tpu.memory_space<hbm>> -> memref<1000001x32xf32, #tpu.memory_space<hbm>>
    tpu.enqueue_indirect_dma source(%dma_start3A_228 : memref<1000001x32xf32, #tpu.memory_space<hbm>>) target(%dma_start3A_220 : memref<64x32xf32, #tpu.memory_space<vmem>>) offsets(%dma_start3A_225 : memref<64xi32, #tpu.memory_space<vmem>>) semaphore(%arg20 : memref<!tpu.dma_semaphore, #tpu.memory_space<semaphore_mem>>)
    %run_scoped3A_229 = arith.constant 0 : i32
    "tpu.region"() ({
      %run_scoped3A_273 = tpu.sem_alloc : memref<!tpu.dma_semaphore, #tpu.memory_space<semaphore_mem>>
      %dma_start3A_274 = arith.constant 0 : i32
      %dma_start3A_275 = tpu.memref_slice %arg13[%run_scoped3A_229, %dma_start3A_274] : memref<2x32xi32, #tpu.memory_space<vmem>> -> memref<1x32xi32, #tpu.memory_space<vmem>>
      %dma_start3A_276 = tpu.memref_squeeze %dma_start3A_275 : memref<1x32xi32, #tpu.memory_space<vmem>> -> memref<32xi32, #tpu.memory_space<vmem>>
      %dma_start3A_277 = tpu.memref_slice %arg2[%multiple_of3A] : memref<16384xi32, #tpu.memory_space<hbm>> -> memref<32xi32, #tpu.memory_space<hbm>>
      %dma_start3A_278 = arith.constant 0 : i32
      %dma_start3A_279 = tpu.memref_slice %arg13[%run_scoped3A_229, %dma_start3A_278] : memref<2x32xi32, #tpu.memory_space<vmem>> -> memref<1x32xi32, #tpu.memory_space<vmem>>
      %dma_start3A_280 = tpu.memref_squeeze %dma_start3A_279 : memref<1x32xi32, #tpu.memory_space<vmem>> -> memref<32xi32, #tpu.memory_space<vmem>>
      %dma_start3A_281 = tpu.memref_slice %arg2[%multiple_of3A] : memref<16384xi32, #tpu.memory_space<hbm>> -> memref<32xi32, #tpu.memory_space<hbm>>
      tpu.enqueue_dma source(%dma_start3A_281 : memref<32xi32, #tpu.memory_space<hbm>>) target(%dma_start3A_280 : memref<32xi32, #tpu.memory_space<vmem>>) target_semaphore(%run_scoped3A_273 : memref<!tpu.dma_semaphore, #tpu.memory_space<semaphore_mem>>)
      %dma_wait3A = arith.constant 0 : i32
      %dma_wait3A_282 = tpu.memref_slice %arg13[%run_scoped3A_229, %dma_wait3A] : memref<2x32xi32, #tpu.memory_space<vmem>> -> memref<1x32xi32, #tpu.memory_space<vmem>>
      %dma_wait3A_283 = tpu.memref_squeeze %dma_wait3A_282 : memref<1x32xi32, #tpu.memory_space<vmem>> -> memref<32xi32, #tpu.memory_space<vmem>>
      %dma_wait3A_284 = tpu.memref_slice %arg2[%multiple_of3A] : memref<16384xi32, #tpu.memory_space<hbm>> -> memref<32xi32, #tpu.memory_space<hbm>>
      %dma_wait3A_285 = arith.constant 0 : i32
      %dma_wait3A_286 = tpu.memref_slice %arg13[%run_scoped3A_229, %dma_wait3A_285] : memref<2x32xi32, #tpu.memory_space<vmem>> -> memref<1x32xi32, #tpu.memory_space<vmem>>
      %dma_wait3A_287 = tpu.memref_squeeze %dma_wait3A_286 : memref<1x32xi32, #tpu.memory_space<vmem>> -> memref<32xi32, #tpu.memory_space<vmem>>
      %dma_wait3A_288 = tpu.memref_slice %arg2[%multiple_of3A] : memref<16384xi32, #tpu.memory_space<hbm>> -> memref<32xi32, #tpu.memory_space<hbm>>
      tpu.wait_dma2 semaphore(%run_scoped3A_273 : memref<!tpu.dma_semaphore, #tpu.memory_space<semaphore_mem>>) src(%dma_wait3A_288 : memref<32xi32, #tpu.memory_space<hbm>>) dst(%dma_wait3A_287 : memref<32xi32, #tpu.memory_space<vmem>>)
      tpu.yield
    }) : () -> ()
    %run_scoped3A_230 = arith.constant 0 : i32
    "tpu.region"() ({
      %run_scoped3A_273 = tpu.sem_alloc : memref<!tpu.dma_semaphore, #tpu.memory_space<semaphore_mem>>
      %dma_start3A_274 = arith.constant 0 : i32
      %dma_start3A_275 = tpu.memref_slice %arg14[%run_scoped3A_230, %dma_start3A_274] : memref<2x32xi32, #tpu.memory_space<vmem>> -> memref<1x32xi32, #tpu.memory_space<vmem>>
      %dma_start3A_276 = tpu.memref_squeeze %dma_start3A_275 : memref<1x32xi32, #tpu.memory_space<vmem>> -> memref<32xi32, #tpu.memory_space<vmem>>
      %dma_start3A_277 = tpu.memref_slice %arg3[%multiple_of3A] : memref<16384xi32, #tpu.memory_space<hbm>> -> memref<32xi32, #tpu.memory_space<hbm>>
      %dma_start3A_278 = arith.constant 0 : i32
      %dma_start3A_279 = tpu.memref_slice %arg14[%run_scoped3A_230, %dma_start3A_278] : memref<2x32xi32, #tpu.memory_space<vmem>> -> memref<1x32xi32, #tpu.memory_space<vmem>>
      %dma_start3A_280 = tpu.memref_squeeze %dma_start3A_279 : memref<1x32xi32, #tpu.memory_space<vmem>> -> memref<32xi32, #tpu.memory_space<vmem>>
      %dma_start3A_281 = tpu.memref_slice %arg3[%multiple_of3A] : memref<16384xi32, #tpu.memory_space<hbm>> -> memref<32xi32, #tpu.memory_space<hbm>>
      tpu.enqueue_dma source(%dma_start3A_281 : memref<32xi32, #tpu.memory_space<hbm>>) target(%dma_start3A_280 : memref<32xi32, #tpu.memory_space<vmem>>) target_semaphore(%run_scoped3A_273 : memref<!tpu.dma_semaphore, #tpu.memory_space<semaphore_mem>>)
      %dma_wait3A = arith.constant 0 : i32
      %dma_wait3A_282 = tpu.memref_slice %arg14[%run_scoped3A_230, %dma_wait3A] : memref<2x32xi32, #tpu.memory_space<vmem>> -> memref<1x32xi32, #tpu.memory_space<vmem>>
      %dma_wait3A_283 = tpu.memref_squeeze %dma_wait3A_282 : memref<1x32xi32, #tpu.memory_space<vmem>> -> memref<32xi32, #tpu.memory_space<vmem>>
      %dma_wait3A_284 = tpu.memref_slice %arg3[%multiple_of3A] : memref<16384xi32, #tpu.memory_space<hbm>> -> memref<32xi32, #tpu.memory_space<hbm>>
      %dma_wait3A_285 = arith.constant 0 : i32
      %dma_wait3A_286 = tpu.memref_slice %arg14[%run_scoped3A_230, %dma_wait3A_285] : memref<2x32xi32, #tpu.memory_space<vmem>> -> memref<1x32xi32, #tpu.memory_space<vmem>>
      %dma_wait3A_287 = tpu.memref_squeeze %dma_wait3A_286 : memref<1x32xi32, #tpu.memory_space<vmem>> -> memref<32xi32, #tpu.memory_space<vmem>>
      %dma_wait3A_288 = tpu.memref_slice %arg3[%multiple_of3A] : memref<16384xi32, #tpu.memory_space<hbm>> -> memref<32xi32, #tpu.memory_space<hbm>>
      tpu.wait_dma2 semaphore(%run_scoped3A_273 : memref<!tpu.dma_semaphore, #tpu.memory_space<semaphore_mem>>) src(%dma_wait3A_288 : memref<32xi32, #tpu.memory_space<hbm>>) dst(%dma_wait3A_287 : memref<32xi32, #tpu.memory_space<vmem>>)
      tpu.yield
    }) : () -> ()
    %run_scoped3A_231 = arith.constant 0 : i32
    "tpu.region"() ({
      %run_scoped3A_273 = tpu.sem_alloc : memref<!tpu.dma_semaphore, #tpu.memory_space<semaphore_mem>>
      %dma_start3A_274 = arith.constant 0 : i32
      %dma_start3A_275 = tpu.memref_slice %arg15[%run_scoped3A_231, %dma_start3A_274] : memref<2x32xi32, #tpu.memory_space<vmem>> -> memref<1x32xi32, #tpu.memory_space<vmem>>
      %dma_start3A_276 = tpu.memref_squeeze %dma_start3A_275 : memref<1x32xi32, #tpu.memory_space<vmem>> -> memref<32xi32, #tpu.memory_space<vmem>>
      %dma_start3A_277 = tpu.memref_slice %arg4[%multiple_of3A] : memref<16384xi32, #tpu.memory_space<hbm>> -> memref<32xi32, #tpu.memory_space<hbm>>
      %dma_start3A_278 = arith.constant 0 : i32
      %dma_start3A_279 = tpu.memref_slice %arg15[%run_scoped3A_231, %dma_start3A_278] : memref<2x32xi32, #tpu.memory_space<vmem>> -> memref<1x32xi32, #tpu.memory_space<vmem>>
      %dma_start3A_280 = tpu.memref_squeeze %dma_start3A_279 : memref<1x32xi32, #tpu.memory_space<vmem>> -> memref<32xi32, #tpu.memory_space<vmem>>
      %dma_start3A_281 = tpu.memref_slice %arg4[%multiple_of3A] : memref<16384xi32, #tpu.memory_space<hbm>> -> memref<32xi32, #tpu.memory_space<hbm>>
      tpu.enqueue_dma source(%dma_start3A_281 : memref<32xi32, #tpu.memory_space<hbm>>) target(%dma_start3A_280 : memref<32xi32, #tpu.memory_space<vmem>>) target_semaphore(%run_scoped3A_273 : memref<!tpu.dma_semaphore, #tpu.memory_space<semaphore_mem>>)
      %dma_wait3A = arith.constant 0 : i32
      %dma_wait3A_282 = tpu.memref_slice %arg15[%run_scoped3A_231, %dma_wait3A] : memref<2x32xi32, #tpu.memory_space<vmem>> -> memref<1x32xi32, #tpu.memory_space<vmem>>
      %dma_wait3A_283 = tpu.memref_squeeze %dma_wait3A_282 : memref<1x32xi32, #tpu.memory_space<vmem>> -> memref<32xi32, #tpu.memory_space<vmem>>
      %dma_wait3A_284 = tpu.memref_slice %arg4[%multiple_of3A] : memref<16384xi32, #tpu.memory_space<hbm>> -> memref<32xi32, #tpu.memory_space<hbm>>
      %dma_wait3A_285 = arith.constant 0 : i32
      %dma_wait3A_286 = tpu.memref_slice %arg15[%run_scoped3A_231, %dma_wait3A_285] : memref<2x32xi32, #tpu.memory_space<vmem>> -> memref<1x32xi32, #tpu.memory_space<vmem>>
      %dma_wait3A_287 = tpu.memref_squeeze %dma_wait3A_286 : memref<1x32xi32, #tpu.memory_space<vmem>> -> memref<32xi32, #tpu.memory_space<vmem>>
      %dma_wait3A_288 = tpu.memref_slice %arg4[%multiple_of3A] : memref<16384xi32, #tpu.memory_space<hbm>> -> memref<32xi32, #tpu.memory_space<hbm>>
      tpu.wait_dma2 semaphore(%run_scoped3A_273 : memref<!tpu.dma_semaphore, #tpu.memory_space<semaphore_mem>>) src(%dma_wait3A_288 : memref<32xi32, #tpu.memory_space<hbm>>) dst(%dma_wait3A_287 : memref<32xi32, #tpu.memory_space<vmem>>)
      tpu.yield
    }) : () -> ()
    %dma_start3A_232 = arith.constant 0 : i32
    %dma_start3A_233 = arith.constant 0 : i32
    %dma_start3A_234 = arith.constant 0 : i32
    %dma_start3A_235 = arith.constant 0 : i32
    %dma_start3A_236 = tpu.memref_slice %arg16[%dma_start3A_233, %dma_start3A_234, %dma_start3A_235] : memref<2x32x32xf32, #tpu.memory_space<vmem>> -> memref<1x32x32xf32, #tpu.memory_space<vmem>>
    %dma_start3A_237 = tpu.memref_squeeze %dma_start3A_236 : memref<1x32x32xf32, #tpu.memory_space<vmem>> -> memref<32x32xf32, #tpu.memory_space<vmem>>
    %dma_start3A_238 = arith.constant 0 : i32
    %dma_start3A_239 = tpu.memref_slice %arg13[%dma_start3A_232, %dma_start3A_238] : memref<2x32xi32, #tpu.memory_space<vmem>> -> memref<1x32xi32, #tpu.memory_space<vmem>>
    %dma_start3A_240 = tpu.memref_squeeze %dma_start3A_239 : memref<1x32xi32, #tpu.memory_space<vmem>> -> memref<32xi32, #tpu.memory_space<vmem>>
    %dma_start3A_241 = arith.constant 0 : i32
    %dma_start3A_242 = arith.constant 0 : i32
    %dma_start3A_243 = tpu.memref_slice %arg6[%dma_start3A_241, %dma_start3A_242] : memref<100001x32xf32, #tpu.memory_space<hbm>> -> memref<100001x32xf32, #tpu.memory_space<hbm>>
    tpu.enqueue_indirect_dma source(%dma_start3A_243 : memref<100001x32xf32, #tpu.memory_space<hbm>>) target(%dma_start3A_237 : memref<32x32xf32, #tpu.memory_space<vmem>>) offsets(%dma_start3A_240 : memref<32xi32, #tpu.memory_space<vmem>>) semaphore(%arg20 : memref<!tpu.dma_semaphore, #tpu.memory_space<semaphore_mem>>)
    %dma_start3A_244 = arith.constant 0 : i32
    %dma_start3A_245 = arith.constant 0 : i32
    %dma_start3A_246 = arith.constant 0 : i32
    %dma_start3A_247 = arith.constant 0 : i32
    %dma_start3A_248 = tpu.memref_slice %arg17[%dma_start3A_245, %dma_start3A_246, %dma_start3A_247] : memref<2x32x32xf32, #tpu.memory_space<vmem>> -> memref<1x32x32xf32, #tpu.memory_space<vmem>>
    %dma_start3A_249 = tpu.memref_squeeze %dma_start3A_248 : memref<1x32x32xf32, #tpu.memory_space<vmem>> -> memref<32x32xf32, #tpu.memory_space<vmem>>
    %dma_start3A_250 = arith.constant 0 : i32
    %dma_start3A_251 = tpu.memref_slice %arg14[%dma_start3A_244, %dma_start3A_250] : memref<2x32xi32, #tpu.memory_space<vmem>> -> memref<1x32xi32, #tpu.memory_space<vmem>>
    %dma_start3A_252 = tpu.memref_squeeze %dma_start3A_251 : memref<1x32xi32, #tpu.memory_space<vmem>> -> memref<32xi32, #tpu.memory_space<vmem>>
    %dma_start3A_253 = arith.constant 0 : i32
    %dma_start3A_254 = arith.constant 0 : i32
    %dma_start3A_255 = tpu.memref_slice %arg7[%dma_start3A_253, %dma_start3A_254] : memref<100x32xf32, #tpu.memory_space<hbm>> -> memref<100x32xf32, #tpu.memory_space<hbm>>
    tpu.enqueue_indirect_dma source(%dma_start3A_255 : memref<100x32xf32, #tpu.memory_space<hbm>>) target(%dma_start3A_249 : memref<32x32xf32, #tpu.memory_space<vmem>>) offsets(%dma_start3A_252 : memref<32xi32, #tpu.memory_space<vmem>>) semaphore(%arg20 : memref<!tpu.dma_semaphore, #tpu.memory_space<semaphore_mem>>)
    %dma_start3A_256 = arith.constant 0 : i32
    %dma_start3A_257 = arith.constant 0 : i32
    %dma_start3A_258 = arith.constant 0 : i32
    %dma_start3A_259 = arith.constant 0 : i32
    %dma_start3A_260 = tpu.memref_slice %arg18[%dma_start3A_257, %dma_start3A_258, %dma_start3A_259] : memref<2x32x32xf32, #tpu.memory_space<vmem>> -> memref<1x32x32xf32, #tpu.memory_space<vmem>>
    %dma_start3A_261 = tpu.memref_squeeze %dma_start3A_260 : memref<1x32x32xf32, #tpu.memory_space<vmem>> -> memref<32x32xf32, #tpu.memory_space<vmem>>
    %dma_start3A_262 = arith.constant 0 : i32
    %dma_start3A_263 = tpu.memref_slice %arg15[%dma_start3A_256, %dma_start3A_262] : memref<2x32xi32, #tpu.memory_space<vmem>> -> memref<1x32xi32, #tpu.memory_space<vmem>>
    %dma_start3A_264 = tpu.memref_squeeze %dma_start3A_263 : memref<1x32xi32, #tpu.memory_space<vmem>> -> memref<32xi32, #tpu.memory_space<vmem>>
    %dma_start3A_265 = arith.constant 0 : i32
    %dma_start3A_266 = arith.constant 0 : i32
    %dma_start3A_267 = tpu.memref_slice %arg8[%dma_start3A_265, %dma_start3A_266] : memref<3x32xf32, #tpu.memory_space<hbm>> -> memref<3x32xf32, #tpu.memory_space<hbm>>
    tpu.enqueue_indirect_dma source(%dma_start3A_267 : memref<3x32xf32, #tpu.memory_space<hbm>>) target(%dma_start3A_261 : memref<32x32xf32, #tpu.memory_space<vmem>>) offsets(%dma_start3A_264 : memref<32xi32, #tpu.memory_space<vmem>>) semaphore(%arg20 : memref<!tpu.dma_semaphore, #tpu.memory_space<semaphore_mem>>)
    %scan3A = arith.constant 0 : i32
    %scan3A_268 = arith.constant 0 : i32
    %scan3A_269 = arith.constant 8 : i32
    %scan3A_270 = arith.addi %scan3A_268, %scan3A_269 : i32
    %scan3A_271 = arith.constant 1 : i32
    scf.for %scan3A_273 = %scan3A_268 to %scan3A_270 step %scan3A_271  : i32 {
      %mul3A_274 = arith.constant 2 : i32
      %mul3A_275 = arith.muli %scan3A_273, %mul3A_274 : i32
      %add3A_276 = arith.constant 1 : i32
      %add3A_277 = arith.addi %mul3A_275, %add3A_276 : i32
      %mul3A_278 = arith.constant 32 : i32
      %mul3A_279 = arith.muli %add3A_277, %mul3A_278 : i32
      %add3A_280 = arith.addi %mul3A_2, %mul3A_279 : i32
      %multiple_of3A_281 = tpu.assume_multiple %add3A_280, 32 : i32
      %mul3A_282 = arith.constant 50 : i32
      %mul3A_283 = arith.muli %multiple_of3A_281, %mul3A_282 : i32
      %multiple_of3A_284 = tpu.assume_multiple %mul3A_283, 1600 : i32
      %run_scoped3A_285 = arith.constant 1 : i32
      "tpu.region"() ({
        %run_scoped3A_1205 = tpu.sem_alloc : memref<!tpu.dma_semaphore, #tpu.memory_space<semaphore_mem>>
        %dma_start3A_1206 = arith.constant 0 : i32
        %dma_start3A_1207 = tpu.memref_slice %arg11[%run_scoped3A_285, %dma_start3A_1206] : memref<2x1600xi32, #tpu.memory_space<vmem>> -> memref<1x1600xi32, #tpu.memory_space<vmem>>
        %dma_start3A_1208 = tpu.memref_squeeze %dma_start3A_1207 : memref<1x1600xi32, #tpu.memory_space<vmem>> -> memref<1600xi32, #tpu.memory_space<vmem>>
        %dma_start3A_1209 = tpu.memref_slice %arg5[%multiple_of3A_284] : memref<819200xi32, #tpu.memory_space<hbm>> -> memref<1600xi32, #tpu.memory_space<hbm>>
        %dma_start3A_1210 = arith.constant 0 : i32
        %dma_start3A_1211 = tpu.memref_slice %arg11[%run_scoped3A_285, %dma_start3A_1210] : memref<2x1600xi32, #tpu.memory_space<vmem>> -> memref<1x1600xi32, #tpu.memory_space<vmem>>
        %dma_start3A_1212 = tpu.memref_squeeze %dma_start3A_1211 : memref<1x1600xi32, #tpu.memory_space<vmem>> -> memref<1600xi32, #tpu.memory_space<vmem>>
        %dma_start3A_1213 = tpu.memref_slice %arg5[%multiple_of3A_284] : memref<819200xi32, #tpu.memory_space<hbm>> -> memref<1600xi32, #tpu.memory_space<hbm>>
        tpu.enqueue_dma source(%dma_start3A_1213 : memref<1600xi32, #tpu.memory_space<hbm>>) target(%dma_start3A_1212 : memref<1600xi32, #tpu.memory_space<vmem>>) target_semaphore(%run_scoped3A_1205 : memref<!tpu.dma_semaphore, #tpu.memory_space<semaphore_mem>>)
        %dma_wait3A_1214 = arith.constant 0 : i32
        %dma_wait3A_1215 = tpu.memref_slice %arg11[%run_scoped3A_285, %dma_wait3A_1214] : memref<2x1600xi32, #tpu.memory_space<vmem>> -> memref<1x1600xi32, #tpu.memory_space<vmem>>
        %dma_wait3A_1216 = tpu.memref_squeeze %dma_wait3A_1215 : memref<1x1600xi32, #tpu.memory_space<vmem>> -> memref<1600xi32, #tpu.memory_space<vmem>>
        %dma_wait3A_1217 = tpu.memref_slice %arg5[%multiple_of3A_284] : memref<819200xi32, #tpu.memory_space<hbm>> -> memref<1600xi32, #tpu.memory_space<hbm>>
        %dma_wait3A_1218 = arith.constant 0 : i32
        %dma_wait3A_1219 = tpu.memref_slice %arg11[%run_scoped3A_285, %dma_wait3A_1218] : memref<2x1600xi32, #tpu.memory_space<vmem>> -> memref<1x1600xi32, #tpu.memory_space<vmem>>
        %dma_wait3A_1220 = tpu.memref_squeeze %dma_wait3A_1219 : memref<1x1600xi32, #tpu.memory_space<vmem>> -> memref<1600xi32, #tpu.memory_space<vmem>>
        %dma_wait3A_1221 = tpu.memref_slice %arg5[%multiple_of3A_284] : memref<819200xi32, #tpu.memory_space<hbm>> -> memref<1600xi32, #tpu.memory_space<hbm>>
        tpu.wait_dma2 semaphore(%run_scoped3A_1205 : memref<!tpu.dma_semaphore, #tpu.memory_space<semaphore_mem>>) src(%dma_wait3A_1221 : memref<1600xi32, #tpu.memory_space<hbm>>) dst(%dma_wait3A_1220 : memref<1600xi32, #tpu.memory_space<vmem>>)
        tpu.yield
      }) : () -> ()
      %dma_start3A_286 = arith.constant 1 : i32
      %dma_start3A_287 = arith.constant 1 : i32
      %dma_start3A_288 = arith.constant 0 : i32
      %dma_start3A_289 = arith.constant 0 : i32
      %dma_start3A_290 = tpu.memref_slice %arg12[%dma_start3A_287, %dma_start3A_288, %dma_start3A_289] : memref<2x1600x32xf32, #tpu.memory_space<vmem>> -> memref<1x1600x32xf32, #tpu.memory_space<vmem>>
      %dma_start3A_291 = tpu.memref_squeeze %dma_start3A_290 : memref<1x1600x32xf32, #tpu.memory_space<vmem>> -> memref<1600x32xf32, #tpu.memory_space<vmem>>
      %dma_start3A_292 = arith.constant 0 : i32
      %dma_start3A_293 = arith.constant 0 : i32
      %dma_start3A_294 = tpu.memref_slice %dma_start3A_291[%dma_start3A_292, %dma_start3A_293] : memref<1600x32xf32, #tpu.memory_space<vmem>> -> memref<128x32xf32, #tpu.memory_space<vmem>>
      %dma_start3A_295 = arith.constant 0 : i32
      %dma_start3A_296 = tpu.memref_slice %arg11[%dma_start3A_286, %dma_start3A_295] : memref<2x1600xi32, #tpu.memory_space<vmem>> -> memref<1x1600xi32, #tpu.memory_space<vmem>>
      %dma_start3A_297 = tpu.memref_squeeze %dma_start3A_296 : memref<1x1600xi32, #tpu.memory_space<vmem>> -> memref<1600xi32, #tpu.memory_space<vmem>>
      %dma_start3A_298 = arith.constant 0 : i32
      %dma_start3A_299 = tpu.memref_slice %dma_start3A_297[%dma_start3A_298] : memref<1600xi32, #tpu.memory_space<vmem>> -> memref<128xi32, #tpu.memory_space<vmem>>
      %dma_start3A_300 = arith.constant 0 : i32
      %dma_start3A_301 = arith.constant 0 : i32
      %dma_start3A_302 = tpu.memref_slice %arg9[%dma_start3A_300, %dma_start3A_301] : memref<1000001x32xf32, #tpu.memory_space<hbm>> -> memref<1000001x32xf32, #tpu.memory_space<hbm>>
      tpu.enqueue_indirect_dma source(%dma_start3A_302 : memref<1000001x32xf32, #tpu.memory_space<hbm>>) target(%dma_start3A_294 : memref<128x32xf32, #tpu.memory_space<vmem>>) offsets(%dma_start3A_299 : memref<128xi32, #tpu.memory_space<vmem>>) semaphore(%arg21 : memref<!tpu.dma_semaphore, #tpu.memory_space<semaphore_mem>>)
      %dma_start3A_303 = arith.constant 1 : i32
      %dma_start3A_304 = arith.constant 1 : i32
      %dma_start3A_305 = arith.constant 0 : i32
      %dma_start3A_306 = arith.constant 0 : i32
      %dma_start3A_307 = tpu.memref_slice %arg12[%dma_start3A_304, %dma_start3A_305, %dma_start3A_306] : memref<2x1600x32xf32, #tpu.memory_space<vmem>> -> memref<1x1600x32xf32, #tpu.memory_space<vmem>>
      %dma_start3A_308 = tpu.memref_squeeze %dma_start3A_307 : memref<1x1600x32xf32, #tpu.memory_space<vmem>> -> memref<1600x32xf32, #tpu.memory_space<vmem>>
      %dma_start3A_309 = arith.constant 128 : i32
      %dma_start3A_310 = arith.constant 0 : i32
      %dma_start3A_311 = tpu.memref_slice %dma_start3A_308[%dma_start3A_309, %dma_start3A_310] : memref<1600x32xf32, #tpu.memory_space<vmem>> -> memref<128x32xf32, #tpu.memory_space<vmem>>
      %dma_start3A_312 = arith.constant 0 : i32
      %dma_start3A_313 = tpu.memref_slice %arg11[%dma_start3A_303, %dma_start3A_312] : memref<2x1600xi32, #tpu.memory_space<vmem>> -> memref<1x1600xi32, #tpu.memory_space<vmem>>
      %dma_start3A_314 = tpu.memref_squeeze %dma_start3A_313 : memref<1x1600xi32, #tpu.memory_space<vmem>> -> memref<1600xi32, #tpu.memory_space<vmem>>
      %dma_start3A_315 = arith.constant 128 : i32
      %dma_start3A_316 = tpu.memref_slice %dma_start3A_314[%dma_start3A_315] : memref<1600xi32, #tpu.memory_space<vmem>> -> memref<128xi32, #tpu.memory_space<vmem>>
      %dma_start3A_317 = arith.constant 0 : i32
      %dma_start3A_318 = arith.constant 0 : i32
      %dma_start3A_319 = tpu.memref_slice %arg9[%dma_start3A_317, %dma_start3A_318] : memref<1000001x32xf32, #tpu.memory_space<hbm>> -> memref<1000001x32xf32, #tpu.memory_space<hbm>>
      tpu.enqueue_indirect_dma source(%dma_start3A_319 : memref<1000001x32xf32, #tpu.memory_space<hbm>>) target(%dma_start3A_311 : memref<128x32xf32, #tpu.memory_space<vmem>>) offsets(%dma_start3A_316 : memref<128xi32, #tpu.memory_space<vmem>>) semaphore(%arg21 : memref<!tpu.dma_semaphore, #tpu.memory_space<semaphore_mem>>)
      %dma_start3A_320 = arith.constant 1 : i32
      %dma_start3A_321 = arith.constant 1 : i32
      %dma_start3A_322 = arith.constant 0 : i32
      %dma_start3A_323 = arith.constant 0 : i32
      %dma_start3A_324 = tpu.memref_slice %arg12[%dma_start3A_321, %dma_start3A_322, %dma_start3A_323] : memref<2x1600x32xf32, #tpu.memory_space<vmem>> -> memref<1x1600x32xf32, #tpu.memory_space<vmem>>
      %dma_start3A_325 = tpu.memref_squeeze %dma_start3A_324 : memref<1x1600x32xf32, #tpu.memory_space<vmem>> -> memref<1600x32xf32, #tpu.memory_space<vmem>>
      %dma_start3A_326 = arith.constant 256 : i32
      %dma_start3A_327 = arith.constant 0 : i32
      %dma_start3A_328 = tpu.memref_slice %dma_start3A_325[%dma_start3A_326, %dma_start3A_327] : memref<1600x32xf32, #tpu.memory_space<vmem>> -> memref<128x32xf32, #tpu.memory_space<vmem>>
      %dma_start3A_329 = arith.constant 0 : i32
      %dma_start3A_330 = tpu.memref_slice %arg11[%dma_start3A_320, %dma_start3A_329] : memref<2x1600xi32, #tpu.memory_space<vmem>> -> memref<1x1600xi32, #tpu.memory_space<vmem>>
      %dma_start3A_331 = tpu.memref_squeeze %dma_start3A_330 : memref<1x1600xi32, #tpu.memory_space<vmem>> -> memref<1600xi32, #tpu.memory_space<vmem>>
      %dma_start3A_332 = arith.constant 256 : i32
      %dma_start3A_333 = tpu.memref_slice %dma_start3A_331[%dma_start3A_332] : memref<1600xi32, #tpu.memory_space<vmem>> -> memref<128xi32, #tpu.memory_space<vmem>>
      %dma_start3A_334 = arith.constant 0 : i32
      %dma_start3A_335 = arith.constant 0 : i32
      %dma_start3A_336 = tpu.memref_slice %arg9[%dma_start3A_334, %dma_start3A_335] : memref<1000001x32xf32, #tpu.memory_space<hbm>> -> memref<1000001x32xf32, #tpu.memory_space<hbm>>
      tpu.enqueue_indirect_dma source(%dma_start3A_336 : memref<1000001x32xf32, #tpu.memory_space<hbm>>) target(%dma_start3A_328 : memref<128x32xf32, #tpu.memory_space<vmem>>) offsets(%dma_start3A_333 : memref<128xi32, #tpu.memory_space<vmem>>) semaphore(%arg21 : memref<!tpu.dma_semaphore, #tpu.memory_space<semaphore_mem>>)
      %dma_start3A_337 = arith.constant 1 : i32
      %dma_start3A_338 = arith.constant 1 : i32
      %dma_start3A_339 = arith.constant 0 : i32
      %dma_start3A_340 = arith.constant 0 : i32
      %dma_start3A_341 = tpu.memref_slice %arg12[%dma_start3A_338, %dma_start3A_339, %dma_start3A_340] : memref<2x1600x32xf32, #tpu.memory_space<vmem>> -> memref<1x1600x32xf32, #tpu.memory_space<vmem>>
      %dma_start3A_342 = tpu.memref_squeeze %dma_start3A_341 : memref<1x1600x32xf32, #tpu.memory_space<vmem>> -> memref<1600x32xf32, #tpu.memory_space<vmem>>
      %dma_start3A_343 = arith.constant 384 : i32
      %dma_start3A_344 = arith.constant 0 : i32
      %dma_start3A_345 = tpu.memref_slice %dma_start3A_342[%dma_start3A_343, %dma_start3A_344] : memref<1600x32xf32, #tpu.memory_space<vmem>> -> memref<128x32xf32, #tpu.memory_space<vmem>>
      %dma_start3A_346 = arith.constant 0 : i32
      %dma_start3A_347 = tpu.memref_slice %arg11[%dma_start3A_337, %dma_start3A_346] : memref<2x1600xi32, #tpu.memory_space<vmem>> -> memref<1x1600xi32, #tpu.memory_space<vmem>>
      %dma_start3A_348 = tpu.memref_squeeze %dma_start3A_347 : memref<1x1600xi32, #tpu.memory_space<vmem>> -> memref<1600xi32, #tpu.memory_space<vmem>>
      %dma_start3A_349 = arith.constant 384 : i32
      %dma_start3A_350 = tpu.memref_slice %dma_start3A_348[%dma_start3A_349] : memref<1600xi32, #tpu.memory_space<vmem>> -> memref<128xi32, #tpu.memory_space<vmem>>
      %dma_start3A_351 = arith.constant 0 : i32
      %dma_start3A_352 = arith.constant 0 : i32
      %dma_start3A_353 = tpu.memref_slice %arg9[%dma_start3A_351, %dma_start3A_352] : memref<1000001x32xf32, #tpu.memory_space<hbm>> -> memref<1000001x32xf32, #tpu.memory_space<hbm>>
      tpu.enqueue_indirect_dma source(%dma_start3A_353 : memref<1000001x32xf32, #tpu.memory_space<hbm>>) target(%dma_start3A_345 : memref<128x32xf32, #tpu.memory_space<vmem>>) offsets(%dma_start3A_350 : memref<128xi32, #tpu.memory_space<vmem>>) semaphore(%arg21 : memref<!tpu.dma_semaphore, #tpu.memory_space<semaphore_mem>>)
      %dma_start3A_354 = arith.constant 1 : i32
      %dma_start3A_355 = arith.constant 1 : i32
      %dma_start3A_356 = arith.constant 0 : i32
      %dma_start3A_357 = arith.constant 0 : i32
      %dma_start3A_358 = tpu.memref_slice %arg12[%dma_start3A_355, %dma_start3A_356, %dma_start3A_357] : memref<2x1600x32xf32, #tpu.memory_space<vmem>> -> memref<1x1600x32xf32, #tpu.memory_space<vmem>>
      %dma_start3A_359 = tpu.memref_squeeze %dma_start3A_358 : memref<1x1600x32xf32, #tpu.memory_space<vmem>> -> memref<1600x32xf32, #tpu.memory_space<vmem>>
      %dma_start3A_360 = arith.constant 512 : i32
      %dma_start3A_361 = arith.constant 0 : i32
      %dma_start3A_362 = tpu.memref_slice %dma_start3A_359[%dma_start3A_360, %dma_start3A_361] : memref<1600x32xf32, #tpu.memory_space<vmem>> -> memref<128x32xf32, #tpu.memory_space<vmem>>
      %dma_start3A_363 = arith.constant 0 : i32
      %dma_start3A_364 = tpu.memref_slice %arg11[%dma_start3A_354, %dma_start3A_363] : memref<2x1600xi32, #tpu.memory_space<vmem>> -> memref<1x1600xi32, #tpu.memory_space<vmem>>
      %dma_start3A_365 = tpu.memref_squeeze %dma_start3A_364 : memref<1x1600xi32, #tpu.memory_space<vmem>> -> memref<1600xi32, #tpu.memory_space<vmem>>
      %dma_start3A_366 = arith.constant 512 : i32
      %dma_start3A_367 = tpu.memref_slice %dma_start3A_365[%dma_start3A_366] : memref<1600xi32, #tpu.memory_space<vmem>> -> memref<128xi32, #tpu.memory_space<vmem>>
      %dma_start3A_368 = arith.constant 0 : i32
      %dma_start3A_369 = arith.constant 0 : i32
      %dma_start3A_370 = tpu.memref_slice %arg9[%dma_start3A_368, %dma_start3A_369] : memref<1000001x32xf32, #tpu.memory_space<hbm>> -> memref<1000001x32xf32, #tpu.memory_space<hbm>>
      tpu.enqueue_indirect_dma source(%dma_start3A_370 : memref<1000001x32xf32, #tpu.memory_space<hbm>>) target(%dma_start3A_362 : memref<128x32xf32, #tpu.memory_space<vmem>>) offsets(%dma_start3A_367 : memref<128xi32, #tpu.memory_space<vmem>>) semaphore(%arg21 : memref<!tpu.dma_semaphore, #tpu.memory_space<semaphore_mem>>)
      %dma_start3A_371 = arith.constant 1 : i32
      %dma_start3A_372 = arith.constant 1 : i32
      %dma_start3A_373 = arith.constant 0 : i32
      %dma_start3A_374 = arith.constant 0 : i32
      %dma_start3A_375 = tpu.memref_slice %arg12[%dma_start3A_372, %dma_start3A_373, %dma_start3A_374] : memref<2x1600x32xf32, #tpu.memory_space<vmem>> -> memref<1x1600x32xf32, #tpu.memory_space<vmem>>
      %dma_start3A_376 = tpu.memref_squeeze %dma_start3A_375 : memref<1x1600x32xf32, #tpu.memory_space<vmem>> -> memref<1600x32xf32, #tpu.memory_space<vmem>>
      %dma_start3A_377 = arith.constant 640 : i32
      %dma_start3A_378 = arith.constant 0 : i32
      %dma_start3A_379 = tpu.memref_slice %dma_start3A_376[%dma_start3A_377, %dma_start3A_378] : memref<1600x32xf32, #tpu.memory_space<vmem>> -> memref<128x32xf32, #tpu.memory_space<vmem>>
      %dma_start3A_380 = arith.constant 0 : i32
      %dma_start3A_381 = tpu.memref_slice %arg11[%dma_start3A_371, %dma_start3A_380] : memref<2x1600xi32, #tpu.memory_space<vmem>> -> memref<1x1600xi32, #tpu.memory_space<vmem>>
      %dma_start3A_382 = tpu.memref_squeeze %dma_start3A_381 : memref<1x1600xi32, #tpu.memory_space<vmem>> -> memref<1600xi32, #tpu.memory_space<vmem>>
      %dma_start3A_383 = arith.constant 640 : i32
      %dma_start3A_384 = tpu.memref_slice %dma_start3A_382[%dma_start3A_383] : memref<1600xi32, #tpu.memory_space<vmem>> -> memref<128xi32, #tpu.memory_space<vmem>>
      %dma_start3A_385 = arith.constant 0 : i32
      %dma_start3A_386 = arith.constant 0 : i32
      %dma_start3A_387 = tpu.memref_slice %arg9[%dma_start3A_385, %dma_start3A_386] : memref<1000001x32xf32, #tpu.memory_space<hbm>> -> memref<1000001x32xf32, #tpu.memory_space<hbm>>
      tpu.enqueue_indirect_dma source(%dma_start3A_387 : memref<1000001x32xf32, #tpu.memory_space<hbm>>) target(%dma_start3A_379 : memref<128x32xf32, #tpu.memory_space<vmem>>) offsets(%dma_start3A_384 : memref<128xi32, #tpu.memory_space<vmem>>) semaphore(%arg21 : memref<!tpu.dma_semaphore, #tpu.memory_space<semaphore_mem>>)
      %dma_start3A_388 = arith.constant 1 : i32
      %dma_start3A_389 = arith.constant 1 : i32
      %dma_start3A_390 = arith.constant 0 : i32
      %dma_start3A_391 = arith.constant 0 : i32
      %dma_start3A_392 = tpu.memref_slice %arg12[%dma_start3A_389, %dma_start3A_390, %dma_start3A_391] : memref<2x1600x32xf32, #tpu.memory_space<vmem>> -> memref<1x1600x32xf32, #tpu.memory_space<vmem>>
      %dma_start3A_393 = tpu.memref_squeeze %dma_start3A_392 : memref<1x1600x32xf32, #tpu.memory_space<vmem>> -> memref<1600x32xf32, #tpu.memory_space<vmem>>
      %dma_start3A_394 = arith.constant 768 : i32
      %dma_start3A_395 = arith.constant 0 : i32
      %dma_start3A_396 = tpu.memref_slice %dma_start3A_393[%dma_start3A_394, %dma_start3A_395] : memref<1600x32xf32, #tpu.memory_space<vmem>> -> memref<128x32xf32, #tpu.memory_space<vmem>>
      %dma_start3A_397 = arith.constant 0 : i32
      %dma_start3A_398 = tpu.memref_slice %arg11[%dma_start3A_388, %dma_start3A_397] : memref<2x1600xi32, #tpu.memory_space<vmem>> -> memref<1x1600xi32, #tpu.memory_space<vmem>>
      %dma_start3A_399 = tpu.memref_squeeze %dma_start3A_398 : memref<1x1600xi32, #tpu.memory_space<vmem>> -> memref<1600xi32, #tpu.memory_space<vmem>>
      %dma_start3A_400 = arith.constant 768 : i32
      %dma_start3A_401 = tpu.memref_slice %dma_start3A_399[%dma_start3A_400] : memref<1600xi32, #tpu.memory_space<vmem>> -> memref<128xi32, #tpu.memory_space<vmem>>
      %dma_start3A_402 = arith.constant 0 : i32
      %dma_start3A_403 = arith.constant 0 : i32
      %dma_start3A_404 = tpu.memref_slice %arg9[%dma_start3A_402, %dma_start3A_403] : memref<1000001x32xf32, #tpu.memory_space<hbm>> -> memref<1000001x32xf32, #tpu.memory_space<hbm>>
      tpu.enqueue_indirect_dma source(%dma_start3A_404 : memref<1000001x32xf32, #tpu.memory_space<hbm>>) target(%dma_start3A_396 : memref<128x32xf32, #tpu.memory_space<vmem>>) offsets(%dma_start3A_401 : memref<128xi32, #tpu.memory_space<vmem>>) semaphore(%arg21 : memref<!tpu.dma_semaphore, #tpu.memory_space<semaphore_mem>>)
      %dma_start3A_405 = arith.constant 1 : i32
      %dma_start3A_406 = arith.constant 1 : i32
      %dma_start3A_407 = arith.constant 0 : i32
      %dma_start3A_408 = arith.constant 0 : i32
      %dma_start3A_409 = tpu.memref_slice %arg12[%dma_start3A_406, %dma_start3A_407, %dma_start3A_408] : memref<2x1600x32xf32, #tpu.memory_space<vmem>> -> memref<1x1600x32xf32, #tpu.memory_space<vmem>>
      %dma_start3A_410 = tpu.memref_squeeze %dma_start3A_409 : memref<1x1600x32xf32, #tpu.memory_space<vmem>> -> memref<1600x32xf32, #tpu.memory_space<vmem>>
      %dma_start3A_411 = arith.constant 896 : i32
      %dma_start3A_412 = arith.constant 0 : i32
      %dma_start3A_413 = tpu.memref_slice %dma_start3A_410[%dma_start3A_411, %dma_start3A_412] : memref<1600x32xf32, #tpu.memory_space<vmem>> -> memref<128x32xf32, #tpu.memory_space<vmem>>
      %dma_start3A_414 = arith.constant 0 : i32
      %dma_start3A_415 = tpu.memref_slice %arg11[%dma_start3A_405, %dma_start3A_414] : memref<2x1600xi32, #tpu.memory_space<vmem>> -> memref<1x1600xi32, #tpu.memory_space<vmem>>
      %dma_start3A_416 = tpu.memref_squeeze %dma_start3A_415 : memref<1x1600xi32, #tpu.memory_space<vmem>> -> memref<1600xi32, #tpu.memory_space<vmem>>
      %dma_start3A_417 = arith.constant 896 : i32
      %dma_start3A_418 = tpu.memref_slice %dma_start3A_416[%dma_start3A_417] : memref<1600xi32, #tpu.memory_space<vmem>> -> memref<128xi32, #tpu.memory_space<vmem>>
      %dma_start3A_419 = arith.constant 0 : i32
      %dma_start3A_420 = arith.constant 0 : i32
      %dma_start3A_421 = tpu.memref_slice %arg9[%dma_start3A_419, %dma_start3A_420] : memref<1000001x32xf32, #tpu.memory_space<hbm>> -> memref<1000001x32xf32, #tpu.memory_space<hbm>>
      tpu.enqueue_indirect_dma source(%dma_start3A_421 : memref<1000001x32xf32, #tpu.memory_space<hbm>>) target(%dma_start3A_413 : memref<128x32xf32, #tpu.memory_space<vmem>>) offsets(%dma_start3A_418 : memref<128xi32, #tpu.memory_space<vmem>>) semaphore(%arg21 : memref<!tpu.dma_semaphore, #tpu.memory_space<semaphore_mem>>)
      %dma_start3A_422 = arith.constant 1 : i32
      %dma_start3A_423 = arith.constant 1 : i32
      %dma_start3A_424 = arith.constant 0 : i32
      %dma_start3A_425 = arith.constant 0 : i32
      %dma_start3A_426 = tpu.memref_slice %arg12[%dma_start3A_423, %dma_start3A_424, %dma_start3A_425] : memref<2x1600x32xf32, #tpu.memory_space<vmem>> -> memref<1x1600x32xf32, #tpu.memory_space<vmem>>
      %dma_start3A_427 = tpu.memref_squeeze %dma_start3A_426 : memref<1x1600x32xf32, #tpu.memory_space<vmem>> -> memref<1600x32xf32, #tpu.memory_space<vmem>>
      %dma_start3A_428 = arith.constant 1024 : i32
      %dma_start3A_429 = arith.constant 0 : i32
      %dma_start3A_430 = tpu.memref_slice %dma_start3A_427[%dma_start3A_428, %dma_start3A_429] : memref<1600x32xf32, #tpu.memory_space<vmem>> -> memref<128x32xf32, #tpu.memory_space<vmem>>
      %dma_start3A_431 = arith.constant 0 : i32
      %dma_start3A_432 = tpu.memref_slice %arg11[%dma_start3A_422, %dma_start3A_431] : memref<2x1600xi32, #tpu.memory_space<vmem>> -> memref<1x1600xi32, #tpu.memory_space<vmem>>
      %dma_start3A_433 = tpu.memref_squeeze %dma_start3A_432 : memref<1x1600xi32, #tpu.memory_space<vmem>> -> memref<1600xi32, #tpu.memory_space<vmem>>
      %dma_start3A_434 = arith.constant 1024 : i32
      %dma_start3A_435 = tpu.memref_slice %dma_start3A_433[%dma_start3A_434] : memref<1600xi32, #tpu.memory_space<vmem>> -> memref<128xi32, #tpu.memory_space<vmem>>
      %dma_start3A_436 = arith.constant 0 : i32
      %dma_start3A_437 = arith.constant 0 : i32
      %dma_start3A_438 = tpu.memref_slice %arg9[%dma_start3A_436, %dma_start3A_437] : memref<1000001x32xf32, #tpu.memory_space<hbm>> -> memref<1000001x32xf32, #tpu.memory_space<hbm>>
      tpu.enqueue_indirect_dma source(%dma_start3A_438 : memref<1000001x32xf32, #tpu.memory_space<hbm>>) target(%dma_start3A_430 : memref<128x32xf32, #tpu.memory_space<vmem>>) offsets(%dma_start3A_435 : memref<128xi32, #tpu.memory_space<vmem>>) semaphore(%arg21 : memref<!tpu.dma_semaphore, #tpu.memory_space<semaphore_mem>>)
      %dma_start3A_439 = arith.constant 1 : i32
      %dma_start3A_440 = arith.constant 1 : i32
      %dma_start3A_441 = arith.constant 0 : i32
      %dma_start3A_442 = arith.constant 0 : i32
      %dma_start3A_443 = tpu.memref_slice %arg12[%dma_start3A_440, %dma_start3A_441, %dma_start3A_442] : memref<2x1600x32xf32, #tpu.memory_space<vmem>> -> memref<1x1600x32xf32, #tpu.memory_space<vmem>>
      %dma_start3A_444 = tpu.memref_squeeze %dma_start3A_443 : memref<1x1600x32xf32, #tpu.memory_space<vmem>> -> memref<1600x32xf32, #tpu.memory_space<vmem>>
      %dma_start3A_445 = arith.constant 1152 : i32
      %dma_start3A_446 = arith.constant 0 : i32
      %dma_start3A_447 = tpu.memref_slice %dma_start3A_444[%dma_start3A_445, %dma_start3A_446] : memref<1600x32xf32, #tpu.memory_space<vmem>> -> memref<128x32xf32, #tpu.memory_space<vmem>>
      %dma_start3A_448 = arith.constant 0 : i32
      %dma_start3A_449 = tpu.memref_slice %arg11[%dma_start3A_439, %dma_start3A_448] : memref<2x1600xi32, #tpu.memory_space<vmem>> -> memref<1x1600xi32, #tpu.memory_space<vmem>>
      %dma_start3A_450 = tpu.memref_squeeze %dma_start3A_449 : memref<1x1600xi32, #tpu.memory_space<vmem>> -> memref<1600xi32, #tpu.memory_space<vmem>>
      %dma_start3A_451 = arith.constant 1152 : i32
      %dma_start3A_452 = tpu.memref_slice %dma_start3A_450[%dma_start3A_451] : memref<1600xi32, #tpu.memory_space<vmem>> -> memref<128xi32, #tpu.memory_space<vmem>>
      %dma_start3A_453 = arith.constant 0 : i32
      %dma_start3A_454 = arith.constant 0 : i32
      %dma_start3A_455 = tpu.memref_slice %arg9[%dma_start3A_453, %dma_start3A_454] : memref<1000001x32xf32, #tpu.memory_space<hbm>> -> memref<1000001x32xf32, #tpu.memory_space<hbm>>
      tpu.enqueue_indirect_dma source(%dma_start3A_455 : memref<1000001x32xf32, #tpu.memory_space<hbm>>) target(%dma_start3A_447 : memref<128x32xf32, #tpu.memory_space<vmem>>) offsets(%dma_start3A_452 : memref<128xi32, #tpu.memory_space<vmem>>) semaphore(%arg21 : memref<!tpu.dma_semaphore, #tpu.memory_space<semaphore_mem>>)
      %dma_start3A_456 = arith.constant 1 : i32
      %dma_start3A_457 = arith.constant 1 : i32
      %dma_start3A_458 = arith.constant 0 : i32
      %dma_start3A_459 = arith.constant 0 : i32
      %dma_start3A_460 = tpu.memref_slice %arg12[%dma_start3A_457, %dma_start3A_458, %dma_start3A_459] : memref<2x1600x32xf32, #tpu.memory_space<vmem>> -> memref<1x1600x32xf32, #tpu.memory_space<vmem>>
      %dma_start3A_461 = tpu.memref_squeeze %dma_start3A_460 : memref<1x1600x32xf32, #tpu.memory_space<vmem>> -> memref<1600x32xf32, #tpu.memory_space<vmem>>
      %dma_start3A_462 = arith.constant 1280 : i32
      %dma_start3A_463 = arith.constant 0 : i32
      %dma_start3A_464 = tpu.memref_slice %dma_start3A_461[%dma_start3A_462, %dma_start3A_463] : memref<1600x32xf32, #tpu.memory_space<vmem>> -> memref<128x32xf32, #tpu.memory_space<vmem>>
      %dma_start3A_465 = arith.constant 0 : i32
      %dma_start3A_466 = tpu.memref_slice %arg11[%dma_start3A_456, %dma_start3A_465] : memref<2x1600xi32, #tpu.memory_space<vmem>> -> memref<1x1600xi32, #tpu.memory_space<vmem>>
      %dma_start3A_467 = tpu.memref_squeeze %dma_start3A_466 : memref<1x1600xi32, #tpu.memory_space<vmem>> -> memref<1600xi32, #tpu.memory_space<vmem>>
      %dma_start3A_468 = arith.constant 1280 : i32
      %dma_start3A_469 = tpu.memref_slice %dma_start3A_467[%dma_start3A_468] : memref<1600xi32, #tpu.memory_space<vmem>> -> memref<128xi32, #tpu.memory_space<vmem>>
      %dma_start3A_470 = arith.constant 0 : i32
      %dma_start3A_471 = arith.constant 0 : i32
      %dma_start3A_472 = tpu.memref_slice %arg9[%dma_start3A_470, %dma_start3A_471] : memref<1000001x32xf32, #tpu.memory_space<hbm>> -> memref<1000001x32xf32, #tpu.memory_space<hbm>>
      tpu.enqueue_indirect_dma source(%dma_start3A_472 : memref<1000001x32xf32, #tpu.memory_space<hbm>>) target(%dma_start3A_464 : memref<128x32xf32, #tpu.memory_space<vmem>>) offsets(%dma_start3A_469 : memref<128xi32, #tpu.memory_space<vmem>>) semaphore(%arg21 : memref<!tpu.dma_semaphore, #tpu.memory_space<semaphore_mem>>)
      %dma_start3A_473 = arith.constant 1 : i32
      %dma_start3A_474 = arith.constant 1 : i32
      %dma_start3A_475 = arith.constant 0 : i32
      %dma_start3A_476 = arith.constant 0 : i32
      %dma_start3A_477 = tpu.memref_slice %arg12[%dma_start3A_474, %dma_start3A_475, %dma_start3A_476] : memref<2x1600x32xf32, #tpu.memory_space<vmem>> -> memref<1x1600x32xf32, #tpu.memory_space<vmem>>
      %dma_start3A_478 = tpu.memref_squeeze %dma_start3A_477 : memref<1x1600x32xf32, #tpu.memory_space<vmem>> -> memref<1600x32xf32, #tpu.memory_space<vmem>>
      %dma_start3A_479 = arith.constant 1408 : i32
      %dma_start3A_480 = arith.constant 0 : i32
      %dma_start3A_481 = tpu.memref_slice %dma_start3A_478[%dma_start3A_479, %dma_start3A_480] : memref<1600x32xf32, #tpu.memory_space<vmem>> -> memref<128x32xf32, #tpu.memory_space<vmem>>
      %dma_start3A_482 = arith.constant 0 : i32
      %dma_start3A_483 = tpu.memref_slice %arg11[%dma_start3A_473, %dma_start3A_482] : memref<2x1600xi32, #tpu.memory_space<vmem>> -> memref<1x1600xi32, #tpu.memory_space<vmem>>
      %dma_start3A_484 = tpu.memref_squeeze %dma_start3A_483 : memref<1x1600xi32, #tpu.memory_space<vmem>> -> memref<1600xi32, #tpu.memory_space<vmem>>
      %dma_start3A_485 = arith.constant 1408 : i32
      %dma_start3A_486 = tpu.memref_slice %dma_start3A_484[%dma_start3A_485] : memref<1600xi32, #tpu.memory_space<vmem>> -> memref<128xi32, #tpu.memory_space<vmem>>
      %dma_start3A_487 = arith.constant 0 : i32
      %dma_start3A_488 = arith.constant 0 : i32
      %dma_start3A_489 = tpu.memref_slice %arg9[%dma_start3A_487, %dma_start3A_488] : memref<1000001x32xf32, #tpu.memory_space<hbm>> -> memref<1000001x32xf32, #tpu.memory_space<hbm>>
      tpu.enqueue_indirect_dma source(%dma_start3A_489 : memref<1000001x32xf32, #tpu.memory_space<hbm>>) target(%dma_start3A_481 : memref<128x32xf32, #tpu.memory_space<vmem>>) offsets(%dma_start3A_486 : memref<128xi32, #tpu.memory_space<vmem>>) semaphore(%arg21 : memref<!tpu.dma_semaphore, #tpu.memory_space<semaphore_mem>>)
      %dma_start3A_490 = arith.constant 1 : i32
      %dma_start3A_491 = arith.constant 1 : i32
      %dma_start3A_492 = arith.constant 0 : i32
      %dma_start3A_493 = arith.constant 0 : i32
      %dma_start3A_494 = tpu.memref_slice %arg12[%dma_start3A_491, %dma_start3A_492, %dma_start3A_493] : memref<2x1600x32xf32, #tpu.memory_space<vmem>> -> memref<1x1600x32xf32, #tpu.memory_space<vmem>>
      %dma_start3A_495 = tpu.memref_squeeze %dma_start3A_494 : memref<1x1600x32xf32, #tpu.memory_space<vmem>> -> memref<1600x32xf32, #tpu.memory_space<vmem>>
      %dma_start3A_496 = arith.constant 1536 : i32
      %dma_start3A_497 = arith.constant 0 : i32
      %dma_start3A_498 = tpu.memref_slice %dma_start3A_495[%dma_start3A_496, %dma_start3A_497] : memref<1600x32xf32, #tpu.memory_space<vmem>> -> memref<64x32xf32, #tpu.memory_space<vmem>>
      %dma_start3A_499 = arith.constant 0 : i32
      %dma_start3A_500 = tpu.memref_slice %arg11[%dma_start3A_490, %dma_start3A_499] : memref<2x1600xi32, #tpu.memory_space<vmem>> -> memref<1x1600xi32, #tpu.memory_space<vmem>>
      %dma_start3A_501 = tpu.memref_squeeze %dma_start3A_500 : memref<1x1600xi32, #tpu.memory_space<vmem>> -> memref<1600xi32, #tpu.memory_space<vmem>>
      %dma_start3A_502 = arith.constant 1536 : i32
      %dma_start3A_503 = tpu.memref_slice %dma_start3A_501[%dma_start3A_502] : memref<1600xi32, #tpu.memory_space<vmem>> -> memref<64xi32, #tpu.memory_space<vmem>>
      %dma_start3A_504 = arith.constant 0 : i32
      %dma_start3A_505 = arith.constant 0 : i32
      %dma_start3A_506 = tpu.memref_slice %arg9[%dma_start3A_504, %dma_start3A_505] : memref<1000001x32xf32, #tpu.memory_space<hbm>> -> memref<1000001x32xf32, #tpu.memory_space<hbm>>
      tpu.enqueue_indirect_dma source(%dma_start3A_506 : memref<1000001x32xf32, #tpu.memory_space<hbm>>) target(%dma_start3A_498 : memref<64x32xf32, #tpu.memory_space<vmem>>) offsets(%dma_start3A_503 : memref<64xi32, #tpu.memory_space<vmem>>) semaphore(%arg21 : memref<!tpu.dma_semaphore, #tpu.memory_space<semaphore_mem>>)
      %run_scoped3A_507 = arith.constant 1 : i32
      "tpu.region"() ({
        %run_scoped3A_1205 = tpu.sem_alloc : memref<!tpu.dma_semaphore, #tpu.memory_space<semaphore_mem>>
        %dma_start3A_1206 = arith.constant 0 : i32
        %dma_start3A_1207 = tpu.memref_slice %arg13[%run_scoped3A_507, %dma_start3A_1206] : memref<2x32xi32, #tpu.memory_space<vmem>> -> memref<1x32xi32, #tpu.memory_space<vmem>>
        %dma_start3A_1208 = tpu.memref_squeeze %dma_start3A_1207 : memref<1x32xi32, #tpu.memory_space<vmem>> -> memref<32xi32, #tpu.memory_space<vmem>>
        %dma_start3A_1209 = tpu.memref_slice %arg2[%multiple_of3A_281] : memref<16384xi32, #tpu.memory_space<hbm>> -> memref<32xi32, #tpu.memory_space<hbm>>
        %dma_start3A_1210 = arith.constant 0 : i32
        %dma_start3A_1211 = tpu.memref_slice %arg13[%run_scoped3A_507, %dma_start3A_1210] : memref<2x32xi32, #tpu.memory_space<vmem>> -> memref<1x32xi32, #tpu.memory_space<vmem>>
        %dma_start3A_1212 = tpu.memref_squeeze %dma_start3A_1211 : memref<1x32xi32, #tpu.memory_space<vmem>> -> memref<32xi32, #tpu.memory_space<vmem>>
        %dma_start3A_1213 = tpu.memref_slice %arg2[%multiple_of3A_281] : memref<16384xi32, #tpu.memory_space<hbm>> -> memref<32xi32, #tpu.memory_space<hbm>>
        tpu.enqueue_dma source(%dma_start3A_1213 : memref<32xi32, #tpu.memory_space<hbm>>) target(%dma_start3A_1212 : memref<32xi32, #tpu.memory_space<vmem>>) target_semaphore(%run_scoped3A_1205 : memref<!tpu.dma_semaphore, #tpu.memory_space<semaphore_mem>>)
        %dma_wait3A_1214 = arith.constant 0 : i32
        %dma_wait3A_1215 = tpu.memref_slice %arg13[%run_scoped3A_507, %dma_wait3A_1214] : memref<2x32xi32, #tpu.memory_space<vmem>> -> memref<1x32xi32, #tpu.memory_space<vmem>>
        %dma_wait3A_1216 = tpu.memref_squeeze %dma_wait3A_1215 : memref<1x32xi32, #tpu.memory_space<vmem>> -> memref<32xi32, #tpu.memory_space<vmem>>
        %dma_wait3A_1217 = tpu.memref_slice %arg2[%multiple_of3A_281] : memref<16384xi32, #tpu.memory_space<hbm>> -> memref<32xi32, #tpu.memory_space<hbm>>
        %dma_wait3A_1218 = arith.constant 0 : i32
        %dma_wait3A_1219 = tpu.memref_slice %arg13[%run_scoped3A_507, %dma_wait3A_1218] : memref<2x32xi32, #tpu.memory_space<vmem>> -> memref<1x32xi32, #tpu.memory_space<vmem>>
        %dma_wait3A_1220 = tpu.memref_squeeze %dma_wait3A_1219 : memref<1x32xi32, #tpu.memory_space<vmem>> -> memref<32xi32, #tpu.memory_space<vmem>>
        %dma_wait3A_1221 = tpu.memref_slice %arg2[%multiple_of3A_281] : memref<16384xi32, #tpu.memory_space<hbm>> -> memref<32xi32, #tpu.memory_space<hbm>>
        tpu.wait_dma2 semaphore(%run_scoped3A_1205 : memref<!tpu.dma_semaphore, #tpu.memory_space<semaphore_mem>>) src(%dma_wait3A_1221 : memref<32xi32, #tpu.memory_space<hbm>>) dst(%dma_wait3A_1220 : memref<32xi32, #tpu.memory_space<vmem>>)
        tpu.yield
      }) : () -> ()
      %run_scoped3A_508 = arith.constant 1 : i32
      "tpu.region"() ({
        %run_scoped3A_1205 = tpu.sem_alloc : memref<!tpu.dma_semaphore, #tpu.memory_space<semaphore_mem>>
        %dma_start3A_1206 = arith.constant 0 : i32
        %dma_start3A_1207 = tpu.memref_slice %arg14[%run_scoped3A_508, %dma_start3A_1206] : memref<2x32xi32, #tpu.memory_space<vmem>> -> memref<1x32xi32, #tpu.memory_space<vmem>>
        %dma_start3A_1208 = tpu.memref_squeeze %dma_start3A_1207 : memref<1x32xi32, #tpu.memory_space<vmem>> -> memref<32xi32, #tpu.memory_space<vmem>>
        %dma_start3A_1209 = tpu.memref_slice %arg3[%multiple_of3A_281] : memref<16384xi32, #tpu.memory_space<hbm>> -> memref<32xi32, #tpu.memory_space<hbm>>
        %dma_start3A_1210 = arith.constant 0 : i32
        %dma_start3A_1211 = tpu.memref_slice %arg14[%run_scoped3A_508, %dma_start3A_1210] : memref<2x32xi32, #tpu.memory_space<vmem>> -> memref<1x32xi32, #tpu.memory_space<vmem>>
        %dma_start3A_1212 = tpu.memref_squeeze %dma_start3A_1211 : memref<1x32xi32, #tpu.memory_space<vmem>> -> memref<32xi32, #tpu.memory_space<vmem>>
        %dma_start3A_1213 = tpu.memref_slice %arg3[%multiple_of3A_281] : memref<16384xi32, #tpu.memory_space<hbm>> -> memref<32xi32, #tpu.memory_space<hbm>>
        tpu.enqueue_dma source(%dma_start3A_1213 : memref<32xi32, #tpu.memory_space<hbm>>) target(%dma_start3A_1212 : memref<32xi32, #tpu.memory_space<vmem>>) target_semaphore(%run_scoped3A_1205 : memref<!tpu.dma_semaphore, #tpu.memory_space<semaphore_mem>>)
        %dma_wait3A_1214 = arith.constant 0 : i32
        %dma_wait3A_1215 = tpu.memref_slice %arg14[%run_scoped3A_508, %dma_wait3A_1214] : memref<2x32xi32, #tpu.memory_space<vmem>> -> memref<1x32xi32, #tpu.memory_space<vmem>>
        %dma_wait3A_1216 = tpu.memref_squeeze %dma_wait3A_1215 : memref<1x32xi32, #tpu.memory_space<vmem>> -> memref<32xi32, #tpu.memory_space<vmem>>
        %dma_wait3A_1217 = tpu.memref_slice %arg3[%multiple_of3A_281] : memref<16384xi32, #tpu.memory_space<hbm>> -> memref<32xi32, #tpu.memory_space<hbm>>
        %dma_wait3A_1218 = arith.constant 0 : i32
        %dma_wait3A_1219 = tpu.memref_slice %arg14[%run_scoped3A_508, %dma_wait3A_1218] : memref<2x32xi32, #tpu.memory_space<vmem>> -> memref<1x32xi32, #tpu.memory_space<vmem>>
        %dma_wait3A_1220 = tpu.memref_squeeze %dma_wait3A_1219 : memref<1x32xi32, #tpu.memory_space<vmem>> -> memref<32xi32, #tpu.memory_space<vmem>>
        %dma_wait3A_1221 = tpu.memref_slice %arg3[%multiple_of3A_281] : memref<16384xi32, #tpu.memory_space<hbm>> -> memref<32xi32, #tpu.memory_space<hbm>>
        tpu.wait_dma2 semaphore(%run_scoped3A_1205 : memref<!tpu.dma_semaphore, #tpu.memory_space<semaphore_mem>>) src(%dma_wait3A_1221 : memref<32xi32, #tpu.memory_space<hbm>>) dst(%dma_wait3A_1220 : memref<32xi32, #tpu.memory_space<vmem>>)
        tpu.yield
      }) : () -> ()
      %run_scoped3A_509 = arith.constant 1 : i32
      "tpu.region"() ({
        %run_scoped3A_1205 = tpu.sem_alloc : memref<!tpu.dma_semaphore, #tpu.memory_space<semaphore_mem>>
        %dma_start3A_1206 = arith.constant 0 : i32
        %dma_start3A_1207 = tpu.memref_slice %arg15[%run_scoped3A_509, %dma_start3A_1206] : memref<2x32xi32, #tpu.memory_space<vmem>> -> memref<1x32xi32, #tpu.memory_space<vmem>>
        %dma_start3A_1208 = tpu.memref_squeeze %dma_start3A_1207 : memref<1x32xi32, #tpu.memory_space<vmem>> -> memref<32xi32, #tpu.memory_space<vmem>>
        %dma_start3A_1209 = tpu.memref_slice %arg4[%multiple_of3A_281] : memref<16384xi32, #tpu.memory_space<hbm>> -> memref<32xi32, #tpu.memory_space<hbm>>
        %dma_start3A_1210 = arith.constant 0 : i32
        %dma_start3A_1211 = tpu.memref_slice %arg15[%run_scoped3A_509, %dma_start3A_1210] : memref<2x32xi32, #tpu.memory_space<vmem>> -> memref<1x32xi32, #tpu.memory_space<vmem>>
        %dma_start3A_1212 = tpu.memref_squeeze %dma_start3A_1211 : memref<1x32xi32, #tpu.memory_space<vmem>> -> memref<32xi32, #tpu.memory_space<vmem>>
        %dma_start3A_1213 = tpu.memref_slice %arg4[%multiple_of3A_281] : memref<16384xi32, #tpu.memory_space<hbm>> -> memref<32xi32, #tpu.memory_space<hbm>>
        tpu.enqueue_dma source(%dma_start3A_1213 : memref<32xi32, #tpu.memory_space<hbm>>) target(%dma_start3A_1212 : memref<32xi32, #tpu.memory_space<vmem>>) target_semaphore(%run_scoped3A_1205 : memref<!tpu.dma_semaphore, #tpu.memory_space<semaphore_mem>>)
        %dma_wait3A_1214 = arith.constant 0 : i32
        %dma_wait3A_1215 = tpu.memref_slice %arg15[%run_scoped3A_509, %dma_wait3A_1214] : memref<2x32xi32, #tpu.memory_space<vmem>> -> memref<1x32xi32, #tpu.memory_space<vmem>>
        %dma_wait3A_1216 = tpu.memref_squeeze %dma_wait3A_1215 : memref<1x32xi32, #tpu.memory_space<vmem>> -> memref<32xi32, #tpu.memory_space<vmem>>
        %dma_wait3A_1217 = tpu.memref_slice %arg4[%multiple_of3A_281] : memref<16384xi32, #tpu.memory_space<hbm>> -> memref<32xi32, #tpu.memory_space<hbm>>
        %dma_wait3A_1218 = arith.constant 0 : i32
        %dma_wait3A_1219 = tpu.memref_slice %arg15[%run_scoped3A_509, %dma_wait3A_1218] : memref<2x32xi32, #tpu.memory_space<vmem>> -> memref<1x32xi32, #tpu.memory_space<vmem>>
        %dma_wait3A_1220 = tpu.memref_squeeze %dma_wait3A_1219 : memref<1x32xi32, #tpu.memory_space<vmem>> -> memref<32xi32, #tpu.memory_space<vmem>>
        %dma_wait3A_1221 = tpu.memref_slice %arg4[%multiple_of3A_281] : memref<16384xi32, #tpu.memory_space<hbm>> -> memref<32xi32, #tpu.memory_space<hbm>>
        tpu.wait_dma2 semaphore(%run_scoped3A_1205 : memref<!tpu.dma_semaphore, #tpu.memory_space<semaphore_mem>>) src(%dma_wait3A_1221 : memref<32xi32, #tpu.memory_space<hbm>>) dst(%dma_wait3A_1220 : memref<32xi32, #tpu.memory_space<vmem>>)
        tpu.yield
      }) : () -> ()
      %dma_start3A_510 = arith.constant 1 : i32
      %dma_start3A_511 = arith.constant 1 : i32
      %dma_start3A_512 = arith.constant 0 : i32
      %dma_start3A_513 = arith.constant 0 : i32
      %dma_start3A_514 = tpu.memref_slice %arg16[%dma_start3A_511, %dma_start3A_512, %dma_start3A_513] : memref<2x32x32xf32, #tpu.memory_space<vmem>> -> memref<1x32x32xf32, #tpu.memory_space<vmem>>
      %dma_start3A_515 = tpu.memref_squeeze %dma_start3A_514 : memref<1x32x32xf32, #tpu.memory_space<vmem>> -> memref<32x32xf32, #tpu.memory_space<vmem>>
      %dma_start3A_516 = arith.constant 0 : i32
      %dma_start3A_517 = tpu.memref_slice %arg13[%dma_start3A_510, %dma_start3A_516] : memref<2x32xi32, #tpu.memory_space<vmem>> -> memref<1x32xi32, #tpu.memory_space<vmem>>
      %dma_start3A_518 = tpu.memref_squeeze %dma_start3A_517 : memref<1x32xi32, #tpu.memory_space<vmem>> -> memref<32xi32, #tpu.memory_space<vmem>>
      %dma_start3A_519 = arith.constant 0 : i32
      %dma_start3A_520 = arith.constant 0 : i32
      %dma_start3A_521 = tpu.memref_slice %arg6[%dma_start3A_519, %dma_start3A_520] : memref<100001x32xf32, #tpu.memory_space<hbm>> -> memref<100001x32xf32, #tpu.memory_space<hbm>>
      tpu.enqueue_indirect_dma source(%dma_start3A_521 : memref<100001x32xf32, #tpu.memory_space<hbm>>) target(%dma_start3A_515 : memref<32x32xf32, #tpu.memory_space<vmem>>) offsets(%dma_start3A_518 : memref<32xi32, #tpu.memory_space<vmem>>) semaphore(%arg21 : memref<!tpu.dma_semaphore, #tpu.memory_space<semaphore_mem>>)
      %dma_start3A_522 = arith.constant 1 : i32
      %dma_start3A_523 = arith.constant 1 : i32
      %dma_start3A_524 = arith.constant 0 : i32
      %dma_start3A_525 = arith.constant 0 : i32
      %dma_start3A_526 = tpu.memref_slice %arg17[%dma_start3A_523, %dma_start3A_524, %dma_start3A_525] : memref<2x32x32xf32, #tpu.memory_space<vmem>> -> memref<1x32x32xf32, #tpu.memory_space<vmem>>
      %dma_start3A_527 = tpu.memref_squeeze %dma_start3A_526 : memref<1x32x32xf32, #tpu.memory_space<vmem>> -> memref<32x32xf32, #tpu.memory_space<vmem>>
      %dma_start3A_528 = arith.constant 0 : i32
      %dma_start3A_529 = tpu.memref_slice %arg14[%dma_start3A_522, %dma_start3A_528] : memref<2x32xi32, #tpu.memory_space<vmem>> -> memref<1x32xi32, #tpu.memory_space<vmem>>
      %dma_start3A_530 = tpu.memref_squeeze %dma_start3A_529 : memref<1x32xi32, #tpu.memory_space<vmem>> -> memref<32xi32, #tpu.memory_space<vmem>>
      %dma_start3A_531 = arith.constant 0 : i32
      %dma_start3A_532 = arith.constant 0 : i32
      %dma_start3A_533 = tpu.memref_slice %arg7[%dma_start3A_531, %dma_start3A_532] : memref<100x32xf32, #tpu.memory_space<hbm>> -> memref<100x32xf32, #tpu.memory_space<hbm>>
      tpu.enqueue_indirect_dma source(%dma_start3A_533 : memref<100x32xf32, #tpu.memory_space<hbm>>) target(%dma_start3A_527 : memref<32x32xf32, #tpu.memory_space<vmem>>) offsets(%dma_start3A_530 : memref<32xi32, #tpu.memory_space<vmem>>) semaphore(%arg21 : memref<!tpu.dma_semaphore, #tpu.memory_space<semaphore_mem>>)
      %dma_start3A_534 = arith.constant 1 : i32
      %dma_start3A_535 = arith.constant 1 : i32
      %dma_start3A_536 = arith.constant 0 : i32
      %dma_start3A_537 = arith.constant 0 : i32
      %dma_start3A_538 = tpu.memref_slice %arg18[%dma_start3A_535, %dma_start3A_536, %dma_start3A_537] : memref<2x32x32xf32, #tpu.memory_space<vmem>> -> memref<1x32x32xf32, #tpu.memory_space<vmem>>
      %dma_start3A_539 = tpu.memref_squeeze %dma_start3A_538 : memref<1x32x32xf32, #tpu.memory_space<vmem>> -> memref<32x32xf32, #tpu.memory_space<vmem>>
      %dma_start3A_540 = arith.constant 0 : i32
      %dma_start3A_541 = tpu.memref_slice %arg15[%dma_start3A_534, %dma_start3A_540] : memref<2x32xi32, #tpu.memory_space<vmem>> -> memref<1x32xi32, #tpu.memory_space<vmem>>
      %dma_start3A_542 = tpu.memref_squeeze %dma_start3A_541 : memref<1x32xi32, #tpu.memory_space<vmem>> -> memref<32xi32, #tpu.memory_space<vmem>>
      %dma_start3A_543 = arith.constant 0 : i32
      %dma_start3A_544 = arith.constant 0 : i32
      %dma_start3A_545 = tpu.memref_slice %arg8[%dma_start3A_543, %dma_start3A_544] : memref<3x32xf32, #tpu.memory_space<hbm>> -> memref<3x32xf32, #tpu.memory_space<hbm>>
      tpu.enqueue_indirect_dma source(%dma_start3A_545 : memref<3x32xf32, #tpu.memory_space<hbm>>) target(%dma_start3A_539 : memref<32x32xf32, #tpu.memory_space<vmem>>) offsets(%dma_start3A_542 : memref<32xi32, #tpu.memory_space<vmem>>) semaphore(%arg21 : memref<!tpu.dma_semaphore, #tpu.memory_space<semaphore_mem>>)
      %dma_wait3A = arith.constant 0 : i32
      %dma_wait3A_546 = arith.constant 0 : i32
      %dma_wait3A_547 = arith.constant 0 : i32
      %dma_wait3A_548 = tpu.memref_slice %arg12[%dma_wait3A, %dma_wait3A_546, %dma_wait3A_547] : memref<2x1600x32xf32, #tpu.memory_space<vmem>> -> memref<1x1600x32xf32, #tpu.memory_space<vmem>>
      %dma_wait3A_549 = tpu.memref_squeeze %dma_wait3A_548 : memref<1x1600x32xf32, #tpu.memory_space<vmem>> -> memref<1600x32xf32, #tpu.memory_space<vmem>>
      %dma_wait3A_550 = arith.constant 0 : i32
      %dma_wait3A_551 = arith.constant 0 : i32
      %dma_wait3A_552 = tpu.memref_slice %dma_wait3A_549[%dma_wait3A_550, %dma_wait3A_551] : memref<1600x32xf32, #tpu.memory_space<vmem>> -> memref<128x32xf32, #tpu.memory_space<vmem>>
      %dma_wait3A_553 = arith.constant 0 : i32
      %dma_wait3A_554 = arith.constant 0 : i32
      %dma_wait3A_555 = tpu.memref_slice %arg9[%dma_wait3A_553, %dma_wait3A_554] : memref<1000001x32xf32, #tpu.memory_space<hbm>> -> memref<128x32xf32, #tpu.memory_space<hbm>>
      %dma_wait3A_556 = arith.constant 0 : i32
      %dma_wait3A_557 = arith.constant 0 : i32
      %dma_wait3A_558 = tpu.memref_slice %arg12[%dma_wait3A, %dma_wait3A_556, %dma_wait3A_557] : memref<2x1600x32xf32, #tpu.memory_space<vmem>> -> memref<1x1600x32xf32, #tpu.memory_space<vmem>>
      %dma_wait3A_559 = tpu.memref_squeeze %dma_wait3A_558 : memref<1x1600x32xf32, #tpu.memory_space<vmem>> -> memref<1600x32xf32, #tpu.memory_space<vmem>>
      %dma_wait3A_560 = arith.constant 0 : i32
      %dma_wait3A_561 = arith.constant 0 : i32
      %dma_wait3A_562 = tpu.memref_slice %dma_wait3A_559[%dma_wait3A_560, %dma_wait3A_561] : memref<1600x32xf32, #tpu.memory_space<vmem>> -> memref<128x32xf32, #tpu.memory_space<vmem>>
      %dma_wait3A_563 = arith.constant 0 : i32
      %dma_wait3A_564 = arith.constant 0 : i32
      %dma_wait3A_565 = tpu.memref_slice %arg9[%dma_wait3A_563, %dma_wait3A_564] : memref<1000001x32xf32, #tpu.memory_space<hbm>> -> memref<128x32xf32, #tpu.memory_space<hbm>>
      tpu.wait_dma2 semaphore(%arg20 : memref<!tpu.dma_semaphore, #tpu.memory_space<semaphore_mem>>) src(%dma_wait3A_565 : memref<128x32xf32, #tpu.memory_space<hbm>>) dst(%dma_wait3A_562 : memref<128x32xf32, #tpu.memory_space<vmem>>)
      %dma_wait3A_566 = arith.constant 0 : i32
      %dma_wait3A_567 = arith.constant 0 : i32
      %dma_wait3A_568 = arith.constant 0 : i32
      %dma_wait3A_569 = tpu.memref_slice %arg12[%dma_wait3A_566, %dma_wait3A_567, %dma_wait3A_568] : memref<2x1600x32xf32, #tpu.memory_space<vmem>> -> memref<1x1600x32xf32, #tpu.memory_space<vmem>>
      %dma_wait3A_570 = tpu.memref_squeeze %dma_wait3A_569 : memref<1x1600x32xf32, #tpu.memory_space<vmem>> -> memref<1600x32xf32, #tpu.memory_space<vmem>>
      %dma_wait3A_571 = arith.constant 128 : i32
      %dma_wait3A_572 = arith.constant 0 : i32
      %dma_wait3A_573 = tpu.memref_slice %dma_wait3A_570[%dma_wait3A_571, %dma_wait3A_572] : memref<1600x32xf32, #tpu.memory_space<vmem>> -> memref<128x32xf32, #tpu.memory_space<vmem>>
      %dma_wait3A_574 = arith.constant 0 : i32
      %dma_wait3A_575 = arith.constant 0 : i32
      %dma_wait3A_576 = tpu.memref_slice %arg9[%dma_wait3A_574, %dma_wait3A_575] : memref<1000001x32xf32, #tpu.memory_space<hbm>> -> memref<128x32xf32, #tpu.memory_space<hbm>>
      %dma_wait3A_577 = arith.constant 0 : i32
      %dma_wait3A_578 = arith.constant 0 : i32
      %dma_wait3A_579 = tpu.memref_slice %arg12[%dma_wait3A_566, %dma_wait3A_577, %dma_wait3A_578] : memref<2x1600x32xf32, #tpu.memory_space<vmem>> -> memref<1x1600x32xf32, #tpu.memory_space<vmem>>
      %dma_wait3A_580 = tpu.memref_squeeze %dma_wait3A_579 : memref<1x1600x32xf32, #tpu.memory_space<vmem>> -> memref<1600x32xf32, #tpu.memory_space<vmem>>
      %dma_wait3A_581 = arith.constant 128 : i32
      %dma_wait3A_582 = arith.constant 0 : i32
      %dma_wait3A_583 = tpu.memref_slice %dma_wait3A_580[%dma_wait3A_581, %dma_wait3A_582] : memref<1600x32xf32, #tpu.memory_space<vmem>> -> memref<128x32xf32, #tpu.memory_space<vmem>>
      %dma_wait3A_584 = arith.constant 0 : i32
      %dma_wait3A_585 = arith.constant 0 : i32
      %dma_wait3A_586 = tpu.memref_slice %arg9[%dma_wait3A_584, %dma_wait3A_585] : memref<1000001x32xf32, #tpu.memory_space<hbm>> -> memref<128x32xf32, #tpu.memory_space<hbm>>
      tpu.wait_dma2 semaphore(%arg20 : memref<!tpu.dma_semaphore, #tpu.memory_space<semaphore_mem>>) src(%dma_wait3A_586 : memref<128x32xf32, #tpu.memory_space<hbm>>) dst(%dma_wait3A_583 : memref<128x32xf32, #tpu.memory_space<vmem>>)
      %dma_wait3A_587 = arith.constant 0 : i32
      %dma_wait3A_588 = arith.constant 0 : i32
      %dma_wait3A_589 = arith.constant 0 : i32
      %dma_wait3A_590 = tpu.memref_slice %arg12[%dma_wait3A_587, %dma_wait3A_588, %dma_wait3A_589] : memref<2x1600x32xf32, #tpu.memory_space<vmem>> -> memref<1x1600x32xf32, #tpu.memory_space<vmem>>
      %dma_wait3A_591 = tpu.memref_squeeze %dma_wait3A_590 : memref<1x1600x32xf32, #tpu.memory_space<vmem>> -> memref<1600x32xf32, #tpu.memory_space<vmem>>
      %dma_wait3A_592 = arith.constant 256 : i32
      %dma_wait3A_593 = arith.constant 0 : i32
      %dma_wait3A_594 = tpu.memref_slice %dma_wait3A_591[%dma_wait3A_592, %dma_wait3A_593] : memref<1600x32xf32, #tpu.memory_space<vmem>> -> memref<128x32xf32, #tpu.memory_space<vmem>>
      %dma_wait3A_595 = arith.constant 0 : i32
      %dma_wait3A_596 = arith.constant 0 : i32
      %dma_wait3A_597 = tpu.memref_slice %arg9[%dma_wait3A_595, %dma_wait3A_596] : memref<1000001x32xf32, #tpu.memory_space<hbm>> -> memref<128x32xf32, #tpu.memory_space<hbm>>
      %dma_wait3A_598 = arith.constant 0 : i32
      %dma_wait3A_599 = arith.constant 0 : i32
      %dma_wait3A_600 = tpu.memref_slice %arg12[%dma_wait3A_587, %dma_wait3A_598, %dma_wait3A_599] : memref<2x1600x32xf32, #tpu.memory_space<vmem>> -> memref<1x1600x32xf32, #tpu.memory_space<vmem>>
      %dma_wait3A_601 = tpu.memref_squeeze %dma_wait3A_600 : memref<1x1600x32xf32, #tpu.memory_space<vmem>> -> memref<1600x32xf32, #tpu.memory_space<vmem>>
      %dma_wait3A_602 = arith.constant 256 : i32
      %dma_wait3A_603 = arith.constant 0 : i32
      %dma_wait3A_604 = tpu.memref_slice %dma_wait3A_601[%dma_wait3A_602, %dma_wait3A_603] : memref<1600x32xf32, #tpu.memory_space<vmem>> -> memref<128x32xf32, #tpu.memory_space<vmem>>
      %dma_wait3A_605 = arith.constant 0 : i32
      %dma_wait3A_606 = arith.constant 0 : i32
      %dma_wait3A_607 = tpu.memref_slice %arg9[%dma_wait3A_605, %dma_wait3A_606] : memref<1000001x32xf32, #tpu.memory_space<hbm>> -> memref<128x32xf32, #tpu.memory_space<hbm>>
      tpu.wait_dma2 semaphore(%arg20 : memref<!tpu.dma_semaphore, #tpu.memory_space<semaphore_mem>>) src(%dma_wait3A_607 : memref<128x32xf32, #tpu.memory_space<hbm>>) dst(%dma_wait3A_604 : memref<128x32xf32, #tpu.memory_space<vmem>>)
      %dma_wait3A_608 = arith.constant 0 : i32
      %dma_wait3A_609 = arith.constant 0 : i32
      %dma_wait3A_610 = arith.constant 0 : i32
      %dma_wait3A_611 = tpu.memref_slice %arg12[%dma_wait3A_608, %dma_wait3A_609, %dma_wait3A_610] : memref<2x1600x32xf32, #tpu.memory_space<vmem>> -> memref<1x1600x32xf32, #tpu.memory_space<vmem>>
      %dma_wait3A_612 = tpu.memref_squeeze %dma_wait3A_611 : memref<1x1600x32xf32, #tpu.memory_space<vmem>> -> memref<1600x32xf32, #tpu.memory_space<vmem>>
      %dma_wait3A_613 = arith.constant 384 : i32
      %dma_wait3A_614 = arith.constant 0 : i32
      %dma_wait3A_615 = tpu.memref_slice %dma_wait3A_612[%dma_wait3A_613, %dma_wait3A_614] : memref<1600x32xf32, #tpu.memory_space<vmem>> -> memref<128x32xf32, #tpu.memory_space<vmem>>
      %dma_wait3A_616 = arith.constant 0 : i32
      %dma_wait3A_617 = arith.constant 0 : i32
      %dma_wait3A_618 = tpu.memref_slice %arg9[%dma_wait3A_616, %dma_wait3A_617] : memref<1000001x32xf32, #tpu.memory_space<hbm>> -> memref<128x32xf32, #tpu.memory_space<hbm>>
      %dma_wait3A_619 = arith.constant 0 : i32
      %dma_wait3A_620 = arith.constant 0 : i32
      %dma_wait3A_621 = tpu.memref_slice %arg12[%dma_wait3A_608, %dma_wait3A_619, %dma_wait3A_620] : memref<2x1600x32xf32, #tpu.memory_space<vmem>> -> memref<1x1600x32xf32, #tpu.memory_space<vmem>>
      %dma_wait3A_622 = tpu.memref_squeeze %dma_wait3A_621 : memref<1x1600x32xf32, #tpu.memory_space<vmem>> -> memref<1600x32xf32, #tpu.memory_space<vmem>>
      %dma_wait3A_623 = arith.constant 384 : i32
      %dma_wait3A_624 = arith.constant 0 : i32
      %dma_wait3A_625 = tpu.memref_slice %dma_wait3A_622[%dma_wait3A_623, %dma_wait3A_624] : memref<1600x32xf32, #tpu.memory_space<vmem>> -> memref<128x32xf32, #tpu.memory_space<vmem>>
      %dma_wait3A_626 = arith.constant 0 : i32
      %dma_wait3A_627 = arith.constant 0 : i32
      %dma_wait3A_628 = tpu.memref_slice %arg9[%dma_wait3A_626, %dma_wait3A_627] : memref<1000001x32xf32, #tpu.memory_space<hbm>> -> memref<128x32xf32, #tpu.memory_space<hbm>>
      tpu.wait_dma2 semaphore(%arg20 : memref<!tpu.dma_semaphore, #tpu.memory_space<semaphore_mem>>) src(%dma_wait3A_628 : memref<128x32xf32, #tpu.memory_space<hbm>>) dst(%dma_wait3A_625 : memref<128x32xf32, #tpu.memory_space<vmem>>)
      %dma_wait3A_629 = arith.constant 0 : i32
      %dma_wait3A_630 = arith.constant 0 : i32
      %dma_wait3A_631 = arith.constant 0 : i32
      %dma_wait3A_632 = tpu.memref_slice %arg12[%dma_wait3A_629, %dma_wait3A_630, %dma_wait3A_631] : memref<2x1600x32xf32, #tpu.memory_space<vmem>> -> memref<1x1600x32xf32, #tpu.memory_space<vmem>>
      %dma_wait3A_633 = tpu.memref_squeeze %dma_wait3A_632 : memref<1x1600x32xf32, #tpu.memory_space<vmem>> -> memref<1600x32xf32, #tpu.memory_space<vmem>>
      %dma_wait3A_634 = arith.constant 512 : i32
      %dma_wait3A_635 = arith.constant 0 : i32
      %dma_wait3A_636 = tpu.memref_slice %dma_wait3A_633[%dma_wait3A_634, %dma_wait3A_635] : memref<1600x32xf32, #tpu.memory_space<vmem>> -> memref<128x32xf32, #tpu.memory_space<vmem>>
      %dma_wait3A_637 = arith.constant 0 : i32
      %dma_wait3A_638 = arith.constant 0 : i32
      %dma_wait3A_639 = tpu.memref_slice %arg9[%dma_wait3A_637, %dma_wait3A_638] : memref<1000001x32xf32, #tpu.memory_space<hbm>> -> memref<128x32xf32, #tpu.memory_space<hbm>>
      %dma_wait3A_640 = arith.constant 0 : i32
      %dma_wait3A_641 = arith.constant 0 : i32
      %dma_wait3A_642 = tpu.memref_slice %arg12[%dma_wait3A_629, %dma_wait3A_640, %dma_wait3A_641] : memref<2x1600x32xf32, #tpu.memory_space<vmem>> -> memref<1x1600x32xf32, #tpu.memory_space<vmem>>
      %dma_wait3A_643 = tpu.memref_squeeze %dma_wait3A_642 : memref<1x1600x32xf32, #tpu.memory_space<vmem>> -> memref<1600x32xf32, #tpu.memory_space<vmem>>
      %dma_wait3A_644 = arith.constant 512 : i32
      %dma_wait3A_645 = arith.constant 0 : i32
      %dma_wait3A_646 = tpu.memref_slice %dma_wait3A_643[%dma_wait3A_644, %dma_wait3A_645] : memref<1600x32xf32, #tpu.memory_space<vmem>> -> memref<128x32xf32, #tpu.memory_space<vmem>>
      %dma_wait3A_647 = arith.constant 0 : i32
      %dma_wait3A_648 = arith.constant 0 : i32
      %dma_wait3A_649 = tpu.memref_slice %arg9[%dma_wait3A_647, %dma_wait3A_648] : memref<1000001x32xf32, #tpu.memory_space<hbm>> -> memref<128x32xf32, #tpu.memory_space<hbm>>
      tpu.wait_dma2 semaphore(%arg20 : memref<!tpu.dma_semaphore, #tpu.memory_space<semaphore_mem>>) src(%dma_wait3A_649 : memref<128x32xf32, #tpu.memory_space<hbm>>) dst(%dma_wait3A_646 : memref<128x32xf32, #tpu.memory_space<vmem>>)
      %dma_wait3A_650 = arith.constant 0 : i32
      %dma_wait3A_651 = arith.constant 0 : i32
      %dma_wait3A_652 = arith.constant 0 : i32
      %dma_wait3A_653 = tpu.memref_slice %arg12[%dma_wait3A_650, %dma_wait3A_651, %dma_wait3A_652] : memref<2x1600x32xf32, #tpu.memory_space<vmem>> -> memref<1x1600x32xf32, #tpu.memory_space<vmem>>
      %dma_wait3A_654 = tpu.memref_squeeze %dma_wait3A_653 : memref<1x1600x32xf32, #tpu.memory_space<vmem>> -> memref<1600x32xf32, #tpu.memory_space<vmem>>
      %dma_wait3A_655 = arith.constant 640 : i32
      %dma_wait3A_656 = arith.constant 0 : i32
      %dma_wait3A_657 = tpu.memref_slice %dma_wait3A_654[%dma_wait3A_655, %dma_wait3A_656] : memref<1600x32xf32, #tpu.memory_space<vmem>> -> memref<128x32xf32, #tpu.memory_space<vmem>>
      %dma_wait3A_658 = arith.constant 0 : i32
      %dma_wait3A_659 = arith.constant 0 : i32
      %dma_wait3A_660 = tpu.memref_slice %arg9[%dma_wait3A_658, %dma_wait3A_659] : memref<1000001x32xf32, #tpu.memory_space<hbm>> -> memref<128x32xf32, #tpu.memory_space<hbm>>
      %dma_wait3A_661 = arith.constant 0 : i32
      %dma_wait3A_662 = arith.constant 0 : i32
      %dma_wait3A_663 = tpu.memref_slice %arg12[%dma_wait3A_650, %dma_wait3A_661, %dma_wait3A_662] : memref<2x1600x32xf32, #tpu.memory_space<vmem>> -> memref<1x1600x32xf32, #tpu.memory_space<vmem>>
      %dma_wait3A_664 = tpu.memref_squeeze %dma_wait3A_663 : memref<1x1600x32xf32, #tpu.memory_space<vmem>> -> memref<1600x32xf32, #tpu.memory_space<vmem>>
      %dma_wait3A_665 = arith.constant 640 : i32
      %dma_wait3A_666 = arith.constant 0 : i32
      %dma_wait3A_667 = tpu.memref_slice %dma_wait3A_664[%dma_wait3A_665, %dma_wait3A_666] : memref<1600x32xf32, #tpu.memory_space<vmem>> -> memref<128x32xf32, #tpu.memory_space<vmem>>
      %dma_wait3A_668 = arith.constant 0 : i32
      %dma_wait3A_669 = arith.constant 0 : i32
      %dma_wait3A_670 = tpu.memref_slice %arg9[%dma_wait3A_668, %dma_wait3A_669] : memref<1000001x32xf32, #tpu.memory_space<hbm>> -> memref<128x32xf32, #tpu.memory_space<hbm>>
      tpu.wait_dma2 semaphore(%arg20 : memref<!tpu.dma_semaphore, #tpu.memory_space<semaphore_mem>>) src(%dma_wait3A_670 : memref<128x32xf32, #tpu.memory_space<hbm>>) dst(%dma_wait3A_667 : memref<128x32xf32, #tpu.memory_space<vmem>>)
      %dma_wait3A_671 = arith.constant 0 : i32
      %dma_wait3A_672 = arith.constant 0 : i32
      %dma_wait3A_673 = arith.constant 0 : i32
      %dma_wait3A_674 = tpu.memref_slice %arg12[%dma_wait3A_671, %dma_wait3A_672, %dma_wait3A_673] : memref<2x1600x32xf32, #tpu.memory_space<vmem>> -> memref<1x1600x32xf32, #tpu.memory_space<vmem>>
      %dma_wait3A_675 = tpu.memref_squeeze %dma_wait3A_674 : memref<1x1600x32xf32, #tpu.memory_space<vmem>> -> memref<1600x32xf32, #tpu.memory_space<vmem>>
      %dma_wait3A_676 = arith.constant 768 : i32
      %dma_wait3A_677 = arith.constant 0 : i32
      %dma_wait3A_678 = tpu.memref_slice %dma_wait3A_675[%dma_wait3A_676, %dma_wait3A_677] : memref<1600x32xf32, #tpu.memory_space<vmem>> -> memref<128x32xf32, #tpu.memory_space<vmem>>
      %dma_wait3A_679 = arith.constant 0 : i32
      %dma_wait3A_680 = arith.constant 0 : i32
      %dma_wait3A_681 = tpu.memref_slice %arg9[%dma_wait3A_679, %dma_wait3A_680] : memref<1000001x32xf32, #tpu.memory_space<hbm>> -> memref<128x32xf32, #tpu.memory_space<hbm>>
      %dma_wait3A_682 = arith.constant 0 : i32
      %dma_wait3A_683 = arith.constant 0 : i32
      %dma_wait3A_684 = tpu.memref_slice %arg12[%dma_wait3A_671, %dma_wait3A_682, %dma_wait3A_683] : memref<2x1600x32xf32, #tpu.memory_space<vmem>> -> memref<1x1600x32xf32, #tpu.memory_space<vmem>>
      %dma_wait3A_685 = tpu.memref_squeeze %dma_wait3A_684 : memref<1x1600x32xf32, #tpu.memory_space<vmem>> -> memref<1600x32xf32, #tpu.memory_space<vmem>>
      %dma_wait3A_686 = arith.constant 768 : i32
      %dma_wait3A_687 = arith.constant 0 : i32
      %dma_wait3A_688 = tpu.memref_slice %dma_wait3A_685[%dma_wait3A_686, %dma_wait3A_687] : memref<1600x32xf32, #tpu.memory_space<vmem>> -> memref<128x32xf32, #tpu.memory_space<vmem>>
      %dma_wait3A_689 = arith.constant 0 : i32
      %dma_wait3A_690 = arith.constant 0 : i32
      %dma_wait3A_691 = tpu.memref_slice %arg9[%dma_wait3A_689, %dma_wait3A_690] : memref<1000001x32xf32, #tpu.memory_space<hbm>> -> memref<128x32xf32, #tpu.memory_space<hbm>>
      tpu.wait_dma2 semaphore(%arg20 : memref<!tpu.dma_semaphore, #tpu.memory_space<semaphore_mem>>) src(%dma_wait3A_691 : memref<128x32xf32, #tpu.memory_space<hbm>>) dst(%dma_wait3A_688 : memref<128x32xf32, #tpu.memory_space<vmem>>)
      %dma_wait3A_692 = arith.constant 0 : i32
      %dma_wait3A_693 = arith.constant 0 : i32
      %dma_wait3A_694 = arith.constant 0 : i32
      %dma_wait3A_695 = tpu.memref_slice %arg12[%dma_wait3A_692, %dma_wait3A_693, %dma_wait3A_694] : memref<2x1600x32xf32, #tpu.memory_space<vmem>> -> memref<1x1600x32xf32, #tpu.memory_space<vmem>>
      %dma_wait3A_696 = tpu.memref_squeeze %dma_wait3A_695 : memref<1x1600x32xf32, #tpu.memory_space<vmem>> -> memref<1600x32xf32, #tpu.memory_space<vmem>>
      %dma_wait3A_697 = arith.constant 896 : i32
      %dma_wait3A_698 = arith.constant 0 : i32
      %dma_wait3A_699 = tpu.memref_slice %dma_wait3A_696[%dma_wait3A_697, %dma_wait3A_698] : memref<1600x32xf32, #tpu.memory_space<vmem>> -> memref<128x32xf32, #tpu.memory_space<vmem>>
      %dma_wait3A_700 = arith.constant 0 : i32
      %dma_wait3A_701 = arith.constant 0 : i32
      %dma_wait3A_702 = tpu.memref_slice %arg9[%dma_wait3A_700, %dma_wait3A_701] : memref<1000001x32xf32, #tpu.memory_space<hbm>> -> memref<128x32xf32, #tpu.memory_space<hbm>>
      %dma_wait3A_703 = arith.constant 0 : i32
      %dma_wait3A_704 = arith.constant 0 : i32
      %dma_wait3A_705 = tpu.memref_slice %arg12[%dma_wait3A_692, %dma_wait3A_703, %dma_wait3A_704] : memref<2x1600x32xf32, #tpu.memory_space<vmem>> -> memref<1x1600x32xf32, #tpu.memory_space<vmem>>
      %dma_wait3A_706 = tpu.memref_squeeze %dma_wait3A_705 : memref<1x1600x32xf32, #tpu.memory_space<vmem>> -> memref<1600x32xf32, #tpu.memory_space<vmem>>
      %dma_wait3A_707 = arith.constant 896 : i32
      %dma_wait3A_708 = arith.constant 0 : i32
      %dma_wait3A_709 = tpu.memref_slice %dma_wait3A_706[%dma_wait3A_707, %dma_wait3A_708] : memref<1600x32xf32, #tpu.memory_space<vmem>> -> memref<128x32xf32, #tpu.memory_space<vmem>>
      %dma_wait3A_710 = arith.constant 0 : i32
      %dma_wait3A_711 = arith.constant 0 : i32
      %dma_wait3A_712 = tpu.memref_slice %arg9[%dma_wait3A_710, %dma_wait3A_711] : memref<1000001x32xf32, #tpu.memory_space<hbm>> -> memref<128x32xf32, #tpu.memory_space<hbm>>
      tpu.wait_dma2 semaphore(%arg20 : memref<!tpu.dma_semaphore, #tpu.memory_space<semaphore_mem>>) src(%dma_wait3A_712 : memref<128x32xf32, #tpu.memory_space<hbm>>) dst(%dma_wait3A_709 : memref<128x32xf32, #tpu.memory_space<vmem>>)
      %dma_wait3A_713 = arith.constant 0 : i32
      %dma_wait3A_714 = arith.constant 0 : i32
      %dma_wait3A_715 = arith.constant 0 : i32
      %dma_wait3A_716 = tpu.memref_slice %arg12[%dma_wait3A_713, %dma_wait3A_714, %dma_wait3A_715] : memref<2x1600x32xf32, #tpu.memory_space<vmem>> -> memref<1x1600x32xf32, #tpu.memory_space<vmem>>
      %dma_wait3A_717 = tpu.memref_squeeze %dma_wait3A_716 : memref<1x1600x32xf32, #tpu.memory_space<vmem>> -> memref<1600x32xf32, #tpu.memory_space<vmem>>
      %dma_wait3A_718 = arith.constant 1024 : i32
      %dma_wait3A_719 = arith.constant 0 : i32
      %dma_wait3A_720 = tpu.memref_slice %dma_wait3A_717[%dma_wait3A_718, %dma_wait3A_719] : memref<1600x32xf32, #tpu.memory_space<vmem>> -> memref<128x32xf32, #tpu.memory_space<vmem>>
      %dma_wait3A_721 = arith.constant 0 : i32
      %dma_wait3A_722 = arith.constant 0 : i32
      %dma_wait3A_723 = tpu.memref_slice %arg9[%dma_wait3A_721, %dma_wait3A_722] : memref<1000001x32xf32, #tpu.memory_space<hbm>> -> memref<128x32xf32, #tpu.memory_space<hbm>>
      %dma_wait3A_724 = arith.constant 0 : i32
      %dma_wait3A_725 = arith.constant 0 : i32
      %dma_wait3A_726 = tpu.memref_slice %arg12[%dma_wait3A_713, %dma_wait3A_724, %dma_wait3A_725] : memref<2x1600x32xf32, #tpu.memory_space<vmem>> -> memref<1x1600x32xf32, #tpu.memory_space<vmem>>
      %dma_wait3A_727 = tpu.memref_squeeze %dma_wait3A_726 : memref<1x1600x32xf32, #tpu.memory_space<vmem>> -> memref<1600x32xf32, #tpu.memory_space<vmem>>
      %dma_wait3A_728 = arith.constant 1024 : i32
      %dma_wait3A_729 = arith.constant 0 : i32
      %dma_wait3A_730 = tpu.memref_slice %dma_wait3A_727[%dma_wait3A_728, %dma_wait3A_729] : memref<1600x32xf32, #tpu.memory_space<vmem>> -> memref<128x32xf32, #tpu.memory_space<vmem>>
      %dma_wait3A_731 = arith.constant 0 : i32
      %dma_wait3A_732 = arith.constant 0 : i32
      %dma_wait3A_733 = tpu.memref_slice %arg9[%dma_wait3A_731, %dma_wait3A_732] : memref<1000001x32xf32, #tpu.memory_space<hbm>> -> memref<128x32xf32, #tpu.memory_space<hbm>>
      tpu.wait_dma2 semaphore(%arg20 : memref<!tpu.dma_semaphore, #tpu.memory_space<semaphore_mem>>) src(%dma_wait3A_733 : memref<128x32xf32, #tpu.memory_space<hbm>>) dst(%dma_wait3A_730 : memref<128x32xf32, #tpu.memory_space<vmem>>)
      %dma_wait3A_734 = arith.constant 0 : i32
      %dma_wait3A_735 = arith.constant 0 : i32
      %dma_wait3A_736 = arith.constant 0 : i32
      %dma_wait3A_737 = tpu.memref_slice %arg12[%dma_wait3A_734, %dma_wait3A_735, %dma_wait3A_736] : memref<2x1600x32xf32, #tpu.memory_space<vmem>> -> memref<1x1600x32xf32, #tpu.memory_space<vmem>>
      %dma_wait3A_738 = tpu.memref_squeeze %dma_wait3A_737 : memref<1x1600x32xf32, #tpu.memory_space<vmem>> -> memref<1600x32xf32, #tpu.memory_space<vmem>>
      %dma_wait3A_739 = arith.constant 1152 : i32
      %dma_wait3A_740 = arith.constant 0 : i32
      %dma_wait3A_741 = tpu.memref_slice %dma_wait3A_738[%dma_wait3A_739, %dma_wait3A_740] : memref<1600x32xf32, #tpu.memory_space<vmem>> -> memref<128x32xf32, #tpu.memory_space<vmem>>
      %dma_wait3A_742 = arith.constant 0 : i32
      %dma_wait3A_743 = arith.constant 0 : i32
      %dma_wait3A_744 = tpu.memref_slice %arg9[%dma_wait3A_742, %dma_wait3A_743] : memref<1000001x32xf32, #tpu.memory_space<hbm>> -> memref<128x32xf32, #tpu.memory_space<hbm>>
      %dma_wait3A_745 = arith.constant 0 : i32
      %dma_wait3A_746 = arith.constant 0 : i32
      %dma_wait3A_747 = tpu.memref_slice %arg12[%dma_wait3A_734, %dma_wait3A_745, %dma_wait3A_746] : memref<2x1600x32xf32, #tpu.memory_space<vmem>> -> memref<1x1600x32xf32, #tpu.memory_space<vmem>>
      %dma_wait3A_748 = tpu.memref_squeeze %dma_wait3A_747 : memref<1x1600x32xf32, #tpu.memory_space<vmem>> -> memref<1600x32xf32, #tpu.memory_space<vmem>>
      %dma_wait3A_749 = arith.constant 1152 : i32
      %dma_wait3A_750 = arith.constant 0 : i32
      %dma_wait3A_751 = tpu.memref_slice %dma_wait3A_748[%dma_wait3A_749, %dma_wait3A_750] : memref<1600x32xf32, #tpu.memory_space<vmem>> -> memref<128x32xf32, #tpu.memory_space<vmem>>
      %dma_wait3A_752 = arith.constant 0 : i32
      %dma_wait3A_753 = arith.constant 0 : i32
      %dma_wait3A_754 = tpu.memref_slice %arg9[%dma_wait3A_752, %dma_wait3A_753] : memref<1000001x32xf32, #tpu.memory_space<hbm>> -> memref<128x32xf32, #tpu.memory_space<hbm>>
      tpu.wait_dma2 semaphore(%arg20 : memref<!tpu.dma_semaphore, #tpu.memory_space<semaphore_mem>>) src(%dma_wait3A_754 : memref<128x32xf32, #tpu.memory_space<hbm>>) dst(%dma_wait3A_751 : memref<128x32xf32, #tpu.memory_space<vmem>>)
      %dma_wait3A_755 = arith.constant 0 : i32
      %dma_wait3A_756 = arith.constant 0 : i32
      %dma_wait3A_757 = arith.constant 0 : i32
      %dma_wait3A_758 = tpu.memref_slice %arg12[%dma_wait3A_755, %dma_wait3A_756, %dma_wait3A_757] : memref<2x1600x32xf32, #tpu.memory_space<vmem>> -> memref<1x1600x32xf32, #tpu.memory_space<vmem>>
      %dma_wait3A_759 = tpu.memref_squeeze %dma_wait3A_758 : memref<1x1600x32xf32, #tpu.memory_space<vmem>> -> memref<1600x32xf32, #tpu.memory_space<vmem>>
      %dma_wait3A_760 = arith.constant 1280 : i32
      %dma_wait3A_761 = arith.constant 0 : i32
      %dma_wait3A_762 = tpu.memref_slice %dma_wait3A_759[%dma_wait3A_760, %dma_wait3A_761] : memref<1600x32xf32, #tpu.memory_space<vmem>> -> memref<128x32xf32, #tpu.memory_space<vmem>>
      %dma_wait3A_763 = arith.constant 0 : i32
      %dma_wait3A_764 = arith.constant 0 : i32
      %dma_wait3A_765 = tpu.memref_slice %arg9[%dma_wait3A_763, %dma_wait3A_764] : memref<1000001x32xf32, #tpu.memory_space<hbm>> -> memref<128x32xf32, #tpu.memory_space<hbm>>
      %dma_wait3A_766 = arith.constant 0 : i32
      %dma_wait3A_767 = arith.constant 0 : i32
      %dma_wait3A_768 = tpu.memref_slice %arg12[%dma_wait3A_755, %dma_wait3A_766, %dma_wait3A_767] : memref<2x1600x32xf32, #tpu.memory_space<vmem>> -> memref<1x1600x32xf32, #tpu.memory_space<vmem>>
      %dma_wait3A_769 = tpu.memref_squeeze %dma_wait3A_768 : memref<1x1600x32xf32, #tpu.memory_space<vmem>> -> memref<1600x32xf32, #tpu.memory_space<vmem>>
      %dma_wait3A_770 = arith.constant 1280 : i32
      %dma_wait3A_771 = arith.constant 0 : i32
      %dma_wait3A_772 = tpu.memref_slice %dma_wait3A_769[%dma_wait3A_770, %dma_wait3A_771] : memref<1600x32xf32, #tpu.memory_space<vmem>> -> memref<128x32xf32, #tpu.memory_space<vmem>>
      %dma_wait3A_773 = arith.constant 0 : i32
      %dma_wait3A_774 = arith.constant 0 : i32
      %dma_wait3A_775 = tpu.memref_slice %arg9[%dma_wait3A_773, %dma_wait3A_774] : memref<1000001x32xf32, #tpu.memory_space<hbm>> -> memref<128x32xf32, #tpu.memory_space<hbm>>
      tpu.wait_dma2 semaphore(%arg20 : memref<!tpu.dma_semaphore, #tpu.memory_space<semaphore_mem>>) src(%dma_wait3A_775 : memref<128x32xf32, #tpu.memory_space<hbm>>) dst(%dma_wait3A_772 : memref<128x32xf32, #tpu.memory_space<vmem>>)
      %dma_wait3A_776 = arith.constant 0 : i32
      %dma_wait3A_777 = arith.constant 0 : i32
      %dma_wait3A_778 = arith.constant 0 : i32
      %dma_wait3A_779 = tpu.memref_slice %arg12[%dma_wait3A_776, %dma_wait3A_777, %dma_wait3A_778] : memref<2x1600x32xf32, #tpu.memory_space<vmem>> -> memref<1x1600x32xf32, #tpu.memory_space<vmem>>
      %dma_wait3A_780 = tpu.memref_squeeze %dma_wait3A_779 : memref<1x1600x32xf32, #tpu.memory_space<vmem>> -> memref<1600x32xf32, #tpu.memory_space<vmem>>
      %dma_wait3A_781 = arith.constant 1408 : i32
      %dma_wait3A_782 = arith.constant 0 : i32
      %dma_wait3A_783 = tpu.memref_slice %dma_wait3A_780[%dma_wait3A_781, %dma_wait3A_782] : memref<1600x32xf32, #tpu.memory_space<vmem>> -> memref<128x32xf32, #tpu.memory_space<vmem>>
      %dma_wait3A_784 = arith.constant 0 : i32
      %dma_wait3A_785 = arith.constant 0 : i32
      %dma_wait3A_786 = tpu.memref_slice %arg9[%dma_wait3A_784, %dma_wait3A_785] : memref<1000001x32xf32, #tpu.memory_space<hbm>> -> memref<128x32xf32, #tpu.memory_space<hbm>>
      %dma_wait3A_787 = arith.constant 0 : i32
      %dma_wait3A_788 = arith.constant 0 : i32
      %dma_wait3A_789 = tpu.memref_slice %arg12[%dma_wait3A_776, %dma_wait3A_787, %dma_wait3A_788] : memref<2x1600x32xf32, #tpu.memory_space<vmem>> -> memref<1x1600x32xf32, #tpu.memory_space<vmem>>
      %dma_wait3A_790 = tpu.memref_squeeze %dma_wait3A_789 : memref<1x1600x32xf32, #tpu.memory_space<vmem>> -> memref<1600x32xf32, #tpu.memory_space<vmem>>
      %dma_wait3A_791 = arith.constant 1408 : i32
      %dma_wait3A_792 = arith.constant 0 : i32
      %dma_wait3A_793 = tpu.memref_slice %dma_wait3A_790[%dma_wait3A_791, %dma_wait3A_792] : memref<1600x32xf32, #tpu.memory_space<vmem>> -> memref<128x32xf32, #tpu.memory_space<vmem>>
      %dma_wait3A_794 = arith.constant 0 : i32
      %dma_wait3A_795 = arith.constant 0 : i32
      %dma_wait3A_796 = tpu.memref_slice %arg9[%dma_wait3A_794, %dma_wait3A_795] : memref<1000001x32xf32, #tpu.memory_space<hbm>> -> memref<128x32xf32, #tpu.memory_space<hbm>>
      tpu.wait_dma2 semaphore(%arg20 : memref<!tpu.dma_semaphore, #tpu.memory_space<semaphore_mem>>) src(%dma_wait3A_796 : memref<128x32xf32, #tpu.memory_space<hbm>>) dst(%dma_wait3A_793 : memref<128x32xf32, #tpu.memory_space<vmem>>)
      %dma_wait3A_797 = arith.constant 0 : i32
      %dma_wait3A_798 = arith.constant 0 : i32
      %dma_wait3A_799 = arith.constant 0 : i32
      %dma_wait3A_800 = tpu.memref_slice %arg12[%dma_wait3A_797, %dma_wait3A_798, %dma_wait3A_799] : memref<2x1600x32xf32, #tpu.memory_space<vmem>> -> memref<1x1600x32xf32, #tpu.memory_space<vmem>>
      %dma_wait3A_801 = tpu.memref_squeeze %dma_wait3A_800 : memref<1x1600x32xf32, #tpu.memory_space<vmem>> -> memref<1600x32xf32, #tpu.memory_space<vmem>>
      %dma_wait3A_802 = arith.constant 1536 : i32
      %dma_wait3A_803 = arith.constant 0 : i32
      %dma_wait3A_804 = tpu.memref_slice %dma_wait3A_801[%dma_wait3A_802, %dma_wait3A_803] : memref<1600x32xf32, #tpu.memory_space<vmem>> -> memref<64x32xf32, #tpu.memory_space<vmem>>
      %dma_wait3A_805 = arith.constant 0 : i32
      %dma_wait3A_806 = arith.constant 0 : i32
      %dma_wait3A_807 = tpu.memref_slice %arg9[%dma_wait3A_805, %dma_wait3A_806] : memref<1000001x32xf32, #tpu.memory_space<hbm>> -> memref<64x32xf32, #tpu.memory_space<hbm>>
      %dma_wait3A_808 = arith.constant 0 : i32
      %dma_wait3A_809 = arith.constant 0 : i32
      %dma_wait3A_810 = tpu.memref_slice %arg12[%dma_wait3A_797, %dma_wait3A_808, %dma_wait3A_809] : memref<2x1600x32xf32, #tpu.memory_space<vmem>> -> memref<1x1600x32xf32, #tpu.memory_space<vmem>>
      %dma_wait3A_811 = tpu.memref_squeeze %dma_wait3A_810 : memref<1x1600x32xf32, #tpu.memory_space<vmem>> -> memref<1600x32xf32, #tpu.memory_space<vmem>>
      %dma_wait3A_812 = arith.constant 1536 : i32
      %dma_wait3A_813 = arith.constant 0 : i32
      %dma_wait3A_814 = tpu.memref_slice %dma_wait3A_811[%dma_wait3A_812, %dma_wait3A_813] : memref<1600x32xf32, #tpu.memory_space<vmem>> -> memref<64x32xf32, #tpu.memory_space<vmem>>
      %dma_wait3A_815 = arith.constant 0 : i32
      %dma_wait3A_816 = arith.constant 0 : i32
      %dma_wait3A_817 = tpu.memref_slice %arg9[%dma_wait3A_815, %dma_wait3A_816] : memref<1000001x32xf32, #tpu.memory_space<hbm>> -> memref<64x32xf32, #tpu.memory_space<hbm>>
      tpu.wait_dma2 semaphore(%arg20 : memref<!tpu.dma_semaphore, #tpu.memory_space<semaphore_mem>>) src(%dma_wait3A_817 : memref<64x32xf32, #tpu.memory_space<hbm>>) dst(%dma_wait3A_814 : memref<64x32xf32, #tpu.memory_space<vmem>>)
      %dma_wait3A_818 = arith.constant 0 : i32
      %dma_wait3A_819 = arith.constant 0 : i32
      %dma_wait3A_820 = arith.constant 0 : i32
      %dma_wait3A_821 = tpu.memref_slice %arg16[%dma_wait3A_818, %dma_wait3A_819, %dma_wait3A_820] : memref<2x32x32xf32, #tpu.memory_space<vmem>> -> memref<1x32x32xf32, #tpu.memory_space<vmem>>
      %dma_wait3A_822 = tpu.memref_squeeze %dma_wait3A_821 : memref<1x32x32xf32, #tpu.memory_space<vmem>> -> memref<32x32xf32, #tpu.memory_space<vmem>>
      %dma_wait3A_823 = arith.constant 0 : i32
      %dma_wait3A_824 = arith.constant 0 : i32
      %dma_wait3A_825 = tpu.memref_slice %arg6[%dma_wait3A_823, %dma_wait3A_824] : memref<100001x32xf32, #tpu.memory_space<hbm>> -> memref<32x32xf32, #tpu.memory_space<hbm>>
      %dma_wait3A_826 = arith.constant 0 : i32
      %dma_wait3A_827 = arith.constant 0 : i32
      %dma_wait3A_828 = tpu.memref_slice %arg16[%dma_wait3A_818, %dma_wait3A_826, %dma_wait3A_827] : memref<2x32x32xf32, #tpu.memory_space<vmem>> -> memref<1x32x32xf32, #tpu.memory_space<vmem>>
      %dma_wait3A_829 = tpu.memref_squeeze %dma_wait3A_828 : memref<1x32x32xf32, #tpu.memory_space<vmem>> -> memref<32x32xf32, #tpu.memory_space<vmem>>
      %dma_wait3A_830 = arith.constant 0 : i32
      %dma_wait3A_831 = arith.constant 0 : i32
      %dma_wait3A_832 = tpu.memref_slice %arg6[%dma_wait3A_830, %dma_wait3A_831] : memref<100001x32xf32, #tpu.memory_space<hbm>> -> memref<32x32xf32, #tpu.memory_space<hbm>>
      tpu.wait_dma2 semaphore(%arg20 : memref<!tpu.dma_semaphore, #tpu.memory_space<semaphore_mem>>) src(%dma_wait3A_832 : memref<32x32xf32, #tpu.memory_space<hbm>>) dst(%dma_wait3A_829 : memref<32x32xf32, #tpu.memory_space<vmem>>)
      %dma_wait3A_833 = arith.constant 0 : i32
      %dma_wait3A_834 = arith.constant 0 : i32
      %dma_wait3A_835 = arith.constant 0 : i32
      %dma_wait3A_836 = tpu.memref_slice %arg17[%dma_wait3A_833, %dma_wait3A_834, %dma_wait3A_835] : memref<2x32x32xf32, #tpu.memory_space<vmem>> -> memref<1x32x32xf32, #tpu.memory_space<vmem>>
      %dma_wait3A_837 = tpu.memref_squeeze %dma_wait3A_836 : memref<1x32x32xf32, #tpu.memory_space<vmem>> -> memref<32x32xf32, #tpu.memory_space<vmem>>
      %dma_wait3A_838 = arith.constant 0 : i32
      %dma_wait3A_839 = arith.constant 0 : i32
      %dma_wait3A_840 = tpu.memref_slice %arg6[%dma_wait3A_838, %dma_wait3A_839] : memref<100001x32xf32, #tpu.memory_space<hbm>> -> memref<32x32xf32, #tpu.memory_space<hbm>>
      %dma_wait3A_841 = arith.constant 0 : i32
      %dma_wait3A_842 = arith.constant 0 : i32
      %dma_wait3A_843 = tpu.memref_slice %arg17[%dma_wait3A_833, %dma_wait3A_841, %dma_wait3A_842] : memref<2x32x32xf32, #tpu.memory_space<vmem>> -> memref<1x32x32xf32, #tpu.memory_space<vmem>>
      %dma_wait3A_844 = tpu.memref_squeeze %dma_wait3A_843 : memref<1x32x32xf32, #tpu.memory_space<vmem>> -> memref<32x32xf32, #tpu.memory_space<vmem>>
      %dma_wait3A_845 = arith.constant 0 : i32
      %dma_wait3A_846 = arith.constant 0 : i32
      %dma_wait3A_847 = tpu.memref_slice %arg6[%dma_wait3A_845, %dma_wait3A_846] : memref<100001x32xf32, #tpu.memory_space<hbm>> -> memref<32x32xf32, #tpu.memory_space<hbm>>
      tpu.wait_dma2 semaphore(%arg20 : memref<!tpu.dma_semaphore, #tpu.memory_space<semaphore_mem>>) src(%dma_wait3A_847 : memref<32x32xf32, #tpu.memory_space<hbm>>) dst(%dma_wait3A_844 : memref<32x32xf32, #tpu.memory_space<vmem>>)
      %dma_wait3A_848 = arith.constant 0 : i32
      %dma_wait3A_849 = arith.constant 0 : i32
      %dma_wait3A_850 = arith.constant 0 : i32
      %dma_wait3A_851 = tpu.memref_slice %arg18[%dma_wait3A_848, %dma_wait3A_849, %dma_wait3A_850] : memref<2x32x32xf32, #tpu.memory_space<vmem>> -> memref<1x32x32xf32, #tpu.memory_space<vmem>>
      %dma_wait3A_852 = tpu.memref_squeeze %dma_wait3A_851 : memref<1x32x32xf32, #tpu.memory_space<vmem>> -> memref<32x32xf32, #tpu.memory_space<vmem>>
      %dma_wait3A_853 = arith.constant 0 : i32
      %dma_wait3A_854 = arith.constant 0 : i32
      %dma_wait3A_855 = tpu.memref_slice %arg6[%dma_wait3A_853, %dma_wait3A_854] : memref<100001x32xf32, #tpu.memory_space<hbm>> -> memref<32x32xf32, #tpu.memory_space<hbm>>
      %dma_wait3A_856 = arith.constant 0 : i32
      %dma_wait3A_857 = arith.constant 0 : i32
      %dma_wait3A_858 = tpu.memref_slice %arg18[%dma_wait3A_848, %dma_wait3A_856, %dma_wait3A_857] : memref<2x32x32xf32, #tpu.memory_space<vmem>> -> memref<1x32x32xf32, #tpu.memory_space<vmem>>
      %dma_wait3A_859 = tpu.memref_squeeze %dma_wait3A_858 : memref<1x32x32xf32, #tpu.memory_space<vmem>> -> memref<32x32xf32, #tpu.memory_space<vmem>>
      %dma_wait3A_860 = arith.constant 0 : i32
      %dma_wait3A_861 = arith.constant 0 : i32
      %dma_wait3A_862 = tpu.memref_slice %arg6[%dma_wait3A_860, %dma_wait3A_861] : memref<100001x32xf32, #tpu.memory_space<hbm>> -> memref<32x32xf32, #tpu.memory_space<hbm>>
      tpu.wait_dma2 semaphore(%arg20 : memref<!tpu.dma_semaphore, #tpu.memory_space<semaphore_mem>>) src(%dma_wait3A_862 : memref<32x32xf32, #tpu.memory_space<hbm>>) dst(%dma_wait3A_859 : memref<32x32xf32, #tpu.memory_space<vmem>>)
      %mul3A_863 = arith.constant 32 : i32
      %mul3A_864 = arith.muli %mul3A_275, %mul3A_863 : i32
      %add3A_865 = arith.addi %mul3A_2, %mul3A_864 : i32
      %multiple_of3A_866 = tpu.assume_multiple %add3A_865, 32 : i32
      %scan3A_867 = arith.constant 0 : i32
      %scan3A_868 = arith.constant 0 : i32
      %scan3A_869 = arith.constant 32 : i32
      %scan3A_870 = arith.addi %scan3A_868, %scan3A_869 : i32
      %scan3A_871 = arith.constant 1 : i32
      scf.for %scan3A_1205 = %scan3A_868 to %scan3A_870 step %scan3A_871  : i32 {
        %mul3A_1206 = arith.constant 50 : i32
        %mul3A_1207 = arith.muli %scan3A_1205, %mul3A_1206 : i32
        %broadcast_in_dim3A_1208 = arith.constant 0.000000e+00 : f32
        %broadcast_in_dim3A_1209 = vector.broadcast %broadcast_in_dim3A_1208 : f32 to vector<16xf32>
        %broadcast_in_dim3A_1210 = arith.constant 0.000000e+00 : f32
        %broadcast_in_dim3A_1211 = vector.broadcast %broadcast_in_dim3A_1210 : f32 to vector<16xf32>
        %broadcast_in_dim3A_1212 = arith.constant 0.000000e+00 : f32
        %broadcast_in_dim3A_1213 = vector.broadcast %broadcast_in_dim3A_1212 : f32 to vector<16xf32>
        %broadcast_in_dim3A_1214 = arith.constant 0.000000e+00 : f32
        %broadcast_in_dim3A_1215 = vector.broadcast %broadcast_in_dim3A_1214 : f32 to vector<16xf32>
        %get3A = arith.constant 0 : i32
        %get3A_1216 = arith.constant 0 : i32
        %get3A_1217 = arith.constant 0 : i32
        %get3A_1218 = arith.constant 0 : i32
        %get3A_1219 = tpu.memref_slice %arg12[%get3A, %get3A_1217, %get3A_1218] : memref<2x1600x32xf32, #tpu.memory_space<vmem>> -> memref<1x1600x32xf32, #tpu.memory_space<vmem>>
        %get3A_1220 = tpu.memref_squeeze %get3A_1219 : memref<1x1600x32xf32, #tpu.memory_space<vmem>> -> memref<1600x32xf32, #tpu.memory_space<vmem>>
        %get3A_1221 = arith.constant 0 : i32
        %get3A_1222 = tpu.memref_slice %get3A_1220[%mul3A_1207, %get3A_1221] : memref<1600x32xf32, #tpu.memory_space<vmem>> -> memref<50x32xf32, #tpu.memory_space<vmem>>
        %get3A_1223 = arith.index_cast %get3A_1216 : i32 to index
        %get3A_1224 = arith.constant 0 : index
        %get3A_1225 = tpu.vector_load %get3A_1222[%get3A_1223, %get3A_1224] {strides = array<i32>} : memref<50x32xf32, #tpu.memory_space<vmem>>, vector<1x16xf32>,
        %get3A_1226 = vector.shape_cast %get3A_1225 : vector<1x16xf32> to vector<16xf32>
        %get3A_1227 = arith.constant 0 : i32
        %get3A_1228 = arith.constant 0 : i32
        %get3A_1229 = arith.constant 0 : i32
        %get3A_1230 = arith.constant 0 : i32
        %get3A_1231 = tpu.memref_slice %arg12[%get3A_1227, %get3A_1229, %get3A_1230] : memref<2x1600x32xf32, #tpu.memory_space<vmem>> -> memref<1x1600x32xf32, #tpu.memory_space<vmem>>
        %get3A_1232 = tpu.memref_squeeze %get3A_1231 : memref<1x1600x32xf32, #tpu.memory_space<vmem>> -> memref<1600x32xf32, #tpu.memory_space<vmem>>
        %get3A_1233 = arith.constant 0 : i32
        %get3A_1234 = tpu.memref_slice %get3A_1232[%mul3A_1207, %get3A_1233] : memref<1600x32xf32, #tpu.memory_space<vmem>> -> memref<50x32xf32, #tpu.memory_space<vmem>>
        %get3A_1235 = arith.index_cast %get3A_1228 : i32 to index
        %get3A_1236 = arith.constant 16 : index
        %get3A_1237 = tpu.vector_load %get3A_1234[%get3A_1235, %get3A_1236] {strides = array<i32>} : memref<50x32xf32, #tpu.memory_space<vmem>>, vector<1x16xf32>,
        %get3A_1238 = vector.shape_cast %get3A_1237 : vector<1x16xf32> to vector<16xf32>
        %add3A_1239 = arith.addf %broadcast_in_dim3A_1209, %get3A_1226 : vector<16xf32>
        %add3A_1240 = arith.addf %broadcast_in_dim3A_1213, %get3A_1238 : vector<16xf32>
        %get3A_1241 = arith.constant 0 : i32
        %get3A_1242 = arith.constant 1 : i32
        %get3A_1243 = arith.constant 0 : i32
        %get3A_1244 = arith.constant 0 : i32
        %get3A_1245 = tpu.memref_slice %arg12[%get3A_1241, %get3A_1243, %get3A_1244] : memref<2x1600x32xf32, #tpu.memory_space<vmem>> -> memref<1x1600x32xf32, #tpu.memory_space<vmem>>
        %get3A_1246 = tpu.memref_squeeze %get3A_1245 : memref<1x1600x32xf32, #tpu.memory_space<vmem>> -> memref<1600x32xf32, #tpu.memory_space<vmem>>
        %get3A_1247 = arith.constant 0 : i32
        %get3A_1248 = tpu.memref_slice %get3A_1246[%mul3A_1207, %get3A_1247] : memref<1600x32xf32, #tpu.memory_space<vmem>> -> memref<50x32xf32, #tpu.memory_space<vmem>>
        %get3A_1249 = arith.index_cast %get3A_1242 : i32 to index
        %get3A_1250 = arith.constant 0 : index
        %get3A_1251 = tpu.vector_load %get3A_1248[%get3A_1249, %get3A_1250] {strides = array<i32>} : memref<50x32xf32, #tpu.memory_space<vmem>>, vector<1x16xf32>,
        %get3A_1252 = vector.shape_cast %get3A_1251 : vector<1x16xf32> to vector<16xf32>
        %get3A_1253 = arith.constant 0 : i32
        %get3A_1254 = arith.constant 1 : i32
        %get3A_1255 = arith.constant 0 : i32
        %get3A_1256 = arith.constant 0 : i32
        %get3A_1257 = tpu.memref_slice %arg12[%get3A_1253, %get3A_1255, %get3A_1256] : memref<2x1600x32xf32, #tpu.memory_space<vmem>> -> memref<1x1600x32xf32, #tpu.memory_space<vmem>>
        %get3A_1258 = tpu.memref_squeeze %get3A_1257 : memref<1x1600x32xf32, #tpu.memory_space<vmem>> -> memref<1600x32xf32, #tpu.memory_space<vmem>>
        %get3A_1259 = arith.constant 0 : i32
        %get3A_1260 = tpu.memref_slice %get3A_1258[%mul3A_1207, %get3A_1259] : memref<1600x32xf32, #tpu.memory_space<vmem>> -> memref<50x32xf32, #tpu.memory_space<vmem>>
        %get3A_1261 = arith.index_cast %get3A_1254 : i32 to index
        %get3A_1262 = arith.constant 16 : index
        %get3A_1263 = tpu.vector_load %get3A_1260[%get3A_1261, %get3A_1262] {strides = array<i32>} : memref<50x32xf32, #tpu.memory_space<vmem>>, vector<1x16xf32>,
        %get3A_1264 = vector.shape_cast %get3A_1263 : vector<1x16xf32> to vector<16xf32>
        %add3A_1265 = arith.addf %broadcast_in_dim3A_1211, %get3A_1252 : vector<16xf32>
        %add3A_1266 = arith.addf %broadcast_in_dim3A_1215, %get3A_1264 : vector<16xf32>
        %get3A_1267 = arith.constant 0 : i32
        %get3A_1268 = arith.constant 2 : i32
        %get3A_1269 = arith.constant 0 : i32
        %get3A_1270 = arith.constant 0 : i32
        %get3A_1271 = tpu.memref_slice %arg12[%get3A_1267, %get3A_1269, %get3A_1270] : memref<2x1600x32xf32, #tpu.memory_space<vmem>> -> memref<1x1600x32xf32, #tpu.memory_space<vmem>>
        %get3A_1272 = tpu.memref_squeeze %get3A_1271 : memref<1x1600x32xf32, #tpu.memory_space<vmem>> -> memref<1600x32xf32, #tpu.memory_space<vmem>>
        %get3A_1273 = arith.constant 0 : i32
        %get3A_1274 = tpu.memref_slice %get3A_1272[%mul3A_1207, %get3A_1273] : memref<1600x32xf32, #tpu.memory_space<vmem>> -> memref<50x32xf32, #tpu.memory_space<vmem>>
        %get3A_1275 = arith.index_cast %get3A_1268 : i32 to index
        %get3A_1276 = arith.constant 0 : index
        %get3A_1277 = tpu.vector_load %get3A_1274[%get3A_1275, %get3A_1276] {strides = array<i32>} : memref<50x32xf32, #tpu.memory_space<vmem>>, vector<1x16xf32>,
        %get3A_1278 = vector.shape_cast %get3A_1277 : vector<1x16xf32> to vector<16xf32>
        %get3A_1279 = arith.constant 0 : i32
        %get3A_1280 = arith.constant 2 : i32
        %get3A_1281 = arith.constant 0 : i32
        %get3A_1282 = arith.constant 0 : i32
        %get3A_1283 = tpu.memref_slice %arg12[%get3A_1279, %get3A_1281, %get3A_1282] : memref<2x1600x32xf32, #tpu.memory_space<vmem>> -> memref<1x1600x32xf32, #tpu.memory_space<vmem>>
        %get3A_1284 = tpu.memref_squeeze %get3A_1283 : memref<1x1600x32xf32, #tpu.memory_space<vmem>> -> memref<1600x32xf32, #tpu.memory_space<vmem>>
        %get3A_1285 = arith.constant 0 : i32
        %get3A_1286 = tpu.memref_slice %get3A_1284[%mul3A_1207, %get3A_1285] : memref<1600x32xf32, #tpu.memory_space<vmem>> -> memref<50x32xf32, #tpu.memory_space<vmem>>
        %get3A_1287 = arith.index_cast %get3A_1280 : i32 to index
        %get3A_1288 = arith.constant 16 : index
        %get3A_1289 = tpu.vector_load %get3A_1286[%get3A_1287, %get3A_1288] {strides = array<i32>} : memref<50x32xf32, #tpu.memory_space<vmem>>, vector<1x16xf32>,
        %get3A_1290 = vector.shape_cast %get3A_1289 : vector<1x16xf32> to vector<16xf32>
        %add3A_1291 = arith.addf %add3A_1239, %get3A_1278 : vector<16xf32>
        %add3A_1292 = arith.addf %add3A_1240, %get3A_1290 : vector<16xf32>
        %get3A_1293 = arith.constant 0 : i32
        %get3A_1294 = arith.constant 3 : i32
        %get3A_1295 = arith.constant 0 : i32
        %get3A_1296 = arith.constant 0 : i32
        %get3A_1297 = tpu.memref_slice %arg12[%get3A_1293, %get3A_1295, %get3A_1296] : memref<2x1600x32xf32, #tpu.memory_space<vmem>> -> memref<1x1600x32xf32, #tpu.memory_space<vmem>>
        %get3A_1298 = tpu.memref_squeeze %get3A_1297 : memref<1x1600x32xf32, #tpu.memory_space<vmem>> -> memref<1600x32xf32, #tpu.memory_space<vmem>>
        %get3A_1299 = arith.constant 0 : i32
        %get3A_1300 = tpu.memref_slice %get3A_1298[%mul3A_1207, %get3A_1299] : memref<1600x32xf32, #tpu.memory_space<vmem>> -> memref<50x32xf32, #tpu.memory_space<vmem>>
        %get3A_1301 = arith.index_cast %get3A_1294 : i32 to index
        %get3A_1302 = arith.constant 0 : index
        %get3A_1303 = tpu.vector_load %get3A_1300[%get3A_1301, %get3A_1302] {strides = array<i32>} : memref<50x32xf32, #tpu.memory_space<vmem>>, vector<1x16xf32>,
        %get3A_1304 = vector.shape_cast %get3A_1303 : vector<1x16xf32> to vector<16xf32>
        %get3A_1305 = arith.constant 0 : i32
        %get3A_1306 = arith.constant 3 : i32
        %get3A_1307 = arith.constant 0 : i32
        %get3A_1308 = arith.constant 0 : i32
        %get3A_1309 = tpu.memref_slice %arg12[%get3A_1305, %get3A_1307, %get3A_1308] : memref<2x1600x32xf32, #tpu.memory_space<vmem>> -> memref<1x1600x32xf32, #tpu.memory_space<vmem>>
        %get3A_1310 = tpu.memref_squeeze %get3A_1309 : memref<1x1600x32xf32, #tpu.memory_space<vmem>> -> memref<1600x32xf32, #tpu.memory_space<vmem>>
        %get3A_1311 = arith.constant 0 : i32
        %get3A_1312 = tpu.memref_slice %get3A_1310[%mul3A_1207, %get3A_1311] : memref<1600x32xf32, #tpu.memory_space<vmem>> -> memref<50x32xf32, #tpu.memory_space<vmem>>
        %get3A_1313 = arith.index_cast %get3A_1306 : i32 to index
        %get3A_1314 = arith.constant 16 : index
        %get3A_1315 = tpu.vector_load %get3A_1312[%get3A_1313, %get3A_1314] {strides = array<i32>} : memref<50x32xf32, #tpu.memory_space<vmem>>, vector<1x16xf32>,
        %get3A_1316 = vector.shape_cast %get3A_1315 : vector<1x16xf32> to vector<16xf32>
        %add3A_1317 = arith.addf %add3A_1265, %get3A_1304 : vector<16xf32>
        %add3A_1318 = arith.addf %add3A_1266, %get3A_1316 : vector<16xf32>
        %get3A_1319 = arith.constant 0 : i32
        %get3A_1320 = arith.constant 4 : i32
        %get3A_1321 = arith.constant 0 : i32
        %get3A_1322 = arith.constant 0 : i32
        %get3A_1323 = tpu.memref_slice %arg12[%get3A_1319, %get3A_1321, %get3A_1322] : memref<2x1600x32xf32, #tpu.memory_space<vmem>> -> memref<1x1600x32xf32, #tpu.memory_space<vmem>>
        %get3A_1324 = tpu.memref_squeeze %get3A_1323 : memref<1x1600x32xf32, #tpu.memory_space<vmem>> -> memref<1600x32xf32, #tpu.memory_space<vmem>>
        %get3A_1325 = arith.constant 0 : i32
        %get3A_1326 = tpu.memref_slice %get3A_1324[%mul3A_1207, %get3A_1325] : memref<1600x32xf32, #tpu.memory_space<vmem>> -> memref<50x32xf32, #tpu.memory_space<vmem>>
        %get3A_1327 = arith.index_cast %get3A_1320 : i32 to index
        %get3A_1328 = arith.constant 0 : index
        %get3A_1329 = tpu.vector_load %get3A_1326[%get3A_1327, %get3A_1328] {strides = array<i32>} : memref<50x32xf32, #tpu.memory_space<vmem>>, vector<1x16xf32>,
        %get3A_1330 = vector.shape_cast %get3A_1329 : vector<1x16xf32> to vector<16xf32>
        %get3A_1331 = arith.constant 0 : i32
        %get3A_1332 = arith.constant 4 : i32
        %get3A_1333 = arith.constant 0 : i32
        %get3A_1334 = arith.constant 0 : i32
        %get3A_1335 = tpu.memref_slice %arg12[%get3A_1331, %get3A_1333, %get3A_1334] : memref<2x1600x32xf32, #tpu.memory_space<vmem>> -> memref<1x1600x32xf32, #tpu.memory_space<vmem>>
        %get3A_1336 = tpu.memref_squeeze %get3A_1335 : memref<1x1600x32xf32, #tpu.memory_space<vmem>> -> memref<1600x32xf32, #tpu.memory_space<vmem>>
        %get3A_1337 = arith.constant 0 : i32
        %get3A_1338 = tpu.memref_slice %get3A_1336[%mul3A_1207, %get3A_1337] : memref<1600x32xf32, #tpu.memory_space<vmem>> -> memref<50x32xf32, #tpu.memory_space<vmem>>
        %get3A_1339 = arith.index_cast %get3A_1332 : i32 to index
        %get3A_1340 = arith.constant 16 : index
        %get3A_1341 = tpu.vector_load %get3A_1338[%get3A_1339, %get3A_1340] {strides = array<i32>} : memref<50x32xf32, #tpu.memory_space<vmem>>, vector<1x16xf32>,
        %get3A_1342 = vector.shape_cast %get3A_1341 : vector<1x16xf32> to vector<16xf32>
        %add3A_1343 = arith.addf %add3A_1291, %get3A_1330 : vector<16xf32>
        %add3A_1344 = arith.addf %add3A_1292, %get3A_1342 : vector<16xf32>
        %get3A_1345 = arith.constant 0 : i32
        %get3A_1346 = arith.constant 5 : i32
        %get3A_1347 = arith.constant 0 : i32
        %get3A_1348 = arith.constant 0 : i32
        %get3A_1349 = tpu.memref_slice %arg12[%get3A_1345, %get3A_1347, %get3A_1348] : memref<2x1600x32xf32, #tpu.memory_space<vmem>> -> memref<1x1600x32xf32, #tpu.memory_space<vmem>>
        %get3A_1350 = tpu.memref_squeeze %get3A_1349 : memref<1x1600x32xf32, #tpu.memory_space<vmem>> -> memref<1600x32xf32, #tpu.memory_space<vmem>>
        %get3A_1351 = arith.constant 0 : i32
        %get3A_1352 = tpu.memref_slice %get3A_1350[%mul3A_1207, %get3A_1351] : memref<1600x32xf32, #tpu.memory_space<vmem>> -> memref<50x32xf32, #tpu.memory_space<vmem>>
        %get3A_1353 = arith.index_cast %get3A_1346 : i32 to index
        %get3A_1354 = arith.constant 0 : index
        %get3A_1355 = tpu.vector_load %get3A_1352[%get3A_1353, %get3A_1354] {strides = array<i32>} : memref<50x32xf32, #tpu.memory_space<vmem>>, vector<1x16xf32>,
        %get3A_1356 = vector.shape_cast %get3A_1355 : vector<1x16xf32> to vector<16xf32>
        %get3A_1357 = arith.constant 0 : i32
        %get3A_1358 = arith.constant 5 : i32
        %get3A_1359 = arith.constant 0 : i32
        %get3A_1360 = arith.constant 0 : i32
        %get3A_1361 = tpu.memref_slice %arg12[%get3A_1357, %get3A_1359, %get3A_1360] : memref<2x1600x32xf32, #tpu.memory_space<vmem>> -> memref<1x1600x32xf32, #tpu.memory_space<vmem>>
        %get3A_1362 = tpu.memref_squeeze %get3A_1361 : memref<1x1600x32xf32, #tpu.memory_space<vmem>> -> memref<1600x32xf32, #tpu.memory_space<vmem>>
        %get3A_1363 = arith.constant 0 : i32
        %get3A_1364 = tpu.memref_slice %get3A_1362[%mul3A_1207, %get3A_1363] : memref<1600x32xf32, #tpu.memory_space<vmem>> -> memref<50x32xf32, #tpu.memory_space<vmem>>
        %get3A_1365 = arith.index_cast %get3A_1358 : i32 to index
        %get3A_1366 = arith.constant 16 : index
        %get3A_1367 = tpu.vector_load %get3A_1364[%get3A_1365, %get3A_1366] {strides = array<i32>} : memref<50x32xf32, #tpu.memory_space<vmem>>, vector<1x16xf32>,
        %get3A_1368 = vector.shape_cast %get3A_1367 : vector<1x16xf32> to vector<16xf32>
        %add3A_1369 = arith.addf %add3A_1317, %get3A_1356 : vector<16xf32>
        %add3A_1370 = arith.addf %add3A_1318, %get3A_1368 : vector<16xf32>
        %get3A_1371 = arith.constant 0 : i32
        %get3A_1372 = arith.constant 6 : i32
        %get3A_1373 = arith.constant 0 : i32
        %get3A_1374 = arith.constant 0 : i32
        %get3A_1375 = tpu.memref_slice %arg12[%get3A_1371, %get3A_1373, %get3A_1374] : memref<2x1600x32xf32, #tpu.memory_space<vmem>> -> memref<1x1600x32xf32, #tpu.memory_space<vmem>>
        %get3A_1376 = tpu.memref_squeeze %get3A_1375 : memref<1x1600x32xf32, #tpu.memory_space<vmem>> -> memref<1600x32xf32, #tpu.memory_space<vmem>>
        %get3A_1377 = arith.constant 0 : i32
        %get3A_1378 = tpu.memref_slice %get3A_1376[%mul3A_1207, %get3A_1377] : memref<1600x32xf32, #tpu.memory_space<vmem>> -> memref<50x32xf32, #tpu.memory_space<vmem>>
        %get3A_1379 = arith.index_cast %get3A_1372 : i32 to index
        %get3A_1380 = arith.constant 0 : index
        %get3A_1381 = tpu.vector_load %get3A_1378[%get3A_1379, %get3A_1380] {strides = array<i32>} : memref<50x32xf32, #tpu.memory_space<vmem>>, vector<1x16xf32>,
        %get3A_1382 = vector.shape_cast %get3A_1381 : vector<1x16xf32> to vector<16xf32>
        %get3A_1383 = arith.constant 0 : i32
        %get3A_1384 = arith.constant 6 : i32
        %get3A_1385 = arith.constant 0 : i32
        %get3A_1386 = arith.constant 0 : i32
        %get3A_1387 = tpu.memref_slice %arg12[%get3A_1383, %get3A_1385, %get3A_1386] : memref<2x1600x32xf32, #tpu.memory_space<vmem>> -> memref<1x1600x32xf32, #tpu.memory_space<vmem>>
        %get3A_1388 = tpu.memref_squeeze %get3A_1387 : memref<1x1600x32xf32, #tpu.memory_space<vmem>> -> memref<1600x32xf32, #tpu.memory_space<vmem>>
        %get3A_1389 = arith.constant 0 : i32
        %get3A_1390 = tpu.memref_slice %get3A_1388[%mul3A_1207, %get3A_1389] : memref<1600x32xf32, #tpu.memory_space<vmem>> -> memref<50x32xf32, #tpu.memory_space<vmem>>
        %get3A_1391 = arith.index_cast %get3A_1384 : i32 to index
        %get3A_1392 = arith.constant 16 : index
        %get3A_1393 = tpu.vector_load %get3A_1390[%get3A_1391, %get3A_1392] {strides = array<i32>} : memref<50x32xf32, #tpu.memory_space<vmem>>, vector<1x16xf32>,
        %get3A_1394 = vector.shape_cast %get3A_1393 : vector<1x16xf32> to vector<16xf32>
        %add3A_1395 = arith.addf %add3A_1343, %get3A_1382 : vector<16xf32>
        %add3A_1396 = arith.addf %add3A_1344, %get3A_1394 : vector<16xf32>
        %get3A_1397 = arith.constant 0 : i32
        %get3A_1398 = arith.constant 7 : i32
        %get3A_1399 = arith.constant 0 : i32
        %get3A_1400 = arith.constant 0 : i32
        %get3A_1401 = tpu.memref_slice %arg12[%get3A_1397, %get3A_1399, %get3A_1400] : memref<2x1600x32xf32, #tpu.memory_space<vmem>> -> memref<1x1600x32xf32, #tpu.memory_space<vmem>>
        %get3A_1402 = tpu.memref_squeeze %get3A_1401 : memref<1x1600x32xf32, #tpu.memory_space<vmem>> -> memref<1600x32xf32, #tpu.memory_space<vmem>>
        %get3A_1403 = arith.constant 0 : i32
        %get3A_1404 = tpu.memref_slice %get3A_1402[%mul3A_1207, %get3A_1403] : memref<1600x32xf32, #tpu.memory_space<vmem>> -> memref<50x32xf32, #tpu.memory_space<vmem>>
        %get3A_1405 = arith.index_cast %get3A_1398 : i32 to index
        %get3A_1406 = arith.constant 0 : index
        %get3A_1407 = tpu.vector_load %get3A_1404[%get3A_1405, %get3A_1406] {strides = array<i32>} : memref<50x32xf32, #tpu.memory_space<vmem>>, vector<1x16xf32>,
        %get3A_1408 = vector.shape_cast %get3A_1407 : vector<1x16xf32> to vector<16xf32>
        %get3A_1409 = arith.constant 0 : i32
        %get3A_1410 = arith.constant 7 : i32
        %get3A_1411 = arith.constant 0 : i32
        %get3A_1412 = arith.constant 0 : i32
        %get3A_1413 = tpu.memref_slice %arg12[%get3A_1409, %get3A_1411, %get3A_1412] : memref<2x1600x32xf32, #tpu.memory_space<vmem>> -> memref<1x1600x32xf32, #tpu.memory_space<vmem>>
        %get3A_1414 = tpu.memref_squeeze %get3A_1413 : memref<1x1600x32xf32, #tpu.memory_space<vmem>> -> memref<1600x32xf32, #tpu.memory_space<vmem>>
        %get3A_1415 = arith.constant 0 : i32
        %get3A_1416 = tpu.memref_slice %get3A_1414[%mul3A_1207, %get3A_1415] : memref<1600x32xf32, #tpu.memory_space<vmem>> -> memref<50x32xf32, #tpu.memory_space<vmem>>
        %get3A_1417 = arith.index_cast %get3A_1410 : i32 to index
        %get3A_1418 = arith.constant 16 : index
        %get3A_1419 = tpu.vector_load %get3A_1416[%get3A_1417, %get3A_1418] {strides = array<i32>} : memref<50x32xf32, #tpu.memory_space<vmem>>, vector<1x16xf32>,
        %get3A_1420 = vector.shape_cast %get3A_1419 : vector<1x16xf32> to vector<16xf32>
        %add3A_1421 = arith.addf %add3A_1369, %get3A_1408 : vector<16xf32>
        %add3A_1422 = arith.addf %add3A_1370, %get3A_1420 : vector<16xf32>
        %get3A_1423 = arith.constant 0 : i32
        %get3A_1424 = arith.constant 8 : i32
        %get3A_1425 = arith.constant 0 : i32
        %get3A_1426 = arith.constant 0 : i32
        %get3A_1427 = tpu.memref_slice %arg12[%get3A_1423, %get3A_1425, %get3A_1426] : memref<2x1600x32xf32, #tpu.memory_space<vmem>> -> memref<1x1600x32xf32, #tpu.memory_space<vmem>>
        %get3A_1428 = tpu.memref_squeeze %get3A_1427 : memref<1x1600x32xf32, #tpu.memory_space<vmem>> -> memref<1600x32xf32, #tpu.memory_space<vmem>>
        %get3A_1429 = arith.constant 0 : i32
        %get3A_1430 = tpu.memref_slice %get3A_1428[%mul3A_1207, %get3A_1429] : memref<1600x32xf32, #tpu.memory_space<vmem>> -> memref<50x32xf32, #tpu.memory_space<vmem>>
        %get3A_1431 = arith.index_cast %get3A_1424 : i32 to index
        %get3A_1432 = arith.constant 0 : index
        %get3A_1433 = tpu.vector_load %get3A_1430[%get3A_1431, %get3A_1432] {strides = array<i32>} : memref<50x32xf32, #tpu.memory_space<vmem>>, vector<1x16xf32>,
        %get3A_1434 = vector.shape_cast %get3A_1433 : vector<1x16xf32> to vector<16xf32>
        %get3A_1435 = arith.constant 0 : i32
        %get3A_1436 = arith.constant 8 : i32
        %get3A_1437 = arith.constant 0 : i32
        %get3A_1438 = arith.constant 0 : i32
        %get3A_1439 = tpu.memref_slice %arg12[%get3A_1435, %get3A_1437, %get3A_1438] : memref<2x1600x32xf32, #tpu.memory_space<vmem>> -> memref<1x1600x32xf32, #tpu.memory_space<vmem>>
        %get3A_1440 = tpu.memref_squeeze %get3A_1439 : memref<1x1600x32xf32, #tpu.memory_space<vmem>> -> memref<1600x32xf32, #tpu.memory_space<vmem>>
        %get3A_1441 = arith.constant 0 : i32
        %get3A_1442 = tpu.memref_slice %get3A_1440[%mul3A_1207, %get3A_1441] : memref<1600x32xf32, #tpu.memory_space<vmem>> -> memref<50x32xf32, #tpu.memory_space<vmem>>
        %get3A_1443 = arith.index_cast %get3A_1436 : i32 to index
        %get3A_1444 = arith.constant 16 : index
        %get3A_1445 = tpu.vector_load %get3A_1442[%get3A_1443, %get3A_1444] {strides = array<i32>} : memref<50x32xf32, #tpu.memory_space<vmem>>, vector<1x16xf32>,
        %get3A_1446 = vector.shape_cast %get3A_1445 : vector<1x16xf32> to vector<16xf32>
        %add3A_1447 = arith.addf %add3A_1395, %get3A_1434 : vector<16xf32>
        %add3A_1448 = arith.addf %add3A_1396, %get3A_1446 : vector<16xf32>
        %get3A_1449 = arith.constant 0 : i32
        %get3A_1450 = arith.constant 9 : i32
        %get3A_1451 = arith.constant 0 : i32
        %get3A_1452 = arith.constant 0 : i32
        %get3A_1453 = tpu.memref_slice %arg12[%get3A_1449, %get3A_1451, %get3A_1452] : memref<2x1600x32xf32, #tpu.memory_space<vmem>> -> memref<1x1600x32xf32, #tpu.memory_space<vmem>>
        %get3A_1454 = tpu.memref_squeeze %get3A_1453 : memref<1x1600x32xf32, #tpu.memory_space<vmem>> -> memref<1600x32xf32, #tpu.memory_space<vmem>>
        %get3A_1455 = arith.constant 0 : i32
        %get3A_1456 = tpu.memref_slice %get3A_1454[%mul3A_1207, %get3A_1455] : memref<1600x32xf32, #tpu.memory_space<vmem>> -> memref<50x32xf32, #tpu.memory_space<vmem>>
        %get3A_1457 = arith.index_cast %get3A_1450 : i32 to index
        %get3A_1458 = arith.constant 0 : index
        %get3A_1459 = tpu.vector_load %get3A_1456[%get3A_1457, %get3A_1458] {strides = array<i32>} : memref<50x32xf32, #tpu.memory_space<vmem>>, vector<1x16xf32>,
        %get3A_1460 = vector.shape_cast %get3A_1459 : vector<1x16xf32> to vector<16xf32>
        %get3A_1461 = arith.constant 0 : i32
        %get3A_1462 = arith.constant 9 : i32
        %get3A_1463 = arith.constant 0 : i32
        %get3A_1464 = arith.constant 0 : i32
        %get3A_1465 = tpu.memref_slice %arg12[%get3A_1461, %get3A_1463, %get3A_1464] : memref<2x1600x32xf32, #tpu.memory_space<vmem>> -> memref<1x1600x32xf32, #tpu.memory_space<vmem>>
        %get3A_1466 = tpu.memref_squeeze %get3A_1465 : memref<1x1600x32xf32, #tpu.memory_space<vmem>> -> memref<1600x32xf32, #tpu.memory_space<vmem>>
        %get3A_1467 = arith.constant 0 : i32
        %get3A_1468 = tpu.memref_slice %get3A_1466[%mul3A_1207, %get3A_1467] : memref<1600x32xf32, #tpu.memory_space<vmem>> -> memref<50x32xf32, #tpu.memory_space<vmem>>
        %get3A_1469 = arith.index_cast %get3A_1462 : i32 to index
        %get3A_1470 = arith.constant 16 : index
        %get3A_1471 = tpu.vector_load %get3A_1468[%get3A_1469, %get3A_1470] {strides = array<i32>} : memref<50x32xf32, #tpu.memory_space<vmem>>, vector<1x16xf32>,
        %get3A_1472 = vector.shape_cast %get3A_1471 : vector<1x16xf32> to vector<16xf32>
        %add3A_1473 = arith.addf %add3A_1421, %get3A_1460 : vector<16xf32>
        %add3A_1474 = arith.addf %add3A_1422, %get3A_1472 : vector<16xf32>
        %get3A_1475 = arith.constant 0 : i32
        %get3A_1476 = arith.constant 10 : i32
        %get3A_1477 = arith.constant 0 : i32
        %get3A_1478 = arith.constant 0 : i32
        %get3A_1479 = tpu.memref_slice %arg12[%get3A_1475, %get3A_1477, %get3A_1478] : memref<2x1600x32xf32, #tpu.memory_space<vmem>> -> memref<1x1600x32xf32, #tpu.memory_space<vmem>>
        %get3A_1480 = tpu.memref_squeeze %get3A_1479 : memref<1x1600x32xf32, #tpu.memory_space<vmem>> -> memref<1600x32xf32, #tpu.memory_space<vmem>>
        %get3A_1481 = arith.constant 0 : i32
        %get3A_1482 = tpu.memref_slice %get3A_1480[%mul3A_1207, %get3A_1481] : memref<1600x32xf32, #tpu.memory_space<vmem>> -> memref<50x32xf32, #tpu.memory_space<vmem>>
        %get3A_1483 = arith.index_cast %get3A_1476 : i32 to index
        %get3A_1484 = arith.constant 0 : index
        %get3A_1485 = tpu.vector_load %get3A_1482[%get3A_1483, %get3A_1484] {strides = array<i32>} : memref<50x32xf32, #tpu.memory_space<vmem>>, vector<1x16xf32>,
        %get3A_1486 = vector.shape_cast %get3A_1485 : vector<1x16xf32> to vector<16xf32>
        %get3A_1487 = arith.constant 0 : i32
        %get3A_1488 = arith.constant 10 : i32
        %get3A_1489 = arith.constant 0 : i32
        %get3A_1490 = arith.constant 0 : i32
        %get3A_1491 = tpu.memref_slice %arg12[%get3A_1487, %get3A_1489, %get3A_1490] : memref<2x1600x32xf32, #tpu.memory_space<vmem>> -> memref<1x1600x32xf32, #tpu.memory_space<vmem>>
        %get3A_1492 = tpu.memref_squeeze %get3A_1491 : memref<1x1600x32xf32, #tpu.memory_space<vmem>> -> memref<1600x32xf32, #tpu.memory_space<vmem>>
        %get3A_1493 = arith.constant 0 : i32
        %get3A_1494 = tpu.memref_slice %get3A_1492[%mul3A_1207, %get3A_1493] : memref<1600x32xf32, #tpu.memory_space<vmem>> -> memref<50x32xf32, #tpu.memory_space<vmem>>
        %get3A_1495 = arith.index_cast %get3A_1488 : i32 to index
        %get3A_1496 = arith.constant 16 : index
        %get3A_1497 = tpu.vector_load %get3A_1494[%get3A_1495, %get3A_1496] {strides = array<i32>} : memref<50x32xf32, #tpu.memory_space<vmem>>, vector<1x16xf32>,
        %get3A_1498 = vector.shape_cast %get3A_1497 : vector<1x16xf32> to vector<16xf32>
        %add3A_1499 = arith.addf %add3A_1447, %get3A_1486 : vector<16xf32>
        %add3A_1500 = arith.addf %add3A_1448, %get3A_1498 : vector<16xf32>
        %get3A_1501 = arith.constant 0 : i32
        %get3A_1502 = arith.constant 11 : i32
        %get3A_1503 = arith.constant 0 : i32
        %get3A_1504 = arith.constant 0 : i32
        %get3A_1505 = tpu.memref_slice %arg12[%get3A_1501, %get3A_1503, %get3A_1504] : memref<2x1600x32xf32, #tpu.memory_space<vmem>> -> memref<1x1600x32xf32, #tpu.memory_space<vmem>>
        %get3A_1506 = tpu.memref_squeeze %get3A_1505 : memref<1x1600x32xf32, #tpu.memory_space<vmem>> -> memref<1600x32xf32, #tpu.memory_space<vmem>>
        %get3A_1507 = arith.constant 0 : i32
        %get3A_1508 = tpu.memref_slice %get3A_1506[%mul3A_1207, %get3A_1507] : memref<1600x32xf32, #tpu.memory_space<vmem>> -> memref<50x32xf32, #tpu.memory_space<vmem>>
        %get3A_1509 = arith.index_cast %get3A_1502 : i32 to index
        %get3A_1510 = arith.constant 0 : index
        %get3A_1511 = tpu.vector_load %get3A_1508[%get3A_1509, %get3A_1510] {strides = array<i32>} : memref<50x32xf32, #tpu.memory_space<vmem>>, vector<1x16xf32>,
        %get3A_1512 = vector.shape_cast %get3A_1511 : vector<1x16xf32> to vector<16xf32>
        %get3A_1513 = arith.constant 0 : i32
        %get3A_1514 = arith.constant 11 : i32
        %get3A_1515 = arith.constant 0 : i32
        %get3A_1516 = arith.constant 0 : i32
        %get3A_1517 = tpu.memref_slice %arg12[%get3A_1513, %get3A_1515, %get3A_1516] : memref<2x1600x32xf32, #tpu.memory_space<vmem>> -> memref<1x1600x32xf32, #tpu.memory_space<vmem>>
        %get3A_1518 = tpu.memref_squeeze %get3A_1517 : memref<1x1600x32xf32, #tpu.memory_space<vmem>> -> memref<1600x32xf32, #tpu.memory_space<vmem>>
        %get3A_1519 = arith.constant 0 : i32
        %get3A_1520 = tpu.memref_slice %get3A_1518[%mul3A_1207, %get3A_1519] : memref<1600x32xf32, #tpu.memory_space<vmem>> -> memref<50x32xf32, #tpu.memory_space<vmem>>
        %get3A_1521 = arith.index_cast %get3A_1514 : i32 to index
        %get3A_1522 = arith.constant 16 : index
        %get3A_1523 = tpu.vector_load %get3A_1520[%get3A_1521, %get3A_1522] {strides = array<i32>} : memref<50x32xf32, #tpu.memory_space<vmem>>, vector<1x16xf32>,
        %get3A_1524 = vector.shape_cast %get3A_1523 : vector<1x16xf32> to vector<16xf32>
        %add3A_1525 = arith.addf %add3A_1473, %get3A_1512 : vector<16xf32>
        %add3A_1526 = arith.addf %add3A_1474, %get3A_1524 : vector<16xf32>
        %get3A_1527 = arith.constant 0 : i32
        %get3A_1528 = arith.constant 12 : i32
        %get3A_1529 = arith.constant 0 : i32
        %get3A_1530 = arith.constant 0 : i32
        %get3A_1531 = tpu.memref_slice %arg12[%get3A_1527, %get3A_1529, %get3A_1530] : memref<2x1600x32xf32, #tpu.memory_space<vmem>> -> memref<1x1600x32xf32, #tpu.memory_space<vmem>>
        %get3A_1532 = tpu.memref_squeeze %get3A_1531 : memref<1x1600x32xf32, #tpu.memory_space<vmem>> -> memref<1600x32xf32, #tpu.memory_space<vmem>>
        %get3A_1533 = arith.constant 0 : i32
        %get3A_1534 = tpu.memref_slice %get3A_1532[%mul3A_1207, %get3A_1533] : memref<1600x32xf32, #tpu.memory_space<vmem>> -> memref<50x32xf32, #tpu.memory_space<vmem>>
        %get3A_1535 = arith.index_cast %get3A_1528 : i32 to index
        %get3A_1536 = arith.constant 0 : index
        %get3A_1537 = tpu.vector_load %get3A_1534[%get3A_1535, %get3A_1536] {strides = array<i32>} : memref<50x32xf32, #tpu.memory_space<vmem>>, vector<1x16xf32>,
        %get3A_1538 = vector.shape_cast %get3A_1537 : vector<1x16xf32> to vector<16xf32>
        %get3A_1539 = arith.constant 0 : i32
        %get3A_1540 = arith.constant 12 : i32
        %get3A_1541 = arith.constant 0 : i32
        %get3A_1542 = arith.constant 0 : i32
        %get3A_1543 = tpu.memref_slice %arg12[%get3A_1539, %get3A_1541, %get3A_1542] : memref<2x1600x32xf32, #tpu.memory_space<vmem>> -> memref<1x1600x32xf32, #tpu.memory_space<vmem>>
        %get3A_1544 = tpu.memref_squeeze %get3A_1543 : memref<1x1600x32xf32, #tpu.memory_space<vmem>> -> memref<1600x32xf32, #tpu.memory_space<vmem>>
        %get3A_1545 = arith.constant 0 : i32
        %get3A_1546 = tpu.memref_slice %get3A_1544[%mul3A_1207, %get3A_1545] : memref<1600x32xf32, #tpu.memory_space<vmem>> -> memref<50x32xf32, #tpu.memory_space<vmem>>
        %get3A_1547 = arith.index_cast %get3A_1540 : i32 to index
        %get3A_1548 = arith.constant 16 : index
        %get3A_1549 = tpu.vector_load %get3A_1546[%get3A_1547, %get3A_1548] {strides = array<i32>} : memref<50x32xf32, #tpu.memory_space<vmem>>, vector<1x16xf32>,
        %get3A_1550 = vector.shape_cast %get3A_1549 : vector<1x16xf32> to vector<16xf32>
        %add3A_1551 = arith.addf %add3A_1499, %get3A_1538 : vector<16xf32>
        %add3A_1552 = arith.addf %add3A_1500, %get3A_1550 : vector<16xf32>
        %get3A_1553 = arith.constant 0 : i32
        %get3A_1554 = arith.constant 13 : i32
        %get3A_1555 = arith.constant 0 : i32
        %get3A_1556 = arith.constant 0 : i32
        %get3A_1557 = tpu.memref_slice %arg12[%get3A_1553, %get3A_1555, %get3A_1556] : memref<2x1600x32xf32, #tpu.memory_space<vmem>> -> memref<1x1600x32xf32, #tpu.memory_space<vmem>>
        %get3A_1558 = tpu.memref_squeeze %get3A_1557 : memref<1x1600x32xf32, #tpu.memory_space<vmem>> -> memref<1600x32xf32, #tpu.memory_space<vmem>>
        %get3A_1559 = arith.constant 0 : i32
        %get3A_1560 = tpu.memref_slice %get3A_1558[%mul3A_1207, %get3A_1559] : memref<1600x32xf32, #tpu.memory_space<vmem>> -> memref<50x32xf32, #tpu.memory_space<vmem>>
        %get3A_1561 = arith.index_cast %get3A_1554 : i32 to index
        %get3A_1562 = arith.constant 0 : index
        %get3A_1563 = tpu.vector_load %get3A_1560[%get3A_1561, %get3A_1562] {strides = array<i32>} : memref<50x32xf32, #tpu.memory_space<vmem>>, vector<1x16xf32>,
        %get3A_1564 = vector.shape_cast %get3A_1563 : vector<1x16xf32> to vector<16xf32>
        %get3A_1565 = arith.constant 0 : i32
        %get3A_1566 = arith.constant 13 : i32
        %get3A_1567 = arith.constant 0 : i32
        %get3A_1568 = arith.constant 0 : i32
        %get3A_1569 = tpu.memref_slice %arg12[%get3A_1565, %get3A_1567, %get3A_1568] : memref<2x1600x32xf32, #tpu.memory_space<vmem>> -> memref<1x1600x32xf32, #tpu.memory_space<vmem>>
        %get3A_1570 = tpu.memref_squeeze %get3A_1569 : memref<1x1600x32xf32, #tpu.memory_space<vmem>> -> memref<1600x32xf32, #tpu.memory_space<vmem>>
        %get3A_1571 = arith.constant 0 : i32
        %get3A_1572 = tpu.memref_slice %get3A_1570[%mul3A_1207, %get3A_1571] : memref<1600x32xf32, #tpu.memory_space<vmem>> -> memref<50x32xf32, #tpu.memory_space<vmem>>
        %get3A_1573 = arith.index_cast %get3A_1566 : i32 to index
        %get3A_1574 = arith.constant 16 : index
        %get3A_1575 = tpu.vector_load %get3A_1572[%get3A_1573, %get3A_1574] {strides = array<i32>} : memref<50x32xf32, #tpu.memory_space<vmem>>, vector<1x16xf32>,
        %get3A_1576 = vector.shape_cast %get3A_1575 : vector<1x16xf32> to vector<16xf32>
        %add3A_1577 = arith.addf %add3A_1525, %get3A_1564 : vector<16xf32>
        %add3A_1578 = arith.addf %add3A_1526, %get3A_1576 : vector<16xf32>
        %get3A_1579 = arith.constant 0 : i32
        %get3A_1580 = arith.constant 14 : i32
        %get3A_1581 = arith.constant 0 : i32
        %get3A_1582 = arith.constant 0 : i32
        %get3A_1583 = tpu.memref_slice %arg12[%get3A_1579, %get3A_1581, %get3A_1582] : memref<2x1600x32xf32, #tpu.memory_space<vmem>> -> memref<1x1600x32xf32, #tpu.memory_space<vmem>>
        %get3A_1584 = tpu.memref_squeeze %get3A_1583 : memref<1x1600x32xf32, #tpu.memory_space<vmem>> -> memref<1600x32xf32, #tpu.memory_space<vmem>>
        %get3A_1585 = arith.constant 0 : i32
        %get3A_1586 = tpu.memref_slice %get3A_1584[%mul3A_1207, %get3A_1585] : memref<1600x32xf32, #tpu.memory_space<vmem>> -> memref<50x32xf32, #tpu.memory_space<vmem>>
        %get3A_1587 = arith.index_cast %get3A_1580 : i32 to index
        %get3A_1588 = arith.constant 0 : index
        %get3A_1589 = tpu.vector_load %get3A_1586[%get3A_1587, %get3A_1588] {strides = array<i32>} : memref<50x32xf32, #tpu.memory_space<vmem>>, vector<1x16xf32>,
        %get3A_1590 = vector.shape_cast %get3A_1589 : vector<1x16xf32> to vector<16xf32>
        %get3A_1591 = arith.constant 0 : i32
        %get3A_1592 = arith.constant 14 : i32
        %get3A_1593 = arith.constant 0 : i32
        %get3A_1594 = arith.constant 0 : i32
        %get3A_1595 = tpu.memref_slice %arg12[%get3A_1591, %get3A_1593, %get3A_1594] : memref<2x1600x32xf32, #tpu.memory_space<vmem>> -> memref<1x1600x32xf32, #tpu.memory_space<vmem>>
        %get3A_1596 = tpu.memref_squeeze %get3A_1595 : memref<1x1600x32xf32, #tpu.memory_space<vmem>> -> memref<1600x32xf32, #tpu.memory_space<vmem>>
        %get3A_1597 = arith.constant 0 : i32
        %get3A_1598 = tpu.memref_slice %get3A_1596[%mul3A_1207, %get3A_1597] : memref<1600x32xf32, #tpu.memory_space<vmem>> -> memref<50x32xf32, #tpu.memory_space<vmem>>
        %get3A_1599 = arith.index_cast %get3A_1592 : i32 to index
        %get3A_1600 = arith.constant 16 : index
        %get3A_1601 = tpu.vector_load %get3A_1598[%get3A_1599, %get3A_1600] {strides = array<i32>} : memref<50x32xf32, #tpu.memory_space<vmem>>, vector<1x16xf32>,
        %get3A_1602 = vector.shape_cast %get3A_1601 : vector<1x16xf32> to vector<16xf32>
        %add3A_1603 = arith.addf %add3A_1551, %get3A_1590 : vector<16xf32>
        %add3A_1604 = arith.addf %add3A_1552, %get3A_1602 : vector<16xf32>
        %get3A_1605 = arith.constant 0 : i32
        %get3A_1606 = arith.constant 15 : i32
        %get3A_1607 = arith.constant 0 : i32
        %get3A_1608 = arith.constant 0 : i32
        %get3A_1609 = tpu.memref_slice %arg12[%get3A_1605, %get3A_1607, %get3A_1608] : memref<2x1600x32xf32, #tpu.memory_space<vmem>> -> memref<1x1600x32xf32, #tpu.memory_space<vmem>>
        %get3A_1610 = tpu.memref_squeeze %get3A_1609 : memref<1x1600x32xf32, #tpu.memory_space<vmem>> -> memref<1600x32xf32, #tpu.memory_space<vmem>>
        %get3A_1611 = arith.constant 0 : i32
        %get3A_1612 = tpu.memref_slice %get3A_1610[%mul3A_1207, %get3A_1611] : memref<1600x32xf32, #tpu.memory_space<vmem>> -> memref<50x32xf32, #tpu.memory_space<vmem>>
        %get3A_1613 = arith.index_cast %get3A_1606 : i32 to index
        %get3A_1614 = arith.constant 0 : index
        %get3A_1615 = tpu.vector_load %get3A_1612[%get3A_1613, %get3A_1614] {strides = array<i32>} : memref<50x32xf32, #tpu.memory_space<vmem>>, vector<1x16xf32>,
        %get3A_1616 = vector.shape_cast %get3A_1615 : vector<1x16xf32> to vector<16xf32>
        %get3A_1617 = arith.constant 0 : i32
        %get3A_1618 = arith.constant 15 : i32
        %get3A_1619 = arith.constant 0 : i32
        %get3A_1620 = arith.constant 0 : i32
        %get3A_1621 = tpu.memref_slice %arg12[%get3A_1617, %get3A_1619, %get3A_1620] : memref<2x1600x32xf32, #tpu.memory_space<vmem>> -> memref<1x1600x32xf32, #tpu.memory_space<vmem>>
        %get3A_1622 = tpu.memref_squeeze %get3A_1621 : memref<1x1600x32xf32, #tpu.memory_space<vmem>> -> memref<1600x32xf32, #tpu.memory_space<vmem>>
        %get3A_1623 = arith.constant 0 : i32
        %get3A_1624 = tpu.memref_slice %get3A_1622[%mul3A_1207, %get3A_1623] : memref<1600x32xf32, #tpu.memory_space<vmem>> -> memref<50x32xf32, #tpu.memory_space<vmem>>
        %get3A_1625 = arith.index_cast %get3A_1618 : i32 to index
        %get3A_1626 = arith.constant 16 : index
        %get3A_1627 = tpu.vector_load %get3A_1624[%get3A_1625, %get3A_1626] {strides = array<i32>} : memref<50x32xf32, #tpu.memory_space<vmem>>, vector<1x16xf32>,
        %get3A_1628 = vector.shape_cast %get3A_1627 : vector<1x16xf32> to vector<16xf32>
        %add3A_1629 = arith.addf %add3A_1577, %get3A_1616 : vector<16xf32>
        %add3A_1630 = arith.addf %add3A_1578, %get3A_1628 : vector<16xf32>
        %get3A_1631 = arith.constant 0 : i32
        %get3A_1632 = arith.constant 16 : i32
        %get3A_1633 = arith.constant 0 : i32
        %get3A_1634 = arith.constant 0 : i32
        %get3A_1635 = tpu.memref_slice %arg12[%get3A_1631, %get3A_1633, %get3A_1634] : memref<2x1600x32xf32, #tpu.memory_space<vmem>> -> memref<1x1600x32xf32, #tpu.memory_space<vmem>>
        %get3A_1636 = tpu.memref_squeeze %get3A_1635 : memref<1x1600x32xf32, #tpu.memory_space<vmem>> -> memref<1600x32xf32, #tpu.memory_space<vmem>>
        %get3A_1637 = arith.constant 0 : i32
        %get3A_1638 = tpu.memref_slice %get3A_1636[%mul3A_1207, %get3A_1637] : memref<1600x32xf32, #tpu.memory_space<vmem>> -> memref<50x32xf32, #tpu.memory_space<vmem>>
        %get3A_1639 = arith.index_cast %get3A_1632 : i32 to index
        %get3A_1640 = arith.constant 0 : index
        %get3A_1641 = tpu.vector_load %get3A_1638[%get3A_1639, %get3A_1640] {strides = array<i32>} : memref<50x32xf32, #tpu.memory_space<vmem>>, vector<1x16xf32>,
        %get3A_1642 = vector.shape_cast %get3A_1641 : vector<1x16xf32> to vector<16xf32>
        %get3A_1643 = arith.constant 0 : i32
        %get3A_1644 = arith.constant 16 : i32
        %get3A_1645 = arith.constant 0 : i32
        %get3A_1646 = arith.constant 0 : i32
        %get3A_1647 = tpu.memref_slice %arg12[%get3A_1643, %get3A_1645, %get3A_1646] : memref<2x1600x32xf32, #tpu.memory_space<vmem>> -> memref<1x1600x32xf32, #tpu.memory_space<vmem>>
        %get3A_1648 = tpu.memref_squeeze %get3A_1647 : memref<1x1600x32xf32, #tpu.memory_space<vmem>> -> memref<1600x32xf32, #tpu.memory_space<vmem>>
        %get3A_1649 = arith.constant 0 : i32
        %get3A_1650 = tpu.memref_slice %get3A_1648[%mul3A_1207, %get3A_1649] : memref<1600x32xf32, #tpu.memory_space<vmem>> -> memref<50x32xf32, #tpu.memory_space<vmem>>
        %get3A_1651 = arith.index_cast %get3A_1644 : i32 to index
        %get3A_1652 = arith.constant 16 : index
        %get3A_1653 = tpu.vector_load %get3A_1650[%get3A_1651, %get3A_1652] {strides = array<i32>} : memref<50x32xf32, #tpu.memory_space<vmem>>, vector<1x16xf32>,
        %get3A_1654 = vector.shape_cast %get3A_1653 : vector<1x16xf32> to vector<16xf32>
        %add3A_1655 = arith.addf %add3A_1603, %get3A_1642 : vector<16xf32>
        %add3A_1656 = arith.addf %add3A_1604, %get3A_1654 : vector<16xf32>
        %get3A_1657 = arith.constant 0 : i32
        %get3A_1658 = arith.constant 17 : i32
        %get3A_1659 = arith.constant 0 : i32
        %get3A_1660 = arith.constant 0 : i32
        %get3A_1661 = tpu.memref_slice %arg12[%get3A_1657, %get3A_1659, %get3A_1660] : memref<2x1600x32xf32, #tpu.memory_space<vmem>> -> memref<1x1600x32xf32, #tpu.memory_space<vmem>>
        %get3A_1662 = tpu.memref_squeeze %get3A_1661 : memref<1x1600x32xf32, #tpu.memory_space<vmem>> -> memref<1600x32xf32, #tpu.memory_space<vmem>>
        %get3A_1663 = arith.constant 0 : i32
        %get3A_1664 = tpu.memref_slice %get3A_1662[%mul3A_1207, %get3A_1663] : memref<1600x32xf32, #tpu.memory_space<vmem>> -> memref<50x32xf32, #tpu.memory_space<vmem>>
        %get3A_1665 = arith.index_cast %get3A_1658 : i32 to index
        %get3A_1666 = arith.constant 0 : index
        %get3A_1667 = tpu.vector_load %get3A_1664[%get3A_1665, %get3A_1666] {strides = array<i32>} : memref<50x32xf32, #tpu.memory_space<vmem>>, vector<1x16xf32>,
        %get3A_1668 = vector.shape_cast %get3A_1667 : vector<1x16xf32> to vector<16xf32>
        %get3A_1669 = arith.constant 0 : i32
        %get3A_1670 = arith.constant 17 : i32
        %get3A_1671 = arith.constant 0 : i32
        %get3A_1672 = arith.constant 0 : i32
        %get3A_1673 = tpu.memref_slice %arg12[%get3A_1669, %get3A_1671, %get3A_1672] : memref<2x1600x32xf32, #tpu.memory_space<vmem>> -> memref<1x1600x32xf32, #tpu.memory_space<vmem>>
        %get3A_1674 = tpu.memref_squeeze %get3A_1673 : memref<1x1600x32xf32, #tpu.memory_space<vmem>> -> memref<1600x32xf32, #tpu.memory_space<vmem>>
        %get3A_1675 = arith.constant 0 : i32
        %get3A_1676 = tpu.memref_slice %get3A_1674[%mul3A_1207, %get3A_1675] : memref<1600x32xf32, #tpu.memory_space<vmem>> -> memref<50x32xf32, #tpu.memory_space<vmem>>
        %get3A_1677 = arith.index_cast %get3A_1670 : i32 to index
        %get3A_1678 = arith.constant 16 : index
        %get3A_1679 = tpu.vector_load %get3A_1676[%get3A_1677, %get3A_1678] {strides = array<i32>} : memref<50x32xf32, #tpu.memory_space<vmem>>, vector<1x16xf32>,
        %get3A_1680 = vector.shape_cast %get3A_1679 : vector<1x16xf32> to vector<16xf32>
        %add3A_1681 = arith.addf %add3A_1629, %get3A_1668 : vector<16xf32>
        %add3A_1682 = arith.addf %add3A_1630, %get3A_1680 : vector<16xf32>
        %get3A_1683 = arith.constant 0 : i32
        %get3A_1684 = arith.constant 18 : i32
        %get3A_1685 = arith.constant 0 : i32
        %get3A_1686 = arith.constant 0 : i32
        %get3A_1687 = tpu.memref_slice %arg12[%get3A_1683, %get3A_1685, %get3A_1686] : memref<2x1600x32xf32, #tpu.memory_space<vmem>> -> memref<1x1600x32xf32, #tpu.memory_space<vmem>>
        %get3A_1688 = tpu.memref_squeeze %get3A_1687 : memref<1x1600x32xf32, #tpu.memory_space<vmem>> -> memref<1600x32xf32, #tpu.memory_space<vmem>>
        %get3A_1689 = arith.constant 0 : i32
        %get3A_1690 = tpu.memref_slice %get3A_1688[%mul3A_1207, %get3A_1689] : memref<1600x32xf32, #tpu.memory_space<vmem>> -> memref<50x32xf32, #tpu.memory_space<vmem>>
        %get3A_1691 = arith.index_cast %get3A_1684 : i32 to index
        %get3A_1692 = arith.constant 0 : index
        %get3A_1693 = tpu.vector_load %get3A_1690[%get3A_1691, %get3A_1692] {strides = array<i32>} : memref<50x32xf32, #tpu.memory_space<vmem>>, vector<1x16xf32>,
        %get3A_1694 = vector.shape_cast %get3A_1693 : vector<1x16xf32> to vector<16xf32>
        %get3A_1695 = arith.constant 0 : i32
        %get3A_1696 = arith.constant 18 : i32
        %get3A_1697 = arith.constant 0 : i32
        %get3A_1698 = arith.constant 0 : i32
        %get3A_1699 = tpu.memref_slice %arg12[%get3A_1695, %get3A_1697, %get3A_1698] : memref<2x1600x32xf32, #tpu.memory_space<vmem>> -> memref<1x1600x32xf32, #tpu.memory_space<vmem>>
        %get3A_1700 = tpu.memref_squeeze %get3A_1699 : memref<1x1600x32xf32, #tpu.memory_space<vmem>> -> memref<1600x32xf32, #tpu.memory_space<vmem>>
        %get3A_1701 = arith.constant 0 : i32
        %get3A_1702 = tpu.memref_slice %get3A_1700[%mul3A_1207, %get3A_1701] : memref<1600x32xf32, #tpu.memory_space<vmem>> -> memref<50x32xf32, #tpu.memory_space<vmem>>
        %get3A_1703 = arith.index_cast %get3A_1696 : i32 to index
        %get3A_1704 = arith.constant 16 : index
        %get3A_1705 = tpu.vector_load %get3A_1702[%get3A_1703, %get3A_1704] {strides = array<i32>} : memref<50x32xf32, #tpu.memory_space<vmem>>, vector<1x16xf32>,
        %get3A_1706 = vector.shape_cast %get3A_1705 : vector<1x16xf32> to vector<16xf32>
        %add3A_1707 = arith.addf %add3A_1655, %get3A_1694 : vector<16xf32>
        %add3A_1708 = arith.addf %add3A_1656, %get3A_1706 : vector<16xf32>
        %get3A_1709 = arith.constant 0 : i32
        %get3A_1710 = arith.constant 19 : i32
        %get3A_1711 = arith.constant 0 : i32
        %get3A_1712 = arith.constant 0 : i32
        %get3A_1713 = tpu.memref_slice %arg12[%get3A_1709, %get3A_1711, %get3A_1712] : memref<2x1600x32xf32, #tpu.memory_space<vmem>> -> memref<1x1600x32xf32, #tpu.memory_space<vmem>>
        %get3A_1714 = tpu.memref_squeeze %get3A_1713 : memref<1x1600x32xf32, #tpu.memory_space<vmem>> -> memref<1600x32xf32, #tpu.memory_space<vmem>>
        %get3A_1715 = arith.constant 0 : i32
        %get3A_1716 = tpu.memref_slice %get3A_1714[%mul3A_1207, %get3A_1715] : memref<1600x32xf32, #tpu.memory_space<vmem>> -> memref<50x32xf32, #tpu.memory_space<vmem>>
        %get3A_1717 = arith.index_cast %get3A_1710 : i32 to index
        %get3A_1718 = arith.constant 0 : index
        %get3A_1719 = tpu.vector_load %get3A_1716[%get3A_1717, %get3A_1718] {strides = array<i32>} : memref<50x32xf32, #tpu.memory_space<vmem>>, vector<1x16xf32>,
        %get3A_1720 = vector.shape_cast %get3A_1719 : vector<1x16xf32> to vector<16xf32>
        %get3A_1721 = arith.constant 0 : i32
        %get3A_1722 = arith.constant 19 : i32
        %get3A_1723 = arith.constant 0 : i32
        %get3A_1724 = arith.constant 0 : i32
        %get3A_1725 = tpu.memref_slice %arg12[%get3A_1721, %get3A_1723, %get3A_1724] : memref<2x1600x32xf32, #tpu.memory_space<vmem>> -> memref<1x1600x32xf32, #tpu.memory_space<vmem>>
        %get3A_1726 = tpu.memref_squeeze %get3A_1725 : memref<1x1600x32xf32, #tpu.memory_space<vmem>> -> memref<1600x32xf32, #tpu.memory_space<vmem>>
        %get3A_1727 = arith.constant 0 : i32
        %get3A_1728 = tpu.memref_slice %get3A_1726[%mul3A_1207, %get3A_1727] : memref<1600x32xf32, #tpu.memory_space<vmem>> -> memref<50x32xf32, #tpu.memory_space<vmem>>
        %get3A_1729 = arith.index_cast %get3A_1722 : i32 to index
        %get3A_1730 = arith.constant 16 : index
        %get3A_1731 = tpu.vector_load %get3A_1728[%get3A_1729, %get3A_1730] {strides = array<i32>} : memref<50x32xf32, #tpu.memory_space<vmem>>, vector<1x16xf32>,
        %get3A_1732 = vector.shape_cast %get3A_1731 : vector<1x16xf32> to vector<16xf32>
        %add3A_1733 = arith.addf %add3A_1681, %get3A_1720 : vector<16xf32>
        %add3A_1734 = arith.addf %add3A_1682, %get3A_1732 : vector<16xf32>
        %get3A_1735 = arith.constant 0 : i32
        %get3A_1736 = arith.constant 20 : i32
        %get3A_1737 = arith.constant 0 : i32
        %get3A_1738 = arith.constant 0 : i32
        %get3A_1739 = tpu.memref_slice %arg12[%get3A_1735, %get3A_1737, %get3A_1738] : memref<2x1600x32xf32, #tpu.memory_space<vmem>> -> memref<1x1600x32xf32, #tpu.memory_space<vmem>>
        %get3A_1740 = tpu.memref_squeeze %get3A_1739 : memref<1x1600x32xf32, #tpu.memory_space<vmem>> -> memref<1600x32xf32, #tpu.memory_space<vmem>>
        %get3A_1741 = arith.constant 0 : i32
        %get3A_1742 = tpu.memref_slice %get3A_1740[%mul3A_1207, %get3A_1741] : memref<1600x32xf32, #tpu.memory_space<vmem>> -> memref<50x32xf32, #tpu.memory_space<vmem>>
        %get3A_1743 = arith.index_cast %get3A_1736 : i32 to index
        %get3A_1744 = arith.constant 0 : index
        %get3A_1745 = tpu.vector_load %get3A_1742[%get3A_1743, %get3A_1744] {strides = array<i32>} : memref<50x32xf32, #tpu.memory_space<vmem>>, vector<1x16xf32>,
        %get3A_1746 = vector.shape_cast %get3A_1745 : vector<1x16xf32> to vector<16xf32>
        %get3A_1747 = arith.constant 0 : i32
        %get3A_1748 = arith.constant 20 : i32
        %get3A_1749 = arith.constant 0 : i32
        %get3A_1750 = arith.constant 0 : i32
        %get3A_1751 = tpu.memref_slice %arg12[%get3A_1747, %get3A_1749, %get3A_1750] : memref<2x1600x32xf32, #tpu.memory_space<vmem>> -> memref<1x1600x32xf32, #tpu.memory_space<vmem>>
        %get3A_1752 = tpu.memref_squeeze %get3A_1751 : memref<1x1600x32xf32, #tpu.memory_space<vmem>> -> memref<1600x32xf32, #tpu.memory_space<vmem>>
        %get3A_1753 = arith.constant 0 : i32
        %get3A_1754 = tpu.memref_slice %get3A_1752[%mul3A_1207, %get3A_1753] : memref<1600x32xf32, #tpu.memory_space<vmem>> -> memref<50x32xf32, #tpu.memory_space<vmem>>
        %get3A_1755 = arith.index_cast %get3A_1748 : i32 to index
        %get3A_1756 = arith.constant 16 : index
        %get3A_1757 = tpu.vector_load %get3A_1754[%get3A_1755, %get3A_1756] {strides = array<i32>} : memref<50x32xf32, #tpu.memory_space<vmem>>, vector<1x16xf32>,
        %get3A_1758 = vector.shape_cast %get3A_1757 : vector<1x16xf32> to vector<16xf32>
        %add3A_1759 = arith.addf %add3A_1707, %get3A_1746 : vector<16xf32>
        %add3A_1760 = arith.addf %add3A_1708, %get3A_1758 : vector<16xf32>
        %get3A_1761 = arith.constant 0 : i32
        %get3A_1762 = arith.constant 21 : i32
        %get3A_1763 = arith.constant 0 : i32
        %get3A_1764 = arith.constant 0 : i32
        %get3A_1765 = tpu.memref_slice %arg12[%get3A_1761, %get3A_1763, %get3A_1764] : memref<2x1600x32xf32, #tpu.memory_space<vmem>> -> memref<1x1600x32xf32, #tpu.memory_space<vmem>>
        %get3A_1766 = tpu.memref_squeeze %get3A_1765 : memref<1x1600x32xf32, #tpu.memory_space<vmem>> -> memref<1600x32xf32, #tpu.memory_space<vmem>>
        %get3A_1767 = arith.constant 0 : i32
        %get3A_1768 = tpu.memref_slice %get3A_1766[%mul3A_1207, %get3A_1767] : memref<1600x32xf32, #tpu.memory_space<vmem>> -> memref<50x32xf32, #tpu.memory_space<vmem>>
        %get3A_1769 = arith.index_cast %get3A_1762 : i32 to index
        %get3A_1770 = arith.constant 0 : index
        %get3A_1771 = tpu.vector_load %get3A_1768[%get3A_1769, %get3A_1770] {strides = array<i32>} : memref<50x32xf32, #tpu.memory_space<vmem>>, vector<1x16xf32>,
        %get3A_1772 = vector.shape_cast %get3A_1771 : vector<1x16xf32> to vector<16xf32>
        %get3A_1773 = arith.constant 0 : i32
        %get3A_1774 = arith.constant 21 : i32
        %get3A_1775 = arith.constant 0 : i32
        %get3A_1776 = arith.constant 0 : i32
        %get3A_1777 = tpu.memref_slice %arg12[%get3A_1773, %get3A_1775, %get3A_1776] : memref<2x1600x32xf32, #tpu.memory_space<vmem>> -> memref<1x1600x32xf32, #tpu.memory_space<vmem>>
        %get3A_1778 = tpu.memref_squeeze %get3A_1777 : memref<1x1600x32xf32, #tpu.memory_space<vmem>> -> memref<1600x32xf32, #tpu.memory_space<vmem>>
        %get3A_1779 = arith.constant 0 : i32
        %get3A_1780 = tpu.memref_slice %get3A_1778[%mul3A_1207, %get3A_1779] : memref<1600x32xf32, #tpu.memory_space<vmem>> -> memref<50x32xf32, #tpu.memory_space<vmem>>
        %get3A_1781 = arith.index_cast %get3A_1774 : i32 to index
        %get3A_1782 = arith.constant 16 : index
        %get3A_1783 = tpu.vector_load %get3A_1780[%get3A_1781, %get3A_1782] {strides = array<i32>} : memref<50x32xf32, #tpu.memory_space<vmem>>, vector<1x16xf32>,
        %get3A_1784 = vector.shape_cast %get3A_1783 : vector<1x16xf32> to vector<16xf32>
        %add3A_1785 = arith.addf %add3A_1733, %get3A_1772 : vector<16xf32>
        %add3A_1786 = arith.addf %add3A_1734, %get3A_1784 : vector<16xf32>
        %get3A_1787 = arith.constant 0 : i32
        %get3A_1788 = arith.constant 22 : i32
        %get3A_1789 = arith.constant 0 : i32
        %get3A_1790 = arith.constant 0 : i32
        %get3A_1791 = tpu.memref_slice %arg12[%get3A_1787, %get3A_1789, %get3A_1790] : memref<2x1600x32xf32, #tpu.memory_space<vmem>> -> memref<1x1600x32xf32, #tpu.memory_space<vmem>>
        %get3A_1792 = tpu.memref_squeeze %get3A_1791 : memref<1x1600x32xf32, #tpu.memory_space<vmem>> -> memref<1600x32xf32, #tpu.memory_space<vmem>>
        %get3A_1793 = arith.constant 0 : i32
        %get3A_1794 = tpu.memref_slice %get3A_1792[%mul3A_1207, %get3A_1793] : memref<1600x32xf32, #tpu.memory_space<vmem>> -> memref<50x32xf32, #tpu.memory_space<vmem>>
        %get3A_1795 = arith.index_cast %get3A_1788 : i32 to index
        %get3A_1796 = arith.constant 0 : index
        %get3A_1797 = tpu.vector_load %get3A_1794[%get3A_1795, %get3A_1796] {strides = array<i32>} : memref<50x32xf32, #tpu.memory_space<vmem>>, vector<1x16xf32>,
        %get3A_1798 = vector.shape_cast %get3A_1797 : vector<1x16xf32> to vector<16xf32>
        %get3A_1799 = arith.constant 0 : i32
        %get3A_1800 = arith.constant 22 : i32
        %get3A_1801 = arith.constant 0 : i32
        %get3A_1802 = arith.constant 0 : i32
        %get3A_1803 = tpu.memref_slice %arg12[%get3A_1799, %get3A_1801, %get3A_1802] : memref<2x1600x32xf32, #tpu.memory_space<vmem>> -> memref<1x1600x32xf32, #tpu.memory_space<vmem>>
        %get3A_1804 = tpu.memref_squeeze %get3A_1803 : memref<1x1600x32xf32, #tpu.memory_space<vmem>> -> memref<1600x32xf32, #tpu.memory_space<vmem>>
        %get3A_1805 = arith.constant 0 : i32
        %get3A_1806 = tpu.memref_slice %get3A_1804[%mul3A_1207, %get3A_1805] : memref<1600x32xf32, #tpu.memory_space<vmem>> -> memref<50x32xf32, #tpu.memory_space<vmem>>
        %get3A_1807 = arith.index_cast %get3A_1800 : i32 to index
        %get3A_1808 = arith.constant 16 : index
        %get3A_1809 = tpu.vector_load %get3A_1806[%get3A_1807, %get3A_1808] {strides = array<i32>} : memref<50x32xf32, #tpu.memory_space<vmem>>, vector<1x16xf32>,
        %get3A_1810 = vector.shape_cast %get3A_1809 : vector<1x16xf32> to vector<16xf32>
        %add3A_1811 = arith.addf %add3A_1759, %get3A_1798 : vector<16xf32>
        %add3A_1812 = arith.addf %add3A_1760, %get3A_1810 : vector<16xf32>
        %get3A_1813 = arith.constant 0 : i32
        %get3A_1814 = arith.constant 23 : i32
        %get3A_1815 = arith.constant 0 : i32
        %get3A_1816 = arith.constant 0 : i32
        %get3A_1817 = tpu.memref_slice %arg12[%get3A_1813, %get3A_1815, %get3A_1816] : memref<2x1600x32xf32, #tpu.memory_space<vmem>> -> memref<1x1600x32xf32, #tpu.memory_space<vmem>>
        %get3A_1818 = tpu.memref_squeeze %get3A_1817 : memref<1x1600x32xf32, #tpu.memory_space<vmem>> -> memref<1600x32xf32, #tpu.memory_space<vmem>>
        %get3A_1819 = arith.constant 0 : i32
        %get3A_1820 = tpu.memref_slice %get3A_1818[%mul3A_1207, %get3A_1819] : memref<1600x32xf32, #tpu.memory_space<vmem>> -> memref<50x32xf32, #tpu.memory_space<vmem>>
        %get3A_1821 = arith.index_cast %get3A_1814 : i32 to index
        %get3A_1822 = arith.constant 0 : index
        %get3A_1823 = tpu.vector_load %get3A_1820[%get3A_1821, %get3A_1822] {strides = array<i32>} : memref<50x32xf32, #tpu.memory_space<vmem>>, vector<1x16xf32>,
        %get3A_1824 = vector.shape_cast %get3A_1823 : vector<1x16xf32> to vector<16xf32>
        %get3A_1825 = arith.constant 0 : i32
        %get3A_1826 = arith.constant 23 : i32
        %get3A_1827 = arith.constant 0 : i32
        %get3A_1828 = arith.constant 0 : i32
        %get3A_1829 = tpu.memref_slice %arg12[%get3A_1825, %get3A_1827, %get3A_1828] : memref<2x1600x32xf32, #tpu.memory_space<vmem>> -> memref<1x1600x32xf32, #tpu.memory_space<vmem>>
        %get3A_1830 = tpu.memref_squeeze %get3A_1829 : memref<1x1600x32xf32, #tpu.memory_space<vmem>> -> memref<1600x32xf32, #tpu.memory_space<vmem>>
        %get3A_1831 = arith.constant 0 : i32
        %get3A_1832 = tpu.memref_slice %get3A_1830[%mul3A_1207, %get3A_1831] : memref<1600x32xf32, #tpu.memory_space<vmem>> -> memref<50x32xf32, #tpu.memory_space<vmem>>
        %get3A_1833 = arith.index_cast %get3A_1826 : i32 to index
        %get3A_1834 = arith.constant 16 : index
        %get3A_1835 = tpu.vector_load %get3A_1832[%get3A_1833, %get3A_1834] {strides = array<i32>} : memref<50x32xf32, #tpu.memory_space<vmem>>, vector<1x16xf32>,
        %get3A_1836 = vector.shape_cast %get3A_1835 : vector<1x16xf32> to vector<16xf32>
        %add3A_1837 = arith.addf %add3A_1785, %get3A_1824 : vector<16xf32>
        %add3A_1838 = arith.addf %add3A_1786, %get3A_1836 : vector<16xf32>
        %get3A_1839 = arith.constant 0 : i32
        %get3A_1840 = arith.constant 24 : i32
        %get3A_1841 = arith.constant 0 : i32
        %get3A_1842 = arith.constant 0 : i32
        %get3A_1843 = tpu.memref_slice %arg12[%get3A_1839, %get3A_1841, %get3A_1842] : memref<2x1600x32xf32, #tpu.memory_space<vmem>> -> memref<1x1600x32xf32, #tpu.memory_space<vmem>>
        %get3A_1844 = tpu.memref_squeeze %get3A_1843 : memref<1x1600x32xf32, #tpu.memory_space<vmem>> -> memref<1600x32xf32, #tpu.memory_space<vmem>>
        %get3A_1845 = arith.constant 0 : i32
        %get3A_1846 = tpu.memref_slice %get3A_1844[%mul3A_1207, %get3A_1845] : memref<1600x32xf32, #tpu.memory_space<vmem>> -> memref<50x32xf32, #tpu.memory_space<vmem>>
        %get3A_1847 = arith.index_cast %get3A_1840 : i32 to index
        %get3A_1848 = arith.constant 0 : index
        %get3A_1849 = tpu.vector_load %get3A_1846[%get3A_1847, %get3A_1848] {strides = array<i32>} : memref<50x32xf32, #tpu.memory_space<vmem>>, vector<1x16xf32>,
        %get3A_1850 = vector.shape_cast %get3A_1849 : vector<1x16xf32> to vector<16xf32>
        %get3A_1851 = arith.constant 0 : i32
        %get3A_1852 = arith.constant 24 : i32
        %get3A_1853 = arith.constant 0 : i32
        %get3A_1854 = arith.constant 0 : i32
        %get3A_1855 = tpu.memref_slice %arg12[%get3A_1851, %get3A_1853, %get3A_1854] : memref<2x1600x32xf32, #tpu.memory_space<vmem>> -> memref<1x1600x32xf32, #tpu.memory_space<vmem>>
        %get3A_1856 = tpu.memref_squeeze %get3A_1855 : memref<1x1600x32xf32, #tpu.memory_space<vmem>> -> memref<1600x32xf32, #tpu.memory_space<vmem>>
        %get3A_1857 = arith.constant 0 : i32
        %get3A_1858 = tpu.memref_slice %get3A_1856[%mul3A_1207, %get3A_1857] : memref<1600x32xf32, #tpu.memory_space<vmem>> -> memref<50x32xf32, #tpu.memory_space<vmem>>
        %get3A_1859 = arith.index_cast %get3A_1852 : i32 to index
        %get3A_1860 = arith.constant 16 : index
        %get3A_1861 = tpu.vector_load %get3A_1858[%get3A_1859, %get3A_1860] {strides = array<i32>} : memref<50x32xf32, #tpu.memory_space<vmem>>, vector<1x16xf32>,
        %get3A_1862 = vector.shape_cast %get3A_1861 : vector<1x16xf32> to vector<16xf32>
        %add3A_1863 = arith.addf %add3A_1811, %get3A_1850 : vector<16xf32>
        %add3A_1864 = arith.addf %add3A_1812, %get3A_1862 : vector<16xf32>
        %get3A_1865 = arith.constant 0 : i32
        %get3A_1866 = arith.constant 25 : i32
        %get3A_1867 = arith.constant 0 : i32
        %get3A_1868 = arith.constant 0 : i32
        %get3A_1869 = tpu.memref_slice %arg12[%get3A_1865, %get3A_1867, %get3A_1868] : memref<2x1600x32xf32, #tpu.memory_space<vmem>> -> memref<1x1600x32xf32, #tpu.memory_space<vmem>>
        %get3A_1870 = tpu.memref_squeeze %get3A_1869 : memref<1x1600x32xf32, #tpu.memory_space<vmem>> -> memref<1600x32xf32, #tpu.memory_space<vmem>>
        %get3A_1871 = arith.constant 0 : i32
        %get3A_1872 = tpu.memref_slice %get3A_1870[%mul3A_1207, %get3A_1871] : memref<1600x32xf32, #tpu.memory_space<vmem>> -> memref<50x32xf32, #tpu.memory_space<vmem>>
        %get3A_1873 = arith.index_cast %get3A_1866 : i32 to index
        %get3A_1874 = arith.constant 0 : index
        %get3A_1875 = tpu.vector_load %get3A_1872[%get3A_1873, %get3A_1874] {strides = array<i32>} : memref<50x32xf32, #tpu.memory_space<vmem>>, vector<1x16xf32>,
        %get3A_1876 = vector.shape_cast %get3A_1875 : vector<1x16xf32> to vector<16xf32>
        %get3A_1877 = arith.constant 0 : i32
        %get3A_1878 = arith.constant 25 : i32
        %get3A_1879 = arith.constant 0 : i32
        %get3A_1880 = arith.constant 0 : i32
        %get3A_1881 = tpu.memref_slice %arg12[%get3A_1877, %get3A_1879, %get3A_1880] : memref<2x1600x32xf32, #tpu.memory_space<vmem>> -> memref<1x1600x32xf32, #tpu.memory_space<vmem>>
        %get3A_1882 = tpu.memref_squeeze %get3A_1881 : memref<1x1600x32xf32, #tpu.memory_space<vmem>> -> memref<1600x32xf32, #tpu.memory_space<vmem>>
        %get3A_1883 = arith.constant 0 : i32
        %get3A_1884 = tpu.memref_slice %get3A_1882[%mul3A_1207, %get3A_1883] : memref<1600x32xf32, #tpu.memory_space<vmem>> -> memref<50x32xf32, #tpu.memory_space<vmem>>
        %get3A_1885 = arith.index_cast %get3A_1878 : i32 to index
        %get3A_1886 = arith.constant 16 : index
        %get3A_1887 = tpu.vector_load %get3A_1884[%get3A_1885, %get3A_1886] {strides = array<i32>} : memref<50x32xf32, #tpu.memory_space<vmem>>, vector<1x16xf32>,
        %get3A_1888 = vector.shape_cast %get3A_1887 : vector<1x16xf32> to vector<16xf32>
        %add3A_1889 = arith.addf %add3A_1837, %get3A_1876 : vector<16xf32>
        %add3A_1890 = arith.addf %add3A_1838, %get3A_1888 : vector<16xf32>
        %get3A_1891 = arith.constant 0 : i32
        %get3A_1892 = arith.constant 26 : i32
        %get3A_1893 = arith.constant 0 : i32
        %get3A_1894 = arith.constant 0 : i32
        %get3A_1895 = tpu.memref_slice %arg12[%get3A_1891, %get3A_1893, %get3A_1894] : memref<2x1600x32xf32, #tpu.memory_space<vmem>> -> memref<1x1600x32xf32, #tpu.memory_space<vmem>>
        %get3A_1896 = tpu.memref_squeeze %get3A_1895 : memref<1x1600x32xf32, #tpu.memory_space<vmem>> -> memref<1600x32xf32, #tpu.memory_space<vmem>>
        %get3A_1897 = arith.constant 0 : i32
        %get3A_1898 = tpu.memref_slice %get3A_1896[%mul3A_1207, %get3A_1897] : memref<1600x32xf32, #tpu.memory_space<vmem>> -> memref<50x32xf32, #tpu.memory_space<vmem>>
        %get3A_1899 = arith.index_cast %get3A_1892 : i32 to index
        %get3A_1900 = arith.constant 0 : index
        %get3A_1901 = tpu.vector_load %get3A_1898[%get3A_1899, %get3A_1900] {strides = array<i32>} : memref<50x32xf32, #tpu.memory_space<vmem>>, vector<1x16xf32>,
        %get3A_1902 = vector.shape_cast %get3A_1901 : vector<1x16xf32> to vector<16xf32>
        %get3A_1903 = arith.constant 0 : i32
        %get3A_1904 = arith.constant 26 : i32
        %get3A_1905 = arith.constant 0 : i32
        %get3A_1906 = arith.constant 0 : i32
        %get3A_1907 = tpu.memref_slice %arg12[%get3A_1903, %get3A_1905, %get3A_1906] : memref<2x1600x32xf32, #tpu.memory_space<vmem>> -> memref<1x1600x32xf32, #tpu.memory_space<vmem>>
        %get3A_1908 = tpu.memref_squeeze %get3A_1907 : memref<1x1600x32xf32, #tpu.memory_space<vmem>> -> memref<1600x32xf32, #tpu.memory_space<vmem>>
        %get3A_1909 = arith.constant 0 : i32
        %get3A_1910 = tpu.memref_slice %get3A_1908[%mul3A_1207, %get3A_1909] : memref<1600x32xf32, #tpu.memory_space<vmem>> -> memref<50x32xf32, #tpu.memory_space<vmem>>
        %get3A_1911 = arith.index_cast %get3A_1904 : i32 to index
        %get3A_1912 = arith.constant 16 : index
        %get3A_1913 = tpu.vector_load %get3A_1910[%get3A_1911, %get3A_1912] {strides = array<i32>} : memref<50x32xf32, #tpu.memory_space<vmem>>, vector<1x16xf32>,
        %get3A_1914 = vector.shape_cast %get3A_1913 : vector<1x16xf32> to vector<16xf32>
        %add3A_1915 = arith.addf %add3A_1863, %get3A_1902 : vector<16xf32>
        %add3A_1916 = arith.addf %add3A_1864, %get3A_1914 : vector<16xf32>
        %get3A_1917 = arith.constant 0 : i32
        %get3A_1918 = arith.constant 27 : i32
        %get3A_1919 = arith.constant 0 : i32
        %get3A_1920 = arith.constant 0 : i32
        %get3A_1921 = tpu.memref_slice %arg12[%get3A_1917, %get3A_1919, %get3A_1920] : memref<2x1600x32xf32, #tpu.memory_space<vmem>> -> memref<1x1600x32xf32, #tpu.memory_space<vmem>>
        %get3A_1922 = tpu.memref_squeeze %get3A_1921 : memref<1x1600x32xf32, #tpu.memory_space<vmem>> -> memref<1600x32xf32, #tpu.memory_space<vmem>>
        %get3A_1923 = arith.constant 0 : i32
        %get3A_1924 = tpu.memref_slice %get3A_1922[%mul3A_1207, %get3A_1923] : memref<1600x32xf32, #tpu.memory_space<vmem>> -> memref<50x32xf32, #tpu.memory_space<vmem>>
        %get3A_1925 = arith.index_cast %get3A_1918 : i32 to index
        %get3A_1926 = arith.constant 0 : index
        %get3A_1927 = tpu.vector_load %get3A_1924[%get3A_1925, %get3A_1926] {strides = array<i32>} : memref<50x32xf32, #tpu.memory_space<vmem>>, vector<1x16xf32>,
        %get3A_1928 = vector.shape_cast %get3A_1927 : vector<1x16xf32> to vector<16xf32>
        %get3A_1929 = arith.constant 0 : i32
        %get3A_1930 = arith.constant 27 : i32
        %get3A_1931 = arith.constant 0 : i32
        %get3A_1932 = arith.constant 0 : i32
        %get3A_1933 = tpu.memref_slice %arg12[%get3A_1929, %get3A_1931, %get3A_1932] : memref<2x1600x32xf32, #tpu.memory_space<vmem>> -> memref<1x1600x32xf32, #tpu.memory_space<vmem>>
        %get3A_1934 = tpu.memref_squeeze %get3A_1933 : memref<1x1600x32xf32, #tpu.memory_space<vmem>> -> memref<1600x32xf32, #tpu.memory_space<vmem>>
        %get3A_1935 = arith.constant 0 : i32
        %get3A_1936 = tpu.memref_slice %get3A_1934[%mul3A_1207, %get3A_1935] : memref<1600x32xf32, #tpu.memory_space<vmem>> -> memref<50x32xf32, #tpu.memory_space<vmem>>
        %get3A_1937 = arith.index_cast %get3A_1930 : i32 to index
        %get3A_1938 = arith.constant 16 : index
        %get3A_1939 = tpu.vector_load %get3A_1936[%get3A_1937, %get3A_1938] {strides = array<i32>} : memref<50x32xf32, #tpu.memory_space<vmem>>, vector<1x16xf32>,
        %get3A_1940 = vector.shape_cast %get3A_1939 : vector<1x16xf32> to vector<16xf32>
        %add3A_1941 = arith.addf %add3A_1889, %get3A_1928 : vector<16xf32>
        %add3A_1942 = arith.addf %add3A_1890, %get3A_1940 : vector<16xf32>
        %get3A_1943 = arith.constant 0 : i32
        %get3A_1944 = arith.constant 28 : i32
        %get3A_1945 = arith.constant 0 : i32
        %get3A_1946 = arith.constant 0 : i32
        %get3A_1947 = tpu.memref_slice %arg12[%get3A_1943, %get3A_1945, %get3A_1946] : memref<2x1600x32xf32, #tpu.memory_space<vmem>> -> memref<1x1600x32xf32, #tpu.memory_space<vmem>>
        %get3A_1948 = tpu.memref_squeeze %get3A_1947 : memref<1x1600x32xf32, #tpu.memory_space<vmem>> -> memref<1600x32xf32, #tpu.memory_space<vmem>>
        %get3A_1949 = arith.constant 0 : i32
        %get3A_1950 = tpu.memref_slice %get3A_1948[%mul3A_1207, %get3A_1949] : memref<1600x32xf32, #tpu.memory_space<vmem>> -> memref<50x32xf32, #tpu.memory_space<vmem>>
        %get3A_1951 = arith.index_cast %get3A_1944 : i32 to index
        %get3A_1952 = arith.constant 0 : index
        %get3A_1953 = tpu.vector_load %get3A_1950[%get3A_1951, %get3A_1952] {strides = array<i32>} : memref<50x32xf32, #tpu.memory_space<vmem>>, vector<1x16xf32>,
        %get3A_1954 = vector.shape_cast %get3A_1953 : vector<1x16xf32> to vector<16xf32>
        %get3A_1955 = arith.constant 0 : i32
        %get3A_1956 = arith.constant 28 : i32
        %get3A_1957 = arith.constant 0 : i32
        %get3A_1958 = arith.constant 0 : i32
        %get3A_1959 = tpu.memref_slice %arg12[%get3A_1955, %get3A_1957, %get3A_1958] : memref<2x1600x32xf32, #tpu.memory_space<vmem>> -> memref<1x1600x32xf32, #tpu.memory_space<vmem>>
        %get3A_1960 = tpu.memref_squeeze %get3A_1959 : memref<1x1600x32xf32, #tpu.memory_space<vmem>> -> memref<1600x32xf32, #tpu.memory_space<vmem>>
        %get3A_1961 = arith.constant 0 : i32
        %get3A_1962 = tpu.memref_slice %get3A_1960[%mul3A_1207, %get3A_1961] : memref<1600x32xf32, #tpu.memory_space<vmem>> -> memref<50x32xf32, #tpu.memory_space<vmem>>
        %get3A_1963 = arith.index_cast %get3A_1956 : i32 to index
        %get3A_1964 = arith.constant 16 : index
        %get3A_1965 = tpu.vector_load %get3A_1962[%get3A_1963, %get3A_1964] {strides = array<i32>} : memref<50x32xf32, #tpu.memory_space<vmem>>, vector<1x16xf32>,
        %get3A_1966 = vector.shape_cast %get3A_1965 : vector<1x16xf32> to vector<16xf32>
        %add3A_1967 = arith.addf %add3A_1915, %get3A_1954 : vector<16xf32>
        %add3A_1968 = arith.addf %add3A_1916, %get3A_1966 : vector<16xf32>
        %get3A_1969 = arith.constant 0 : i32
        %get3A_1970 = arith.constant 29 : i32
        %get3A_1971 = arith.constant 0 : i32
        %get3A_1972 = arith.constant 0 : i32
        %get3A_1973 = tpu.memref_slice %arg12[%get3A_1969, %get3A_1971, %get3A_1972] : memref<2x1600x32xf32, #tpu.memory_space<vmem>> -> memref<1x1600x32xf32, #tpu.memory_space<vmem>>
        %get3A_1974 = tpu.memref_squeeze %get3A_1973 : memref<1x1600x32xf32, #tpu.memory_space<vmem>> -> memref<1600x32xf32, #tpu.memory_space<vmem>>
        %get3A_1975 = arith.constant 0 : i32
        %get3A_1976 = tpu.memref_slice %get3A_1974[%mul3A_1207, %get3A_1975] : memref<1600x32xf32, #tpu.memory_space<vmem>> -> memref<50x32xf32, #tpu.memory_space<vmem>>
        %get3A_1977 = arith.index_cast %get3A_1970 : i32 to index
        %get3A_1978 = arith.constant 0 : index
        %get3A_1979 = tpu.vector_load %get3A_1976[%get3A_1977, %get3A_1978] {strides = array<i32>} : memref<50x32xf32, #tpu.memory_space<vmem>>, vector<1x16xf32>,
        %get3A_1980 = vector.shape_cast %get3A_1979 : vector<1x16xf32> to vector<16xf32>
        %get3A_1981 = arith.constant 0 : i32
        %get3A_1982 = arith.constant 29 : i32
        %get3A_1983 = arith.constant 0 : i32
        %get3A_1984 = arith.constant 0 : i32
        %get3A_1985 = tpu.memref_slice %arg12[%get3A_1981, %get3A_1983, %get3A_1984] : memref<2x1600x32xf32, #tpu.memory_space<vmem>> -> memref<1x1600x32xf32, #tpu.memory_space<vmem>>
        %get3A_1986 = tpu.memref_squeeze %get3A_1985 : memref<1x1600x32xf32, #tpu.memory_space<vmem>> -> memref<1600x32xf32, #tpu.memory_space<vmem>>
        %get3A_1987 = arith.constant 0 : i32
        %get3A_1988 = tpu.memref_slice %get3A_1986[%mul3A_1207, %get3A_1987] : memref<1600x32xf32, #tpu.memory_space<vmem>> -> memref<50x32xf32, #tpu.memory_space<vmem>>
        %get3A_1989 = arith.index_cast %get3A_1982 : i32 to index
        %get3A_1990 = arith.constant 16 : index
        %get3A_1991 = tpu.vector_load %get3A_1988[%get3A_1989, %get3A_1990] {strides = array<i32>} : memref<50x32xf32, #tpu.memory_space<vmem>>, vector<1x16xf32>,
        %get3A_1992 = vector.shape_cast %get3A_1991 : vector<1x16xf32> to vector<16xf32>
        %add3A_1993 = arith.addf %add3A_1941, %get3A_1980 : vector<16xf32>
        %add3A_1994 = arith.addf %add3A_1942, %get3A_1992 : vector<16xf32>
        %get3A_1995 = arith.constant 0 : i32
        %get3A_1996 = arith.constant 30 : i32
        %get3A_1997 = arith.constant 0 : i32
        %get3A_1998 = arith.constant 0 : i32
        %get3A_1999 = tpu.memref_slice %arg12[%get3A_1995, %get3A_1997, %get3A_1998] : memref<2x1600x32xf32, #tpu.memory_space<vmem>> -> memref<1x1600x32xf32, #tpu.memory_space<vmem>>
        %get3A_2000 = tpu.memref_squeeze %get3A_1999 : memref<1x1600x32xf32, #tpu.memory_space<vmem>> -> memref<1600x32xf32, #tpu.memory_space<vmem>>
        %get3A_2001 = arith.constant 0 : i32
        %get3A_2002 = tpu.memref_slice %get3A_2000[%mul3A_1207, %get3A_2001] : memref<1600x32xf32, #tpu.memory_space<vmem>> -> memref<50x32xf32, #tpu.memory_space<vmem>>
        %get3A_2003 = arith.index_cast %get3A_1996 : i32 to index
        %get3A_2004 = arith.constant 0 : index
        %get3A_2005 = tpu.vector_load %get3A_2002[%get3A_2003, %get3A_2004] {strides = array<i32>} : memref<50x32xf32, #tpu.memory_space<vmem>>, vector<1x16xf32>,
        %get3A_2006 = vector.shape_cast %get3A_2005 : vector<1x16xf32> to vector<16xf32>
        %get3A_2007 = arith.constant 0 : i32
        %get3A_2008 = arith.constant 30 : i32
        %get3A_2009 = arith.constant 0 : i32
        %get3A_2010 = arith.constant 0 : i32
        %get3A_2011 = tpu.memref_slice %arg12[%get3A_2007, %get3A_2009, %get3A_2010] : memref<2x1600x32xf32, #tpu.memory_space<vmem>> -> memref<1x1600x32xf32, #tpu.memory_space<vmem>>
        %get3A_2012 = tpu.memref_squeeze %get3A_2011 : memref<1x1600x32xf32, #tpu.memory_space<vmem>> -> memref<1600x32xf32, #tpu.memory_space<vmem>>
        %get3A_2013 = arith.constant 0 : i32
        %get3A_2014 = tpu.memref_slice %get3A_2012[%mul3A_1207, %get3A_2013] : memref<1600x32xf32, #tpu.memory_space<vmem>> -> memref<50x32xf32, #tpu.memory_space<vmem>>
        %get3A_2015 = arith.index_cast %get3A_2008 : i32 to index
        %get3A_2016 = arith.constant 16 : index
        %get3A_2017 = tpu.vector_load %get3A_2014[%get3A_2015, %get3A_2016] {strides = array<i32>} : memref<50x32xf32, #tpu.memory_space<vmem>>, vector<1x16xf32>,
        %get3A_2018 = vector.shape_cast %get3A_2017 : vector<1x16xf32> to vector<16xf32>
        %add3A_2019 = arith.addf %add3A_1967, %get3A_2006 : vector<16xf32>
        %add3A_2020 = arith.addf %add3A_1968, %get3A_2018 : vector<16xf32>
        %get3A_2021 = arith.constant 0 : i32
        %get3A_2022 = arith.constant 31 : i32
        %get3A_2023 = arith.constant 0 : i32
        %get3A_2024 = arith.constant 0 : i32
        %get3A_2025 = tpu.memref_slice %arg12[%get3A_2021, %get3A_2023, %get3A_2024] : memref<2x1600x32xf32, #tpu.memory_space<vmem>> -> memref<1x1600x32xf32, #tpu.memory_space<vmem>>
        %get3A_2026 = tpu.memref_squeeze %get3A_2025 : memref<1x1600x32xf32, #tpu.memory_space<vmem>> -> memref<1600x32xf32, #tpu.memory_space<vmem>>
        %get3A_2027 = arith.constant 0 : i32
        %get3A_2028 = tpu.memref_slice %get3A_2026[%mul3A_1207, %get3A_2027] : memref<1600x32xf32, #tpu.memory_space<vmem>> -> memref<50x32xf32, #tpu.memory_space<vmem>>
        %get3A_2029 = arith.index_cast %get3A_2022 : i32 to index
        %get3A_2030 = arith.constant 0 : index
        %get3A_2031 = tpu.vector_load %get3A_2028[%get3A_2029, %get3A_2030] {strides = array<i32>} : memref<50x32xf32, #tpu.memory_space<vmem>>, vector<1x16xf32>,
        %get3A_2032 = vector.shape_cast %get3A_2031 : vector<1x16xf32> to vector<16xf32>
        %get3A_2033 = arith.constant 0 : i32
        %get3A_2034 = arith.constant 31 : i32
        %get3A_2035 = arith.constant 0 : i32
        %get3A_2036 = arith.constant 0 : i32
        %get3A_2037 = tpu.memref_slice %arg12[%get3A_2033, %get3A_2035, %get3A_2036] : memref<2x1600x32xf32, #tpu.memory_space<vmem>> -> memref<1x1600x32xf32, #tpu.memory_space<vmem>>
        %get3A_2038 = tpu.memref_squeeze %get3A_2037 : memref<1x1600x32xf32, #tpu.memory_space<vmem>> -> memref<1600x32xf32, #tpu.memory_space<vmem>>
        %get3A_2039 = arith.constant 0 : i32
        %get3A_2040 = tpu.memref_slice %get3A_2038[%mul3A_1207, %get3A_2039] : memref<1600x32xf32, #tpu.memory_space<vmem>> -> memref<50x32xf32, #tpu.memory_space<vmem>>
        %get3A_2041 = arith.index_cast %get3A_2034 : i32 to index
        %get3A_2042 = arith.constant 16 : index
        %get3A_2043 = tpu.vector_load %get3A_2040[%get3A_2041, %get3A_2042] {strides = array<i32>} : memref<50x32xf32, #tpu.memory_space<vmem>>, vector<1x16xf32>,
        %get3A_2044 = vector.shape_cast %get3A_2043 : vector<1x16xf32> to vector<16xf32>
        %add3A_2045 = arith.addf %add3A_1993, %get3A_2032 : vector<16xf32>
        %add3A_2046 = arith.addf %add3A_1994, %get3A_2044 : vector<16xf32>
        %get3A_2047 = arith.constant 0 : i32
        %get3A_2048 = arith.constant 32 : i32
        %get3A_2049 = arith.constant 0 : i32
        %get3A_2050 = arith.constant 0 : i32
        %get3A_2051 = tpu.memref_slice %arg12[%get3A_2047, %get3A_2049, %get3A_2050] : memref<2x1600x32xf32, #tpu.memory_space<vmem>> -> memref<1x1600x32xf32, #tpu.memory_space<vmem>>
        %get3A_2052 = tpu.memref_squeeze %get3A_2051 : memref<1x1600x32xf32, #tpu.memory_space<vmem>> -> memref<1600x32xf32, #tpu.memory_space<vmem>>
        %get3A_2053 = arith.constant 0 : i32
        %get3A_2054 = tpu.memref_slice %get3A_2052[%mul3A_1207, %get3A_2053] : memref<1600x32xf32, #tpu.memory_space<vmem>> -> memref<50x32xf32, #tpu.memory_space<vmem>>
        %get3A_2055 = arith.index_cast %get3A_2048 : i32 to index
        %get3A_2056 = arith.constant 0 : index
        %get3A_2057 = tpu.vector_load %get3A_2054[%get3A_2055, %get3A_2056] {strides = array<i32>} : memref<50x32xf32, #tpu.memory_space<vmem>>, vector<1x16xf32>,
        %get3A_2058 = vector.shape_cast %get3A_2057 : vector<1x16xf32> to vector<16xf32>
        %get3A_2059 = arith.constant 0 : i32
        %get3A_2060 = arith.constant 32 : i32
        %get3A_2061 = arith.constant 0 : i32
        %get3A_2062 = arith.constant 0 : i32
        %get3A_2063 = tpu.memref_slice %arg12[%get3A_2059, %get3A_2061, %get3A_2062] : memref<2x1600x32xf32, #tpu.memory_space<vmem>> -> memref<1x1600x32xf32, #tpu.memory_space<vmem>>
        %get3A_2064 = tpu.memref_squeeze %get3A_2063 : memref<1x1600x32xf32, #tpu.memory_space<vmem>> -> memref<1600x32xf32, #tpu.memory_space<vmem>>
        %get3A_2065 = arith.constant 0 : i32
        %get3A_2066 = tpu.memref_slice %get3A_2064[%mul3A_1207, %get3A_2065] : memref<1600x32xf32, #tpu.memory_space<vmem>> -> memref<50x32xf32, #tpu.memory_space<vmem>>
        %get3A_2067 = arith.index_cast %get3A_2060 : i32 to index
        %get3A_2068 = arith.constant 16 : index
        %get3A_2069 = tpu.vector_load %get3A_2066[%get3A_2067, %get3A_2068] {strides = array<i32>} : memref<50x32xf32, #tpu.memory_space<vmem>>, vector<1x16xf32>,
        %get3A_2070 = vector.shape_cast %get3A_2069 : vector<1x16xf32> to vector<16xf32>
        %add3A_2071 = arith.addf %add3A_2019, %get3A_2058 : vector<16xf32>
        %add3A_2072 = arith.addf %add3A_2020, %get3A_2070 : vector<16xf32>
        %get3A_2073 = arith.constant 0 : i32
        %get3A_2074 = arith.constant 33 : i32
        %get3A_2075 = arith.constant 0 : i32
        %get3A_2076 = arith.constant 0 : i32
        %get3A_2077 = tpu.memref_slice %arg12[%get3A_2073, %get3A_2075, %get3A_2076] : memref<2x1600x32xf32, #tpu.memory_space<vmem>> -> memref<1x1600x32xf32, #tpu.memory_space<vmem>>
        %get3A_2078 = tpu.memref_squeeze %get3A_2077 : memref<1x1600x32xf32, #tpu.memory_space<vmem>> -> memref<1600x32xf32, #tpu.memory_space<vmem>>
        %get3A_2079 = arith.constant 0 : i32
        %get3A_2080 = tpu.memref_slice %get3A_2078[%mul3A_1207, %get3A_2079] : memref<1600x32xf32, #tpu.memory_space<vmem>> -> memref<50x32xf32, #tpu.memory_space<vmem>>
        %get3A_2081 = arith.index_cast %get3A_2074 : i32 to index
        %get3A_2082 = arith.constant 0 : index
        %get3A_2083 = tpu.vector_load %get3A_2080[%get3A_2081, %get3A_2082] {strides = array<i32>} : memref<50x32xf32, #tpu.memory_space<vmem>>, vector<1x16xf32>,
        %get3A_2084 = vector.shape_cast %get3A_2083 : vector<1x16xf32> to vector<16xf32>
        %get3A_2085 = arith.constant 0 : i32
        %get3A_2086 = arith.constant 33 : i32
        %get3A_2087 = arith.constant 0 : i32
        %get3A_2088 = arith.constant 0 : i32
        %get3A_2089 = tpu.memref_slice %arg12[%get3A_2085, %get3A_2087, %get3A_2088] : memref<2x1600x32xf32, #tpu.memory_space<vmem>> -> memref<1x1600x32xf32, #tpu.memory_space<vmem>>
        %get3A_2090 = tpu.memref_squeeze %get3A_2089 : memref<1x1600x32xf32, #tpu.memory_space<vmem>> -> memref<1600x32xf32, #tpu.memory_space<vmem>>
        %get3A_2091 = arith.constant 0 : i32
        %get3A_2092 = tpu.memref_slice %get3A_2090[%mul3A_1207, %get3A_2091] : memref<1600x32xf32, #tpu.memory_space<vmem>> -> memref<50x32xf32, #tpu.memory_space<vmem>>
        %get3A_2093 = arith.index_cast %get3A_2086 : i32 to index
        %get3A_2094 = arith.constant 16 : index
        %get3A_2095 = tpu.vector_load %get3A_2092[%get3A_2093, %get3A_2094] {strides = array<i32>} : memref<50x32xf32, #tpu.memory_space<vmem>>, vector<1x16xf32>,
        %get3A_2096 = vector.shape_cast %get3A_2095 : vector<1x16xf32> to vector<16xf32>
        %add3A_2097 = arith.addf %add3A_2045, %get3A_2084 : vector<16xf32>
        %add3A_2098 = arith.addf %add3A_2046, %get3A_2096 : vector<16xf32>
        %get3A_2099 = arith.constant 0 : i32
        %get3A_2100 = arith.constant 34 : i32
        %get3A_2101 = arith.constant 0 : i32
        %get3A_2102 = arith.constant 0 : i32
        %get3A_2103 = tpu.memref_slice %arg12[%get3A_2099, %get3A_2101, %get3A_2102] : memref<2x1600x32xf32, #tpu.memory_space<vmem>> -> memref<1x1600x32xf32, #tpu.memory_space<vmem>>
        %get3A_2104 = tpu.memref_squeeze %get3A_2103 : memref<1x1600x32xf32, #tpu.memory_space<vmem>> -> memref<1600x32xf32, #tpu.memory_space<vmem>>
        %get3A_2105 = arith.constant 0 : i32
        %get3A_2106 = tpu.memref_slice %get3A_2104[%mul3A_1207, %get3A_2105] : memref<1600x32xf32, #tpu.memory_space<vmem>> -> memref<50x32xf32, #tpu.memory_space<vmem>>
        %get3A_2107 = arith.index_cast %get3A_2100 : i32 to index
        %get3A_2108 = arith.constant 0 : index
        %get3A_2109 = tpu.vector_load %get3A_2106[%get3A_2107, %get3A_2108] {strides = array<i32>} : memref<50x32xf32, #tpu.memory_space<vmem>>, vector<1x16xf32>,
        %get3A_2110 = vector.shape_cast %get3A_2109 : vector<1x16xf32> to vector<16xf32>
        %get3A_2111 = arith.constant 0 : i32
        %get3A_2112 = arith.constant 34 : i32
        %get3A_2113 = arith.constant 0 : i32
        %get3A_2114 = arith.constant 0 : i32
        %get3A_2115 = tpu.memref_slice %arg12[%get3A_2111, %get3A_2113, %get3A_2114] : memref<2x1600x32xf32, #tpu.memory_space<vmem>> -> memref<1x1600x32xf32, #tpu.memory_space<vmem>>
        %get3A_2116 = tpu.memref_squeeze %get3A_2115 : memref<1x1600x32xf32, #tpu.memory_space<vmem>> -> memref<1600x32xf32, #tpu.memory_space<vmem>>
        %get3A_2117 = arith.constant 0 : i32
        %get3A_2118 = tpu.memref_slice %get3A_2116[%mul3A_1207, %get3A_2117] : memref<1600x32xf32, #tpu.memory_space<vmem>> -> memref<50x32xf32, #tpu.memory_space<vmem>>
        %get3A_2119 = arith.index_cast %get3A_2112 : i32 to index
        %get3A_2120 = arith.constant 16 : index
        %get3A_2121 = tpu.vector_load %get3A_2118[%get3A_2119, %get3A_2120] {strides = array<i32>} : memref<50x32xf32, #tpu.memory_space<vmem>>, vector<1x16xf32>,
        %get3A_2122 = vector.shape_cast %get3A_2121 : vector<1x16xf32> to vector<16xf32>
        %add3A_2123 = arith.addf %add3A_2071, %get3A_2110 : vector<16xf32>
        %add3A_2124 = arith.addf %add3A_2072, %get3A_2122 : vector<16xf32>
        %get3A_2125 = arith.constant 0 : i32
        %get3A_2126 = arith.constant 35 : i32
        %get3A_2127 = arith.constant 0 : i32
        %get3A_2128 = arith.constant 0 : i32
        %get3A_2129 = tpu.memref_slice %arg12[%get3A_2125, %get3A_2127, %get3A_2128] : memref<2x1600x32xf32, #tpu.memory_space<vmem>> -> memref<1x1600x32xf32, #tpu.memory_space<vmem>>
        %get3A_2130 = tpu.memref_squeeze %get3A_2129 : memref<1x1600x32xf32, #tpu.memory_space<vmem>> -> memref<1600x32xf32, #tpu.memory_space<vmem>>
        %get3A_2131 = arith.constant 0 : i32
        %get3A_2132 = tpu.memref_slice %get3A_2130[%mul3A_1207, %get3A_2131] : memref<1600x32xf32, #tpu.memory_space<vmem>> -> memref<50x32xf32, #tpu.memory_space<vmem>>
        %get3A_2133 = arith.index_cast %get3A_2126 : i32 to index
        %get3A_2134 = arith.constant 0 : index
        %get3A_2135 = tpu.vector_load %get3A_2132[%get3A_2133, %get3A_2134] {strides = array<i32>} : memref<50x32xf32, #tpu.memory_space<vmem>>, vector<1x16xf32>,
        %get3A_2136 = vector.shape_cast %get3A_2135 : vector<1x16xf32> to vector<16xf32>
        %get3A_2137 = arith.constant 0 : i32
        %get3A_2138 = arith.constant 35 : i32
        %get3A_2139 = arith.constant 0 : i32
        %get3A_2140 = arith.constant 0 : i32
        %get3A_2141 = tpu.memref_slice %arg12[%get3A_2137, %get3A_2139, %get3A_2140] : memref<2x1600x32xf32, #tpu.memory_space<vmem>> -> memref<1x1600x32xf32, #tpu.memory_space<vmem>>
        %get3A_2142 = tpu.memref_squeeze %get3A_2141 : memref<1x1600x32xf32, #tpu.memory_space<vmem>> -> memref<1600x32xf32, #tpu.memory_space<vmem>>
        %get3A_2143 = arith.constant 0 : i32
        %get3A_2144 = tpu.memref_slice %get3A_2142[%mul3A_1207, %get3A_2143] : memref<1600x32xf32, #tpu.memory_space<vmem>> -> memref<50x32xf32, #tpu.memory_space<vmem>>
        %get3A_2145 = arith.index_cast %get3A_2138 : i32 to index
        %get3A_2146 = arith.constant 16 : index
        %get3A_2147 = tpu.vector_load %get3A_2144[%get3A_2145, %get3A_2146] {strides = array<i32>} : memref<50x32xf32, #tpu.memory_space<vmem>>, vector<1x16xf32>,
        %get3A_2148 = vector.shape_cast %get3A_2147 : vector<1x16xf32> to vector<16xf32>
        %add3A_2149 = arith.addf %add3A_2097, %get3A_2136 : vector<16xf32>
        %add3A_2150 = arith.addf %add3A_2098, %get3A_2148 : vector<16xf32>
        %get3A_2151 = arith.constant 0 : i32
        %get3A_2152 = arith.constant 36 : i32
        %get3A_2153 = arith.constant 0 : i32
        %get3A_2154 = arith.constant 0 : i32
        %get3A_2155 = tpu.memref_slice %arg12[%get3A_2151, %get3A_2153, %get3A_2154] : memref<2x1600x32xf32, #tpu.memory_space<vmem>> -> memref<1x1600x32xf32, #tpu.memory_space<vmem>>
        %get3A_2156 = tpu.memref_squeeze %get3A_2155 : memref<1x1600x32xf32, #tpu.memory_space<vmem>> -> memref<1600x32xf32, #tpu.memory_space<vmem>>
        %get3A_2157 = arith.constant 0 : i32
        %get3A_2158 = tpu.memref_slice %get3A_2156[%mul3A_1207, %get3A_2157] : memref<1600x32xf32, #tpu.memory_space<vmem>> -> memref<50x32xf32, #tpu.memory_space<vmem>>
        %get3A_2159 = arith.index_cast %get3A_2152 : i32 to index
        %get3A_2160 = arith.constant 0 : index
        %get3A_2161 = tpu.vector_load %get3A_2158[%get3A_2159, %get3A_2160] {strides = array<i32>} : memref<50x32xf32, #tpu.memory_space<vmem>>, vector<1x16xf32>,
        %get3A_2162 = vector.shape_cast %get3A_2161 : vector<1x16xf32> to vector<16xf32>
        %get3A_2163 = arith.constant 0 : i32
        %get3A_2164 = arith.constant 36 : i32
        %get3A_2165 = arith.constant 0 : i32
        %get3A_2166 = arith.constant 0 : i32
        %get3A_2167 = tpu.memref_slice %arg12[%get3A_2163, %get3A_2165, %get3A_2166] : memref<2x1600x32xf32, #tpu.memory_space<vmem>> -> memref<1x1600x32xf32, #tpu.memory_space<vmem>>
        %get3A_2168 = tpu.memref_squeeze %get3A_2167 : memref<1x1600x32xf32, #tpu.memory_space<vmem>> -> memref<1600x32xf32, #tpu.memory_space<vmem>>
        %get3A_2169 = arith.constant 0 : i32
        %get3A_2170 = tpu.memref_slice %get3A_2168[%mul3A_1207, %get3A_2169] : memref<1600x32xf32, #tpu.memory_space<vmem>> -> memref<50x32xf32, #tpu.memory_space<vmem>>
        %get3A_2171 = arith.index_cast %get3A_2164 : i32 to index
        %get3A_2172 = arith.constant 16 : index
        %get3A_2173 = tpu.vector_load %get3A_2170[%get3A_2171, %get3A_2172] {strides = array<i32>} : memref<50x32xf32, #tpu.memory_space<vmem>>, vector<1x16xf32>,
        %get3A_2174 = vector.shape_cast %get3A_2173 : vector<1x16xf32> to vector<16xf32>
        %add3A_2175 = arith.addf %add3A_2123, %get3A_2162 : vector<16xf32>
        %add3A_2176 = arith.addf %add3A_2124, %get3A_2174 : vector<16xf32>
        %get3A_2177 = arith.constant 0 : i32
        %get3A_2178 = arith.constant 37 : i32
        %get3A_2179 = arith.constant 0 : i32
        %get3A_2180 = arith.constant 0 : i32
        %get3A_2181 = tpu.memref_slice %arg12[%get3A_2177, %get3A_2179, %get3A_2180] : memref<2x1600x32xf32, #tpu.memory_space<vmem>> -> memref<1x1600x32xf32, #tpu.memory_space<vmem>>
        %get3A_2182 = tpu.memref_squeeze %get3A_2181 : memref<1x1600x32xf32, #tpu.memory_space<vmem>> -> memref<1600x32xf32, #tpu.memory_space<vmem>>
        %get3A_2183 = arith.constant 0 : i32
        %get3A_2184 = tpu.memref_slice %get3A_2182[%mul3A_1207, %get3A_2183] : memref<1600x32xf32, #tpu.memory_space<vmem>> -> memref<50x32xf32, #tpu.memory_space<vmem>>
        %get3A_2185 = arith.index_cast %get3A_2178 : i32 to index
        %get3A_2186 = arith.constant 0 : index
        %get3A_2187 = tpu.vector_load %get3A_2184[%get3A_2185, %get3A_2186] {strides = array<i32>} : memref<50x32xf32, #tpu.memory_space<vmem>>, vector<1x16xf32>,
        %get3A_2188 = vector.shape_cast %get3A_2187 : vector<1x16xf32> to vector<16xf32>
        %get3A_2189 = arith.constant 0 : i32
        %get3A_2190 = arith.constant 37 : i32
        %get3A_2191 = arith.constant 0 : i32
        %get3A_2192 = arith.constant 0 : i32
        %get3A_2193 = tpu.memref_slice %arg12[%get3A_2189, %get3A_2191, %get3A_2192] : memref<2x1600x32xf32, #tpu.memory_space<vmem>> -> memref<1x1600x32xf32, #tpu.memory_space<vmem>>
        %get3A_2194 = tpu.memref_squeeze %get3A_2193 : memref<1x1600x32xf32, #tpu.memory_space<vmem>> -> memref<1600x32xf32, #tpu.memory_space<vmem>>
        %get3A_2195 = arith.constant 0 : i32
        %get3A_2196 = tpu.memref_slice %get3A_2194[%mul3A_1207, %get3A_2195] : memref<1600x32xf32, #tpu.memory_space<vmem>> -> memref<50x32xf32, #tpu.memory_space<vmem>>
        %get3A_2197 = arith.index_cast %get3A_2190 : i32 to index
        %get3A_2198 = arith.constant 16 : index
        %get3A_2199 = tpu.vector_load %get3A_2196[%get3A_2197, %get3A_2198] {strides = array<i32>} : memref<50x32xf32, #tpu.memory_space<vmem>>, vector<1x16xf32>,
        %get3A_2200 = vector.shape_cast %get3A_2199 : vector<1x16xf32> to vector<16xf32>
        %add3A_2201 = arith.addf %add3A_2149, %get3A_2188 : vector<16xf32>
        %add3A_2202 = arith.addf %add3A_2150, %get3A_2200 : vector<16xf32>
        %get3A_2203 = arith.constant 0 : i32
        %get3A_2204 = arith.constant 38 : i32
        %get3A_2205 = arith.constant 0 : i32
        %get3A_2206 = arith.constant 0 : i32
        %get3A_2207 = tpu.memref_slice %arg12[%get3A_2203, %get3A_2205, %get3A_2206] : memref<2x1600x32xf32, #tpu.memory_space<vmem>> -> memref<1x1600x32xf32, #tpu.memory_space<vmem>>
        %get3A_2208 = tpu.memref_squeeze %get3A_2207 : memref<1x1600x32xf32, #tpu.memory_space<vmem>> -> memref<1600x32xf32, #tpu.memory_space<vmem>>
        %get3A_2209 = arith.constant 0 : i32
        %get3A_2210 = tpu.memref_slice %get3A_2208[%mul3A_1207, %get3A_2209] : memref<1600x32xf32, #tpu.memory_space<vmem>> -> memref<50x32xf32, #tpu.memory_space<vmem>>
        %get3A_2211 = arith.index_cast %get3A_2204 : i32 to index
        %get3A_2212 = arith.constant 0 : index
        %get3A_2213 = tpu.vector_load %get3A_2210[%get3A_2211, %get3A_2212] {strides = array<i32>} : memref<50x32xf32, #tpu.memory_space<vmem>>, vector<1x16xf32>,
        %get3A_2214 = vector.shape_cast %get3A_2213 : vector<1x16xf32> to vector<16xf32>
        %get3A_2215 = arith.constant 0 : i32
        %get3A_2216 = arith.constant 38 : i32
        %get3A_2217 = arith.constant 0 : i32
        %get3A_2218 = arith.constant 0 : i32
        %get3A_2219 = tpu.memref_slice %arg12[%get3A_2215, %get3A_2217, %get3A_2218] : memref<2x1600x32xf32, #tpu.memory_space<vmem>> -> memref<1x1600x32xf32, #tpu.memory_space<vmem>>
        %get3A_2220 = tpu.memref_squeeze %get3A_2219 : memref<1x1600x32xf32, #tpu.memory_space<vmem>> -> memref<1600x32xf32, #tpu.memory_space<vmem>>
        %get3A_2221 = arith.constant 0 : i32
        %get3A_2222 = tpu.memref_slice %get3A_2220[%mul3A_1207, %get3A_2221] : memref<1600x32xf32, #tpu.memory_space<vmem>> -> memref<50x32xf32, #tpu.memory_space<vmem>>
        %get3A_2223 = arith.index_cast %get3A_2216 : i32 to index
        %get3A_2224 = arith.constant 16 : index
        %get3A_2225 = tpu.vector_load %get3A_2222[%get3A_2223, %get3A_2224] {strides = array<i32>} : memref<50x32xf32, #tpu.memory_space<vmem>>, vector<1x16xf32>,
        %get3A_2226 = vector.shape_cast %get3A_2225 : vector<1x16xf32> to vector<16xf32>
        %add3A_2227 = arith.addf %add3A_2175, %get3A_2214 : vector<16xf32>
        %add3A_2228 = arith.addf %add3A_2176, %get3A_2226 : vector<16xf32>
        %get3A_2229 = arith.constant 0 : i32
        %get3A_2230 = arith.constant 39 : i32
        %get3A_2231 = arith.constant 0 : i32
        %get3A_2232 = arith.constant 0 : i32
        %get3A_2233 = tpu.memref_slice %arg12[%get3A_2229, %get3A_2231, %get3A_2232] : memref<2x1600x32xf32, #tpu.memory_space<vmem>> -> memref<1x1600x32xf32, #tpu.memory_space<vmem>>
        %get3A_2234 = tpu.memref_squeeze %get3A_2233 : memref<1x1600x32xf32, #tpu.memory_space<vmem>> -> memref<1600x32xf32, #tpu.memory_space<vmem>>
        %get3A_2235 = arith.constant 0 : i32
        %get3A_2236 = tpu.memref_slice %get3A_2234[%mul3A_1207, %get3A_2235] : memref<1600x32xf32, #tpu.memory_space<vmem>> -> memref<50x32xf32, #tpu.memory_space<vmem>>
        %get3A_2237 = arith.index_cast %get3A_2230 : i32 to index
        %get3A_2238 = arith.constant 0 : index
        %get3A_2239 = tpu.vector_load %get3A_2236[%get3A_2237, %get3A_2238] {strides = array<i32>} : memref<50x32xf32, #tpu.memory_space<vmem>>, vector<1x16xf32>,
        %get3A_2240 = vector.shape_cast %get3A_2239 : vector<1x16xf32> to vector<16xf32>
        %get3A_2241 = arith.constant 0 : i32
        %get3A_2242 = arith.constant 39 : i32
        %get3A_2243 = arith.constant 0 : i32
        %get3A_2244 = arith.constant 0 : i32
        %get3A_2245 = tpu.memref_slice %arg12[%get3A_2241, %get3A_2243, %get3A_2244] : memref<2x1600x32xf32, #tpu.memory_space<vmem>> -> memref<1x1600x32xf32, #tpu.memory_space<vmem>>
        %get3A_2246 = tpu.memref_squeeze %get3A_2245 : memref<1x1600x32xf32, #tpu.memory_space<vmem>> -> memref<1600x32xf32, #tpu.memory_space<vmem>>
        %get3A_2247 = arith.constant 0 : i32
        %get3A_2248 = tpu.memref_slice %get3A_2246[%mul3A_1207, %get3A_2247] : memref<1600x32xf32, #tpu.memory_space<vmem>> -> memref<50x32xf32, #tpu.memory_space<vmem>>
        %get3A_2249 = arith.index_cast %get3A_2242 : i32 to index
        %get3A_2250 = arith.constant 16 : index
        %get3A_2251 = tpu.vector_load %get3A_2248[%get3A_2249, %get3A_2250] {strides = array<i32>} : memref<50x32xf32, #tpu.memory_space<vmem>>, vector<1x16xf32>,
        %get3A_2252 = vector.shape_cast %get3A_2251 : vector<1x16xf32> to vector<16xf32>
        %add3A_2253 = arith.addf %add3A_2201, %get3A_2240 : vector<16xf32>
        %add3A_2254 = arith.addf %add3A_2202, %get3A_2252 : vector<16xf32>
        %get3A_2255 = arith.constant 0 : i32
        %get3A_2256 = arith.constant 40 : i32
        %get3A_2257 = arith.constant 0 : i32
        %get3A_2258 = arith.constant 0 : i32
        %get3A_2259 = tpu.memref_slice %arg12[%get3A_2255, %get3A_2257, %get3A_2258] : memref<2x1600x32xf32, #tpu.memory_space<vmem>> -> memref<1x1600x32xf32, #tpu.memory_space<vmem>>
        %get3A_2260 = tpu.memref_squeeze %get3A_2259 : memref<1x1600x32xf32, #tpu.memory_space<vmem>> -> memref<1600x32xf32, #tpu.memory_space<vmem>>
        %get3A_2261 = arith.constant 0 : i32
        %get3A_2262 = tpu.memref_slice %get3A_2260[%mul3A_1207, %get3A_2261] : memref<1600x32xf32, #tpu.memory_space<vmem>> -> memref<50x32xf32, #tpu.memory_space<vmem>>
        %get3A_2263 = arith.index_cast %get3A_2256 : i32 to index
        %get3A_2264 = arith.constant 0 : index
        %get3A_2265 = tpu.vector_load %get3A_2262[%get3A_2263, %get3A_2264] {strides = array<i32>} : memref<50x32xf32, #tpu.memory_space<vmem>>, vector<1x16xf32>,
        %get3A_2266 = vector.shape_cast %get3A_2265 : vector<1x16xf32> to vector<16xf32>
        %get3A_2267 = arith.constant 0 : i32
        %get3A_2268 = arith.constant 40 : i32
        %get3A_2269 = arith.constant 0 : i32
        %get3A_2270 = arith.constant 0 : i32
        %get3A_2271 = tpu.memref_slice %arg12[%get3A_2267, %get3A_2269, %get3A_2270] : memref<2x1600x32xf32, #tpu.memory_space<vmem>> -> memref<1x1600x32xf32, #tpu.memory_space<vmem>>
        %get3A_2272 = tpu.memref_squeeze %get3A_2271 : memref<1x1600x32xf32, #tpu.memory_space<vmem>> -> memref<1600x32xf32, #tpu.memory_space<vmem>>
        %get3A_2273 = arith.constant 0 : i32
        %get3A_2274 = tpu.memref_slice %get3A_2272[%mul3A_1207, %get3A_2273] : memref<1600x32xf32, #tpu.memory_space<vmem>> -> memref<50x32xf32, #tpu.memory_space<vmem>>
        %get3A_2275 = arith.index_cast %get3A_2268 : i32 to index
        %get3A_2276 = arith.constant 16 : index
        %get3A_2277 = tpu.vector_load %get3A_2274[%get3A_2275, %get3A_2276] {strides = array<i32>} : memref<50x32xf32, #tpu.memory_space<vmem>>, vector<1x16xf32>,
        %get3A_2278 = vector.shape_cast %get3A_2277 : vector<1x16xf32> to vector<16xf32>
        %add3A_2279 = arith.addf %add3A_2227, %get3A_2266 : vector<16xf32>
        %add3A_2280 = arith.addf %add3A_2228, %get3A_2278 : vector<16xf32>
        %get3A_2281 = arith.constant 0 : i32
        %get3A_2282 = arith.constant 41 : i32
        %get3A_2283 = arith.constant 0 : i32
        %get3A_2284 = arith.constant 0 : i32
        %get3A_2285 = tpu.memref_slice %arg12[%get3A_2281, %get3A_2283, %get3A_2284] : memref<2x1600x32xf32, #tpu.memory_space<vmem>> -> memref<1x1600x32xf32, #tpu.memory_space<vmem>>
        %get3A_2286 = tpu.memref_squeeze %get3A_2285 : memref<1x1600x32xf32, #tpu.memory_space<vmem>> -> memref<1600x32xf32, #tpu.memory_space<vmem>>
        %get3A_2287 = arith.constant 0 : i32
        %get3A_2288 = tpu.memref_slice %get3A_2286[%mul3A_1207, %get3A_2287] : memref<1600x32xf32, #tpu.memory_space<vmem>> -> memref<50x32xf32, #tpu.memory_space<vmem>>
        %get3A_2289 = arith.index_cast %get3A_2282 : i32 to index
        %get3A_2290 = arith.constant 0 : index
        %get3A_2291 = tpu.vector_load %get3A_2288[%get3A_2289, %get3A_2290] {strides = array<i32>} : memref<50x32xf32, #tpu.memory_space<vmem>>, vector<1x16xf32>,
        %get3A_2292 = vector.shape_cast %get3A_2291 : vector<1x16xf32> to vector<16xf32>
        %get3A_2293 = arith.constant 0 : i32
        %get3A_2294 = arith.constant 41 : i32
        %get3A_2295 = arith.constant 0 : i32
        %get3A_2296 = arith.constant 0 : i32
        %get3A_2297 = tpu.memref_slice %arg12[%get3A_2293, %get3A_2295, %get3A_2296] : memref<2x1600x32xf32, #tpu.memory_space<vmem>> -> memref<1x1600x32xf32, #tpu.memory_space<vmem>>
        %get3A_2298 = tpu.memref_squeeze %get3A_2297 : memref<1x1600x32xf32, #tpu.memory_space<vmem>> -> memref<1600x32xf32, #tpu.memory_space<vmem>>
        %get3A_2299 = arith.constant 0 : i32
        %get3A_2300 = tpu.memref_slice %get3A_2298[%mul3A_1207, %get3A_2299] : memref<1600x32xf32, #tpu.memory_space<vmem>> -> memref<50x32xf32, #tpu.memory_space<vmem>>
        %get3A_2301 = arith.index_cast %get3A_2294 : i32 to index
        %get3A_2302 = arith.constant 16 : index
        %get3A_2303 = tpu.vector_load %get3A_2300[%get3A_2301, %get3A_2302] {strides = array<i32>} : memref<50x32xf32, #tpu.memory_space<vmem>>, vector<1x16xf32>,
        %get3A_2304 = vector.shape_cast %get3A_2303 : vector<1x16xf32> to vector<16xf32>
        %add3A_2305 = arith.addf %add3A_2253, %get3A_2292 : vector<16xf32>
        %add3A_2306 = arith.addf %add3A_2254, %get3A_2304 : vector<16xf32>
        %get3A_2307 = arith.constant 0 : i32
        %get3A_2308 = arith.constant 42 : i32
        %get3A_2309 = arith.constant 0 : i32
        %get3A_2310 = arith.constant 0 : i32
        %get3A_2311 = tpu.memref_slice %arg12[%get3A_2307, %get3A_2309, %get3A_2310] : memref<2x1600x32xf32, #tpu.memory_space<vmem>> -> memref<1x1600x32xf32, #tpu.memory_space<vmem>>
        %get3A_2312 = tpu.memref_squeeze %get3A_2311 : memref<1x1600x32xf32, #tpu.memory_space<vmem>> -> memref<1600x32xf32, #tpu.memory_space<vmem>>
        %get3A_2313 = arith.constant 0 : i32
        %get3A_2314 = tpu.memref_slice %get3A_2312[%mul3A_1207, %get3A_2313] : memref<1600x32xf32, #tpu.memory_space<vmem>> -> memref<50x32xf32, #tpu.memory_space<vmem>>
        %get3A_2315 = arith.index_cast %get3A_2308 : i32 to index
        %get3A_2316 = arith.constant 0 : index
        %get3A_2317 = tpu.vector_load %get3A_2314[%get3A_2315, %get3A_2316] {strides = array<i32>} : memref<50x32xf32, #tpu.memory_space<vmem>>, vector<1x16xf32>,
        %get3A_2318 = vector.shape_cast %get3A_2317 : vector<1x16xf32> to vector<16xf32>
        %get3A_2319 = arith.constant 0 : i32
        %get3A_2320 = arith.constant 42 : i32
        %get3A_2321 = arith.constant 0 : i32
        %get3A_2322 = arith.constant 0 : i32
        %get3A_2323 = tpu.memref_slice %arg12[%get3A_2319, %get3A_2321, %get3A_2322] : memref<2x1600x32xf32, #tpu.memory_space<vmem>> -> memref<1x1600x32xf32, #tpu.memory_space<vmem>>
        %get3A_2324 = tpu.memref_squeeze %get3A_2323 : memref<1x1600x32xf32, #tpu.memory_space<vmem>> -> memref<1600x32xf32, #tpu.memory_space<vmem>>
        %get3A_2325 = arith.constant 0 : i32
        %get3A_2326 = tpu.memref_slice %get3A_2324[%mul3A_1207, %get3A_2325] : memref<1600x32xf32, #tpu.memory_space<vmem>> -> memref<50x32xf32, #tpu.memory_space<vmem>>
        %get3A_2327 = arith.index_cast %get3A_2320 : i32 to index
        %get3A_2328 = arith.constant 16 : index
        %get3A_2329 = tpu.vector_load %get3A_2326[%get3A_2327, %get3A_2328] {strides = array<i32>} : memref<50x32xf32, #tpu.memory_space<vmem>>, vector<1x16xf32>,
        %get3A_2330 = vector.shape_cast %get3A_2329 : vector<1x16xf32> to vector<16xf32>
        %add3A_2331 = arith.addf %add3A_2279, %get3A_2318 : vector<16xf32>
        %add3A_2332 = arith.addf %add3A_2280, %get3A_2330 : vector<16xf32>
        %get3A_2333 = arith.constant 0 : i32
        %get3A_2334 = arith.constant 43 : i32
        %get3A_2335 = arith.constant 0 : i32
        %get3A_2336 = arith.constant 0 : i32
        %get3A_2337 = tpu.memref_slice %arg12[%get3A_2333, %get3A_2335, %get3A_2336] : memref<2x1600x32xf32, #tpu.memory_space<vmem>> -> memref<1x1600x32xf32, #tpu.memory_space<vmem>>
        %get3A_2338 = tpu.memref_squeeze %get3A_2337 : memref<1x1600x32xf32, #tpu.memory_space<vmem>> -> memref<1600x32xf32, #tpu.memory_space<vmem>>
        %get3A_2339 = arith.constant 0 : i32
        %get3A_2340 = tpu.memref_slice %get3A_2338[%mul3A_1207, %get3A_2339] : memref<1600x32xf32, #tpu.memory_space<vmem>> -> memref<50x32xf32, #tpu.memory_space<vmem>>
        %get3A_2341 = arith.index_cast %get3A_2334 : i32 to index
        %get3A_2342 = arith.constant 0 : index
        %get3A_2343 = tpu.vector_load %get3A_2340[%get3A_2341, %get3A_2342] {strides = array<i32>} : memref<50x32xf32, #tpu.memory_space<vmem>>, vector<1x16xf32>,
        %get3A_2344 = vector.shape_cast %get3A_2343 : vector<1x16xf32> to vector<16xf32>
        %get3A_2345 = arith.constant 0 : i32
        %get3A_2346 = arith.constant 43 : i32
        %get3A_2347 = arith.constant 0 : i32
        %get3A_2348 = arith.constant 0 : i32
        %get3A_2349 = tpu.memref_slice %arg12[%get3A_2345, %get3A_2347, %get3A_2348] : memref<2x1600x32xf32, #tpu.memory_space<vmem>> -> memref<1x1600x32xf32, #tpu.memory_space<vmem>>
        %get3A_2350 = tpu.memref_squeeze %get3A_2349 : memref<1x1600x32xf32, #tpu.memory_space<vmem>> -> memref<1600x32xf32, #tpu.memory_space<vmem>>
        %get3A_2351 = arith.constant 0 : i32
        %get3A_2352 = tpu.memref_slice %get3A_2350[%mul3A_1207, %get3A_2351] : memref<1600x32xf32, #tpu.memory_space<vmem>> -> memref<50x32xf32, #tpu.memory_space<vmem>>
        %get3A_2353 = arith.index_cast %get3A_2346 : i32 to index
        %get3A_2354 = arith.constant 16 : index
        %get3A_2355 = tpu.vector_load %get3A_2352[%get3A_2353, %get3A_2354] {strides = array<i32>} : memref<50x32xf32, #tpu.memory_space<vmem>>, vector<1x16xf32>,
        %get3A_2356 = vector.shape_cast %get3A_2355 : vector<1x16xf32> to vector<16xf32>
        %add3A_2357 = arith.addf %add3A_2305, %get3A_2344 : vector<16xf32>
        %add3A_2358 = arith.addf %add3A_2306, %get3A_2356 : vector<16xf32>
        %get3A_2359 = arith.constant 0 : i32
        %get3A_2360 = arith.constant 44 : i32
        %get3A_2361 = arith.constant 0 : i32
        %get3A_2362 = arith.constant 0 : i32
        %get3A_2363 = tpu.memref_slice %arg12[%get3A_2359, %get3A_2361, %get3A_2362] : memref<2x1600x32xf32, #tpu.memory_space<vmem>> -> memref<1x1600x32xf32, #tpu.memory_space<vmem>>
        %get3A_2364 = tpu.memref_squeeze %get3A_2363 : memref<1x1600x32xf32, #tpu.memory_space<vmem>> -> memref<1600x32xf32, #tpu.memory_space<vmem>>
        %get3A_2365 = arith.constant 0 : i32
        %get3A_2366 = tpu.memref_slice %get3A_2364[%mul3A_1207, %get3A_2365] : memref<1600x32xf32, #tpu.memory_space<vmem>> -> memref<50x32xf32, #tpu.memory_space<vmem>>
        %get3A_2367 = arith.index_cast %get3A_2360 : i32 to index
        %get3A_2368 = arith.constant 0 : index
        %get3A_2369 = tpu.vector_load %get3A_2366[%get3A_2367, %get3A_2368] {strides = array<i32>} : memref<50x32xf32, #tpu.memory_space<vmem>>, vector<1x16xf32>,
        %get3A_2370 = vector.shape_cast %get3A_2369 : vector<1x16xf32> to vector<16xf32>
        %get3A_2371 = arith.constant 0 : i32
        %get3A_2372 = arith.constant 44 : i32
        %get3A_2373 = arith.constant 0 : i32
        %get3A_2374 = arith.constant 0 : i32
        %get3A_2375 = tpu.memref_slice %arg12[%get3A_2371, %get3A_2373, %get3A_2374] : memref<2x1600x32xf32, #tpu.memory_space<vmem>> -> memref<1x1600x32xf32, #tpu.memory_space<vmem>>
        %get3A_2376 = tpu.memref_squeeze %get3A_2375 : memref<1x1600x32xf32, #tpu.memory_space<vmem>> -> memref<1600x32xf32, #tpu.memory_space<vmem>>
        %get3A_2377 = arith.constant 0 : i32
        %get3A_2378 = tpu.memref_slice %get3A_2376[%mul3A_1207, %get3A_2377] : memref<1600x32xf32, #tpu.memory_space<vmem>> -> memref<50x32xf32, #tpu.memory_space<vmem>>
        %get3A_2379 = arith.index_cast %get3A_2372 : i32 to index
        %get3A_2380 = arith.constant 16 : index
        %get3A_2381 = tpu.vector_load %get3A_2378[%get3A_2379, %get3A_2380] {strides = array<i32>} : memref<50x32xf32, #tpu.memory_space<vmem>>, vector<1x16xf32>,
        %get3A_2382 = vector.shape_cast %get3A_2381 : vector<1x16xf32> to vector<16xf32>
        %add3A_2383 = arith.addf %add3A_2331, %get3A_2370 : vector<16xf32>
        %add3A_2384 = arith.addf %add3A_2332, %get3A_2382 : vector<16xf32>
        %get3A_2385 = arith.constant 0 : i32
        %get3A_2386 = arith.constant 45 : i32
        %get3A_2387 = arith.constant 0 : i32
        %get3A_2388 = arith.constant 0 : i32
        %get3A_2389 = tpu.memref_slice %arg12[%get3A_2385, %get3A_2387, %get3A_2388] : memref<2x1600x32xf32, #tpu.memory_space<vmem>> -> memref<1x1600x32xf32, #tpu.memory_space<vmem>>
        %get3A_2390 = tpu.memref_squeeze %get3A_2389 : memref<1x1600x32xf32, #tpu.memory_space<vmem>> -> memref<1600x32xf32, #tpu.memory_space<vmem>>
        %get3A_2391 = arith.constant 0 : i32
        %get3A_2392 = tpu.memref_slice %get3A_2390[%mul3A_1207, %get3A_2391] : memref<1600x32xf32, #tpu.memory_space<vmem>> -> memref<50x32xf32, #tpu.memory_space<vmem>>
        %get3A_2393 = arith.index_cast %get3A_2386 : i32 to index
        %get3A_2394 = arith.constant 0 : index
        %get3A_2395 = tpu.vector_load %get3A_2392[%get3A_2393, %get3A_2394] {strides = array<i32>} : memref<50x32xf32, #tpu.memory_space<vmem>>, vector<1x16xf32>,
        %get3A_2396 = vector.shape_cast %get3A_2395 : vector<1x16xf32> to vector<16xf32>
        %get3A_2397 = arith.constant 0 : i32
        %get3A_2398 = arith.constant 45 : i32
        %get3A_2399 = arith.constant 0 : i32
        %get3A_2400 = arith.constant 0 : i32
        %get3A_2401 = tpu.memref_slice %arg12[%get3A_2397, %get3A_2399, %get3A_2400] : memref<2x1600x32xf32, #tpu.memory_space<vmem>> -> memref<1x1600x32xf32, #tpu.memory_space<vmem>>
        %get3A_2402 = tpu.memref_squeeze %get3A_2401 : memref<1x1600x32xf32, #tpu.memory_space<vmem>> -> memref<1600x32xf32, #tpu.memory_space<vmem>>
        %get3A_2403 = arith.constant 0 : i32
        %get3A_2404 = tpu.memref_slice %get3A_2402[%mul3A_1207, %get3A_2403] : memref<1600x32xf32, #tpu.memory_space<vmem>> -> memref<50x32xf32, #tpu.memory_space<vmem>>
        %get3A_2405 = arith.index_cast %get3A_2398 : i32 to index
        %get3A_2406 = arith.constant 16 : index
        %get3A_2407 = tpu.vector_load %get3A_2404[%get3A_2405, %get3A_2406] {strides = array<i32>} : memref<50x32xf32, #tpu.memory_space<vmem>>, vector<1x16xf32>,
        %get3A_2408 = vector.shape_cast %get3A_2407 : vector<1x16xf32> to vector<16xf32>
        %add3A_2409 = arith.addf %add3A_2357, %get3A_2396 : vector<16xf32>
        %add3A_2410 = arith.addf %add3A_2358, %get3A_2408 : vector<16xf32>
        %get3A_2411 = arith.constant 0 : i32
        %get3A_2412 = arith.constant 46 : i32
        %get3A_2413 = arith.constant 0 : i32
        %get3A_2414 = arith.constant 0 : i32
        %get3A_2415 = tpu.memref_slice %arg12[%get3A_2411, %get3A_2413, %get3A_2414] : memref<2x1600x32xf32, #tpu.memory_space<vmem>> -> memref<1x1600x32xf32, #tpu.memory_space<vmem>>
        %get3A_2416 = tpu.memref_squeeze %get3A_2415 : memref<1x1600x32xf32, #tpu.memory_space<vmem>> -> memref<1600x32xf32, #tpu.memory_space<vmem>>
        %get3A_2417 = arith.constant 0 : i32
        %get3A_2418 = tpu.memref_slice %get3A_2416[%mul3A_1207, %get3A_2417] : memref<1600x32xf32, #tpu.memory_space<vmem>> -> memref<50x32xf32, #tpu.memory_space<vmem>>
        %get3A_2419 = arith.index_cast %get3A_2412 : i32 to index
        %get3A_2420 = arith.constant 0 : index
        %get3A_2421 = tpu.vector_load %get3A_2418[%get3A_2419, %get3A_2420] {strides = array<i32>} : memref<50x32xf32, #tpu.memory_space<vmem>>, vector<1x16xf32>,
        %get3A_2422 = vector.shape_cast %get3A_2421 : vector<1x16xf32> to vector<16xf32>
        %get3A_2423 = arith.constant 0 : i32
        %get3A_2424 = arith.constant 46 : i32
        %get3A_2425 = arith.constant 0 : i32
        %get3A_2426 = arith.constant 0 : i32
        %get3A_2427 = tpu.memref_slice %arg12[%get3A_2423, %get3A_2425, %get3A_2426] : memref<2x1600x32xf32, #tpu.memory_space<vmem>> -> memref<1x1600x32xf32, #tpu.memory_space<vmem>>
        %get3A_2428 = tpu.memref_squeeze %get3A_2427 : memref<1x1600x32xf32, #tpu.memory_space<vmem>> -> memref<1600x32xf32, #tpu.memory_space<vmem>>
        %get3A_2429 = arith.constant 0 : i32
        %get3A_2430 = tpu.memref_slice %get3A_2428[%mul3A_1207, %get3A_2429] : memref<1600x32xf32, #tpu.memory_space<vmem>> -> memref<50x32xf32, #tpu.memory_space<vmem>>
        %get3A_2431 = arith.index_cast %get3A_2424 : i32 to index
        %get3A_2432 = arith.constant 16 : index
        %get3A_2433 = tpu.vector_load %get3A_2430[%get3A_2431, %get3A_2432] {strides = array<i32>} : memref<50x32xf32, #tpu.memory_space<vmem>>, vector<1x16xf32>,
        %get3A_2434 = vector.shape_cast %get3A_2433 : vector<1x16xf32> to vector<16xf32>
        %add3A_2435 = arith.addf %add3A_2383, %get3A_2422 : vector<16xf32>
        %add3A_2436 = arith.addf %add3A_2384, %get3A_2434 : vector<16xf32>
        %get3A_2437 = arith.constant 0 : i32
        %get3A_2438 = arith.constant 47 : i32
        %get3A_2439 = arith.constant 0 : i32
        %get3A_2440 = arith.constant 0 : i32
        %get3A_2441 = tpu.memref_slice %arg12[%get3A_2437, %get3A_2439, %get3A_2440] : memref<2x1600x32xf32, #tpu.memory_space<vmem>> -> memref<1x1600x32xf32, #tpu.memory_space<vmem>>
        %get3A_2442 = tpu.memref_squeeze %get3A_2441 : memref<1x1600x32xf32, #tpu.memory_space<vmem>> -> memref<1600x32xf32, #tpu.memory_space<vmem>>
        %get3A_2443 = arith.constant 0 : i32
        %get3A_2444 = tpu.memref_slice %get3A_2442[%mul3A_1207, %get3A_2443] : memref<1600x32xf32, #tpu.memory_space<vmem>> -> memref<50x32xf32, #tpu.memory_space<vmem>>
        %get3A_2445 = arith.index_cast %get3A_2438 : i32 to index
        %get3A_2446 = arith.constant 0 : index
        %get3A_2447 = tpu.vector_load %get3A_2444[%get3A_2445, %get3A_2446] {strides = array<i32>} : memref<50x32xf32, #tpu.memory_space<vmem>>, vector<1x16xf32>,
        %get3A_2448 = vector.shape_cast %get3A_2447 : vector<1x16xf32> to vector<16xf32>
        %get3A_2449 = arith.constant 0 : i32
        %get3A_2450 = arith.constant 47 : i32
        %get3A_2451 = arith.constant 0 : i32
        %get3A_2452 = arith.constant 0 : i32
        %get3A_2453 = tpu.memref_slice %arg12[%get3A_2449, %get3A_2451, %get3A_2452] : memref<2x1600x32xf32, #tpu.memory_space<vmem>> -> memref<1x1600x32xf32, #tpu.memory_space<vmem>>
        %get3A_2454 = tpu.memref_squeeze %get3A_2453 : memref<1x1600x32xf32, #tpu.memory_space<vmem>> -> memref<1600x32xf32, #tpu.memory_space<vmem>>
        %get3A_2455 = arith.constant 0 : i32
        %get3A_2456 = tpu.memref_slice %get3A_2454[%mul3A_1207, %get3A_2455] : memref<1600x32xf32, #tpu.memory_space<vmem>> -> memref<50x32xf32, #tpu.memory_space<vmem>>
        %get3A_2457 = arith.index_cast %get3A_2450 : i32 to index
        %get3A_2458 = arith.constant 16 : index
        %get3A_2459 = tpu.vector_load %get3A_2456[%get3A_2457, %get3A_2458] {strides = array<i32>} : memref<50x32xf32, #tpu.memory_space<vmem>>, vector<1x16xf32>,
        %get3A_2460 = vector.shape_cast %get3A_2459 : vector<1x16xf32> to vector<16xf32>
        %add3A_2461 = arith.addf %add3A_2409, %get3A_2448 : vector<16xf32>
        %add3A_2462 = arith.addf %add3A_2410, %get3A_2460 : vector<16xf32>
        %get3A_2463 = arith.constant 0 : i32
        %get3A_2464 = arith.constant 48 : i32
        %get3A_2465 = arith.constant 0 : i32
        %get3A_2466 = arith.constant 0 : i32
        %get3A_2467 = tpu.memref_slice %arg12[%get3A_2463, %get3A_2465, %get3A_2466] : memref<2x1600x32xf32, #tpu.memory_space<vmem>> -> memref<1x1600x32xf32, #tpu.memory_space<vmem>>
        %get3A_2468 = tpu.memref_squeeze %get3A_2467 : memref<1x1600x32xf32, #tpu.memory_space<vmem>> -> memref<1600x32xf32, #tpu.memory_space<vmem>>
        %get3A_2469 = arith.constant 0 : i32
        %get3A_2470 = tpu.memref_slice %get3A_2468[%mul3A_1207, %get3A_2469] : memref<1600x32xf32, #tpu.memory_space<vmem>> -> memref<50x32xf32, #tpu.memory_space<vmem>>
        %get3A_2471 = arith.index_cast %get3A_2464 : i32 to index
        %get3A_2472 = arith.constant 0 : index
        %get3A_2473 = tpu.vector_load %get3A_2470[%get3A_2471, %get3A_2472] {strides = array<i32>} : memref<50x32xf32, #tpu.memory_space<vmem>>, vector<1x16xf32>,
        %get3A_2474 = vector.shape_cast %get3A_2473 : vector<1x16xf32> to vector<16xf32>
        %get3A_2475 = arith.constant 0 : i32
        %get3A_2476 = arith.constant 48 : i32
        %get3A_2477 = arith.constant 0 : i32
        %get3A_2478 = arith.constant 0 : i32
        %get3A_2479 = tpu.memref_slice %arg12[%get3A_2475, %get3A_2477, %get3A_2478] : memref<2x1600x32xf32, #tpu.memory_space<vmem>> -> memref<1x1600x32xf32, #tpu.memory_space<vmem>>
        %get3A_2480 = tpu.memref_squeeze %get3A_2479 : memref<1x1600x32xf32, #tpu.memory_space<vmem>> -> memref<1600x32xf32, #tpu.memory_space<vmem>>
        %get3A_2481 = arith.constant 0 : i32
        %get3A_2482 = tpu.memref_slice %get3A_2480[%mul3A_1207, %get3A_2481] : memref<1600x32xf32, #tpu.memory_space<vmem>> -> memref<50x32xf32, #tpu.memory_space<vmem>>
        %get3A_2483 = arith.index_cast %get3A_2476 : i32 to index
        %get3A_2484 = arith.constant 16 : index
        %get3A_2485 = tpu.vector_load %get3A_2482[%get3A_2483, %get3A_2484] {strides = array<i32>} : memref<50x32xf32, #tpu.memory_space<vmem>>, vector<1x16xf32>,
        %get3A_2486 = vector.shape_cast %get3A_2485 : vector<1x16xf32> to vector<16xf32>
        %add3A_2487 = arith.addf %add3A_2435, %get3A_2474 : vector<16xf32>
        %add3A_2488 = arith.addf %add3A_2436, %get3A_2486 : vector<16xf32>
        %get3A_2489 = arith.constant 0 : i32
        %get3A_2490 = arith.constant 49 : i32
        %get3A_2491 = arith.constant 0 : i32
        %get3A_2492 = arith.constant 0 : i32
        %get3A_2493 = tpu.memref_slice %arg12[%get3A_2489, %get3A_2491, %get3A_2492] : memref<2x1600x32xf32, #tpu.memory_space<vmem>> -> memref<1x1600x32xf32, #tpu.memory_space<vmem>>
        %get3A_2494 = tpu.memref_squeeze %get3A_2493 : memref<1x1600x32xf32, #tpu.memory_space<vmem>> -> memref<1600x32xf32, #tpu.memory_space<vmem>>
        %get3A_2495 = arith.constant 0 : i32
        %get3A_2496 = tpu.memref_slice %get3A_2494[%mul3A_1207, %get3A_2495] : memref<1600x32xf32, #tpu.memory_space<vmem>> -> memref<50x32xf32, #tpu.memory_space<vmem>>
        %get3A_2497 = arith.index_cast %get3A_2490 : i32 to index
        %get3A_2498 = arith.constant 0 : index
        %get3A_2499 = tpu.vector_load %get3A_2496[%get3A_2497, %get3A_2498] {strides = array<i32>} : memref<50x32xf32, #tpu.memory_space<vmem>>, vector<1x16xf32>,
        %get3A_2500 = vector.shape_cast %get3A_2499 : vector<1x16xf32> to vector<16xf32>
        %get3A_2501 = arith.constant 0 : i32
        %get3A_2502 = arith.constant 49 : i32
        %get3A_2503 = arith.constant 0 : i32
        %get3A_2504 = arith.constant 0 : i32
        %get3A_2505 = tpu.memref_slice %arg12[%get3A_2501, %get3A_2503, %get3A_2504] : memref<2x1600x32xf32, #tpu.memory_space<vmem>> -> memref<1x1600x32xf32, #tpu.memory_space<vmem>>
        %get3A_2506 = tpu.memref_squeeze %get3A_2505 : memref<1x1600x32xf32, #tpu.memory_space<vmem>> -> memref<1600x32xf32, #tpu.memory_space<vmem>>
        %get3A_2507 = arith.constant 0 : i32
        %get3A_2508 = tpu.memref_slice %get3A_2506[%mul3A_1207, %get3A_2507] : memref<1600x32xf32, #tpu.memory_space<vmem>> -> memref<50x32xf32, #tpu.memory_space<vmem>>
        %get3A_2509 = arith.index_cast %get3A_2502 : i32 to index
        %get3A_2510 = arith.constant 16 : index
        %get3A_2511 = tpu.vector_load %get3A_2508[%get3A_2509, %get3A_2510] {strides = array<i32>} : memref<50x32xf32, #tpu.memory_space<vmem>>, vector<1x16xf32>,
        %get3A_2512 = vector.shape_cast %get3A_2511 : vector<1x16xf32> to vector<16xf32>
        %add3A_2513 = arith.addf %add3A_2461, %get3A_2500 : vector<16xf32>
        %add3A_2514 = arith.addf %add3A_2462, %get3A_2512 : vector<16xf32>
        %get3A_2515 = arith.constant 0 : i32
        %get3A_2516 = arith.constant 0 : i32
        %get3A_2517 = arith.constant 0 : i32
        %get3A_2518 = tpu.memref_slice %arg16[%get3A_2515, %get3A_2516, %get3A_2517] : memref<2x32x32xf32, #tpu.memory_space<vmem>> -> memref<1x32x32xf32, #tpu.memory_space<vmem>>
        %get3A_2519 = tpu.memref_squeeze %get3A_2518 : memref<1x32x32xf32, #tpu.memory_space<vmem>> -> memref<32x32xf32, #tpu.memory_space<vmem>>
        %get3A_2520 = arith.constant 0 : i32
        %get3A_2521 = tpu.memref_slice %get3A_2519[%scan3A_1205, %get3A_2520] : memref<32x32xf32, #tpu.memory_space<vmem>> -> memref<1x32xf32, #tpu.memory_space<vmem>>
        %get3A_2522 = tpu.memref_squeeze %get3A_2521 : memref<1x32xf32, #tpu.memory_space<vmem>> -> memref<32xf32, #tpu.memory_space<vmem>>
        %get3A_2523 = arith.constant 0 : index
        %get3A_2524 = tpu.vector_load %get3A_2522[%get3A_2523] {strides = array<i32>} : memref<32xf32, #tpu.memory_space<vmem>>, vector<16xf32>,
        %get3A_2525 = vector.shape_cast %get3A_2524 : vector<16xf32> to vector<16xf32>
        %swap3A = arith.constant 0 : i32
        %swap3A_2526 = tpu.memref_slice %arg19[%scan3A_1205, %swap3A] : memref<32x128xf32, #tpu.memory_space<vmem>> -> memref<1x128xf32, #tpu.memory_space<vmem>>
        %swap3A_2527 = tpu.memref_squeeze %swap3A_2526 : memref<1x128xf32, #tpu.memory_space<vmem>> -> memref<128xf32, #tpu.memory_space<vmem>>
        %swap3A_2528 = arith.constant 0 : index
        %swap3A_2529 = tpu.vector_load %swap3A_2527[%swap3A_2528] {strides = array<i32>} : memref<128xf32, #tpu.memory_space<vmem>>, vector<16xf32>,
        %swap3A_2530 = vector.shape_cast %swap3A_2529 : vector<16xf32> to vector<16xf32>
        %swap3A_2531 = vector.shape_cast %get3A_2525 : vector<16xf32> to vector<16xf32>
        tpu.vector_store %swap3A_2527[%swap3A_2528], %swap3A_2531 {strides = array<i32>} : memref<128xf32, #tpu.memory_space<vmem>>, vector<16xf32>,
        %get3A_2532 = arith.constant 0 : i32
        %get3A_2533 = arith.constant 0 : i32
        %get3A_2534 = arith.constant 0 : i32
        %get3A_2535 = tpu.memref_slice %arg16[%get3A_2532, %get3A_2533, %get3A_2534] : memref<2x32x32xf32, #tpu.memory_space<vmem>> -> memref<1x32x32xf32, #tpu.memory_space<vmem>>
        %get3A_2536 = tpu.memref_squeeze %get3A_2535 : memref<1x32x32xf32, #tpu.memory_space<vmem>> -> memref<32x32xf32, #tpu.memory_space<vmem>>
        %get3A_2537 = arith.constant 0 : i32
        %get3A_2538 = tpu.memref_slice %get3A_2536[%scan3A_1205, %get3A_2537] : memref<32x32xf32, #tpu.memory_space<vmem>> -> memref<1x32xf32, #tpu.memory_space<vmem>>
        %get3A_2539 = tpu.memref_squeeze %get3A_2538 : memref<1x32xf32, #tpu.memory_space<vmem>> -> memref<32xf32, #tpu.memory_space<vmem>>
        %get3A_2540 = arith.constant 16 : index
        %get3A_2541 = tpu.vector_load %get3A_2539[%get3A_2540] {strides = array<i32>} : memref<32xf32, #tpu.memory_space<vmem>>, vector<16xf32>,
        %get3A_2542 = vector.shape_cast %get3A_2541 : vector<16xf32> to vector<16xf32>
        %swap3A_2543 = arith.constant 0 : i32
        %swap3A_2544 = tpu.memref_slice %arg19[%scan3A_1205, %swap3A_2543] : memref<32x128xf32, #tpu.memory_space<vmem>> -> memref<1x128xf32, #tpu.memory_space<vmem>>
        %swap3A_2545 = tpu.memref_squeeze %swap3A_2544 : memref<1x128xf32, #tpu.memory_space<vmem>> -> memref<128xf32, #tpu.memory_space<vmem>>
        %swap3A_2546 = arith.constant 16 : index
        %swap3A_2547 = tpu.vector_load %swap3A_2545[%swap3A_2546] {strides = array<i32>} : memref<128xf32, #tpu.memory_space<vmem>>, vector<16xf32>,
        %swap3A_2548 = vector.shape_cast %swap3A_2547 : vector<16xf32> to vector<16xf32>
        %swap3A_2549 = vector.shape_cast %get3A_2542 : vector<16xf32> to vector<16xf32>
        tpu.vector_store %swap3A_2545[%swap3A_2546], %swap3A_2549 {strides = array<i32>} : memref<128xf32, #tpu.memory_space<vmem>>, vector<16xf32>,
        %get3A_2550 = arith.constant 0 : i32
        %get3A_2551 = arith.constant 0 : i32
        %get3A_2552 = arith.constant 0 : i32
        %get3A_2553 = tpu.memref_slice %arg17[%get3A_2550, %get3A_2551, %get3A_2552] : memref<2x32x32xf32, #tpu.memory_space<vmem>> -> memref<1x32x32xf32, #tpu.memory_space<vmem>>
        %get3A_2554 = tpu.memref_squeeze %get3A_2553 : memref<1x32x32xf32, #tpu.memory_space<vmem>> -> memref<32x32xf32, #tpu.memory_space<vmem>>
        %get3A_2555 = arith.constant 0 : i32
        %get3A_2556 = tpu.memref_slice %get3A_2554[%scan3A_1205, %get3A_2555] : memref<32x32xf32, #tpu.memory_space<vmem>> -> memref<1x32xf32, #tpu.memory_space<vmem>>
        %get3A_2557 = tpu.memref_squeeze %get3A_2556 : memref<1x32xf32, #tpu.memory_space<vmem>> -> memref<32xf32, #tpu.memory_space<vmem>>
        %get3A_2558 = arith.constant 0 : index
        %get3A_2559 = tpu.vector_load %get3A_2557[%get3A_2558] {strides = array<i32>} : memref<32xf32, #tpu.memory_space<vmem>>, vector<16xf32>,
        %get3A_2560 = vector.shape_cast %get3A_2559 : vector<16xf32> to vector<16xf32>
        %swap3A_2561 = arith.constant 0 : i32
        %swap3A_2562 = tpu.memref_slice %arg19[%scan3A_1205, %swap3A_2561] : memref<32x128xf32, #tpu.memory_space<vmem>> -> memref<1x128xf32, #tpu.memory_space<vmem>>
        %swap3A_2563 = tpu.memref_squeeze %swap3A_2562 : memref<1x128xf32, #tpu.memory_space<vmem>> -> memref<128xf32, #tpu.memory_space<vmem>>
        %swap3A_2564 = arith.constant 32 : index
        %swap3A_2565 = tpu.vector_load %swap3A_2563[%swap3A_2564] {strides = array<i32>} : memref<128xf32, #tpu.memory_space<vmem>>, vector<16xf32>,
        %swap3A_2566 = vector.shape_cast %swap3A_2565 : vector<16xf32> to vector<16xf32>
        %swap3A_2567 = vector.shape_cast %get3A_2560 : vector<16xf32> to vector<16xf32>
        tpu.vector_store %swap3A_2563[%swap3A_2564], %swap3A_2567 {strides = array<i32>} : memref<128xf32, #tpu.memory_space<vmem>>, vector<16xf32>,
        %get3A_2568 = arith.constant 0 : i32
        %get3A_2569 = arith.constant 0 : i32
        %get3A_2570 = arith.constant 0 : i32
        %get3A_2571 = tpu.memref_slice %arg17[%get3A_2568, %get3A_2569, %get3A_2570] : memref<2x32x32xf32, #tpu.memory_space<vmem>> -> memref<1x32x32xf32, #tpu.memory_space<vmem>>
        %get3A_2572 = tpu.memref_squeeze %get3A_2571 : memref<1x32x32xf32, #tpu.memory_space<vmem>> -> memref<32x32xf32, #tpu.memory_space<vmem>>
        %get3A_2573 = arith.constant 0 : i32
        %get3A_2574 = tpu.memref_slice %get3A_2572[%scan3A_1205, %get3A_2573] : memref<32x32xf32, #tpu.memory_space<vmem>> -> memref<1x32xf32, #tpu.memory_space<vmem>>
        %get3A_2575 = tpu.memref_squeeze %get3A_2574 : memref<1x32xf32, #tpu.memory_space<vmem>> -> memref<32xf32, #tpu.memory_space<vmem>>
        %get3A_2576 = arith.constant 16 : index
        %get3A_2577 = tpu.vector_load %get3A_2575[%get3A_2576] {strides = array<i32>} : memref<32xf32, #tpu.memory_space<vmem>>, vector<16xf32>,
        %get3A_2578 = vector.shape_cast %get3A_2577 : vector<16xf32> to vector<16xf32>
        %swap3A_2579 = arith.constant 0 : i32
        %swap3A_2580 = tpu.memref_slice %arg19[%scan3A_1205, %swap3A_2579] : memref<32x128xf32, #tpu.memory_space<vmem>> -> memref<1x128xf32, #tpu.memory_space<vmem>>
        %swap3A_2581 = tpu.memref_squeeze %swap3A_2580 : memref<1x128xf32, #tpu.memory_space<vmem>> -> memref<128xf32, #tpu.memory_space<vmem>>
        %swap3A_2582 = arith.constant 48 : index
        %swap3A_2583 = tpu.vector_load %swap3A_2581[%swap3A_2582] {strides = array<i32>} : memref<128xf32, #tpu.memory_space<vmem>>, vector<16xf32>,
        %swap3A_2584 = vector.shape_cast %swap3A_2583 : vector<16xf32> to vector<16xf32>
        %swap3A_2585 = vector.shape_cast %get3A_2578 : vector<16xf32> to vector<16xf32>
        tpu.vector_store %swap3A_2581[%swap3A_2582], %swap3A_2585 {strides = array<i32>} : memref<128xf32, #tpu.memory_space<vmem>>, vector<16xf32>,
        %get3A_2586 = arith.constant 0 : i32
        %get3A_2587 = arith.constant 0 : i32
        %get3A_2588 = arith.constant 0 : i32
        %get3A_2589 = tpu.memref_slice %arg18[%get3A_2586, %get3A_2587, %get3A_2588] : memref<2x32x32xf32, #tpu.memory_space<vmem>> -> memref<1x32x32xf32, #tpu.memory_space<vmem>>
        %get3A_2590 = tpu.memref_squeeze %get3A_2589 : memref<1x32x32xf32, #tpu.memory_space<vmem>> -> memref<32x32xf32, #tpu.memory_space<vmem>>
        %get3A_2591 = arith.constant 0 : i32
        %get3A_2592 = tpu.memref_slice %get3A_2590[%scan3A_1205, %get3A_2591] : memref<32x32xf32, #tpu.memory_space<vmem>> -> memref<1x32xf32, #tpu.memory_space<vmem>>
        %get3A_2593 = tpu.memref_squeeze %get3A_2592 : memref<1x32xf32, #tpu.memory_space<vmem>> -> memref<32xf32, #tpu.memory_space<vmem>>
        %get3A_2594 = arith.constant 0 : index
        %get3A_2595 = tpu.vector_load %get3A_2593[%get3A_2594] {strides = array<i32>} : memref<32xf32, #tpu.memory_space<vmem>>, vector<16xf32>,
        %get3A_2596 = vector.shape_cast %get3A_2595 : vector<16xf32> to vector<16xf32>
        %swap3A_2597 = arith.constant 0 : i32
        %swap3A_2598 = tpu.memref_slice %arg19[%scan3A_1205, %swap3A_2597] : memref<32x128xf32, #tpu.memory_space<vmem>> -> memref<1x128xf32, #tpu.memory_space<vmem>>
        %swap3A_2599 = tpu.memref_squeeze %swap3A_2598 : memref<1x128xf32, #tpu.memory_space<vmem>> -> memref<128xf32, #tpu.memory_space<vmem>>
        %swap3A_2600 = arith.constant 64 : index
        %swap3A_2601 = tpu.vector_load %swap3A_2599[%swap3A_2600] {strides = array<i32>} : memref<128xf32, #tpu.memory_space<vmem>>, vector<16xf32>,
        %swap3A_2602 = vector.shape_cast %swap3A_2601 : vector<16xf32> to vector<16xf32>
        %swap3A_2603 = vector.shape_cast %get3A_2596 : vector<16xf32> to vector<16xf32>
        tpu.vector_store %swap3A_2599[%swap3A_2600], %swap3A_2603 {strides = array<i32>} : memref<128xf32, #tpu.memory_space<vmem>>, vector<16xf32>,
        %get3A_2604 = arith.constant 0 : i32
        %get3A_2605 = arith.constant 0 : i32
        %get3A_2606 = arith.constant 0 : i32
        %get3A_2607 = tpu.memref_slice %arg18[%get3A_2604, %get3A_2605, %get3A_2606] : memref<2x32x32xf32, #tpu.memory_space<vmem>> -> memref<1x32x32xf32, #tpu.memory_space<vmem>>
        %get3A_2608 = tpu.memref_squeeze %get3A_2607 : memref<1x32x32xf32, #tpu.memory_space<vmem>> -> memref<32x32xf32, #tpu.memory_space<vmem>>
        %get3A_2609 = arith.constant 0 : i32
        %get3A_2610 = tpu.memref_slice %get3A_2608[%scan3A_1205, %get3A_2609] : memref<32x32xf32, #tpu.memory_space<vmem>> -> memref<1x32xf32, #tpu.memory_space<vmem>>
        %get3A_2611 = tpu.memref_squeeze %get3A_2610 : memref<1x32xf32, #tpu.memory_space<vmem>> -> memref<32xf32, #tpu.memory_space<vmem>>
        %get3A_2612 = arith.constant 16 : index
        %get3A_2613 = tpu.vector_load %get3A_2611[%get3A_2612] {strides = array<i32>} : memref<32xf32, #tpu.memory_space<vmem>>, vector<16xf32>,
        %get3A_2614 = vector.shape_cast %get3A_2613 : vector<16xf32> to vector<16xf32>
        %swap3A_2615 = arith.constant 0 : i32
        %swap3A_2616 = tpu.memref_slice %arg19[%scan3A_1205, %swap3A_2615] : memref<32x128xf32, #tpu.memory_space<vmem>> -> memref<1x128xf32, #tpu.memory_space<vmem>>
        %swap3A_2617 = tpu.memref_squeeze %swap3A_2616 : memref<1x128xf32, #tpu.memory_space<vmem>> -> memref<128xf32, #tpu.memory_space<vmem>>
        %swap3A_2618 = arith.constant 80 : index
        %swap3A_2619 = tpu.vector_load %swap3A_2617[%swap3A_2618] {strides = array<i32>} : memref<128xf32, #tpu.memory_space<vmem>>, vector<16xf32>,
        %swap3A_2620 = vector.shape_cast %swap3A_2619 : vector<16xf32> to vector<16xf32>
        %swap3A_2621 = vector.shape_cast %get3A_2614 : vector<16xf32> to vector<16xf32>
        tpu.vector_store %swap3A_2617[%swap3A_2618], %swap3A_2621 {strides = array<i32>} : memref<128xf32, #tpu.memory_space<vmem>>, vector<16xf32>,
        %add3A_2622 = arith.addf %add3A_2487, %add3A_2513 : vector<16xf32>
        %mul3A_2623 = arith.mulf %add3A_2622, %broadcast_in_dim3A_3 : vector<16xf32>
        %swap3A_2624 = arith.constant 0 : i32
        %swap3A_2625 = tpu.memref_slice %arg19[%scan3A_1205, %swap3A_2624] : memref<32x128xf32, #tpu.memory_space<vmem>> -> memref<1x128xf32, #tpu.memory_space<vmem>>
        %swap3A_2626 = tpu.memref_squeeze %swap3A_2625 : memref<1x128xf32, #tpu.memory_space<vmem>> -> memref<128xf32, #tpu.memory_space<vmem>>
        %swap3A_2627 = arith.constant 96 : index
        %swap3A_2628 = tpu.vector_load %swap3A_2626[%swap3A_2627] {strides = array<i32>} : memref<128xf32, #tpu.memory_space<vmem>>, vector<16xf32>,
        %swap3A_2629 = vector.shape_cast %swap3A_2628 : vector<16xf32> to vector<16xf32>
        %swap3A_2630 = vector.shape_cast %mul3A_2623 : vector<16xf32> to vector<16xf32>
        tpu.vector_store %swap3A_2626[%swap3A_2627], %swap3A_2630 {strides = array<i32>} : memref<128xf32, #tpu.memory_space<vmem>>, vector<16xf32>,
        %add3A_2631 = arith.addf %add3A_2488, %add3A_2514 : vector<16xf32>
        %mul3A_2632 = arith.mulf %add3A_2631, %broadcast_in_dim3A_3 : vector<16xf32>
        %swap3A_2633 = arith.constant 0 : i32
        %swap3A_2634 = tpu.memref_slice %arg19[%scan3A_1205, %swap3A_2633] : memref<32x128xf32, #tpu.memory_space<vmem>> -> memref<1x128xf32, #tpu.memory_space<vmem>>
        %swap3A_2635 = tpu.memref_squeeze %swap3A_2634 : memref<1x128xf32, #tpu.memory_space<vmem>> -> memref<128xf32, #tpu.memory_space<vmem>>
        %swap3A_2636 = arith.constant 112 : index
        %swap3A_2637 = tpu.vector_load %swap3A_2635[%swap3A_2636] {strides = array<i32>} : memref<128xf32, #tpu.memory_space<vmem>>, vector<16xf32>,
        %swap3A_2638 = vector.shape_cast %swap3A_2637 : vector<16xf32> to vector<16xf32>
        %swap3A_2639 = vector.shape_cast %mul3A_2632 : vector<16xf32> to vector<16xf32>
        tpu.vector_store %swap3A_2635[%swap3A_2636], %swap3A_2639 {strides = array<i32>} : memref<128xf32, #tpu.memory_space<vmem>>, vector<16xf32>,
      }
      %scan3A_872 = arith.constant 32 : i32
      "tpu.region"() ({
        %run_scoped3A_1205 = tpu.sem_alloc : memref<!tpu.dma_semaphore, #tpu.memory_space<semaphore_mem>>
        %dma_start3A_1206 = arith.constant 0 : i32
        %dma_start3A_1207 = tpu.memref_slice %arg10[%multiple_of3A_866, %dma_start3A_1206] : memref<16384x128xf32, #tpu.memory_space<hbm>> -> memref<32x128xf32, #tpu.memory_space<hbm>>
        %dma_start3A_1208 = arith.constant 0 : i32
        %dma_start3A_1209 = tpu.memref_slice %arg10[%multiple_of3A_866, %dma_start3A_1208] : memref<16384x128xf32, #tpu.memory_space<hbm>> -> memref<32x128xf32, #tpu.memory_space<hbm>>
        tpu.enqueue_dma source(%arg19 : memref<32x128xf32, #tpu.memory_space<vmem>>) target(%dma_start3A_1209 : memref<32x128xf32, #tpu.memory_space<hbm>>) target_semaphore(%run_scoped3A_1205 : memref<!tpu.dma_semaphore, #tpu.memory_space<semaphore_mem>>)
        %dma_wait3A_1210 = arith.constant 0 : i32
        %dma_wait3A_1211 = tpu.memref_slice %arg10[%multiple_of3A_866, %dma_wait3A_1210] : memref<16384x128xf32, #tpu.memory_space<hbm>> -> memref<32x128xf32, #tpu.memory_space<hbm>>
        %dma_wait3A_1212 = arith.constant 0 : i32
        %dma_wait3A_1213 = tpu.memref_slice %arg10[%multiple_of3A_866, %dma_wait3A_1212] : memref<16384x128xf32, #tpu.memory_space<hbm>> -> memref<32x128xf32, #tpu.memory_space<hbm>>
        tpu.wait_dma2 semaphore(%run_scoped3A_1205 : memref<!tpu.dma_semaphore, #tpu.memory_space<semaphore_mem>>) src(%arg19 : memref<32x128xf32, #tpu.memory_space<vmem>>) dst(%dma_wait3A_1213 : memref<32x128xf32, #tpu.memory_space<hbm>>)
        tpu.yield
      }) : () -> ()
      %lt3A = arith.constant 7 : i32
      %lt3A_873 = arith.cmpi slt, %scan3A_273, %lt3A : i32
      %convert_element_type3A = arith.extui %lt3A_873 : i1 to i32
      %cond3A = arith.constant 0 : i32
      %cond3A_874 = arith.cmpi ne, %convert_element_type3A, %cond3A : i32
      scf.if %cond3A_874 {
        %add3A_1205 = arith.constant 2 : i32
        %add3A_1206 = arith.addi %mul3A_275, %add3A_1205 : i32
        %mul3A_1207 = arith.constant 32 : i32
        %mul3A_1208 = arith.muli %add3A_1206, %mul3A_1207 : i32
        %add3A_1209 = arith.addi %mul3A_2, %mul3A_1208 : i32
        %multiple_of3A_1210 = tpu.assume_multiple %add3A_1209, 32 : i32
        %mul3A_1211 = arith.constant 50 : i32
        %mul3A_1212 = arith.muli %multiple_of3A_1210, %mul3A_1211 : i32
        %multiple_of3A_1213 = tpu.assume_multiple %mul3A_1212, 1600 : i32
        %run_scoped3A_1214 = arith.constant 0 : i32
        "tpu.region"() ({
          %run_scoped3A_1475 = tpu.sem_alloc : memref<!tpu.dma_semaphore, #tpu.memory_space<semaphore_mem>>
          %dma_start3A_1476 = arith.constant 0 : i32
          %dma_start3A_1477 = tpu.memref_slice %arg11[%run_scoped3A_1214, %dma_start3A_1476] : memref<2x1600xi32, #tpu.memory_space<vmem>> -> memref<1x1600xi32, #tpu.memory_space<vmem>>
          %dma_start3A_1478 = tpu.memref_squeeze %dma_start3A_1477 : memref<1x1600xi32, #tpu.memory_space<vmem>> -> memref<1600xi32, #tpu.memory_space<vmem>>
          %dma_start3A_1479 = tpu.memref_slice %arg5[%multiple_of3A_1213] : memref<819200xi32, #tpu.memory_space<hbm>> -> memref<1600xi32, #tpu.memory_space<hbm>>
          %dma_start3A_1480 = arith.constant 0 : i32
          %dma_start3A_1481 = tpu.memref_slice %arg11[%run_scoped3A_1214, %dma_start3A_1480] : memref<2x1600xi32, #tpu.memory_space<vmem>> -> memref<1x1600xi32, #tpu.memory_space<vmem>>
          %dma_start3A_1482 = tpu.memref_squeeze %dma_start3A_1481 : memref<1x1600xi32, #tpu.memory_space<vmem>> -> memref<1600xi32, #tpu.memory_space<vmem>>
          %dma_start3A_1483 = tpu.memref_slice %arg5[%multiple_of3A_1213] : memref<819200xi32, #tpu.memory_space<hbm>> -> memref<1600xi32, #tpu.memory_space<hbm>>
          tpu.enqueue_dma source(%dma_start3A_1483 : memref<1600xi32, #tpu.memory_space<hbm>>) target(%dma_start3A_1482 : memref<1600xi32, #tpu.memory_space<vmem>>) target_semaphore(%run_scoped3A_1475 : memref<!tpu.dma_semaphore, #tpu.memory_space<semaphore_mem>>)
          %dma_wait3A_1484 = arith.constant 0 : i32
          %dma_wait3A_1485 = tpu.memref_slice %arg11[%run_scoped3A_1214, %dma_wait3A_1484] : memref<2x1600xi32, #tpu.memory_space<vmem>> -> memref<1x1600xi32, #tpu.memory_space<vmem>>
          %dma_wait3A_1486 = tpu.memref_squeeze %dma_wait3A_1485 : memref<1x1600xi32, #tpu.memory_space<vmem>> -> memref<1600xi32, #tpu.memory_space<vmem>>
          %dma_wait3A_1487 = tpu.memref_slice %arg5[%multiple_of3A_1213] : memref<819200xi32, #tpu.memory_space<hbm>> -> memref<1600xi32, #tpu.memory_space<hbm>>
          %dma_wait3A_1488 = arith.constant 0 : i32
          %dma_wait3A_1489 = tpu.memref_slice %arg11[%run_scoped3A_1214, %dma_wait3A_1488] : memref<2x1600xi32, #tpu.memory_space<vmem>> -> memref<1x1600xi32, #tpu.memory_space<vmem>>
          %dma_wait3A_1490 = tpu.memref_squeeze %dma_wait3A_1489 : memref<1x1600xi32, #tpu.memory_space<vmem>> -> memref<1600xi32, #tpu.memory_space<vmem>>
          %dma_wait3A_1491 = tpu.memref_slice %arg5[%multiple_of3A_1213] : memref<819200xi32, #tpu.memory_space<hbm>> -> memref<1600xi32, #tpu.memory_space<hbm>>
          tpu.wait_dma2 semaphore(%run_scoped3A_1475 : memref<!tpu.dma_semaphore, #tpu.memory_space<semaphore_mem>>) src(%dma_wait3A_1491 : memref<1600xi32, #tpu.memory_space<hbm>>) dst(%dma_wait3A_1490 : memref<1600xi32, #tpu.memory_space<vmem>>)
          tpu.yield
        }) : () -> ()
        %dma_start3A_1215 = arith.constant 0 : i32
        %dma_start3A_1216 = arith.constant 0 : i32
        %dma_start3A_1217 = arith.constant 0 : i32
        %dma_start3A_1218 = arith.constant 0 : i32
        %dma_start3A_1219 = tpu.memref_slice %arg12[%dma_start3A_1216, %dma_start3A_1217, %dma_start3A_1218] : memref<2x1600x32xf32, #tpu.memory_space<vmem>> -> memref<1x1600x32xf32, #tpu.memory_space<vmem>>
        %dma_start3A_1220 = tpu.memref_squeeze %dma_start3A_1219 : memref<1x1600x32xf32, #tpu.memory_space<vmem>> -> memref<1600x32xf32, #tpu.memory_space<vmem>>
        %dma_start3A_1221 = arith.constant 0 : i32
        %dma_start3A_1222 = arith.constant 0 : i32
        %dma_start3A_1223 = tpu.memref_slice %dma_start3A_1220[%dma_start3A_1221, %dma_start3A_1222] : memref<1600x32xf32, #tpu.memory_space<vmem>> -> memref<128x32xf32, #tpu.memory_space<vmem>>
        %dma_start3A_1224 = arith.constant 0 : i32
        %dma_start3A_1225 = tpu.memref_slice %arg11[%dma_start3A_1215, %dma_start3A_1224] : memref<2x1600xi32, #tpu.memory_space<vmem>> -> memref<1x1600xi32, #tpu.memory_space<vmem>>
        %dma_start3A_1226 = tpu.memref_squeeze %dma_start3A_1225 : memref<1x1600xi32, #tpu.memory_space<vmem>> -> memref<1600xi32, #tpu.memory_space<vmem>>
        %dma_start3A_1227 = arith.constant 0 : i32
        %dma_start3A_1228 = tpu.memref_slice %dma_start3A_1226[%dma_start3A_1227] : memref<1600xi32, #tpu.memory_space<vmem>> -> memref<128xi32, #tpu.memory_space<vmem>>
        %dma_start3A_1229 = arith.constant 0 : i32
        %dma_start3A_1230 = arith.constant 0 : i32
        %dma_start3A_1231 = tpu.memref_slice %arg9[%dma_start3A_1229, %dma_start3A_1230] : memref<1000001x32xf32, #tpu.memory_space<hbm>> -> memref<1000001x32xf32, #tpu.memory_space<hbm>>
        tpu.enqueue_indirect_dma source(%dma_start3A_1231 : memref<1000001x32xf32, #tpu.memory_space<hbm>>) target(%dma_start3A_1223 : memref<128x32xf32, #tpu.memory_space<vmem>>) offsets(%dma_start3A_1228 : memref<128xi32, #tpu.memory_space<vmem>>) semaphore(%arg20 : memref<!tpu.dma_semaphore, #tpu.memory_space<semaphore_mem>>)
        %dma_start3A_1232 = arith.constant 0 : i32
        %dma_start3A_1233 = arith.constant 0 : i32
        %dma_start3A_1234 = arith.constant 0 : i32
        %dma_start3A_1235 = arith.constant 0 : i32
        %dma_start3A_1236 = tpu.memref_slice %arg12[%dma_start3A_1233, %dma_start3A_1234, %dma_start3A_1235] : memref<2x1600x32xf32, #tpu.memory_space<vmem>> -> memref<1x1600x32xf32, #tpu.memory_space<vmem>>
        %dma_start3A_1237 = tpu.memref_squeeze %dma_start3A_1236 : memref<1x1600x32xf32, #tpu.memory_space<vmem>> -> memref<1600x32xf32, #tpu.memory_space<vmem>>
        %dma_start3A_1238 = arith.constant 128 : i32
        %dma_start3A_1239 = arith.constant 0 : i32
        %dma_start3A_1240 = tpu.memref_slice %dma_start3A_1237[%dma_start3A_1238, %dma_start3A_1239] : memref<1600x32xf32, #tpu.memory_space<vmem>> -> memref<128x32xf32, #tpu.memory_space<vmem>>
        %dma_start3A_1241 = arith.constant 0 : i32
        %dma_start3A_1242 = tpu.memref_slice %arg11[%dma_start3A_1232, %dma_start3A_1241] : memref<2x1600xi32, #tpu.memory_space<vmem>> -> memref<1x1600xi32, #tpu.memory_space<vmem>>
        %dma_start3A_1243 = tpu.memref_squeeze %dma_start3A_1242 : memref<1x1600xi32, #tpu.memory_space<vmem>> -> memref<1600xi32, #tpu.memory_space<vmem>>
        %dma_start3A_1244 = arith.constant 128 : i32
        %dma_start3A_1245 = tpu.memref_slice %dma_start3A_1243[%dma_start3A_1244] : memref<1600xi32, #tpu.memory_space<vmem>> -> memref<128xi32, #tpu.memory_space<vmem>>
        %dma_start3A_1246 = arith.constant 0 : i32
        %dma_start3A_1247 = arith.constant 0 : i32
        %dma_start3A_1248 = tpu.memref_slice %arg9[%dma_start3A_1246, %dma_start3A_1247] : memref<1000001x32xf32, #tpu.memory_space<hbm>> -> memref<1000001x32xf32, #tpu.memory_space<hbm>>
        tpu.enqueue_indirect_dma source(%dma_start3A_1248 : memref<1000001x32xf32, #tpu.memory_space<hbm>>) target(%dma_start3A_1240 : memref<128x32xf32, #tpu.memory_space<vmem>>) offsets(%dma_start3A_1245 : memref<128xi32, #tpu.memory_space<vmem>>) semaphore(%arg20 : memref<!tpu.dma_semaphore, #tpu.memory_space<semaphore_mem>>)
        %dma_start3A_1249 = arith.constant 0 : i32
        %dma_start3A_1250 = arith.constant 0 : i32
        %dma_start3A_1251 = arith.constant 0 : i32
        %dma_start3A_1252 = arith.constant 0 : i32
        %dma_start3A_1253 = tpu.memref_slice %arg12[%dma_start3A_1250, %dma_start3A_1251, %dma_start3A_1252] : memref<2x1600x32xf32, #tpu.memory_space<vmem>> -> memref<1x1600x32xf32, #tpu.memory_space<vmem>>
        %dma_start3A_1254 = tpu.memref_squeeze %dma_start3A_1253 : memref<1x1600x32xf32, #tpu.memory_space<vmem>> -> memref<1600x32xf32, #tpu.memory_space<vmem>>
        %dma_start3A_1255 = arith.constant 256 : i32
        %dma_start3A_1256 = arith.constant 0 : i32
        %dma_start3A_1257 = tpu.memref_slice %dma_start3A_1254[%dma_start3A_1255, %dma_start3A_1256] : memref<1600x32xf32, #tpu.memory_space<vmem>> -> memref<128x32xf32, #tpu.memory_space<vmem>>
        %dma_start3A_1258 = arith.constant 0 : i32
        %dma_start3A_1259 = tpu.memref_slice %arg11[%dma_start3A_1249, %dma_start3A_1258] : memref<2x1600xi32, #tpu.memory_space<vmem>> -> memref<1x1600xi32, #tpu.memory_space<vmem>>
        %dma_start3A_1260 = tpu.memref_squeeze %dma_start3A_1259 : memref<1x1600xi32, #tpu.memory_space<vmem>> -> memref<1600xi32, #tpu.memory_space<vmem>>
        %dma_start3A_1261 = arith.constant 256 : i32
        %dma_start3A_1262 = tpu.memref_slice %dma_start3A_1260[%dma_start3A_1261] : memref<1600xi32, #tpu.memory_space<vmem>> -> memref<128xi32, #tpu.memory_space<vmem>>
        %dma_start3A_1263 = arith.constant 0 : i32
        %dma_start3A_1264 = arith.constant 0 : i32
        %dma_start3A_1265 = tpu.memref_slice %arg9[%dma_start3A_1263, %dma_start3A_1264] : memref<1000001x32xf32, #tpu.memory_space<hbm>> -> memref<1000001x32xf32, #tpu.memory_space<hbm>>
        tpu.enqueue_indirect_dma source(%dma_start3A_1265 : memref<1000001x32xf32, #tpu.memory_space<hbm>>) target(%dma_start3A_1257 : memref<128x32xf32, #tpu.memory_space<vmem>>) offsets(%dma_start3A_1262 : memref<128xi32, #tpu.memory_space<vmem>>) semaphore(%arg20 : memref<!tpu.dma_semaphore, #tpu.memory_space<semaphore_mem>>)
        %dma_start3A_1266 = arith.constant 0 : i32
        %dma_start3A_1267 = arith.constant 0 : i32
        %dma_start3A_1268 = arith.constant 0 : i32
        %dma_start3A_1269 = arith.constant 0 : i32
        %dma_start3A_1270 = tpu.memref_slice %arg12[%dma_start3A_1267, %dma_start3A_1268, %dma_start3A_1269] : memref<2x1600x32xf32, #tpu.memory_space<vmem>> -> memref<1x1600x32xf32, #tpu.memory_space<vmem>>
        %dma_start3A_1271 = tpu.memref_squeeze %dma_start3A_1270 : memref<1x1600x32xf32, #tpu.memory_space<vmem>> -> memref<1600x32xf32, #tpu.memory_space<vmem>>
        %dma_start3A_1272 = arith.constant 384 : i32
        %dma_start3A_1273 = arith.constant 0 : i32
        %dma_start3A_1274 = tpu.memref_slice %dma_start3A_1271[%dma_start3A_1272, %dma_start3A_1273] : memref<1600x32xf32, #tpu.memory_space<vmem>> -> memref<128x32xf32, #tpu.memory_space<vmem>>
        %dma_start3A_1275 = arith.constant 0 : i32
        %dma_start3A_1276 = tpu.memref_slice %arg11[%dma_start3A_1266, %dma_start3A_1275] : memref<2x1600xi32, #tpu.memory_space<vmem>> -> memref<1x1600xi32, #tpu.memory_space<vmem>>
        %dma_start3A_1277 = tpu.memref_squeeze %dma_start3A_1276 : memref<1x1600xi32, #tpu.memory_space<vmem>> -> memref<1600xi32, #tpu.memory_space<vmem>>
        %dma_start3A_1278 = arith.constant 384 : i32
        %dma_start3A_1279 = tpu.memref_slice %dma_start3A_1277[%dma_start3A_1278] : memref<1600xi32, #tpu.memory_space<vmem>> -> memref<128xi32, #tpu.memory_space<vmem>>
        %dma_start3A_1280 = arith.constant 0 : i32
        %dma_start3A_1281 = arith.constant 0 : i32
        %dma_start3A_1282 = tpu.memref_slice %arg9[%dma_start3A_1280, %dma_start3A_1281] : memref<1000001x32xf32, #tpu.memory_space<hbm>> -> memref<1000001x32xf32, #tpu.memory_space<hbm>>
        tpu.enqueue_indirect_dma source(%dma_start3A_1282 : memref<1000001x32xf32, #tpu.memory_space<hbm>>) target(%dma_start3A_1274 : memref<128x32xf32, #tpu.memory_space<vmem>>) offsets(%dma_start3A_1279 : memref<128xi32, #tpu.memory_space<vmem>>) semaphore(%arg20 : memref<!tpu.dma_semaphore, #tpu.memory_space<semaphore_mem>>)
        %dma_start3A_1283 = arith.constant 0 : i32
        %dma_start3A_1284 = arith.constant 0 : i32
        %dma_start3A_1285 = arith.constant 0 : i32
        %dma_start3A_1286 = arith.constant 0 : i32
        %dma_start3A_1287 = tpu.memref_slice %arg12[%dma_start3A_1284, %dma_start3A_1285, %dma_start3A_1286] : memref<2x1600x32xf32, #tpu.memory_space<vmem>> -> memref<1x1600x32xf32, #tpu.memory_space<vmem>>
        %dma_start3A_1288 = tpu.memref_squeeze %dma_start3A_1287 : memref<1x1600x32xf32, #tpu.memory_space<vmem>> -> memref<1600x32xf32, #tpu.memory_space<vmem>>
        %dma_start3A_1289 = arith.constant 512 : i32
        %dma_start3A_1290 = arith.constant 0 : i32
        %dma_start3A_1291 = tpu.memref_slice %dma_start3A_1288[%dma_start3A_1289, %dma_start3A_1290] : memref<1600x32xf32, #tpu.memory_space<vmem>> -> memref<128x32xf32, #tpu.memory_space<vmem>>
        %dma_start3A_1292 = arith.constant 0 : i32
        %dma_start3A_1293 = tpu.memref_slice %arg11[%dma_start3A_1283, %dma_start3A_1292] : memref<2x1600xi32, #tpu.memory_space<vmem>> -> memref<1x1600xi32, #tpu.memory_space<vmem>>
        %dma_start3A_1294 = tpu.memref_squeeze %dma_start3A_1293 : memref<1x1600xi32, #tpu.memory_space<vmem>> -> memref<1600xi32, #tpu.memory_space<vmem>>
        %dma_start3A_1295 = arith.constant 512 : i32
        %dma_start3A_1296 = tpu.memref_slice %dma_start3A_1294[%dma_start3A_1295] : memref<1600xi32, #tpu.memory_space<vmem>> -> memref<128xi32, #tpu.memory_space<vmem>>
        %dma_start3A_1297 = arith.constant 0 : i32
        %dma_start3A_1298 = arith.constant 0 : i32
        %dma_start3A_1299 = tpu.memref_slice %arg9[%dma_start3A_1297, %dma_start3A_1298] : memref<1000001x32xf32, #tpu.memory_space<hbm>> -> memref<1000001x32xf32, #tpu.memory_space<hbm>>
        tpu.enqueue_indirect_dma source(%dma_start3A_1299 : memref<1000001x32xf32, #tpu.memory_space<hbm>>) target(%dma_start3A_1291 : memref<128x32xf32, #tpu.memory_space<vmem>>) offsets(%dma_start3A_1296 : memref<128xi32, #tpu.memory_space<vmem>>) semaphore(%arg20 : memref<!tpu.dma_semaphore, #tpu.memory_space<semaphore_mem>>)
        %dma_start3A_1300 = arith.constant 0 : i32
        %dma_start3A_1301 = arith.constant 0 : i32
        %dma_start3A_1302 = arith.constant 0 : i32
        %dma_start3A_1303 = arith.constant 0 : i32
        %dma_start3A_1304 = tpu.memref_slice %arg12[%dma_start3A_1301, %dma_start3A_1302, %dma_start3A_1303] : memref<2x1600x32xf32, #tpu.memory_space<vmem>> -> memref<1x1600x32xf32, #tpu.memory_space<vmem>>
        %dma_start3A_1305 = tpu.memref_squeeze %dma_start3A_1304 : memref<1x1600x32xf32, #tpu.memory_space<vmem>> -> memref<1600x32xf32, #tpu.memory_space<vmem>>
        %dma_start3A_1306 = arith.constant 640 : i32
        %dma_start3A_1307 = arith.constant 0 : i32
        %dma_start3A_1308 = tpu.memref_slice %dma_start3A_1305[%dma_start3A_1306, %dma_start3A_1307] : memref<1600x32xf32, #tpu.memory_space<vmem>> -> memref<128x32xf32, #tpu.memory_space<vmem>>
        %dma_start3A_1309 = arith.constant 0 : i32
        %dma_start3A_1310 = tpu.memref_slice %arg11[%dma_start3A_1300, %dma_start3A_1309] : memref<2x1600xi32, #tpu.memory_space<vmem>> -> memref<1x1600xi32, #tpu.memory_space<vmem>>
        %dma_start3A_1311 = tpu.memref_squeeze %dma_start3A_1310 : memref<1x1600xi32, #tpu.memory_space<vmem>> -> memref<1600xi32, #tpu.memory_space<vmem>>
        %dma_start3A_1312 = arith.constant 640 : i32
        %dma_start3A_1313 = tpu.memref_slice %dma_start3A_1311[%dma_start3A_1312] : memref<1600xi32, #tpu.memory_space<vmem>> -> memref<128xi32, #tpu.memory_space<vmem>>
        %dma_start3A_1314 = arith.constant 0 : i32
        %dma_start3A_1315 = arith.constant 0 : i32
        %dma_start3A_1316 = tpu.memref_slice %arg9[%dma_start3A_1314, %dma_start3A_1315] : memref<1000001x32xf32, #tpu.memory_space<hbm>> -> memref<1000001x32xf32, #tpu.memory_space<hbm>>
        tpu.enqueue_indirect_dma source(%dma_start3A_1316 : memref<1000001x32xf32, #tpu.memory_space<hbm>>) target(%dma_start3A_1308 : memref<128x32xf32, #tpu.memory_space<vmem>>) offsets(%dma_start3A_1313 : memref<128xi32, #tpu.memory_space<vmem>>) semaphore(%arg20 : memref<!tpu.dma_semaphore, #tpu.memory_space<semaphore_mem>>)
        %dma_start3A_1317 = arith.constant 0 : i32
        %dma_start3A_1318 = arith.constant 0 : i32
        %dma_start3A_1319 = arith.constant 0 : i32
        %dma_start3A_1320 = arith.constant 0 : i32
        %dma_start3A_1321 = tpu.memref_slice %arg12[%dma_start3A_1318, %dma_start3A_1319, %dma_start3A_1320] : memref<2x1600x32xf32, #tpu.memory_space<vmem>> -> memref<1x1600x32xf32, #tpu.memory_space<vmem>>
        %dma_start3A_1322 = tpu.memref_squeeze %dma_start3A_1321 : memref<1x1600x32xf32, #tpu.memory_space<vmem>> -> memref<1600x32xf32, #tpu.memory_space<vmem>>
        %dma_start3A_1323 = arith.constant 768 : i32
        %dma_start3A_1324 = arith.constant 0 : i32
        %dma_start3A_1325 = tpu.memref_slice %dma_start3A_1322[%dma_start3A_1323, %dma_start3A_1324] : memref<1600x32xf32, #tpu.memory_space<vmem>> -> memref<128x32xf32, #tpu.memory_space<vmem>>
        %dma_start3A_1326 = arith.constant 0 : i32
        %dma_start3A_1327 = tpu.memref_slice %arg11[%dma_start3A_1317, %dma_start3A_1326] : memref<2x1600xi32, #tpu.memory_space<vmem>> -> memref<1x1600xi32, #tpu.memory_space<vmem>>
        %dma_start3A_1328 = tpu.memref_squeeze %dma_start3A_1327 : memref<1x1600xi32, #tpu.memory_space<vmem>> -> memref<1600xi32, #tpu.memory_space<vmem>>
        %dma_start3A_1329 = arith.constant 768 : i32
        %dma_start3A_1330 = tpu.memref_slice %dma_start3A_1328[%dma_start3A_1329] : memref<1600xi32, #tpu.memory_space<vmem>> -> memref<128xi32, #tpu.memory_space<vmem>>
        %dma_start3A_1331 = arith.constant 0 : i32
        %dma_start3A_1332 = arith.constant 0 : i32
        %dma_start3A_1333 = tpu.memref_slice %arg9[%dma_start3A_1331, %dma_start3A_1332] : memref<1000001x32xf32, #tpu.memory_space<hbm>> -> memref<1000001x32xf32, #tpu.memory_space<hbm>>
        tpu.enqueue_indirect_dma source(%dma_start3A_1333 : memref<1000001x32xf32, #tpu.memory_space<hbm>>) target(%dma_start3A_1325 : memref<128x32xf32, #tpu.memory_space<vmem>>) offsets(%dma_start3A_1330 : memref<128xi32, #tpu.memory_space<vmem>>) semaphore(%arg20 : memref<!tpu.dma_semaphore, #tpu.memory_space<semaphore_mem>>)
        %dma_start3A_1334 = arith.constant 0 : i32
        %dma_start3A_1335 = arith.constant 0 : i32
        %dma_start3A_1336 = arith.constant 0 : i32
        %dma_start3A_1337 = arith.constant 0 : i32
        %dma_start3A_1338 = tpu.memref_slice %arg12[%dma_start3A_1335, %dma_start3A_1336, %dma_start3A_1337] : memref<2x1600x32xf32, #tpu.memory_space<vmem>> -> memref<1x1600x32xf32, #tpu.memory_space<vmem>>
        %dma_start3A_1339 = tpu.memref_squeeze %dma_start3A_1338 : memref<1x1600x32xf32, #tpu.memory_space<vmem>> -> memref<1600x32xf32, #tpu.memory_space<vmem>>
        %dma_start3A_1340 = arith.constant 896 : i32
        %dma_start3A_1341 = arith.constant 0 : i32
        %dma_start3A_1342 = tpu.memref_slice %dma_start3A_1339[%dma_start3A_1340, %dma_start3A_1341] : memref<1600x32xf32, #tpu.memory_space<vmem>> -> memref<128x32xf32, #tpu.memory_space<vmem>>
        %dma_start3A_1343 = arith.constant 0 : i32
        %dma_start3A_1344 = tpu.memref_slice %arg11[%dma_start3A_1334, %dma_start3A_1343] : memref<2x1600xi32, #tpu.memory_space<vmem>> -> memref<1x1600xi32, #tpu.memory_space<vmem>>
        %dma_start3A_1345 = tpu.memref_squeeze %dma_start3A_1344 : memref<1x1600xi32, #tpu.memory_space<vmem>> -> memref<1600xi32, #tpu.memory_space<vmem>>
        %dma_start3A_1346 = arith.constant 896 : i32
        %dma_start3A_1347 = tpu.memref_slice %dma_start3A_1345[%dma_start3A_1346] : memref<1600xi32, #tpu.memory_space<vmem>> -> memref<128xi32, #tpu.memory_space<vmem>>
        %dma_start3A_1348 = arith.constant 0 : i32
        %dma_start3A_1349 = arith.constant 0 : i32
        %dma_start3A_1350 = tpu.memref_slice %arg9[%dma_start3A_1348, %dma_start3A_1349] : memref<1000001x32xf32, #tpu.memory_space<hbm>> -> memref<1000001x32xf32, #tpu.memory_space<hbm>>
        tpu.enqueue_indirect_dma source(%dma_start3A_1350 : memref<1000001x32xf32, #tpu.memory_space<hbm>>) target(%dma_start3A_1342 : memref<128x32xf32, #tpu.memory_space<vmem>>) offsets(%dma_start3A_1347 : memref<128xi32, #tpu.memory_space<vmem>>) semaphore(%arg20 : memref<!tpu.dma_semaphore, #tpu.memory_space<semaphore_mem>>)
        %dma_start3A_1351 = arith.constant 0 : i32
        %dma_start3A_1352 = arith.constant 0 : i32
        %dma_start3A_1353 = arith.constant 0 : i32
        %dma_start3A_1354 = arith.constant 0 : i32
        %dma_start3A_1355 = tpu.memref_slice %arg12[%dma_start3A_1352, %dma_start3A_1353, %dma_start3A_1354] : memref<2x1600x32xf32, #tpu.memory_space<vmem>> -> memref<1x1600x32xf32, #tpu.memory_space<vmem>>
        %dma_start3A_1356 = tpu.memref_squeeze %dma_start3A_1355 : memref<1x1600x32xf32, #tpu.memory_space<vmem>> -> memref<1600x32xf32, #tpu.memory_space<vmem>>
        %dma_start3A_1357 = arith.constant 1024 : i32
        %dma_start3A_1358 = arith.constant 0 : i32
        %dma_start3A_1359 = tpu.memref_slice %dma_start3A_1356[%dma_start3A_1357, %dma_start3A_1358] : memref<1600x32xf32, #tpu.memory_space<vmem>> -> memref<128x32xf32, #tpu.memory_space<vmem>>
        %dma_start3A_1360 = arith.constant 0 : i32
        %dma_start3A_1361 = tpu.memref_slice %arg11[%dma_start3A_1351, %dma_start3A_1360] : memref<2x1600xi32, #tpu.memory_space<vmem>> -> memref<1x1600xi32, #tpu.memory_space<vmem>>
        %dma_start3A_1362 = tpu.memref_squeeze %dma_start3A_1361 : memref<1x1600xi32, #tpu.memory_space<vmem>> -> memref<1600xi32, #tpu.memory_space<vmem>>
        %dma_start3A_1363 = arith.constant 1024 : i32
        %dma_start3A_1364 = tpu.memref_slice %dma_start3A_1362[%dma_start3A_1363] : memref<1600xi32, #tpu.memory_space<vmem>> -> memref<128xi32, #tpu.memory_space<vmem>>
        %dma_start3A_1365 = arith.constant 0 : i32
        %dma_start3A_1366 = arith.constant 0 : i32
        %dma_start3A_1367 = tpu.memref_slice %arg9[%dma_start3A_1365, %dma_start3A_1366] : memref<1000001x32xf32, #tpu.memory_space<hbm>> -> memref<1000001x32xf32, #tpu.memory_space<hbm>>
        tpu.enqueue_indirect_dma source(%dma_start3A_1367 : memref<1000001x32xf32, #tpu.memory_space<hbm>>) target(%dma_start3A_1359 : memref<128x32xf32, #tpu.memory_space<vmem>>) offsets(%dma_start3A_1364 : memref<128xi32, #tpu.memory_space<vmem>>) semaphore(%arg20 : memref<!tpu.dma_semaphore, #tpu.memory_space<semaphore_mem>>)
        %dma_start3A_1368 = arith.constant 0 : i32
        %dma_start3A_1369 = arith.constant 0 : i32
        %dma_start3A_1370 = arith.constant 0 : i32
        %dma_start3A_1371 = arith.constant 0 : i32
        %dma_start3A_1372 = tpu.memref_slice %arg12[%dma_start3A_1369, %dma_start3A_1370, %dma_start3A_1371] : memref<2x1600x32xf32, #tpu.memory_space<vmem>> -> memref<1x1600x32xf32, #tpu.memory_space<vmem>>
        %dma_start3A_1373 = tpu.memref_squeeze %dma_start3A_1372 : memref<1x1600x32xf32, #tpu.memory_space<vmem>> -> memref<1600x32xf32, #tpu.memory_space<vmem>>
        %dma_start3A_1374 = arith.constant 1152 : i32
        %dma_start3A_1375 = arith.constant 0 : i32
        %dma_start3A_1376 = tpu.memref_slice %dma_start3A_1373[%dma_start3A_1374, %dma_start3A_1375] : memref<1600x32xf32, #tpu.memory_space<vmem>> -> memref<128x32xf32, #tpu.memory_space<vmem>>
        %dma_start3A_1377 = arith.constant 0 : i32
        %dma_start3A_1378 = tpu.memref_slice %arg11[%dma_start3A_1368, %dma_start3A_1377] : memref<2x1600xi32, #tpu.memory_space<vmem>> -> memref<1x1600xi32, #tpu.memory_space<vmem>>
        %dma_start3A_1379 = tpu.memref_squeeze %dma_start3A_1378 : memref<1x1600xi32, #tpu.memory_space<vmem>> -> memref<1600xi32, #tpu.memory_space<vmem>>
        %dma_start3A_1380 = arith.constant 1152 : i32
        %dma_start3A_1381 = tpu.memref_slice %dma_start3A_1379[%dma_start3A_1380] : memref<1600xi32, #tpu.memory_space<vmem>> -> memref<128xi32, #tpu.memory_space<vmem>>
        %dma_start3A_1382 = arith.constant 0 : i32
        %dma_start3A_1383 = arith.constant 0 : i32
        %dma_start3A_1384 = tpu.memref_slice %arg9[%dma_start3A_1382, %dma_start3A_1383] : memref<1000001x32xf32, #tpu.memory_space<hbm>> -> memref<1000001x32xf32, #tpu.memory_space<hbm>>
        tpu.enqueue_indirect_dma source(%dma_start3A_1384 : memref<1000001x32xf32, #tpu.memory_space<hbm>>) target(%dma_start3A_1376 : memref<128x32xf32, #tpu.memory_space<vmem>>) offsets(%dma_start3A_1381 : memref<128xi32, #tpu.memory_space<vmem>>) semaphore(%arg20 : memref<!tpu.dma_semaphore, #tpu.memory_space<semaphore_mem>>)
        %dma_start3A_1385 = arith.constant 0 : i32
        %dma_start3A_1386 = arith.constant 0 : i32
        %dma_start3A_1387 = arith.constant 0 : i32
        %dma_start3A_1388 = arith.constant 0 : i32
        %dma_start3A_1389 = tpu.memref_slice %arg12[%dma_start3A_1386, %dma_start3A_1387, %dma_start3A_1388] : memref<2x1600x32xf32, #tpu.memory_space<vmem>> -> memref<1x1600x32xf32, #tpu.memory_space<vmem>>
        %dma_start3A_1390 = tpu.memref_squeeze %dma_start3A_1389 : memref<1x1600x32xf32, #tpu.memory_space<vmem>> -> memref<1600x32xf32, #tpu.memory_space<vmem>>
        %dma_start3A_1391 = arith.constant 1280 : i32
        %dma_start3A_1392 = arith.constant 0 : i32
        %dma_start3A_1393 = tpu.memref_slice %dma_start3A_1390[%dma_start3A_1391, %dma_start3A_1392] : memref<1600x32xf32, #tpu.memory_space<vmem>> -> memref<128x32xf32, #tpu.memory_space<vmem>>
        %dma_start3A_1394 = arith.constant 0 : i32
        %dma_start3A_1395 = tpu.memref_slice %arg11[%dma_start3A_1385, %dma_start3A_1394] : memref<2x1600xi32, #tpu.memory_space<vmem>> -> memref<1x1600xi32, #tpu.memory_space<vmem>>
        %dma_start3A_1396 = tpu.memref_squeeze %dma_start3A_1395 : memref<1x1600xi32, #tpu.memory_space<vmem>> -> memref<1600xi32, #tpu.memory_space<vmem>>
        %dma_start3A_1397 = arith.constant 1280 : i32
        %dma_start3A_1398 = tpu.memref_slice %dma_start3A_1396[%dma_start3A_1397] : memref<1600xi32, #tpu.memory_space<vmem>> -> memref<128xi32, #tpu.memory_space<vmem>>
        %dma_start3A_1399 = arith.constant 0 : i32
        %dma_start3A_1400 = arith.constant 0 : i32
        %dma_start3A_1401 = tpu.memref_slice %arg9[%dma_start3A_1399, %dma_start3A_1400] : memref<1000001x32xf32, #tpu.memory_space<hbm>> -> memref<1000001x32xf32, #tpu.memory_space<hbm>>
        tpu.enqueue_indirect_dma source(%dma_start3A_1401 : memref<1000001x32xf32, #tpu.memory_space<hbm>>) target(%dma_start3A_1393 : memref<128x32xf32, #tpu.memory_space<vmem>>) offsets(%dma_start3A_1398 : memref<128xi32, #tpu.memory_space<vmem>>) semaphore(%arg20 : memref<!tpu.dma_semaphore, #tpu.memory_space<semaphore_mem>>)
        %dma_start3A_1402 = arith.constant 0 : i32
        %dma_start3A_1403 = arith.constant 0 : i32
        %dma_start3A_1404 = arith.constant 0 : i32
        %dma_start3A_1405 = arith.constant 0 : i32
        %dma_start3A_1406 = tpu.memref_slice %arg12[%dma_start3A_1403, %dma_start3A_1404, %dma_start3A_1405] : memref<2x1600x32xf32, #tpu.memory_space<vmem>> -> memref<1x1600x32xf32, #tpu.memory_space<vmem>>
        %dma_start3A_1407 = tpu.memref_squeeze %dma_start3A_1406 : memref<1x1600x32xf32, #tpu.memory_space<vmem>> -> memref<1600x32xf32, #tpu.memory_space<vmem>>
        %dma_start3A_1408 = arith.constant 1408 : i32
        %dma_start3A_1409 = arith.constant 0 : i32
        %dma_start3A_1410 = tpu.memref_slice %dma_start3A_1407[%dma_start3A_1408, %dma_start3A_1409] : memref<1600x32xf32, #tpu.memory_space<vmem>> -> memref<128x32xf32, #tpu.memory_space<vmem>>
        %dma_start3A_1411 = arith.constant 0 : i32
        %dma_start3A_1412 = tpu.memref_slice %arg11[%dma_start3A_1402, %dma_start3A_1411] : memref<2x1600xi32, #tpu.memory_space<vmem>> -> memref<1x1600xi32, #tpu.memory_space<vmem>>
        %dma_start3A_1413 = tpu.memref_squeeze %dma_start3A_1412 : memref<1x1600xi32, #tpu.memory_space<vmem>> -> memref<1600xi32, #tpu.memory_space<vmem>>
        %dma_start3A_1414 = arith.constant 1408 : i32
        %dma_start3A_1415 = tpu.memref_slice %dma_start3A_1413[%dma_start3A_1414] : memref<1600xi32, #tpu.memory_space<vmem>> -> memref<128xi32, #tpu.memory_space<vmem>>
        %dma_start3A_1416 = arith.constant 0 : i32
        %dma_start3A_1417 = arith.constant 0 : i32
        %dma_start3A_1418 = tpu.memref_slice %arg9[%dma_start3A_1416, %dma_start3A_1417] : memref<1000001x32xf32, #tpu.memory_space<hbm>> -> memref<1000001x32xf32, #tpu.memory_space<hbm>>
        tpu.enqueue_indirect_dma source(%dma_start3A_1418 : memref<1000001x32xf32, #tpu.memory_space<hbm>>) target(%dma_start3A_1410 : memref<128x32xf32, #tpu.memory_space<vmem>>) offsets(%dma_start3A_1415 : memref<128xi32, #tpu.memory_space<vmem>>) semaphore(%arg20 : memref<!tpu.dma_semaphore, #tpu.memory_space<semaphore_mem>>)
        %dma_start3A_1419 = arith.constant 0 : i32
        %dma_start3A_1420 = arith.constant 0 : i32
        %dma_start3A_1421 = arith.constant 0 : i32
        %dma_start3A_1422 = arith.constant 0 : i32
        %dma_start3A_1423 = tpu.memref_slice %arg12[%dma_start3A_1420, %dma_start3A_1421, %dma_start3A_1422] : memref<2x1600x32xf32, #tpu.memory_space<vmem>> -> memref<1x1600x32xf32, #tpu.memory_space<vmem>>
        %dma_start3A_1424 = tpu.memref_squeeze %dma_start3A_1423 : memref<1x1600x32xf32, #tpu.memory_space<vmem>> -> memref<1600x32xf32, #tpu.memory_space<vmem>>
        %dma_start3A_1425 = arith.constant 1536 : i32
        %dma_start3A_1426 = arith.constant 0 : i32
        %dma_start3A_1427 = tpu.memref_slice %dma_start3A_1424[%dma_start3A_1425, %dma_start3A_1426] : memref<1600x32xf32, #tpu.memory_space<vmem>> -> memref<64x32xf32, #tpu.memory_space<vmem>>
        %dma_start3A_1428 = arith.constant 0 : i32
        %dma_start3A_1429 = tpu.memref_slice %arg11[%dma_start3A_1419, %dma_start3A_1428] : memref<2x1600xi32, #tpu.memory_space<vmem>> -> memref<1x1600xi32, #tpu.memory_space<vmem>>
        %dma_start3A_1430 = tpu.memref_squeeze %dma_start3A_1429 : memref<1x1600xi32, #tpu.memory_space<vmem>> -> memref<1600xi32, #tpu.memory_space<vmem>>
        %dma_start3A_1431 = arith.constant 1536 : i32
        %dma_start3A_1432 = tpu.memref_slice %dma_start3A_1430[%dma_start3A_1431] : memref<1600xi32, #tpu.memory_space<vmem>> -> memref<64xi32, #tpu.memory_space<vmem>>
        %dma_start3A_1433 = arith.constant 0 : i32
        %dma_start3A_1434 = arith.constant 0 : i32
        %dma_start3A_1435 = tpu.memref_slice %arg9[%dma_start3A_1433, %dma_start3A_1434] : memref<1000001x32xf32, #tpu.memory_space<hbm>> -> memref<1000001x32xf32, #tpu.memory_space<hbm>>
        tpu.enqueue_indirect_dma source(%dma_start3A_1435 : memref<1000001x32xf32, #tpu.memory_space<hbm>>) target(%dma_start3A_1427 : memref<64x32xf32, #tpu.memory_space<vmem>>) offsets(%dma_start3A_1432 : memref<64xi32, #tpu.memory_space<vmem>>) semaphore(%arg20 : memref<!tpu.dma_semaphore, #tpu.memory_space<semaphore_mem>>)
        %run_scoped3A_1436 = arith.constant 0 : i32
        "tpu.region"() ({
          %run_scoped3A_1475 = tpu.sem_alloc : memref<!tpu.dma_semaphore, #tpu.memory_space<semaphore_mem>>
          %dma_start3A_1476 = arith.constant 0 : i32
          %dma_start3A_1477 = tpu.memref_slice %arg13[%run_scoped3A_1436, %dma_start3A_1476] : memref<2x32xi32, #tpu.memory_space<vmem>> -> memref<1x32xi32, #tpu.memory_space<vmem>>
          %dma_start3A_1478 = tpu.memref_squeeze %dma_start3A_1477 : memref<1x32xi32, #tpu.memory_space<vmem>> -> memref<32xi32, #tpu.memory_space<vmem>>
          %dma_start3A_1479 = tpu.memref_slice %arg2[%multiple_of3A_1210] : memref<16384xi32, #tpu.memory_space<hbm>> -> memref<32xi32, #tpu.memory_space<hbm>>
          %dma_start3A_1480 = arith.constant 0 : i32
          %dma_start3A_1481 = tpu.memref_slice %arg13[%run_scoped3A_1436, %dma_start3A_1480] : memref<2x32xi32, #tpu.memory_space<vmem>> -> memref<1x32xi32, #tpu.memory_space<vmem>>
          %dma_start3A_1482 = tpu.memref_squeeze %dma_start3A_1481 : memref<1x32xi32, #tpu.memory_space<vmem>> -> memref<32xi32, #tpu.memory_space<vmem>>
          %dma_start3A_1483 = tpu.memref_slice %arg2[%multiple_of3A_1210] : memref<16384xi32, #tpu.memory_space<hbm>> -> memref<32xi32, #tpu.memory_space<hbm>>
          tpu.enqueue_dma source(%dma_start3A_1483 : memref<32xi32, #tpu.memory_space<hbm>>) target(%dma_start3A_1482 : memref<32xi32, #tpu.memory_space<vmem>>) target_semaphore(%run_scoped3A_1475 : memref<!tpu.dma_semaphore, #tpu.memory_space<semaphore_mem>>)
          %dma_wait3A_1484 = arith.constant 0 : i32
          %dma_wait3A_1485 = tpu.memref_slice %arg13[%run_scoped3A_1436, %dma_wait3A_1484] : memref<2x32xi32, #tpu.memory_space<vmem>> -> memref<1x32xi32, #tpu.memory_space<vmem>>
          %dma_wait3A_1486 = tpu.memref_squeeze %dma_wait3A_1485 : memref<1x32xi32, #tpu.memory_space<vmem>> -> memref<32xi32, #tpu.memory_space<vmem>>
          %dma_wait3A_1487 = tpu.memref_slice %arg2[%multiple_of3A_1210] : memref<16384xi32, #tpu.memory_space<hbm>> -> memref<32xi32, #tpu.memory_space<hbm>>
          %dma_wait3A_1488 = arith.constant 0 : i32
          %dma_wait3A_1489 = tpu.memref_slice %arg13[%run_scoped3A_1436, %dma_wait3A_1488] : memref<2x32xi32, #tpu.memory_space<vmem>> -> memref<1x32xi32, #tpu.memory_space<vmem>>
          %dma_wait3A_1490 = tpu.memref_squeeze %dma_wait3A_1489 : memref<1x32xi32, #tpu.memory_space<vmem>> -> memref<32xi32, #tpu.memory_space<vmem>>
          %dma_wait3A_1491 = tpu.memref_slice %arg2[%multiple_of3A_1210] : memref<16384xi32, #tpu.memory_space<hbm>> -> memref<32xi32, #tpu.memory_space<hbm>>
          tpu.wait_dma2 semaphore(%run_scoped3A_1475 : memref<!tpu.dma_semaphore, #tpu.memory_space<semaphore_mem>>) src(%dma_wait3A_1491 : memref<32xi32, #tpu.memory_space<hbm>>) dst(%dma_wait3A_1490 : memref<32xi32, #tpu.memory_space<vmem>>)
          tpu.yield
        }) : () -> ()
        %run_scoped3A_1437 = arith.constant 0 : i32
        "tpu.region"() ({
          %run_scoped3A_1475 = tpu.sem_alloc : memref<!tpu.dma_semaphore, #tpu.memory_space<semaphore_mem>>
          %dma_start3A_1476 = arith.constant 0 : i32
          %dma_start3A_1477 = tpu.memref_slice %arg14[%run_scoped3A_1437, %dma_start3A_1476] : memref<2x32xi32, #tpu.memory_space<vmem>> -> memref<1x32xi32, #tpu.memory_space<vmem>>
          %dma_start3A_1478 = tpu.memref_squeeze %dma_start3A_1477 : memref<1x32xi32, #tpu.memory_space<vmem>> -> memref<32xi32, #tpu.memory_space<vmem>>
          %dma_start3A_1479 = tpu.memref_slice %arg3[%multiple_of3A_1210] : memref<16384xi32, #tpu.memory_space<hbm>> -> memref<32xi32, #tpu.memory_space<hbm>>
          %dma_start3A_1480 = arith.constant 0 : i32
          %dma_start3A_1481 = tpu.memref_slice %arg14[%run_scoped3A_1437, %dma_start3A_1480] : memref<2x32xi32, #tpu.memory_space<vmem>> -> memref<1x32xi32, #tpu.memory_space<vmem>>
          %dma_start3A_1482 = tpu.memref_squeeze %dma_start3A_1481 : memref<1x32xi32, #tpu.memory_space<vmem>> -> memref<32xi32, #tpu.memory_space<vmem>>
          %dma_start3A_1483 = tpu.memref_slice %arg3[%multiple_of3A_1210] : memref<16384xi32, #tpu.memory_space<hbm>> -> memref<32xi32, #tpu.memory_space<hbm>>
          tpu.enqueue_dma source(%dma_start3A_1483 : memref<32xi32, #tpu.memory_space<hbm>>) target(%dma_start3A_1482 : memref<32xi32, #tpu.memory_space<vmem>>) target_semaphore(%run_scoped3A_1475 : memref<!tpu.dma_semaphore, #tpu.memory_space<semaphore_mem>>)
          %dma_wait3A_1484 = arith.constant 0 : i32
          %dma_wait3A_1485 = tpu.memref_slice %arg14[%run_scoped3A_1437, %dma_wait3A_1484] : memref<2x32xi32, #tpu.memory_space<vmem>> -> memref<1x32xi32, #tpu.memory_space<vmem>>
          %dma_wait3A_1486 = tpu.memref_squeeze %dma_wait3A_1485 : memref<1x32xi32, #tpu.memory_space<vmem>> -> memref<32xi32, #tpu.memory_space<vmem>>
          %dma_wait3A_1487 = tpu.memref_slice %arg3[%multiple_of3A_1210] : memref<16384xi32, #tpu.memory_space<hbm>> -> memref<32xi32, #tpu.memory_space<hbm>>
          %dma_wait3A_1488 = arith.constant 0 : i32
          %dma_wait3A_1489 = tpu.memref_slice %arg14[%run_scoped3A_1437, %dma_wait3A_1488] : memref<2x32xi32, #tpu.memory_space<vmem>> -> memref<1x32xi32, #tpu.memory_space<vmem>>
          %dma_wait3A_1490 = tpu.memref_squeeze %dma_wait3A_1489 : memref<1x32xi32, #tpu.memory_space<vmem>> -> memref<32xi32, #tpu.memory_space<vmem>>
          %dma_wait3A_1491 = tpu.memref_slice %arg3[%multiple_of3A_1210] : memref<16384xi32, #tpu.memory_space<hbm>> -> memref<32xi32, #tpu.memory_space<hbm>>
          tpu.wait_dma2 semaphore(%run_scoped3A_1475 : memref<!tpu.dma_semaphore, #tpu.memory_space<semaphore_mem>>) src(%dma_wait3A_1491 : memref<32xi32, #tpu.memory_space<hbm>>) dst(%dma_wait3A_1490 : memref<32xi32, #tpu.memory_space<vmem>>)
          tpu.yield
        }) : () -> ()
        %run_scoped3A_1438 = arith.constant 0 : i32
        "tpu.region"() ({
          %run_scoped3A_1475 = tpu.sem_alloc : memref<!tpu.dma_semaphore, #tpu.memory_space<semaphore_mem>>
          %dma_start3A_1476 = arith.constant 0 : i32
          %dma_start3A_1477 = tpu.memref_slice %arg15[%run_scoped3A_1438, %dma_start3A_1476] : memref<2x32xi32, #tpu.memory_space<vmem>> -> memref<1x32xi32, #tpu.memory_space<vmem>>
          %dma_start3A_1478 = tpu.memref_squeeze %dma_start3A_1477 : memref<1x32xi32, #tpu.memory_space<vmem>> -> memref<32xi32, #tpu.memory_space<vmem>>
          %dma_start3A_1479 = tpu.memref_slice %arg4[%multiple_of3A_1210] : memref<16384xi32, #tpu.memory_space<hbm>> -> memref<32xi32, #tpu.memory_space<hbm>>
          %dma_start3A_1480 = arith.constant 0 : i32
          %dma_start3A_1481 = tpu.memref_slice %arg15[%run_scoped3A_1438, %dma_start3A_1480] : memref<2x32xi32, #tpu.memory_space<vmem>> -> memref<1x32xi32, #tpu.memory_space<vmem>>
          %dma_start3A_1482 = tpu.memref_squeeze %dma_start3A_1481 : memref<1x32xi32, #tpu.memory_space<vmem>> -> memref<32xi32, #tpu.memory_space<vmem>>
          %dma_start3A_1483 = tpu.memref_slice %arg4[%multiple_of3A_1210] : memref<16384xi32, #tpu.memory_space<hbm>> -> memref<32xi32, #tpu.memory_space<hbm>>
          tpu.enqueue_dma source(%dma_start3A_1483 : memref<32xi32, #tpu.memory_space<hbm>>) target(%dma_start3A_1482 : memref<32xi32, #tpu.memory_space<vmem>>) target_semaphore(%run_scoped3A_1475 : memref<!tpu.dma_semaphore, #tpu.memory_space<semaphore_mem>>)
          %dma_wait3A_1484 = arith.constant 0 : i32
          %dma_wait3A_1485 = tpu.memref_slice %arg15[%run_scoped3A_1438, %dma_wait3A_1484] : memref<2x32xi32, #tpu.memory_space<vmem>> -> memref<1x32xi32, #tpu.memory_space<vmem>>
          %dma_wait3A_1486 = tpu.memref_squeeze %dma_wait3A_1485 : memref<1x32xi32, #tpu.memory_space<vmem>> -> memref<32xi32, #tpu.memory_space<vmem>>
          %dma_wait3A_1487 = tpu.memref_slice %arg4[%multiple_of3A_1210] : memref<16384xi32, #tpu.memory_space<hbm>> -> memref<32xi32, #tpu.memory_space<hbm>>
          %dma_wait3A_1488 = arith.constant 0 : i32
          %dma_wait3A_1489 = tpu.memref_slice %arg15[%run_scoped3A_1438, %dma_wait3A_1488] : memref<2x32xi32, #tpu.memory_space<vmem>> -> memref<1x32xi32, #tpu.memory_space<vmem>>
          %dma_wait3A_1490 = tpu.memref_squeeze %dma_wait3A_1489 : memref<1x32xi32, #tpu.memory_space<vmem>> -> memref<32xi32, #tpu.memory_space<vmem>>
          %dma_wait3A_1491 = tpu.memref_slice %arg4[%multiple_of3A_1210] : memref<16384xi32, #tpu.memory_space<hbm>> -> memref<32xi32, #tpu.memory_space<hbm>>
          tpu.wait_dma2 semaphore(%run_scoped3A_1475 : memref<!tpu.dma_semaphore, #tpu.memory_space<semaphore_mem>>) src(%dma_wait3A_1491 : memref<32xi32, #tpu.memory_space<hbm>>) dst(%dma_wait3A_1490 : memref<32xi32, #tpu.memory_space<vmem>>)
          tpu.yield
        }) : () -> ()
        %dma_start3A_1439 = arith.constant 0 : i32
        %dma_start3A_1440 = arith.constant 0 : i32
        %dma_start3A_1441 = arith.constant 0 : i32
        %dma_start3A_1442 = arith.constant 0 : i32
        %dma_start3A_1443 = tpu.memref_slice %arg16[%dma_start3A_1440, %dma_start3A_1441, %dma_start3A_1442] : memref<2x32x32xf32, #tpu.memory_space<vmem>> -> memref<1x32x32xf32, #tpu.memory_space<vmem>>
        %dma_start3A_1444 = tpu.memref_squeeze %dma_start3A_1443 : memref<1x32x32xf32, #tpu.memory_space<vmem>> -> memref<32x32xf32, #tpu.memory_space<vmem>>
        %dma_start3A_1445 = arith.constant 0 : i32
        %dma_start3A_1446 = tpu.memref_slice %arg13[%dma_start3A_1439, %dma_start3A_1445] : memref<2x32xi32, #tpu.memory_space<vmem>> -> memref<1x32xi32, #tpu.memory_space<vmem>>
        %dma_start3A_1447 = tpu.memref_squeeze %dma_start3A_1446 : memref<1x32xi32, #tpu.memory_space<vmem>> -> memref<32xi32, #tpu.memory_space<vmem>>
        %dma_start3A_1448 = arith.constant 0 : i32
        %dma_start3A_1449 = arith.constant 0 : i32
        %dma_start3A_1450 = tpu.memref_slice %arg6[%dma_start3A_1448, %dma_start3A_1449] : memref<100001x32xf32, #tpu.memory_space<hbm>> -> memref<100001x32xf32, #tpu.memory_space<hbm>>
        tpu.enqueue_indirect_dma source(%dma_start3A_1450 : memref<100001x32xf32, #tpu.memory_space<hbm>>) target(%dma_start3A_1444 : memref<32x32xf32, #tpu.memory_space<vmem>>) offsets(%dma_start3A_1447 : memref<32xi32, #tpu.memory_space<vmem>>) semaphore(%arg20 : memref<!tpu.dma_semaphore, #tpu.memory_space<semaphore_mem>>)
        %dma_start3A_1451 = arith.constant 0 : i32
        %dma_start3A_1452 = arith.constant 0 : i32
        %dma_start3A_1453 = arith.constant 0 : i32
        %dma_start3A_1454 = arith.constant 0 : i32
        %dma_start3A_1455 = tpu.memref_slice %arg17[%dma_start3A_1452, %dma_start3A_1453, %dma_start3A_1454] : memref<2x32x32xf32, #tpu.memory_space<vmem>> -> memref<1x32x32xf32, #tpu.memory_space<vmem>>
        %dma_start3A_1456 = tpu.memref_squeeze %dma_start3A_1455 : memref<1x32x32xf32, #tpu.memory_space<vmem>> -> memref<32x32xf32, #tpu.memory_space<vmem>>
        %dma_start3A_1457 = arith.constant 0 : i32
        %dma_start3A_1458 = tpu.memref_slice %arg14[%dma_start3A_1451, %dma_start3A_1457] : memref<2x32xi32, #tpu.memory_space<vmem>> -> memref<1x32xi32, #tpu.memory_space<vmem>>
        %dma_start3A_1459 = tpu.memref_squeeze %dma_start3A_1458 : memref<1x32xi32, #tpu.memory_space<vmem>> -> memref<32xi32, #tpu.memory_space<vmem>>
        %dma_start3A_1460 = arith.constant 0 : i32
        %dma_start3A_1461 = arith.constant 0 : i32
        %dma_start3A_1462 = tpu.memref_slice %arg7[%dma_start3A_1460, %dma_start3A_1461] : memref<100x32xf32, #tpu.memory_space<hbm>> -> memref<100x32xf32, #tpu.memory_space<hbm>>
        tpu.enqueue_indirect_dma source(%dma_start3A_1462 : memref<100x32xf32, #tpu.memory_space<hbm>>) target(%dma_start3A_1456 : memref<32x32xf32, #tpu.memory_space<vmem>>) offsets(%dma_start3A_1459 : memref<32xi32, #tpu.memory_space<vmem>>) semaphore(%arg20 : memref<!tpu.dma_semaphore, #tpu.memory_space<semaphore_mem>>)
        %dma_start3A_1463 = arith.constant 0 : i32
        %dma_start3A_1464 = arith.constant 0 : i32
        %dma_start3A_1465 = arith.constant 0 : i32
        %dma_start3A_1466 = arith.constant 0 : i32
        %dma_start3A_1467 = tpu.memref_slice %arg18[%dma_start3A_1464, %dma_start3A_1465, %dma_start3A_1466] : memref<2x32x32xf32, #tpu.memory_space<vmem>> -> memref<1x32x32xf32, #tpu.memory_space<vmem>>
        %dma_start3A_1468 = tpu.memref_squeeze %dma_start3A_1467 : memref<1x32x32xf32, #tpu.memory_space<vmem>> -> memref<32x32xf32, #tpu.memory_space<vmem>>
        %dma_start3A_1469 = arith.constant 0 : i32
        %dma_start3A_1470 = tpu.memref_slice %arg15[%dma_start3A_1463, %dma_start3A_1469] : memref<2x32xi32, #tpu.memory_space<vmem>> -> memref<1x32xi32, #tpu.memory_space<vmem>>
        %dma_start3A_1471 = tpu.memref_squeeze %dma_start3A_1470 : memref<1x32xi32, #tpu.memory_space<vmem>> -> memref<32xi32, #tpu.memory_space<vmem>>
        %dma_start3A_1472 = arith.constant 0 : i32
        %dma_start3A_1473 = arith.constant 0 : i32
        %dma_start3A_1474 = tpu.memref_slice %arg8[%dma_start3A_1472, %dma_start3A_1473] : memref<3x32xf32, #tpu.memory_space<hbm>> -> memref<3x32xf32, #tpu.memory_space<hbm>>
        tpu.enqueue_indirect_dma source(%dma_start3A_1474 : memref<3x32xf32, #tpu.memory_space<hbm>>) target(%dma_start3A_1468 : memref<32x32xf32, #tpu.memory_space<vmem>>) offsets(%dma_start3A_1471 : memref<32xi32, #tpu.memory_space<vmem>>) semaphore(%arg20 : memref<!tpu.dma_semaphore, #tpu.memory_space<semaphore_mem>>)
      } else {
      }
      %dma_wait3A_875 = arith.constant 1 : i32
      %dma_wait3A_876 = arith.constant 0 : i32
      %dma_wait3A_877 = arith.constant 0 : i32
      %dma_wait3A_878 = tpu.memref_slice %arg12[%dma_wait3A_875, %dma_wait3A_876, %dma_wait3A_877] : memref<2x1600x32xf32, #tpu.memory_space<vmem>> -> memref<1x1600x32xf32, #tpu.memory_space<vmem>>
      %dma_wait3A_879 = tpu.memref_squeeze %dma_wait3A_878 : memref<1x1600x32xf32, #tpu.memory_space<vmem>> -> memref<1600x32xf32, #tpu.memory_space<vmem>>
      %dma_wait3A_880 = arith.constant 0 : i32
      %dma_wait3A_881 = arith.constant 0 : i32
      %dma_wait3A_882 = tpu.memref_slice %dma_wait3A_879[%dma_wait3A_880, %dma_wait3A_881] : memref<1600x32xf32, #tpu.memory_space<vmem>> -> memref<128x32xf32, #tpu.memory_space<vmem>>
      %dma_wait3A_883 = arith.constant 0 : i32
      %dma_wait3A_884 = arith.constant 0 : i32
      %dma_wait3A_885 = tpu.memref_slice %arg9[%dma_wait3A_883, %dma_wait3A_884] : memref<1000001x32xf32, #tpu.memory_space<hbm>> -> memref<128x32xf32, #tpu.memory_space<hbm>>
      %dma_wait3A_886 = arith.constant 0 : i32
      %dma_wait3A_887 = arith.constant 0 : i32
      %dma_wait3A_888 = tpu.memref_slice %arg12[%dma_wait3A_875, %dma_wait3A_886, %dma_wait3A_887] : memref<2x1600x32xf32, #tpu.memory_space<vmem>> -> memref<1x1600x32xf32, #tpu.memory_space<vmem>>
      %dma_wait3A_889 = tpu.memref_squeeze %dma_wait3A_888 : memref<1x1600x32xf32, #tpu.memory_space<vmem>> -> memref<1600x32xf32, #tpu.memory_space<vmem>>
      %dma_wait3A_890 = arith.constant 0 : i32
      %dma_wait3A_891 = arith.constant 0 : i32
      %dma_wait3A_892 = tpu.memref_slice %dma_wait3A_889[%dma_wait3A_890, %dma_wait3A_891] : memref<1600x32xf32, #tpu.memory_space<vmem>> -> memref<128x32xf32, #tpu.memory_space<vmem>>
      %dma_wait3A_893 = arith.constant 0 : i32
      %dma_wait3A_894 = arith.constant 0 : i32
      %dma_wait3A_895 = tpu.memref_slice %arg9[%dma_wait3A_893, %dma_wait3A_894] : memref<1000001x32xf32, #tpu.memory_space<hbm>> -> memref<128x32xf32, #tpu.memory_space<hbm>>
      tpu.wait_dma2 semaphore(%arg21 : memref<!tpu.dma_semaphore, #tpu.memory_space<semaphore_mem>>) src(%dma_wait3A_895 : memref<128x32xf32, #tpu.memory_space<hbm>>) dst(%dma_wait3A_892 : memref<128x32xf32, #tpu.memory_space<vmem>>)
      %dma_wait3A_896 = arith.constant 1 : i32
      %dma_wait3A_897 = arith.constant 0 : i32
      %dma_wait3A_898 = arith.constant 0 : i32
      %dma_wait3A_899 = tpu.memref_slice %arg12[%dma_wait3A_896, %dma_wait3A_897, %dma_wait3A_898] : memref<2x1600x32xf32, #tpu.memory_space<vmem>> -> memref<1x1600x32xf32, #tpu.memory_space<vmem>>
      %dma_wait3A_900 = tpu.memref_squeeze %dma_wait3A_899 : memref<1x1600x32xf32, #tpu.memory_space<vmem>> -> memref<1600x32xf32, #tpu.memory_space<vmem>>
      %dma_wait3A_901 = arith.constant 128 : i32
      %dma_wait3A_902 = arith.constant 0 : i32
      %dma_wait3A_903 = tpu.memref_slice %dma_wait3A_900[%dma_wait3A_901, %dma_wait3A_902] : memref<1600x32xf32, #tpu.memory_space<vmem>> -> memref<128x32xf32, #tpu.memory_space<vmem>>
      %dma_wait3A_904 = arith.constant 0 : i32
      %dma_wait3A_905 = arith.constant 0 : i32
      %dma_wait3A_906 = tpu.memref_slice %arg9[%dma_wait3A_904, %dma_wait3A_905] : memref<1000001x32xf32, #tpu.memory_space<hbm>> -> memref<128x32xf32, #tpu.memory_space<hbm>>
      %dma_wait3A_907 = arith.constant 0 : i32
      %dma_wait3A_908 = arith.constant 0 : i32
      %dma_wait3A_909 = tpu.memref_slice %arg12[%dma_wait3A_896, %dma_wait3A_907, %dma_wait3A_908] : memref<2x1600x32xf32, #tpu.memory_space<vmem>> -> memref<1x1600x32xf32, #tpu.memory_space<vmem>>
      %dma_wait3A_910 = tpu.memref_squeeze %dma_wait3A_909 : memref<1x1600x32xf32, #tpu.memory_space<vmem>> -> memref<1600x32xf32, #tpu.memory_space<vmem>>
      %dma_wait3A_911 = arith.constant 128 : i32
      %dma_wait3A_912 = arith.constant 0 : i32
      %dma_wait3A_913 = tpu.memref_slice %dma_wait3A_910[%dma_wait3A_911, %dma_wait3A_912] : memref<1600x32xf32, #tpu.memory_space<vmem>> -> memref<128x32xf32, #tpu.memory_space<vmem>>
      %dma_wait3A_914 = arith.constant 0 : i32
      %dma_wait3A_915 = arith.constant 0 : i32
      %dma_wait3A_916 = tpu.memref_slice %arg9[%dma_wait3A_914, %dma_wait3A_915] : memref<1000001x32xf32, #tpu.memory_space<hbm>> -> memref<128x32xf32, #tpu.memory_space<hbm>>
      tpu.wait_dma2 semaphore(%arg21 : memref<!tpu.dma_semaphore, #tpu.memory_space<semaphore_mem>>) src(%dma_wait3A_916 : memref<128x32xf32, #tpu.memory_space<hbm>>) dst(%dma_wait3A_913 : memref<128x32xf32, #tpu.memory_space<vmem>>)
      %dma_wait3A_917 = arith.constant 1 : i32
      %dma_wait3A_918 = arith.constant 0 : i32
      %dma_wait3A_919 = arith.constant 0 : i32
      %dma_wait3A_920 = tpu.memref_slice %arg12[%dma_wait3A_917, %dma_wait3A_918, %dma_wait3A_919] : memref<2x1600x32xf32, #tpu.memory_space<vmem>> -> memref<1x1600x32xf32, #tpu.memory_space<vmem>>
      %dma_wait3A_921 = tpu.memref_squeeze %dma_wait3A_920 : memref<1x1600x32xf32, #tpu.memory_space<vmem>> -> memref<1600x32xf32, #tpu.memory_space<vmem>>
      %dma_wait3A_922 = arith.constant 256 : i32
      %dma_wait3A_923 = arith.constant 0 : i32
      %dma_wait3A_924 = tpu.memref_slice %dma_wait3A_921[%dma_wait3A_922, %dma_wait3A_923] : memref<1600x32xf32, #tpu.memory_space<vmem>> -> memref<128x32xf32, #tpu.memory_space<vmem>>
      %dma_wait3A_925 = arith.constant 0 : i32
      %dma_wait3A_926 = arith.constant 0 : i32
      %dma_wait3A_927 = tpu.memref_slice %arg9[%dma_wait3A_925, %dma_wait3A_926] : memref<1000001x32xf32, #tpu.memory_space<hbm>> -> memref<128x32xf32, #tpu.memory_space<hbm>>
      %dma_wait3A_928 = arith.constant 0 : i32
      %dma_wait3A_929 = arith.constant 0 : i32
      %dma_wait3A_930 = tpu.memref_slice %arg12[%dma_wait3A_917, %dma_wait3A_928, %dma_wait3A_929] : memref<2x1600x32xf32, #tpu.memory_space<vmem>> -> memref<1x1600x32xf32, #tpu.memory_space<vmem>>
      %dma_wait3A_931 = tpu.memref_squeeze %dma_wait3A_930 : memref<1x1600x32xf32, #tpu.memory_space<vmem>> -> memref<1600x32xf32, #tpu.memory_space<vmem>>
      %dma_wait3A_932 = arith.constant 256 : i32
      %dma_wait3A_933 = arith.constant 0 : i32
      %dma_wait3A_934 = tpu.memref_slice %dma_wait3A_931[%dma_wait3A_932, %dma_wait3A_933] : memref<1600x32xf32, #tpu.memory_space<vmem>> -> memref<128x32xf32, #tpu.memory_space<vmem>>
      %dma_wait3A_935 = arith.constant 0 : i32
      %dma_wait3A_936 = arith.constant 0 : i32
      %dma_wait3A_937 = tpu.memref_slice %arg9[%dma_wait3A_935, %dma_wait3A_936] : memref<1000001x32xf32, #tpu.memory_space<hbm>> -> memref<128x32xf32, #tpu.memory_space<hbm>>
      tpu.wait_dma2 semaphore(%arg21 : memref<!tpu.dma_semaphore, #tpu.memory_space<semaphore_mem>>) src(%dma_wait3A_937 : memref<128x32xf32, #tpu.memory_space<hbm>>) dst(%dma_wait3A_934 : memref<128x32xf32, #tpu.memory_space<vmem>>)
      %dma_wait3A_938 = arith.constant 1 : i32
      %dma_wait3A_939 = arith.constant 0 : i32
      %dma_wait3A_940 = arith.constant 0 : i32
      %dma_wait3A_941 = tpu.memref_slice %arg12[%dma_wait3A_938, %dma_wait3A_939, %dma_wait3A_940] : memref<2x1600x32xf32, #tpu.memory_space<vmem>> -> memref<1x1600x32xf32, #tpu.memory_space<vmem>>
      %dma_wait3A_942 = tpu.memref_squeeze %dma_wait3A_941 : memref<1x1600x32xf32, #tpu.memory_space<vmem>> -> memref<1600x32xf32, #tpu.memory_space<vmem>>
      %dma_wait3A_943 = arith.constant 384 : i32
      %dma_wait3A_944 = arith.constant 0 : i32
      %dma_wait3A_945 = tpu.memref_slice %dma_wait3A_942[%dma_wait3A_943, %dma_wait3A_944] : memref<1600x32xf32, #tpu.memory_space<vmem>> -> memref<128x32xf32, #tpu.memory_space<vmem>>
      %dma_wait3A_946 = arith.constant 0 : i32
      %dma_wait3A_947 = arith.constant 0 : i32
      %dma_wait3A_948 = tpu.memref_slice %arg9[%dma_wait3A_946, %dma_wait3A_947] : memref<1000001x32xf32, #tpu.memory_space<hbm>> -> memref<128x32xf32, #tpu.memory_space<hbm>>
      %dma_wait3A_949 = arith.constant 0 : i32
      %dma_wait3A_950 = arith.constant 0 : i32
      %dma_wait3A_951 = tpu.memref_slice %arg12[%dma_wait3A_938, %dma_wait3A_949, %dma_wait3A_950] : memref<2x1600x32xf32, #tpu.memory_space<vmem>> -> memref<1x1600x32xf32, #tpu.memory_space<vmem>>
      %dma_wait3A_952 = tpu.memref_squeeze %dma_wait3A_951 : memref<1x1600x32xf32, #tpu.memory_space<vmem>> -> memref<1600x32xf32, #tpu.memory_space<vmem>>
      %dma_wait3A_953 = arith.constant 384 : i32
      %dma_wait3A_954 = arith.constant 0 : i32
      %dma_wait3A_955 = tpu.memref_slice %dma_wait3A_952[%dma_wait3A_953, %dma_wait3A_954] : memref<1600x32xf32, #tpu.memory_space<vmem>> -> memref<128x32xf32, #tpu.memory_space<vmem>>
      %dma_wait3A_956 = arith.constant 0 : i32
      %dma_wait3A_957 = arith.constant 0 : i32
      %dma_wait3A_958 = tpu.memref_slice %arg9[%dma_wait3A_956, %dma_wait3A_957] : memref<1000001x32xf32, #tpu.memory_space<hbm>> -> memref<128x32xf32, #tpu.memory_space<hbm>>
      tpu.wait_dma2 semaphore(%arg21 : memref<!tpu.dma_semaphore, #tpu.memory_space<semaphore_mem>>) src(%dma_wait3A_958 : memref<128x32xf32, #tpu.memory_space<hbm>>) dst(%dma_wait3A_955 : memref<128x32xf32, #tpu.memory_space<vmem>>)
      %dma_wait3A_959 = arith.constant 1 : i32
      %dma_wait3A_960 = arith.constant 0 : i32
      %dma_wait3A_961 = arith.constant 0 : i32
      %dma_wait3A_962 = tpu.memref_slice %arg12[%dma_wait3A_959, %dma_wait3A_960, %dma_wait3A_961] : memref<2x1600x32xf32, #tpu.memory_space<vmem>> -> memref<1x1600x32xf32, #tpu.memory_space<vmem>>
      %dma_wait3A_963 = tpu.memref_squeeze %dma_wait3A_962 : memref<1x1600x32xf32, #tpu.memory_space<vmem>> -> memref<1600x32xf32, #tpu.memory_space<vmem>>
      %dma_wait3A_964 = arith.constant 512 : i32
      %dma_wait3A_965 = arith.constant 0 : i32
      %dma_wait3A_966 = tpu.memref_slice %dma_wait3A_963[%dma_wait3A_964, %dma_wait3A_965] : memref<1600x32xf32, #tpu.memory_space<vmem>> -> memref<128x32xf32, #tpu.memory_space<vmem>>
      %dma_wait3A_967 = arith.constant 0 : i32
      %dma_wait3A_968 = arith.constant 0 : i32
      %dma_wait3A_969 = tpu.memref_slice %arg9[%dma_wait3A_967, %dma_wait3A_968] : memref<1000001x32xf32, #tpu.memory_space<hbm>> -> memref<128x32xf32, #tpu.memory_space<hbm>>
      %dma_wait3A_970 = arith.constant 0 : i32
      %dma_wait3A_971 = arith.constant 0 : i32
      %dma_wait3A_972 = tpu.memref_slice %arg12[%dma_wait3A_959, %dma_wait3A_970, %dma_wait3A_971] : memref<2x1600x32xf32, #tpu.memory_space<vmem>> -> memref<1x1600x32xf32, #tpu.memory_space<vmem>>
      %dma_wait3A_973 = tpu.memref_squeeze %dma_wait3A_972 : memref<1x1600x32xf32, #tpu.memory_space<vmem>> -> memref<1600x32xf32, #tpu.memory_space<vmem>>
      %dma_wait3A_974 = arith.constant 512 : i32
      %dma_wait3A_975 = arith.constant 0 : i32
      %dma_wait3A_976 = tpu.memref_slice %dma_wait3A_973[%dma_wait3A_974, %dma_wait3A_975] : memref<1600x32xf32, #tpu.memory_space<vmem>> -> memref<128x32xf32, #tpu.memory_space<vmem>>
      %dma_wait3A_977 = arith.constant 0 : i32
      %dma_wait3A_978 = arith.constant 0 : i32
      %dma_wait3A_979 = tpu.memref_slice %arg9[%dma_wait3A_977, %dma_wait3A_978] : memref<1000001x32xf32, #tpu.memory_space<hbm>> -> memref<128x32xf32, #tpu.memory_space<hbm>>
      tpu.wait_dma2 semaphore(%arg21 : memref<!tpu.dma_semaphore, #tpu.memory_space<semaphore_mem>>) src(%dma_wait3A_979 : memref<128x32xf32, #tpu.memory_space<hbm>>) dst(%dma_wait3A_976 : memref<128x32xf32, #tpu.memory_space<vmem>>)
      %dma_wait3A_980 = arith.constant 1 : i32
      %dma_wait3A_981 = arith.constant 0 : i32
      %dma_wait3A_982 = arith.constant 0 : i32
      %dma_wait3A_983 = tpu.memref_slice %arg12[%dma_wait3A_980, %dma_wait3A_981, %dma_wait3A_982] : memref<2x1600x32xf32, #tpu.memory_space<vmem>> -> memref<1x1600x32xf32, #tpu.memory_space<vmem>>
      %dma_wait3A_984 = tpu.memref_squeeze %dma_wait3A_983 : memref<1x1600x32xf32, #tpu.memory_space<vmem>> -> memref<1600x32xf32, #tpu.memory_space<vmem>>
      %dma_wait3A_985 = arith.constant 640 : i32
      %dma_wait3A_986 = arith.constant 0 : i32
      %dma_wait3A_987 = tpu.memref_slice %dma_wait3A_984[%dma_wait3A_985, %dma_wait3A_986] : memref<1600x32xf32, #tpu.memory_space<vmem>> -> memref<128x32xf32, #tpu.memory_space<vmem>>
      %dma_wait3A_988 = arith.constant 0 : i32
      %dma_wait3A_989 = arith.constant 0 : i32
      %dma_wait3A_990 = tpu.memref_slice %arg9[%dma_wait3A_988, %dma_wait3A_989] : memref<1000001x32xf32, #tpu.memory_space<hbm>> -> memref<128x32xf32, #tpu.memory_space<hbm>>
      %dma_wait3A_991 = arith.constant 0 : i32
      %dma_wait3A_992 = arith.constant 0 : i32
      %dma_wait3A_993 = tpu.memref_slice %arg12[%dma_wait3A_980, %dma_wait3A_991, %dma_wait3A_992] : memref<2x1600x32xf32, #tpu.memory_space<vmem>> -> memref<1x1600x32xf32, #tpu.memory_space<vmem>>
      %dma_wait3A_994 = tpu.memref_squeeze %dma_wait3A_993 : memref<1x1600x32xf32, #tpu.memory_space<vmem>> -> memref<1600x32xf32, #tpu.memory_space<vmem>>
      %dma_wait3A_995 = arith.constant 640 : i32
      %dma_wait3A_996 = arith.constant 0 : i32
      %dma_wait3A_997 = tpu.memref_slice %dma_wait3A_994[%dma_wait3A_995, %dma_wait3A_996] : memref<1600x32xf32, #tpu.memory_space<vmem>> -> memref<128x32xf32, #tpu.memory_space<vmem>>
      %dma_wait3A_998 = arith.constant 0 : i32
      %dma_wait3A_999 = arith.constant 0 : i32
      %dma_wait3A_1000 = tpu.memref_slice %arg9[%dma_wait3A_998, %dma_wait3A_999] : memref<1000001x32xf32, #tpu.memory_space<hbm>> -> memref<128x32xf32, #tpu.memory_space<hbm>>
      tpu.wait_dma2 semaphore(%arg21 : memref<!tpu.dma_semaphore, #tpu.memory_space<semaphore_mem>>) src(%dma_wait3A_1000 : memref<128x32xf32, #tpu.memory_space<hbm>>) dst(%dma_wait3A_997 : memref<128x32xf32, #tpu.memory_space<vmem>>)
      %dma_wait3A_1001 = arith.constant 1 : i32
      %dma_wait3A_1002 = arith.constant 0 : i32
      %dma_wait3A_1003 = arith.constant 0 : i32
      %dma_wait3A_1004 = tpu.memref_slice %arg12[%dma_wait3A_1001, %dma_wait3A_1002, %dma_wait3A_1003] : memref<2x1600x32xf32, #tpu.memory_space<vmem>> -> memref<1x1600x32xf32, #tpu.memory_space<vmem>>
      %dma_wait3A_1005 = tpu.memref_squeeze %dma_wait3A_1004 : memref<1x1600x32xf32, #tpu.memory_space<vmem>> -> memref<1600x32xf32, #tpu.memory_space<vmem>>
      %dma_wait3A_1006 = arith.constant 768 : i32
      %dma_wait3A_1007 = arith.constant 0 : i32
      %dma_wait3A_1008 = tpu.memref_slice %dma_wait3A_1005[%dma_wait3A_1006, %dma_wait3A_1007] : memref<1600x32xf32, #tpu.memory_space<vmem>> -> memref<128x32xf32, #tpu.memory_space<vmem>>
      %dma_wait3A_1009 = arith.constant 0 : i32
      %dma_wait3A_1010 = arith.constant 0 : i32
      %dma_wait3A_1011 = tpu.memref_slice %arg9[%dma_wait3A_1009, %dma_wait3A_1010] : memref<1000001x32xf32, #tpu.memory_space<hbm>> -> memref<128x32xf32, #tpu.memory_space<hbm>>
      %dma_wait3A_1012 = arith.constant 0 : i32
      %dma_wait3A_1013 = arith.constant 0 : i32
      %dma_wait3A_1014 = tpu.memref_slice %arg12[%dma_wait3A_1001, %dma_wait3A_1012, %dma_wait3A_1013] : memref<2x1600x32xf32, #tpu.memory_space<vmem>> -> memref<1x1600x32xf32, #tpu.memory_space<vmem>>
      %dma_wait3A_1015 = tpu.memref_squeeze %dma_wait3A_1014 : memref<1x1600x32xf32, #tpu.memory_space<vmem>> -> memref<1600x32xf32, #tpu.memory_space<vmem>>
      %dma_wait3A_1016 = arith.constant 768 : i32
      %dma_wait3A_1017 = arith.constant 0 : i32
      %dma_wait3A_1018 = tpu.memref_slice %dma_wait3A_1015[%dma_wait3A_1016, %dma_wait3A_1017] : memref<1600x32xf32, #tpu.memory_space<vmem>> -> memref<128x32xf32, #tpu.memory_space<vmem>>
      %dma_wait3A_1019 = arith.constant 0 : i32
      %dma_wait3A_1020 = arith.constant 0 : i32
      %dma_wait3A_1021 = tpu.memref_slice %arg9[%dma_wait3A_1019, %dma_wait3A_1020] : memref<1000001x32xf32, #tpu.memory_space<hbm>> -> memref<128x32xf32, #tpu.memory_space<hbm>>
      tpu.wait_dma2 semaphore(%arg21 : memref<!tpu.dma_semaphore, #tpu.memory_space<semaphore_mem>>) src(%dma_wait3A_1021 : memref<128x32xf32, #tpu.memory_space<hbm>>) dst(%dma_wait3A_1018 : memref<128x32xf32, #tpu.memory_space<vmem>>)
      %dma_wait3A_1022 = arith.constant 1 : i32
      %dma_wait3A_1023 = arith.constant 0 : i32
      %dma_wait3A_1024 = arith.constant 0 : i32
      %dma_wait3A_1025 = tpu.memref_slice %arg12[%dma_wait3A_1022, %dma_wait3A_1023, %dma_wait3A_1024] : memref<2x1600x32xf32, #tpu.memory_space<vmem>> -> memref<1x1600x32xf32, #tpu.memory_space<vmem>>
      %dma_wait3A_1026 = tpu.memref_squeeze %dma_wait3A_1025 : memref<1x1600x32xf32, #tpu.memory_space<vmem>> -> memref<1600x32xf32, #tpu.memory_space<vmem>>
      %dma_wait3A_1027 = arith.constant 896 : i32
      %dma_wait3A_1028 = arith.constant 0 : i32
      %dma_wait3A_1029 = tpu.memref_slice %dma_wait3A_1026[%dma_wait3A_1027, %dma_wait3A_1028] : memref<1600x32xf32, #tpu.memory_space<vmem>> -> memref<128x32xf32, #tpu.memory_space<vmem>>
      %dma_wait3A_1030 = arith.constant 0 : i32
      %dma_wait3A_1031 = arith.constant 0 : i32
      %dma_wait3A_1032 = tpu.memref_slice %arg9[%dma_wait3A_1030, %dma_wait3A_1031] : memref<1000001x32xf32, #tpu.memory_space<hbm>> -> memref<128x32xf32, #tpu.memory_space<hbm>>
      %dma_wait3A_1033 = arith.constant 0 : i32
      %dma_wait3A_1034 = arith.constant 0 : i32
      %dma_wait3A_1035 = tpu.memref_slice %arg12[%dma_wait3A_1022, %dma_wait3A_1033, %dma_wait3A_1034] : memref<2x1600x32xf32, #tpu.memory_space<vmem>> -> memref<1x1600x32xf32, #tpu.memory_space<vmem>>
      %dma_wait3A_1036 = tpu.memref_squeeze %dma_wait3A_1035 : memref<1x1600x32xf32, #tpu.memory_space<vmem>> -> memref<1600x32xf32, #tpu.memory_space<vmem>>
      %dma_wait3A_1037 = arith.constant 896 : i32
      %dma_wait3A_1038 = arith.constant 0 : i32
      %dma_wait3A_1039 = tpu.memref_slice %dma_wait3A_1036[%dma_wait3A_1037, %dma_wait3A_1038] : memref<1600x32xf32, #tpu.memory_space<vmem>> -> memref<128x32xf32, #tpu.memory_space<vmem>>
      %dma_wait3A_1040 = arith.constant 0 : i32
      %dma_wait3A_1041 = arith.constant 0 : i32
      %dma_wait3A_1042 = tpu.memref_slice %arg9[%dma_wait3A_1040, %dma_wait3A_1041] : memref<1000001x32xf32, #tpu.memory_space<hbm>> -> memref<128x32xf32, #tpu.memory_space<hbm>>
      tpu.wait_dma2 semaphore(%arg21 : memref<!tpu.dma_semaphore, #tpu.memory_space<semaphore_mem>>) src(%dma_wait3A_1042 : memref<128x32xf32, #tpu.memory_space<hbm>>) dst(%dma_wait3A_1039 : memref<128x32xf32, #tpu.memory_space<vmem>>)
      %dma_wait3A_1043 = arith.constant 1 : i32
      %dma_wait3A_1044 = arith.constant 0 : i32
      %dma_wait3A_1045 = arith.constant 0 : i32
      %dma_wait3A_1046 = tpu.memref_slice %arg12[%dma_wait3A_1043, %dma_wait3A_1044, %dma_wait3A_1045] : memref<2x1600x32xf32, #tpu.memory_space<vmem>> -> memref<1x1600x32xf32, #tpu.memory_space<vmem>>
      %dma_wait3A_1047 = tpu.memref_squeeze %dma_wait3A_1046 : memref<1x1600x32xf32, #tpu.memory_space<vmem>> -> memref<1600x32xf32, #tpu.memory_space<vmem>>
      %dma_wait3A_1048 = arith.constant 1024 : i32
      %dma_wait3A_1049 = arith.constant 0 : i32
      %dma_wait3A_1050 = tpu.memref_slice %dma_wait3A_1047[%dma_wait3A_1048, %dma_wait3A_1049] : memref<1600x32xf32, #tpu.memory_space<vmem>> -> memref<128x32xf32, #tpu.memory_space<vmem>>
      %dma_wait3A_1051 = arith.constant 0 : i32
      %dma_wait3A_1052 = arith.constant 0 : i32
      %dma_wait3A_1053 = tpu.memref_slice %arg9[%dma_wait3A_1051, %dma_wait3A_1052] : memref<1000001x32xf32, #tpu.memory_space<hbm>> -> memref<128x32xf32, #tpu.memory_space<hbm>>
      %dma_wait3A_1054 = arith.constant 0 : i32
      %dma_wait3A_1055 = arith.constant 0 : i32
      %dma_wait3A_1056 = tpu.memref_slice %arg12[%dma_wait3A_1043, %dma_wait3A_1054, %dma_wait3A_1055] : memref<2x1600x32xf32, #tpu.memory_space<vmem>> -> memref<1x1600x32xf32, #tpu.memory_space<vmem>>
      %dma_wait3A_1057 = tpu.memref_squeeze %dma_wait3A_1056 : memref<1x1600x32xf32, #tpu.memory_space<vmem>> -> memref<1600x32xf32, #tpu.memory_space<vmem>>
      %dma_wait3A_1058 = arith.constant 1024 : i32
      %dma_wait3A_1059 = arith.constant 0 : i32
      %dma_wait3A_1060 = tpu.memref_slice %dma_wait3A_1057[%dma_wait3A_1058, %dma_wait3A_1059] : memref<1600x32xf32, #tpu.memory_space<vmem>> -> memref<128x32xf32, #tpu.memory_space<vmem>>
      %dma_wait3A_1061 = arith.constant 0 : i32
      %dma_wait3A_1062 = arith.constant 0 : i32
      %dma_wait3A_1063 = tpu.memref_slice %arg9[%dma_wait3A_1061, %dma_wait3A_1062] : memref<1000001x32xf32, #tpu.memory_space<hbm>> -> memref<128x32xf32, #tpu.memory_space<hbm>>
      tpu.wait_dma2 semaphore(%arg21 : memref<!tpu.dma_semaphore, #tpu.memory_space<semaphore_mem>>) src(%dma_wait3A_1063 : memref<128x32xf32, #tpu.memory_space<hbm>>) dst(%dma_wait3A_1060 : memref<128x32xf32, #tpu.memory_space<vmem>>)
      %dma_wait3A_1064 = arith.constant 1 : i32
      %dma_wait3A_1065 = arith.constant 0 : i32
      %dma_wait3A_1066 = arith.constant 0 : i32
      %dma_wait3A_1067 = tpu.memref_slice %arg12[%dma_wait3A_1064, %dma_wait3A_1065, %dma_wait3A_1066] : memref<2x1600x32xf32, #tpu.memory_space<vmem>> -> memref<1x1600x32xf32, #tpu.memory_space<vmem>>
      %dma_wait3A_1068 = tpu.memref_squeeze %dma_wait3A_1067 : memref<1x1600x32xf32, #tpu.memory_space<vmem>> -> memref<1600x32xf32, #tpu.memory_space<vmem>>
      %dma_wait3A_1069 = arith.constant 1152 : i32
      %dma_wait3A_1070 = arith.constant 0 : i32
      %dma_wait3A_1071 = tpu.memref_slice %dma_wait3A_1068[%dma_wait3A_1069, %dma_wait3A_1070] : memref<1600x32xf32, #tpu.memory_space<vmem>> -> memref<128x32xf32, #tpu.memory_space<vmem>>
      %dma_wait3A_1072 = arith.constant 0 : i32
      %dma_wait3A_1073 = arith.constant 0 : i32
      %dma_wait3A_1074 = tpu.memref_slice %arg9[%dma_wait3A_1072, %dma_wait3A_1073] : memref<1000001x32xf32, #tpu.memory_space<hbm>> -> memref<128x32xf32, #tpu.memory_space<hbm>>
      %dma_wait3A_1075 = arith.constant 0 : i32
      %dma_wait3A_1076 = arith.constant 0 : i32
      %dma_wait3A_1077 = tpu.memref_slice %arg12[%dma_wait3A_1064, %dma_wait3A_1075, %dma_wait3A_1076] : memref<2x1600x32xf32, #tpu.memory_space<vmem>> -> memref<1x1600x32xf32, #tpu.memory_space<vmem>>
      %dma_wait3A_1078 = tpu.memref_squeeze %dma_wait3A_1077 : memref<1x1600x32xf32, #tpu.memory_space<vmem>> -> memref<1600x32xf32, #tpu.memory_space<vmem>>
      %dma_wait3A_1079 = arith.constant 1152 : i32
      %dma_wait3A_1080 = arith.constant 0 : i32
      %dma_wait3A_1081 = tpu.memref_slice %dma_wait3A_1078[%dma_wait3A_1079, %dma_wait3A_1080] : memref<1600x32xf32, #tpu.memory_space<vmem>> -> memref<128x32xf32, #tpu.memory_space<vmem>>
      %dma_wait3A_1082 = arith.constant 0 : i32
      %dma_wait3A_1083 = arith.constant 0 : i32
      %dma_wait3A_1084 = tpu.memref_slice %arg9[%dma_wait3A_1082, %dma_wait3A_1083] : memref<1000001x32xf32, #tpu.memory_space<hbm>> -> memref<128x32xf32, #tpu.memory_space<hbm>>
      tpu.wait_dma2 semaphore(%arg21 : memref<!tpu.dma_semaphore, #tpu.memory_space<semaphore_mem>>) src(%dma_wait3A_1084 : memref<128x32xf32, #tpu.memory_space<hbm>>) dst(%dma_wait3A_1081 : memref<128x32xf32, #tpu.memory_space<vmem>>)
      %dma_wait3A_1085 = arith.constant 1 : i32
      %dma_wait3A_1086 = arith.constant 0 : i32
      %dma_wait3A_1087 = arith.constant 0 : i32
      %dma_wait3A_1088 = tpu.memref_slice %arg12[%dma_wait3A_1085, %dma_wait3A_1086, %dma_wait3A_1087] : memref<2x1600x32xf32, #tpu.memory_space<vmem>> -> memref<1x1600x32xf32, #tpu.memory_space<vmem>>
      %dma_wait3A_1089 = tpu.memref_squeeze %dma_wait3A_1088 : memref<1x1600x32xf32, #tpu.memory_space<vmem>> -> memref<1600x32xf32, #tpu.memory_space<vmem>>
      %dma_wait3A_1090 = arith.constant 1280 : i32
      %dma_wait3A_1091 = arith.constant 0 : i32
      %dma_wait3A_1092 = tpu.memref_slice %dma_wait3A_1089[%dma_wait3A_1090, %dma_wait3A_1091] : memref<1600x32xf32, #tpu.memory_space<vmem>> -> memref<128x32xf32, #tpu.memory_space<vmem>>
      %dma_wait3A_1093 = arith.constant 0 : i32
      %dma_wait3A_1094 = arith.constant 0 : i32
      %dma_wait3A_1095 = tpu.memref_slice %arg9[%dma_wait3A_1093, %dma_wait3A_1094] : memref<1000001x32xf32, #tpu.memory_space<hbm>> -> memref<128x32xf32, #tpu.memory_space<hbm>>
      %dma_wait3A_1096 = arith.constant 0 : i32
      %dma_wait3A_1097 = arith.constant 0 : i32
      %dma_wait3A_1098 = tpu.memref_slice %arg12[%dma_wait3A_1085, %dma_wait3A_1096, %dma_wait3A_1097] : memref<2x1600x32xf32, #tpu.memory_space<vmem>> -> memref<1x1600x32xf32, #tpu.memory_space<vmem>>
      %dma_wait3A_1099 = tpu.memref_squeeze %dma_wait3A_1098 : memref<1x1600x32xf32, #tpu.memory_space<vmem>> -> memref<1600x32xf32, #tpu.memory_space<vmem>>
      %dma_wait3A_1100 = arith.constant 1280 : i32
      %dma_wait3A_1101 = arith.constant 0 : i32
      %dma_wait3A_1102 = tpu.memref_slice %dma_wait3A_1099[%dma_wait3A_1100, %dma_wait3A_1101] : memref<1600x32xf32, #tpu.memory_space<vmem>> -> memref<128x32xf32, #tpu.memory_space<vmem>>
      %dma_wait3A_1103 = arith.constant 0 : i32
      %dma_wait3A_1104 = arith.constant 0 : i32
      %dma_wait3A_1105 = tpu.memref_slice %arg9[%dma_wait3A_1103, %dma_wait3A_1104] : memref<1000001x32xf32, #tpu.memory_space<hbm>> -> memref<128x32xf32, #tpu.memory_space<hbm>>
      tpu.wait_dma2 semaphore(%arg21 : memref<!tpu.dma_semaphore, #tpu.memory_space<semaphore_mem>>) src(%dma_wait3A_1105 : memref<128x32xf32, #tpu.memory_space<hbm>>) dst(%dma_wait3A_1102 : memref<128x32xf32, #tpu.memory_space<vmem>>)
      %dma_wait3A_1106 = arith.constant 1 : i32
      %dma_wait3A_1107 = arith.constant 0 : i32
      %dma_wait3A_1108 = arith.constant 0 : i32
      %dma_wait3A_1109 = tpu.memref_slice %arg12[%dma_wait3A_1106, %dma_wait3A_1107, %dma_wait3A_1108] : memref<2x1600x32xf32, #tpu.memory_space<vmem>> -> memref<1x1600x32xf32, #tpu.memory_space<vmem>>
      %dma_wait3A_1110 = tpu.memref_squeeze %dma_wait3A_1109 : memref<1x1600x32xf32, #tpu.memory_space<vmem>> -> memref<1600x32xf32, #tpu.memory_space<vmem>>
      %dma_wait3A_1111 = arith.constant 1408 : i32
      %dma_wait3A_1112 = arith.constant 0 : i32
      %dma_wait3A_1113 = tpu.memref_slice %dma_wait3A_1110[%dma_wait3A_1111, %dma_wait3A_1112] : memref<1600x32xf32, #tpu.memory_space<vmem>> -> memref<128x32xf32, #tpu.memory_space<vmem>>
      %dma_wait3A_1114 = arith.constant 0 : i32
      %dma_wait3A_1115 = arith.constant 0 : i32
      %dma_wait3A_1116 = tpu.memref_slice %arg9[%dma_wait3A_1114, %dma_wait3A_1115] : memref<1000001x32xf32, #tpu.memory_space<hbm>> -> memref<128x32xf32, #tpu.memory_space<hbm>>
      %dma_wait3A_1117 = arith.constant 0 : i32
      %dma_wait3A_1118 = arith.constant 0 : i32
      %dma_wait3A_1119 = tpu.memref_slice %arg12[%dma_wait3A_1106, %dma_wait3A_1117, %dma_wait3A_1118] : memref<2x1600x32xf32, #tpu.memory_space<vmem>> -> memref<1x1600x32xf32, #tpu.memory_space<vmem>>
      %dma_wait3A_1120 = tpu.memref_squeeze %dma_wait3A_1119 : memref<1x1600x32xf32, #tpu.memory_space<vmem>> -> memref<1600x32xf32, #tpu.memory_space<vmem>>
      %dma_wait3A_1121 = arith.constant 1408 : i32
      %dma_wait3A_1122 = arith.constant 0 : i32
      %dma_wait3A_1123 = tpu.memref_slice %dma_wait3A_1120[%dma_wait3A_1121, %dma_wait3A_1122] : memref<1600x32xf32, #tpu.memory_space<vmem>> -> memref<128x32xf32, #tpu.memory_space<vmem>>
      %dma_wait3A_1124 = arith.constant 0 : i32
      %dma_wait3A_1125 = arith.constant 0 : i32
      %dma_wait3A_1126 = tpu.memref_slice %arg9[%dma_wait3A_1124, %dma_wait3A_1125] : memref<1000001x32xf32, #tpu.memory_space<hbm>> -> memref<128x32xf32, #tpu.memory_space<hbm>>
      tpu.wait_dma2 semaphore(%arg21 : memref<!tpu.dma_semaphore, #tpu.memory_space<semaphore_mem>>) src(%dma_wait3A_1126 : memref<128x32xf32, #tpu.memory_space<hbm>>) dst(%dma_wait3A_1123 : memref<128x32xf32, #tpu.memory_space<vmem>>)
      %dma_wait3A_1127 = arith.constant 1 : i32
      %dma_wait3A_1128 = arith.constant 0 : i32
      %dma_wait3A_1129 = arith.constant 0 : i32
      %dma_wait3A_1130 = tpu.memref_slice %arg12[%dma_wait3A_1127, %dma_wait3A_1128, %dma_wait3A_1129] : memref<2x1600x32xf32, #tpu.memory_space<vmem>> -> memref<1x1600x32xf32, #tpu.memory_space<vmem>>
      %dma_wait3A_1131 = tpu.memref_squeeze %dma_wait3A_1130 : memref<1x1600x32xf32, #tpu.memory_space<vmem>> -> memref<1600x32xf32, #tpu.memory_space<vmem>>
      %dma_wait3A_1132 = arith.constant 1536 : i32
      %dma_wait3A_1133 = arith.constant 0 : i32
      %dma_wait3A_1134 = tpu.memref_slice %dma_wait3A_1131[%dma_wait3A_1132, %dma_wait3A_1133] : memref<1600x32xf32, #tpu.memory_space<vmem>> -> memref<64x32xf32, #tpu.memory_space<vmem>>
      %dma_wait3A_1135 = arith.constant 0 : i32
      %dma_wait3A_1136 = arith.constant 0 : i32
      %dma_wait3A_1137 = tpu.memref_slice %arg9[%dma_wait3A_1135, %dma_wait3A_1136] : memref<1000001x32xf32, #tpu.memory_space<hbm>> -> memref<64x32xf32, #tpu.memory_space<hbm>>
      %dma_wait3A_1138 = arith.constant 0 : i32
      %dma_wait3A_1139 = arith.constant 0 : i32
      %dma_wait3A_1140 = tpu.memref_slice %arg12[%dma_wait3A_1127, %dma_wait3A_1138, %dma_wait3A_1139] : memref<2x1600x32xf32, #tpu.memory_space<vmem>> -> memref<1x1600x32xf32, #tpu.memory_space<vmem>>
      %dma_wait3A_1141 = tpu.memref_squeeze %dma_wait3A_1140 : memref<1x1600x32xf32, #tpu.memory_space<vmem>> -> memref<1600x32xf32, #tpu.memory_space<vmem>>
      %dma_wait3A_1142 = arith.constant 1536 : i32
      %dma_wait3A_1143 = arith.constant 0 : i32
      %dma_wait3A_1144 = tpu.memref_slice %dma_wait3A_1141[%dma_wait3A_1142, %dma_wait3A_1143] : memref<1600x32xf32, #tpu.memory_space<vmem>> -> memref<64x32xf32, #tpu.memory_space<vmem>>
      %dma_wait3A_1145 = arith.constant 0 : i32
      %dma_wait3A_1146 = arith.constant 0 : i32
      %dma_wait3A_1147 = tpu.memref_slice %arg9[%dma_wait3A_1145, %dma_wait3A_1146] : memref<1000001x32xf32, #tpu.memory_space<hbm>> -> memref<64x32xf32, #tpu.memory_space<hbm>>
      tpu.wait_dma2 semaphore(%arg21 : memref<!tpu.dma_semaphore, #tpu.memory_space<semaphore_mem>>) src(%dma_wait3A_1147 : memref<64x32xf32, #tpu.memory_space<hbm>>) dst(%dma_wait3A_1144 : memref<64x32xf32, #tpu.memory_space<vmem>>)
      %dma_wait3A_1148 = arith.constant 1 : i32
      %dma_wait3A_1149 = arith.constant 0 : i32
      %dma_wait3A_1150 = arith.constant 0 : i32
      %dma_wait3A_1151 = tpu.memref_slice %arg16[%dma_wait3A_1148, %dma_wait3A_1149, %dma_wait3A_1150] : memref<2x32x32xf32, #tpu.memory_space<vmem>> -> memref<1x32x32xf32, #tpu.memory_space<vmem>>
      %dma_wait3A_1152 = tpu.memref_squeeze %dma_wait3A_1151 : memref<1x32x32xf32, #tpu.memory_space<vmem>> -> memref<32x32xf32, #tpu.memory_space<vmem>>
      %dma_wait3A_1153 = arith.constant 0 : i32
      %dma_wait3A_1154 = arith.constant 0 : i32
      %dma_wait3A_1155 = tpu.memref_slice %arg6[%dma_wait3A_1153, %dma_wait3A_1154] : memref<100001x32xf32, #tpu.memory_space<hbm>> -> memref<32x32xf32, #tpu.memory_space<hbm>>
      %dma_wait3A_1156 = arith.constant 0 : i32
      %dma_wait3A_1157 = arith.constant 0 : i32
      %dma_wait3A_1158 = tpu.memref_slice %arg16[%dma_wait3A_1148, %dma_wait3A_1156, %dma_wait3A_1157] : memref<2x32x32xf32, #tpu.memory_space<vmem>> -> memref<1x32x32xf32, #tpu.memory_space<vmem>>
      %dma_wait3A_1159 = tpu.memref_squeeze %dma_wait3A_1158 : memref<1x32x32xf32, #tpu.memory_space<vmem>> -> memref<32x32xf32, #tpu.memory_space<vmem>>
      %dma_wait3A_1160 = arith.constant 0 : i32
      %dma_wait3A_1161 = arith.constant 0 : i32
      %dma_wait3A_1162 = tpu.memref_slice %arg6[%dma_wait3A_1160, %dma_wait3A_1161] : memref<100001x32xf32, #tpu.memory_space<hbm>> -> memref<32x32xf32, #tpu.memory_space<hbm>>
      tpu.wait_dma2 semaphore(%arg21 : memref<!tpu.dma_semaphore, #tpu.memory_space<semaphore_mem>>) src(%dma_wait3A_1162 : memref<32x32xf32, #tpu.memory_space<hbm>>) dst(%dma_wait3A_1159 : memref<32x32xf32, #tpu.memory_space<vmem>>)
      %dma_wait3A_1163 = arith.constant 1 : i32
      %dma_wait3A_1164 = arith.constant 0 : i32
      %dma_wait3A_1165 = arith.constant 0 : i32
      %dma_wait3A_1166 = tpu.memref_slice %arg17[%dma_wait3A_1163, %dma_wait3A_1164, %dma_wait3A_1165] : memref<2x32x32xf32, #tpu.memory_space<vmem>> -> memref<1x32x32xf32, #tpu.memory_space<vmem>>
      %dma_wait3A_1167 = tpu.memref_squeeze %dma_wait3A_1166 : memref<1x32x32xf32, #tpu.memory_space<vmem>> -> memref<32x32xf32, #tpu.memory_space<vmem>>
      %dma_wait3A_1168 = arith.constant 0 : i32
      %dma_wait3A_1169 = arith.constant 0 : i32
      %dma_wait3A_1170 = tpu.memref_slice %arg6[%dma_wait3A_1168, %dma_wait3A_1169] : memref<100001x32xf32, #tpu.memory_space<hbm>> -> memref<32x32xf32, #tpu.memory_space<hbm>>
      %dma_wait3A_1171 = arith.constant 0 : i32
      %dma_wait3A_1172 = arith.constant 0 : i32
      %dma_wait3A_1173 = tpu.memref_slice %arg17[%dma_wait3A_1163, %dma_wait3A_1171, %dma_wait3A_1172] : memref<2x32x32xf32, #tpu.memory_space<vmem>> -> memref<1x32x32xf32, #tpu.memory_space<vmem>>
      %dma_wait3A_1174 = tpu.memref_squeeze %dma_wait3A_1173 : memref<1x32x32xf32, #tpu.memory_space<vmem>> -> memref<32x32xf32, #tpu.memory_space<vmem>>
      %dma_wait3A_1175 = arith.constant 0 : i32
      %dma_wait3A_1176 = arith.constant 0 : i32
      %dma_wait3A_1177 = tpu.memref_slice %arg6[%dma_wait3A_1175, %dma_wait3A_1176] : memref<100001x32xf32, #tpu.memory_space<hbm>> -> memref<32x32xf32, #tpu.memory_space<hbm>>
      tpu.wait_dma2 semaphore(%arg21 : memref<!tpu.dma_semaphore, #tpu.memory_space<semaphore_mem>>) src(%dma_wait3A_1177 : memref<32x32xf32, #tpu.memory_space<hbm>>) dst(%dma_wait3A_1174 : memref<32x32xf32, #tpu.memory_space<vmem>>)
      %dma_wait3A_1178 = arith.constant 1 : i32
      %dma_wait3A_1179 = arith.constant 0 : i32
      %dma_wait3A_1180 = arith.constant 0 : i32
      %dma_wait3A_1181 = tpu.memref_slice %arg18[%dma_wait3A_1178, %dma_wait3A_1179, %dma_wait3A_1180] : memref<2x32x32xf32, #tpu.memory_space<vmem>> -> memref<1x32x32xf32, #tpu.memory_space<vmem>>
      %dma_wait3A_1182 = tpu.memref_squeeze %dma_wait3A_1181 : memref<1x32x32xf32, #tpu.memory_space<vmem>> -> memref<32x32xf32, #tpu.memory_space<vmem>>
      %dma_wait3A_1183 = arith.constant 0 : i32
      %dma_wait3A_1184 = arith.constant 0 : i32
      %dma_wait3A_1185 = tpu.memref_slice %arg6[%dma_wait3A_1183, %dma_wait3A_1184] : memref<100001x32xf32, #tpu.memory_space<hbm>> -> memref<32x32xf32, #tpu.memory_space<hbm>>
      %dma_wait3A_1186 = arith.constant 0 : i32
      %dma_wait3A_1187 = arith.constant 0 : i32
      %dma_wait3A_1188 = tpu.memref_slice %arg18[%dma_wait3A_1178, %dma_wait3A_1186, %dma_wait3A_1187] : memref<2x32x32xf32, #tpu.memory_space<vmem>> -> memref<1x32x32xf32, #tpu.memory_space<vmem>>
      %dma_wait3A_1189 = tpu.memref_squeeze %dma_wait3A_1188 : memref<1x32x32xf32, #tpu.memory_space<vmem>> -> memref<32x32xf32, #tpu.memory_space<vmem>>
      %dma_wait3A_1190 = arith.constant 0 : i32
      %dma_wait3A_1191 = arith.constant 0 : i32
      %dma_wait3A_1192 = tpu.memref_slice %arg6[%dma_wait3A_1190, %dma_wait3A_1191] : memref<100001x32xf32, #tpu.memory_space<hbm>> -> memref<32x32xf32, #tpu.memory_space<hbm>>
      tpu.wait_dma2 semaphore(%arg21 : memref<!tpu.dma_semaphore, #tpu.memory_space<semaphore_mem>>) src(%dma_wait3A_1192 : memref<32x32xf32, #tpu.memory_space<hbm>>) dst(%dma_wait3A_1189 : memref<32x32xf32, #tpu.memory_space<vmem>>)
      %add3A_1193 = arith.constant 1 : i32
      %add3A_1194 = arith.addi %mul3A_275, %add3A_1193 : i32
      %mul3A_1195 = arith.constant 32 : i32
      %mul3A_1196 = arith.muli %add3A_1194, %mul3A_1195 : i32
      %add3A_1197 = arith.addi %mul3A_2, %mul3A_1196 : i32
      %multiple_of3A_1198 = tpu.assume_multiple %add3A_1197, 32 : i32
      %scan3A_1199 = arith.constant 0 : i32
      %scan3A_1200 = arith.constant 0 : i32
      %scan3A_1201 = arith.constant 32 : i32
      %scan3A_1202 = arith.addi %scan3A_1200, %scan3A_1201 : i32
      %scan3A_1203 = arith.constant 1 : i32
      scf.for %scan3A_1205 = %scan3A_1200 to %scan3A_1202 step %scan3A_1203  : i32 {
        %mul3A_1206 = arith.constant 50 : i32
        %mul3A_1207 = arith.muli %scan3A_1205, %mul3A_1206 : i32
        %broadcast_in_dim3A_1208 = arith.constant 0.000000e+00 : f32
        %broadcast_in_dim3A_1209 = vector.broadcast %broadcast_in_dim3A_1208 : f32 to vector<16xf32>
        %broadcast_in_dim3A_1210 = arith.constant 0.000000e+00 : f32
        %broadcast_in_dim3A_1211 = vector.broadcast %broadcast_in_dim3A_1210 : f32 to vector<16xf32>
        %broadcast_in_dim3A_1212 = arith.constant 0.000000e+00 : f32
        %broadcast_in_dim3A_1213 = vector.broadcast %broadcast_in_dim3A_1212 : f32 to vector<16xf32>
        %broadcast_in_dim3A_1214 = arith.constant 0.000000e+00 : f32
        %broadcast_in_dim3A_1215 = vector.broadcast %broadcast_in_dim3A_1214 : f32 to vector<16xf32>
        %get3A = arith.constant 1 : i32
        %get3A_1216 = arith.constant 0 : i32
        %get3A_1217 = arith.constant 0 : i32
        %get3A_1218 = arith.constant 0 : i32
        %get3A_1219 = tpu.memref_slice %arg12[%get3A, %get3A_1217, %get3A_1218] : memref<2x1600x32xf32, #tpu.memory_space<vmem>> -> memref<1x1600x32xf32, #tpu.memory_space<vmem>>
        %get3A_1220 = tpu.memref_squeeze %get3A_1219 : memref<1x1600x32xf32, #tpu.memory_space<vmem>> -> memref<1600x32xf32, #tpu.memory_space<vmem>>
        %get3A_1221 = arith.constant 0 : i32
        %get3A_1222 = tpu.memref_slice %get3A_1220[%mul3A_1207, %get3A_1221] : memref<1600x32xf32, #tpu.memory_space<vmem>> -> memref<50x32xf32, #tpu.memory_space<vmem>>
        %get3A_1223 = arith.index_cast %get3A_1216 : i32 to index
        %get3A_1224 = arith.constant 0 : index
        %get3A_1225 = tpu.vector_load %get3A_1222[%get3A_1223, %get3A_1224] {strides = array<i32>} : memref<50x32xf32, #tpu.memory_space<vmem>>, vector<1x16xf32>,
        %get3A_1226 = vector.shape_cast %get3A_1225 : vector<1x16xf32> to vector<16xf32>
        %get3A_1227 = arith.constant 1 : i32
        %get3A_1228 = arith.constant 0 : i32
        %get3A_1229 = arith.constant 0 : i32
        %get3A_1230 = arith.constant 0 : i32
        %get3A_1231 = tpu.memref_slice %arg12[%get3A_1227, %get3A_1229, %get3A_1230] : memref<2x1600x32xf32, #tpu.memory_space<vmem>> -> memref<1x1600x32xf32, #tpu.memory_space<vmem>>
        %get3A_1232 = tpu.memref_squeeze %get3A_1231 : memref<1x1600x32xf32, #tpu.memory_space<vmem>> -> memref<1600x32xf32, #tpu.memory_space<vmem>>
        %get3A_1233 = arith.constant 0 : i32
        %get3A_1234 = tpu.memref_slice %get3A_1232[%mul3A_1207, %get3A_1233] : memref<1600x32xf32, #tpu.memory_space<vmem>> -> memref<50x32xf32, #tpu.memory_space<vmem>>
        %get3A_1235 = arith.index_cast %get3A_1228 : i32 to index
        %get3A_1236 = arith.constant 16 : index
        %get3A_1237 = tpu.vector_load %get3A_1234[%get3A_1235, %get3A_1236] {strides = array<i32>} : memref<50x32xf32, #tpu.memory_space<vmem>>, vector<1x16xf32>,
        %get3A_1238 = vector.shape_cast %get3A_1237 : vector<1x16xf32> to vector<16xf32>
        %add3A_1239 = arith.addf %broadcast_in_dim3A_1209, %get3A_1226 : vector<16xf32>
        %add3A_1240 = arith.addf %broadcast_in_dim3A_1213, %get3A_1238 : vector<16xf32>
        %get3A_1241 = arith.constant 1 : i32
        %get3A_1242 = arith.constant 1 : i32
        %get3A_1243 = arith.constant 0 : i32
        %get3A_1244 = arith.constant 0 : i32
        %get3A_1245 = tpu.memref_slice %arg12[%get3A_1241, %get3A_1243, %get3A_1244] : memref<2x1600x32xf32, #tpu.memory_space<vmem>> -> memref<1x1600x32xf32, #tpu.memory_space<vmem>>
        %get3A_1246 = tpu.memref_squeeze %get3A_1245 : memref<1x1600x32xf32, #tpu.memory_space<vmem>> -> memref<1600x32xf32, #tpu.memory_space<vmem>>
        %get3A_1247 = arith.constant 0 : i32
        %get3A_1248 = tpu.memref_slice %get3A_1246[%mul3A_1207, %get3A_1247] : memref<1600x32xf32, #tpu.memory_space<vmem>> -> memref<50x32xf32, #tpu.memory_space<vmem>>
        %get3A_1249 = arith.index_cast %get3A_1242 : i32 to index
        %get3A_1250 = arith.constant 0 : index
        %get3A_1251 = tpu.vector_load %get3A_1248[%get3A_1249, %get3A_1250] {strides = array<i32>} : memref<50x32xf32, #tpu.memory_space<vmem>>, vector<1x16xf32>,
        %get3A_1252 = vector.shape_cast %get3A_1251 : vector<1x16xf32> to vector<16xf32>
        %get3A_1253 = arith.constant 1 : i32
        %get3A_1254 = arith.constant 1 : i32
        %get3A_1255 = arith.constant 0 : i32
        %get3A_1256 = arith.constant 0 : i32
        %get3A_1257 = tpu.memref_slice %arg12[%get3A_1253, %get3A_1255, %get3A_1256] : memref<2x1600x32xf32, #tpu.memory_space<vmem>> -> memref<1x1600x32xf32, #tpu.memory_space<vmem>>
        %get3A_1258 = tpu.memref_squeeze %get3A_1257 : memref<1x1600x32xf32, #tpu.memory_space<vmem>> -> memref<1600x32xf32, #tpu.memory_space<vmem>>
        %get3A_1259 = arith.constant 0 : i32
        %get3A_1260 = tpu.memref_slice %get3A_1258[%mul3A_1207, %get3A_1259] : memref<1600x32xf32, #tpu.memory_space<vmem>> -> memref<50x32xf32, #tpu.memory_space<vmem>>
        %get3A_1261 = arith.index_cast %get3A_1254 : i32 to index
        %get3A_1262 = arith.constant 16 : index
        %get3A_1263 = tpu.vector_load %get3A_1260[%get3A_1261, %get3A_1262] {strides = array<i32>} : memref<50x32xf32, #tpu.memory_space<vmem>>, vector<1x16xf32>,
        %get3A_1264 = vector.shape_cast %get3A_1263 : vector<1x16xf32> to vector<16xf32>
        %add3A_1265 = arith.addf %broadcast_in_dim3A_1211, %get3A_1252 : vector<16xf32>
        %add3A_1266 = arith.addf %broadcast_in_dim3A_1215, %get3A_1264 : vector<16xf32>
        %get3A_1267 = arith.constant 1 : i32
        %get3A_1268 = arith.constant 2 : i32
        %get3A_1269 = arith.constant 0 : i32
        %get3A_1270 = arith.constant 0 : i32
        %get3A_1271 = tpu.memref_slice %arg12[%get3A_1267, %get3A_1269, %get3A_1270] : memref<2x1600x32xf32, #tpu.memory_space<vmem>> -> memref<1x1600x32xf32, #tpu.memory_space<vmem>>
        %get3A_1272 = tpu.memref_squeeze %get3A_1271 : memref<1x1600x32xf32, #tpu.memory_space<vmem>> -> memref<1600x32xf32, #tpu.memory_space<vmem>>
        %get3A_1273 = arith.constant 0 : i32
        %get3A_1274 = tpu.memref_slice %get3A_1272[%mul3A_1207, %get3A_1273] : memref<1600x32xf32, #tpu.memory_space<vmem>> -> memref<50x32xf32, #tpu.memory_space<vmem>>
        %get3A_1275 = arith.index_cast %get3A_1268 : i32 to index
        %get3A_1276 = arith.constant 0 : index
        %get3A_1277 = tpu.vector_load %get3A_1274[%get3A_1275, %get3A_1276] {strides = array<i32>} : memref<50x32xf32, #tpu.memory_space<vmem>>, vector<1x16xf32>,
        %get3A_1278 = vector.shape_cast %get3A_1277 : vector<1x16xf32> to vector<16xf32>
        %get3A_1279 = arith.constant 1 : i32
        %get3A_1280 = arith.constant 2 : i32
        %get3A_1281 = arith.constant 0 : i32
        %get3A_1282 = arith.constant 0 : i32
        %get3A_1283 = tpu.memref_slice %arg12[%get3A_1279, %get3A_1281, %get3A_1282] : memref<2x1600x32xf32, #tpu.memory_space<vmem>> -> memref<1x1600x32xf32, #tpu.memory_space<vmem>>
        %get3A_1284 = tpu.memref_squeeze %get3A_1283 : memref<1x1600x32xf32, #tpu.memory_space<vmem>> -> memref<1600x32xf32, #tpu.memory_space<vmem>>
        %get3A_1285 = arith.constant 0 : i32
        %get3A_1286 = tpu.memref_slice %get3A_1284[%mul3A_1207, %get3A_1285] : memref<1600x32xf32, #tpu.memory_space<vmem>> -> memref<50x32xf32, #tpu.memory_space<vmem>>
        %get3A_1287 = arith.index_cast %get3A_1280 : i32 to index
        %get3A_1288 = arith.constant 16 : index
        %get3A_1289 = tpu.vector_load %get3A_1286[%get3A_1287, %get3A_1288] {strides = array<i32>} : memref<50x32xf32, #tpu.memory_space<vmem>>, vector<1x16xf32>,
        %get3A_1290 = vector.shape_cast %get3A_1289 : vector<1x16xf32> to vector<16xf32>
        %add3A_1291 = arith.addf %add3A_1239, %get3A_1278 : vector<16xf32>
        %add3A_1292 = arith.addf %add3A_1240, %get3A_1290 : vector<16xf32>
        %get3A_1293 = arith.constant 1 : i32
        %get3A_1294 = arith.constant 3 : i32
        %get3A_1295 = arith.constant 0 : i32
        %get3A_1296 = arith.constant 0 : i32
        %get3A_1297 = tpu.memref_slice %arg12[%get3A_1293, %get3A_1295, %get3A_1296] : memref<2x1600x32xf32, #tpu.memory_space<vmem>> -> memref<1x1600x32xf32, #tpu.memory_space<vmem>>
        %get3A_1298 = tpu.memref_squeeze %get3A_1297 : memref<1x1600x32xf32, #tpu.memory_space<vmem>> -> memref<1600x32xf32, #tpu.memory_space<vmem>>
        %get3A_1299 = arith.constant 0 : i32
        %get3A_1300 = tpu.memref_slice %get3A_1298[%mul3A_1207, %get3A_1299] : memref<1600x32xf32, #tpu.memory_space<vmem>> -> memref<50x32xf32, #tpu.memory_space<vmem>>
        %get3A_1301 = arith.index_cast %get3A_1294 : i32 to index
        %get3A_1302 = arith.constant 0 : index
        %get3A_1303 = tpu.vector_load %get3A_1300[%get3A_1301, %get3A_1302] {strides = array<i32>} : memref<50x32xf32, #tpu.memory_space<vmem>>, vector<1x16xf32>,
        %get3A_1304 = vector.shape_cast %get3A_1303 : vector<1x16xf32> to vector<16xf32>
        %get3A_1305 = arith.constant 1 : i32
        %get3A_1306 = arith.constant 3 : i32
        %get3A_1307 = arith.constant 0 : i32
        %get3A_1308 = arith.constant 0 : i32
        %get3A_1309 = tpu.memref_slice %arg12[%get3A_1305, %get3A_1307, %get3A_1308] : memref<2x1600x32xf32, #tpu.memory_space<vmem>> -> memref<1x1600x32xf32, #tpu.memory_space<vmem>>
        %get3A_1310 = tpu.memref_squeeze %get3A_1309 : memref<1x1600x32xf32, #tpu.memory_space<vmem>> -> memref<1600x32xf32, #tpu.memory_space<vmem>>
        %get3A_1311 = arith.constant 0 : i32
        %get3A_1312 = tpu.memref_slice %get3A_1310[%mul3A_1207, %get3A_1311] : memref<1600x32xf32, #tpu.memory_space<vmem>> -> memref<50x32xf32, #tpu.memory_space<vmem>>
        %get3A_1313 = arith.index_cast %get3A_1306 : i32 to index
        %get3A_1314 = arith.constant 16 : index
        %get3A_1315 = tpu.vector_load %get3A_1312[%get3A_1313, %get3A_1314] {strides = array<i32>} : memref<50x32xf32, #tpu.memory_space<vmem>>, vector<1x16xf32>,
        %get3A_1316 = vector.shape_cast %get3A_1315 : vector<1x16xf32> to vector<16xf32>
        %add3A_1317 = arith.addf %add3A_1265, %get3A_1304 : vector<16xf32>
        %add3A_1318 = arith.addf %add3A_1266, %get3A_1316 : vector<16xf32>
        %get3A_1319 = arith.constant 1 : i32
        %get3A_1320 = arith.constant 4 : i32
        %get3A_1321 = arith.constant 0 : i32
        %get3A_1322 = arith.constant 0 : i32
        %get3A_1323 = tpu.memref_slice %arg12[%get3A_1319, %get3A_1321, %get3A_1322] : memref<2x1600x32xf32, #tpu.memory_space<vmem>> -> memref<1x1600x32xf32, #tpu.memory_space<vmem>>
        %get3A_1324 = tpu.memref_squeeze %get3A_1323 : memref<1x1600x32xf32, #tpu.memory_space<vmem>> -> memref<1600x32xf32, #tpu.memory_space<vmem>>
        %get3A_1325 = arith.constant 0 : i32
        %get3A_1326 = tpu.memref_slice %get3A_1324[%mul3A_1207, %get3A_1325] : memref<1600x32xf32, #tpu.memory_space<vmem>> -> memref<50x32xf32, #tpu.memory_space<vmem>>
        %get3A_1327 = arith.index_cast %get3A_1320 : i32 to index
        %get3A_1328 = arith.constant 0 : index
        %get3A_1329 = tpu.vector_load %get3A_1326[%get3A_1327, %get3A_1328] {strides = array<i32>} : memref<50x32xf32, #tpu.memory_space<vmem>>, vector<1x16xf32>,
        %get3A_1330 = vector.shape_cast %get3A_1329 : vector<1x16xf32> to vector<16xf32>
        %get3A_1331 = arith.constant 1 : i32
        %get3A_1332 = arith.constant 4 : i32
        %get3A_1333 = arith.constant 0 : i32
        %get3A_1334 = arith.constant 0 : i32
        %get3A_1335 = tpu.memref_slice %arg12[%get3A_1331, %get3A_1333, %get3A_1334] : memref<2x1600x32xf32, #tpu.memory_space<vmem>> -> memref<1x1600x32xf32, #tpu.memory_space<vmem>>
        %get3A_1336 = tpu.memref_squeeze %get3A_1335 : memref<1x1600x32xf32, #tpu.memory_space<vmem>> -> memref<1600x32xf32, #tpu.memory_space<vmem>>
        %get3A_1337 = arith.constant 0 : i32
        %get3A_1338 = tpu.memref_slice %get3A_1336[%mul3A_1207, %get3A_1337] : memref<1600x32xf32, #tpu.memory_space<vmem>> -> memref<50x32xf32, #tpu.memory_space<vmem>>
        %get3A_1339 = arith.index_cast %get3A_1332 : i32 to index
        %get3A_1340 = arith.constant 16 : index
        %get3A_1341 = tpu.vector_load %get3A_1338[%get3A_1339, %get3A_1340] {strides = array<i32>} : memref<50x32xf32, #tpu.memory_space<vmem>>, vector<1x16xf32>,
        %get3A_1342 = vector.shape_cast %get3A_1341 : vector<1x16xf32> to vector<16xf32>
        %add3A_1343 = arith.addf %add3A_1291, %get3A_1330 : vector<16xf32>
        %add3A_1344 = arith.addf %add3A_1292, %get3A_1342 : vector<16xf32>
        %get3A_1345 = arith.constant 1 : i32
        %get3A_1346 = arith.constant 5 : i32
        %get3A_1347 = arith.constant 0 : i32
        %get3A_1348 = arith.constant 0 : i32
        %get3A_1349 = tpu.memref_slice %arg12[%get3A_1345, %get3A_1347, %get3A_1348] : memref<2x1600x32xf32, #tpu.memory_space<vmem>> -> memref<1x1600x32xf32, #tpu.memory_space<vmem>>
        %get3A_1350 = tpu.memref_squeeze %get3A_1349 : memref<1x1600x32xf32, #tpu.memory_space<vmem>> -> memref<1600x32xf32, #tpu.memory_space<vmem>>
        %get3A_1351 = arith.constant 0 : i32
        %get3A_1352 = tpu.memref_slice %get3A_1350[%mul3A_1207, %get3A_1351] : memref<1600x32xf32, #tpu.memory_space<vmem>> -> memref<50x32xf32, #tpu.memory_space<vmem>>
        %get3A_1353 = arith.index_cast %get3A_1346 : i32 to index
        %get3A_1354 = arith.constant 0 : index
        %get3A_1355 = tpu.vector_load %get3A_1352[%get3A_1353, %get3A_1354] {strides = array<i32>} : memref<50x32xf32, #tpu.memory_space<vmem>>, vector<1x16xf32>,
        %get3A_1356 = vector.shape_cast %get3A_1355 : vector<1x16xf32> to vector<16xf32>
        %get3A_1357 = arith.constant 1 : i32
        %get3A_1358 = arith.constant 5 : i32
        %get3A_1359 = arith.constant 0 : i32
        %get3A_1360 = arith.constant 0 : i32
        %get3A_1361 = tpu.memref_slice %arg12[%get3A_1357, %get3A_1359, %get3A_1360] : memref<2x1600x32xf32, #tpu.memory_space<vmem>> -> memref<1x1600x32xf32, #tpu.memory_space<vmem>>
        %get3A_1362 = tpu.memref_squeeze %get3A_1361 : memref<1x1600x32xf32, #tpu.memory_space<vmem>> -> memref<1600x32xf32, #tpu.memory_space<vmem>>
        %get3A_1363 = arith.constant 0 : i32
        %get3A_1364 = tpu.memref_slice %get3A_1362[%mul3A_1207, %get3A_1363] : memref<1600x32xf32, #tpu.memory_space<vmem>> -> memref<50x32xf32, #tpu.memory_space<vmem>>
        %get3A_1365 = arith.index_cast %get3A_1358 : i32 to index
        %get3A_1366 = arith.constant 16 : index
        %get3A_1367 = tpu.vector_load %get3A_1364[%get3A_1365, %get3A_1366] {strides = array<i32>} : memref<50x32xf32, #tpu.memory_space<vmem>>, vector<1x16xf32>,
        %get3A_1368 = vector.shape_cast %get3A_1367 : vector<1x16xf32> to vector<16xf32>
        %add3A_1369 = arith.addf %add3A_1317, %get3A_1356 : vector<16xf32>
        %add3A_1370 = arith.addf %add3A_1318, %get3A_1368 : vector<16xf32>
        %get3A_1371 = arith.constant 1 : i32
        %get3A_1372 = arith.constant 6 : i32
        %get3A_1373 = arith.constant 0 : i32
        %get3A_1374 = arith.constant 0 : i32
        %get3A_1375 = tpu.memref_slice %arg12[%get3A_1371, %get3A_1373, %get3A_1374] : memref<2x1600x32xf32, #tpu.memory_space<vmem>> -> memref<1x1600x32xf32, #tpu.memory_space<vmem>>
        %get3A_1376 = tpu.memref_squeeze %get3A_1375 : memref<1x1600x32xf32, #tpu.memory_space<vmem>> -> memref<1600x32xf32, #tpu.memory_space<vmem>>
        %get3A_1377 = arith.constant 0 : i32
        %get3A_1378 = tpu.memref_slice %get3A_1376[%mul3A_1207, %get3A_1377] : memref<1600x32xf32, #tpu.memory_space<vmem>> -> memref<50x32xf32, #tpu.memory_space<vmem>>
        %get3A_1379 = arith.index_cast %get3A_1372 : i32 to index
        %get3A_1380 = arith.constant 0 : index
        %get3A_1381 = tpu.vector_load %get3A_1378[%get3A_1379, %get3A_1380] {strides = array<i32>} : memref<50x32xf32, #tpu.memory_space<vmem>>, vector<1x16xf32>,
        %get3A_1382 = vector.shape_cast %get3A_1381 : vector<1x16xf32> to vector<16xf32>
        %get3A_1383 = arith.constant 1 : i32
        %get3A_1384 = arith.constant 6 : i32
        %get3A_1385 = arith.constant 0 : i32
        %get3A_1386 = arith.constant 0 : i32
        %get3A_1387 = tpu.memref_slice %arg12[%get3A_1383, %get3A_1385, %get3A_1386] : memref<2x1600x32xf32, #tpu.memory_space<vmem>> -> memref<1x1600x32xf32, #tpu.memory_space<vmem>>
        %get3A_1388 = tpu.memref_squeeze %get3A_1387 : memref<1x1600x32xf32, #tpu.memory_space<vmem>> -> memref<1600x32xf32, #tpu.memory_space<vmem>>
        %get3A_1389 = arith.constant 0 : i32
        %get3A_1390 = tpu.memref_slice %get3A_1388[%mul3A_1207, %get3A_1389] : memref<1600x32xf32, #tpu.memory_space<vmem>> -> memref<50x32xf32, #tpu.memory_space<vmem>>
        %get3A_1391 = arith.index_cast %get3A_1384 : i32 to index
        %get3A_1392 = arith.constant 16 : index
        %get3A_1393 = tpu.vector_load %get3A_1390[%get3A_1391, %get3A_1392] {strides = array<i32>} : memref<50x32xf32, #tpu.memory_space<vmem>>, vector<1x16xf32>,
        %get3A_1394 = vector.shape_cast %get3A_1393 : vector<1x16xf32> to vector<16xf32>
        %add3A_1395 = arith.addf %add3A_1343, %get3A_1382 : vector<16xf32>
        %add3A_1396 = arith.addf %add3A_1344, %get3A_1394 : vector<16xf32>
        %get3A_1397 = arith.constant 1 : i32
        %get3A_1398 = arith.constant 7 : i32
        %get3A_1399 = arith.constant 0 : i32
        %get3A_1400 = arith.constant 0 : i32
        %get3A_1401 = tpu.memref_slice %arg12[%get3A_1397, %get3A_1399, %get3A_1400] : memref<2x1600x32xf32, #tpu.memory_space<vmem>> -> memref<1x1600x32xf32, #tpu.memory_space<vmem>>
        %get3A_1402 = tpu.memref_squeeze %get3A_1401 : memref<1x1600x32xf32, #tpu.memory_space<vmem>> -> memref<1600x32xf32, #tpu.memory_space<vmem>>
        %get3A_1403 = arith.constant 0 : i32
        %get3A_1404 = tpu.memref_slice %get3A_1402[%mul3A_1207, %get3A_1403] : memref<1600x32xf32, #tpu.memory_space<vmem>> -> memref<50x32xf32, #tpu.memory_space<vmem>>
        %get3A_1405 = arith.index_cast %get3A_1398 : i32 to index
        %get3A_1406 = arith.constant 0 : index
        %get3A_1407 = tpu.vector_load %get3A_1404[%get3A_1405, %get3A_1406] {strides = array<i32>} : memref<50x32xf32, #tpu.memory_space<vmem>>, vector<1x16xf32>,
        %get3A_1408 = vector.shape_cast %get3A_1407 : vector<1x16xf32> to vector<16xf32>
        %get3A_1409 = arith.constant 1 : i32
        %get3A_1410 = arith.constant 7 : i32
        %get3A_1411 = arith.constant 0 : i32
        %get3A_1412 = arith.constant 0 : i32
        %get3A_1413 = tpu.memref_slice %arg12[%get3A_1409, %get3A_1411, %get3A_1412] : memref<2x1600x32xf32, #tpu.memory_space<vmem>> -> memref<1x1600x32xf32, #tpu.memory_space<vmem>>
        %get3A_1414 = tpu.memref_squeeze %get3A_1413 : memref<1x1600x32xf32, #tpu.memory_space<vmem>> -> memref<1600x32xf32, #tpu.memory_space<vmem>>
        %get3A_1415 = arith.constant 0 : i32
        %get3A_1416 = tpu.memref_slice %get3A_1414[%mul3A_1207, %get3A_1415] : memref<1600x32xf32, #tpu.memory_space<vmem>> -> memref<50x32xf32, #tpu.memory_space<vmem>>
        %get3A_1417 = arith.index_cast %get3A_1410 : i32 to index
        %get3A_1418 = arith.constant 16 : index
        %get3A_1419 = tpu.vector_load %get3A_1416[%get3A_1417, %get3A_1418] {strides = array<i32>} : memref<50x32xf32, #tpu.memory_space<vmem>>, vector<1x16xf32>,
        %get3A_1420 = vector.shape_cast %get3A_1419 : vector<1x16xf32> to vector<16xf32>
        %add3A_1421 = arith.addf %add3A_1369, %get3A_1408 : vector<16xf32>
        %add3A_1422 = arith.addf %add3A_1370, %get3A_1420 : vector<16xf32>
        %get3A_1423 = arith.constant 1 : i32
        %get3A_1424 = arith.constant 8 : i32
        %get3A_1425 = arith.constant 0 : i32
        %get3A_1426 = arith.constant 0 : i32
        %get3A_1427 = tpu.memref_slice %arg12[%get3A_1423, %get3A_1425, %get3A_1426] : memref<2x1600x32xf32, #tpu.memory_space<vmem>> -> memref<1x1600x32xf32, #tpu.memory_space<vmem>>
        %get3A_1428 = tpu.memref_squeeze %get3A_1427 : memref<1x1600x32xf32, #tpu.memory_space<vmem>> -> memref<1600x32xf32, #tpu.memory_space<vmem>>
        %get3A_1429 = arith.constant 0 : i32
        %get3A_1430 = tpu.memref_slice %get3A_1428[%mul3A_1207, %get3A_1429] : memref<1600x32xf32, #tpu.memory_space<vmem>> -> memref<50x32xf32, #tpu.memory_space<vmem>>
        %get3A_1431 = arith.index_cast %get3A_1424 : i32 to index
        %get3A_1432 = arith.constant 0 : index
        %get3A_1433 = tpu.vector_load %get3A_1430[%get3A_1431, %get3A_1432] {strides = array<i32>} : memref<50x32xf32, #tpu.memory_space<vmem>>, vector<1x16xf32>,
        %get3A_1434 = vector.shape_cast %get3A_1433 : vector<1x16xf32> to vector<16xf32>
        %get3A_1435 = arith.constant 1 : i32
        %get3A_1436 = arith.constant 8 : i32
        %get3A_1437 = arith.constant 0 : i32
        %get3A_1438 = arith.constant 0 : i32
        %get3A_1439 = tpu.memref_slice %arg12[%get3A_1435, %get3A_1437, %get3A_1438] : memref<2x1600x32xf32, #tpu.memory_space<vmem>> -> memref<1x1600x32xf32, #tpu.memory_space<vmem>>
        %get3A_1440 = tpu.memref_squeeze %get3A_1439 : memref<1x1600x32xf32, #tpu.memory_space<vmem>> -> memref<1600x32xf32, #tpu.memory_space<vmem>>
        %get3A_1441 = arith.constant 0 : i32
        %get3A_1442 = tpu.memref_slice %get3A_1440[%mul3A_1207, %get3A_1441] : memref<1600x32xf32, #tpu.memory_space<vmem>> -> memref<50x32xf32, #tpu.memory_space<vmem>>
        %get3A_1443 = arith.index_cast %get3A_1436 : i32 to index
        %get3A_1444 = arith.constant 16 : index
        %get3A_1445 = tpu.vector_load %get3A_1442[%get3A_1443, %get3A_1444] {strides = array<i32>} : memref<50x32xf32, #tpu.memory_space<vmem>>, vector<1x16xf32>,
        %get3A_1446 = vector.shape_cast %get3A_1445 : vector<1x16xf32> to vector<16xf32>
        %add3A_1447 = arith.addf %add3A_1395, %get3A_1434 : vector<16xf32>
        %add3A_1448 = arith.addf %add3A_1396, %get3A_1446 : vector<16xf32>
        %get3A_1449 = arith.constant 1 : i32
        %get3A_1450 = arith.constant 9 : i32
        %get3A_1451 = arith.constant 0 : i32
        %get3A_1452 = arith.constant 0 : i32
        %get3A_1453 = tpu.memref_slice %arg12[%get3A_1449, %get3A_1451, %get3A_1452] : memref<2x1600x32xf32, #tpu.memory_space<vmem>> -> memref<1x1600x32xf32, #tpu.memory_space<vmem>>
        %get3A_1454 = tpu.memref_squeeze %get3A_1453 : memref<1x1600x32xf32, #tpu.memory_space<vmem>> -> memref<1600x32xf32, #tpu.memory_space<vmem>>
        %get3A_1455 = arith.constant 0 : i32
        %get3A_1456 = tpu.memref_slice %get3A_1454[%mul3A_1207, %get3A_1455] : memref<1600x32xf32, #tpu.memory_space<vmem>> -> memref<50x32xf32, #tpu.memory_space<vmem>>
        %get3A_1457 = arith.index_cast %get3A_1450 : i32 to index
        %get3A_1458 = arith.constant 0 : index
        %get3A_1459 = tpu.vector_load %get3A_1456[%get3A_1457, %get3A_1458] {strides = array<i32>} : memref<50x32xf32, #tpu.memory_space<vmem>>, vector<1x16xf32>,
        %get3A_1460 = vector.shape_cast %get3A_1459 : vector<1x16xf32> to vector<16xf32>
        %get3A_1461 = arith.constant 1 : i32
        %get3A_1462 = arith.constant 9 : i32
        %get3A_1463 = arith.constant 0 : i32
        %get3A_1464 = arith.constant 0 : i32
        %get3A_1465 = tpu.memref_slice %arg12[%get3A_1461, %get3A_1463, %get3A_1464] : memref<2x1600x32xf32, #tpu.memory_space<vmem>> -> memref<1x1600x32xf32, #tpu.memory_space<vmem>>
        %get3A_1466 = tpu.memref_squeeze %get3A_1465 : memref<1x1600x32xf32, #tpu.memory_space<vmem>> -> memref<1600x32xf32, #tpu.memory_space<vmem>>
        %get3A_1467 = arith.constant 0 : i32
        %get3A_1468 = tpu.memref_slice %get3A_1466[%mul3A_1207, %get3A_1467] : memref<1600x32xf32, #tpu.memory_space<vmem>> -> memref<50x32xf32, #tpu.memory_space<vmem>>
        %get3A_1469 = arith.index_cast %get3A_1462 : i32 to index
        %get3A_1470 = arith.constant 16 : index
        %get3A_1471 = tpu.vector_load %get3A_1468[%get3A_1469, %get3A_1470] {strides = array<i32>} : memref<50x32xf32, #tpu.memory_space<vmem>>, vector<1x16xf32>,
        %get3A_1472 = vector.shape_cast %get3A_1471 : vector<1x16xf32> to vector<16xf32>
        %add3A_1473 = arith.addf %add3A_1421, %get3A_1460 : vector<16xf32>
        %add3A_1474 = arith.addf %add3A_1422, %get3A_1472 : vector<16xf32>
        %get3A_1475 = arith.constant 1 : i32
        %get3A_1476 = arith.constant 10 : i32
        %get3A_1477 = arith.constant 0 : i32
        %get3A_1478 = arith.constant 0 : i32
        %get3A_1479 = tpu.memref_slice %arg12[%get3A_1475, %get3A_1477, %get3A_1478] : memref<2x1600x32xf32, #tpu.memory_space<vmem>> -> memref<1x1600x32xf32, #tpu.memory_space<vmem>>
        %get3A_1480 = tpu.memref_squeeze %get3A_1479 : memref<1x1600x32xf32, #tpu.memory_space<vmem>> -> memref<1600x32xf32, #tpu.memory_space<vmem>>
        %get3A_1481 = arith.constant 0 : i32
        %get3A_1482 = tpu.memref_slice %get3A_1480[%mul3A_1207, %get3A_1481] : memref<1600x32xf32, #tpu.memory_space<vmem>> -> memref<50x32xf32, #tpu.memory_space<vmem>>
        %get3A_1483 = arith.index_cast %get3A_1476 : i32 to index
        %get3A_1484 = arith.constant 0 : index
        %get3A_1485 = tpu.vector_load %get3A_1482[%get3A_1483, %get3A_1484] {strides = array<i32>} : memref<50x32xf32, #tpu.memory_space<vmem>>, vector<1x16xf32>,
        %get3A_1486 = vector.shape_cast %get3A_1485 : vector<1x16xf32> to vector<16xf32>
        %get3A_1487 = arith.constant 1 : i32
        %get3A_1488 = arith.constant 10 : i32
        %get3A_1489 = arith.constant 0 : i32
        %get3A_1490 = arith.constant 0 : i32
        %get3A_1491 = tpu.memref_slice %arg12[%get3A_1487, %get3A_1489, %get3A_1490] : memref<2x1600x32xf32, #tpu.memory_space<vmem>> -> memref<1x1600x32xf32, #tpu.memory_space<vmem>>
        %get3A_1492 = tpu.memref_squeeze %get3A_1491 : memref<1x1600x32xf32, #tpu.memory_space<vmem>> -> memref<1600x32xf32, #tpu.memory_space<vmem>>
        %get3A_1493 = arith.constant 0 : i32
        %get3A_1494 = tpu.memref_slice %get3A_1492[%mul3A_1207, %get3A_1493] : memref<1600x32xf32, #tpu.memory_space<vmem>> -> memref<50x32xf32, #tpu.memory_space<vmem>>
        %get3A_1495 = arith.index_cast %get3A_1488 : i32 to index
        %get3A_1496 = arith.constant 16 : index
        %get3A_1497 = tpu.vector_load %get3A_1494[%get3A_1495, %get3A_1496] {strides = array<i32>} : memref<50x32xf32, #tpu.memory_space<vmem>>, vector<1x16xf32>,
        %get3A_1498 = vector.shape_cast %get3A_1497 : vector<1x16xf32> to vector<16xf32>
        %add3A_1499 = arith.addf %add3A_1447, %get3A_1486 : vector<16xf32>
        %add3A_1500 = arith.addf %add3A_1448, %get3A_1498 : vector<16xf32>
        %get3A_1501 = arith.constant 1 : i32
        %get3A_1502 = arith.constant 11 : i32
        %get3A_1503 = arith.constant 0 : i32
        %get3A_1504 = arith.constant 0 : i32
        %get3A_1505 = tpu.memref_slice %arg12[%get3A_1501, %get3A_1503, %get3A_1504] : memref<2x1600x32xf32, #tpu.memory_space<vmem>> -> memref<1x1600x32xf32, #tpu.memory_space<vmem>>
        %get3A_1506 = tpu.memref_squeeze %get3A_1505 : memref<1x1600x32xf32, #tpu.memory_space<vmem>> -> memref<1600x32xf32, #tpu.memory_space<vmem>>
        %get3A_1507 = arith.constant 0 : i32
        %get3A_1508 = tpu.memref_slice %get3A_1506[%mul3A_1207, %get3A_1507] : memref<1600x32xf32, #tpu.memory_space<vmem>> -> memref<50x32xf32, #tpu.memory_space<vmem>>
        %get3A_1509 = arith.index_cast %get3A_1502 : i32 to index
        %get3A_1510 = arith.constant 0 : index
        %get3A_1511 = tpu.vector_load %get3A_1508[%get3A_1509, %get3A_1510] {strides = array<i32>} : memref<50x32xf32, #tpu.memory_space<vmem>>, vector<1x16xf32>,
        %get3A_1512 = vector.shape_cast %get3A_1511 : vector<1x16xf32> to vector<16xf32>
        %get3A_1513 = arith.constant 1 : i32
        %get3A_1514 = arith.constant 11 : i32
        %get3A_1515 = arith.constant 0 : i32
        %get3A_1516 = arith.constant 0 : i32
        %get3A_1517 = tpu.memref_slice %arg12[%get3A_1513, %get3A_1515, %get3A_1516] : memref<2x1600x32xf32, #tpu.memory_space<vmem>> -> memref<1x1600x32xf32, #tpu.memory_space<vmem>>
        %get3A_1518 = tpu.memref_squeeze %get3A_1517 : memref<1x1600x32xf32, #tpu.memory_space<vmem>> -> memref<1600x32xf32, #tpu.memory_space<vmem>>
        %get3A_1519 = arith.constant 0 : i32
        %get3A_1520 = tpu.memref_slice %get3A_1518[%mul3A_1207, %get3A_1519] : memref<1600x32xf32, #tpu.memory_space<vmem>> -> memref<50x32xf32, #tpu.memory_space<vmem>>
        %get3A_1521 = arith.index_cast %get3A_1514 : i32 to index
        %get3A_1522 = arith.constant 16 : index
        %get3A_1523 = tpu.vector_load %get3A_1520[%get3A_1521, %get3A_1522] {strides = array<i32>} : memref<50x32xf32, #tpu.memory_space<vmem>>, vector<1x16xf32>,
        %get3A_1524 = vector.shape_cast %get3A_1523 : vector<1x16xf32> to vector<16xf32>
        %add3A_1525 = arith.addf %add3A_1473, %get3A_1512 : vector<16xf32>
        %add3A_1526 = arith.addf %add3A_1474, %get3A_1524 : vector<16xf32>
        %get3A_1527 = arith.constant 1 : i32
        %get3A_1528 = arith.constant 12 : i32
        %get3A_1529 = arith.constant 0 : i32
        %get3A_1530 = arith.constant 0 : i32
        %get3A_1531 = tpu.memref_slice %arg12[%get3A_1527, %get3A_1529, %get3A_1530] : memref<2x1600x32xf32, #tpu.memory_space<vmem>> -> memref<1x1600x32xf32, #tpu.memory_space<vmem>>
        %get3A_1532 = tpu.memref_squeeze %get3A_1531 : memref<1x1600x32xf32, #tpu.memory_space<vmem>> -> memref<1600x32xf32, #tpu.memory_space<vmem>>
        %get3A_1533 = arith.constant 0 : i32
        %get3A_1534 = tpu.memref_slice %get3A_1532[%mul3A_1207, %get3A_1533] : memref<1600x32xf32, #tpu.memory_space<vmem>> -> memref<50x32xf32, #tpu.memory_space<vmem>>
        %get3A_1535 = arith.index_cast %get3A_1528 : i32 to index
        %get3A_1536 = arith.constant 0 : index
        %get3A_1537 = tpu.vector_load %get3A_1534[%get3A_1535, %get3A_1536] {strides = array<i32>} : memref<50x32xf32, #tpu.memory_space<vmem>>, vector<1x16xf32>,
        %get3A_1538 = vector.shape_cast %get3A_1537 : vector<1x16xf32> to vector<16xf32>
        %get3A_1539 = arith.constant 1 : i32
        %get3A_1540 = arith.constant 12 : i32
        %get3A_1541 = arith.constant 0 : i32
        %get3A_1542 = arith.constant 0 : i32
        %get3A_1543 = tpu.memref_slice %arg12[%get3A_1539, %get3A_1541, %get3A_1542] : memref<2x1600x32xf32, #tpu.memory_space<vmem>> -> memref<1x1600x32xf32, #tpu.memory_space<vmem>>
        %get3A_1544 = tpu.memref_squeeze %get3A_1543 : memref<1x1600x32xf32, #tpu.memory_space<vmem>> -> memref<1600x32xf32, #tpu.memory_space<vmem>>
        %get3A_1545 = arith.constant 0 : i32
        %get3A_1546 = tpu.memref_slice %get3A_1544[%mul3A_1207, %get3A_1545] : memref<1600x32xf32, #tpu.memory_space<vmem>> -> memref<50x32xf32, #tpu.memory_space<vmem>>
        %get3A_1547 = arith.index_cast %get3A_1540 : i32 to index
        %get3A_1548 = arith.constant 16 : index
        %get3A_1549 = tpu.vector_load %get3A_1546[%get3A_1547, %get3A_1548] {strides = array<i32>} : memref<50x32xf32, #tpu.memory_space<vmem>>, vector<1x16xf32>,
        %get3A_1550 = vector.shape_cast %get3A_1549 : vector<1x16xf32> to vector<16xf32>
        %add3A_1551 = arith.addf %add3A_1499, %get3A_1538 : vector<16xf32>
        %add3A_1552 = arith.addf %add3A_1500, %get3A_1550 : vector<16xf32>
        %get3A_1553 = arith.constant 1 : i32
        %get3A_1554 = arith.constant 13 : i32
        %get3A_1555 = arith.constant 0 : i32
        %get3A_1556 = arith.constant 0 : i32
        %get3A_1557 = tpu.memref_slice %arg12[%get3A_1553, %get3A_1555, %get3A_1556] : memref<2x1600x32xf32, #tpu.memory_space<vmem>> -> memref<1x1600x32xf32, #tpu.memory_space<vmem>>
        %get3A_1558 = tpu.memref_squeeze %get3A_1557 : memref<1x1600x32xf32, #tpu.memory_space<vmem>> -> memref<1600x32xf32, #tpu.memory_space<vmem>>
        %get3A_1559 = arith.constant 0 : i32
        %get3A_1560 = tpu.memref_slice %get3A_1558[%mul3A_1207, %get3A_1559] : memref<1600x32xf32, #tpu.memory_space<vmem>> -> memref<50x32xf32, #tpu.memory_space<vmem>>
        %get3A_1561 = arith.index_cast %get3A_1554 : i32 to index
        %get3A_1562 = arith.constant 0 : index
        %get3A_1563 = tpu.vector_load %get3A_1560[%get3A_1561, %get3A_1562] {strides = array<i32>} : memref<50x32xf32, #tpu.memory_space<vmem>>, vector<1x16xf32>,
        %get3A_1564 = vector.shape_cast %get3A_1563 : vector<1x16xf32> to vector<16xf32>
        %get3A_1565 = arith.constant 1 : i32
        %get3A_1566 = arith.constant 13 : i32
        %get3A_1567 = arith.constant 0 : i32
        %get3A_1568 = arith.constant 0 : i32
        %get3A_1569 = tpu.memref_slice %arg12[%get3A_1565, %get3A_1567, %get3A_1568] : memref<2x1600x32xf32, #tpu.memory_space<vmem>> -> memref<1x1600x32xf32, #tpu.memory_space<vmem>>
        %get3A_1570 = tpu.memref_squeeze %get3A_1569 : memref<1x1600x32xf32, #tpu.memory_space<vmem>> -> memref<1600x32xf32, #tpu.memory_space<vmem>>
        %get3A_1571 = arith.constant 0 : i32
        %get3A_1572 = tpu.memref_slice %get3A_1570[%mul3A_1207, %get3A_1571] : memref<1600x32xf32, #tpu.memory_space<vmem>> -> memref<50x32xf32, #tpu.memory_space<vmem>>
        %get3A_1573 = arith.index_cast %get3A_1566 : i32 to index
        %get3A_1574 = arith.constant 16 : index
        %get3A_1575 = tpu.vector_load %get3A_1572[%get3A_1573, %get3A_1574] {strides = array<i32>} : memref<50x32xf32, #tpu.memory_space<vmem>>, vector<1x16xf32>,
        %get3A_1576 = vector.shape_cast %get3A_1575 : vector<1x16xf32> to vector<16xf32>
        %add3A_1577 = arith.addf %add3A_1525, %get3A_1564 : vector<16xf32>
        %add3A_1578 = arith.addf %add3A_1526, %get3A_1576 : vector<16xf32>
        %get3A_1579 = arith.constant 1 : i32
        %get3A_1580 = arith.constant 14 : i32
        %get3A_1581 = arith.constant 0 : i32
        %get3A_1582 = arith.constant 0 : i32
        %get3A_1583 = tpu.memref_slice %arg12[%get3A_1579, %get3A_1581, %get3A_1582] : memref<2x1600x32xf32, #tpu.memory_space<vmem>> -> memref<1x1600x32xf32, #tpu.memory_space<vmem>>
        %get3A_1584 = tpu.memref_squeeze %get3A_1583 : memref<1x1600x32xf32, #tpu.memory_space<vmem>> -> memref<1600x32xf32, #tpu.memory_space<vmem>>
        %get3A_1585 = arith.constant 0 : i32
        %get3A_1586 = tpu.memref_slice %get3A_1584[%mul3A_1207, %get3A_1585] : memref<1600x32xf32, #tpu.memory_space<vmem>> -> memref<50x32xf32, #tpu.memory_space<vmem>>
        %get3A_1587 = arith.index_cast %get3A_1580 : i32 to index
        %get3A_1588 = arith.constant 0 : index
        %get3A_1589 = tpu.vector_load %get3A_1586[%get3A_1587, %get3A_1588] {strides = array<i32>} : memref<50x32xf32, #tpu.memory_space<vmem>>, vector<1x16xf32>,
        %get3A_1590 = vector.shape_cast %get3A_1589 : vector<1x16xf32> to vector<16xf32>
        %get3A_1591 = arith.constant 1 : i32
        %get3A_1592 = arith.constant 14 : i32
        %get3A_1593 = arith.constant 0 : i32
        %get3A_1594 = arith.constant 0 : i32
        %get3A_1595 = tpu.memref_slice %arg12[%get3A_1591, %get3A_1593, %get3A_1594] : memref<2x1600x32xf32, #tpu.memory_space<vmem>> -> memref<1x1600x32xf32, #tpu.memory_space<vmem>>
        %get3A_1596 = tpu.memref_squeeze %get3A_1595 : memref<1x1600x32xf32, #tpu.memory_space<vmem>> -> memref<1600x32xf32, #tpu.memory_space<vmem>>
        %get3A_1597 = arith.constant 0 : i32
        %get3A_1598 = tpu.memref_slice %get3A_1596[%mul3A_1207, %get3A_1597] : memref<1600x32xf32, #tpu.memory_space<vmem>> -> memref<50x32xf32, #tpu.memory_space<vmem>>
        %get3A_1599 = arith.index_cast %get3A_1592 : i32 to index
        %get3A_1600 = arith.constant 16 : index
        %get3A_1601 = tpu.vector_load %get3A_1598[%get3A_1599, %get3A_1600] {strides = array<i32>} : memref<50x32xf32, #tpu.memory_space<vmem>>, vector<1x16xf32>,
        %get3A_1602 = vector.shape_cast %get3A_1601 : vector<1x16xf32> to vector<16xf32>
        %add3A_1603 = arith.addf %add3A_1551, %get3A_1590 : vector<16xf32>
        %add3A_1604 = arith.addf %add3A_1552, %get3A_1602 : vector<16xf32>
        %get3A_1605 = arith.constant 1 : i32
        %get3A_1606 = arith.constant 15 : i32
        %get3A_1607 = arith.constant 0 : i32
        %get3A_1608 = arith.constant 0 : i32
        %get3A_1609 = tpu.memref_slice %arg12[%get3A_1605, %get3A_1607, %get3A_1608] : memref<2x1600x32xf32, #tpu.memory_space<vmem>> -> memref<1x1600x32xf32, #tpu.memory_space<vmem>>
        %get3A_1610 = tpu.memref_squeeze %get3A_1609 : memref<1x1600x32xf32, #tpu.memory_space<vmem>> -> memref<1600x32xf32, #tpu.memory_space<vmem>>
        %get3A_1611 = arith.constant 0 : i32
        %get3A_1612 = tpu.memref_slice %get3A_1610[%mul3A_1207, %get3A_1611] : memref<1600x32xf32, #tpu.memory_space<vmem>> -> memref<50x32xf32, #tpu.memory_space<vmem>>
        %get3A_1613 = arith.index_cast %get3A_1606 : i32 to index
        %get3A_1614 = arith.constant 0 : index
        %get3A_1615 = tpu.vector_load %get3A_1612[%get3A_1613, %get3A_1614] {strides = array<i32>} : memref<50x32xf32, #tpu.memory_space<vmem>>, vector<1x16xf32>,
        %get3A_1616 = vector.shape_cast %get3A_1615 : vector<1x16xf32> to vector<16xf32>
        %get3A_1617 = arith.constant 1 : i32
        %get3A_1618 = arith.constant 15 : i32
        %get3A_1619 = arith.constant 0 : i32
        %get3A_1620 = arith.constant 0 : i32
        %get3A_1621 = tpu.memref_slice %arg12[%get3A_1617, %get3A_1619, %get3A_1620] : memref<2x1600x32xf32, #tpu.memory_space<vmem>> -> memref<1x1600x32xf32, #tpu.memory_space<vmem>>
        %get3A_1622 = tpu.memref_squeeze %get3A_1621 : memref<1x1600x32xf32, #tpu.memory_space<vmem>> -> memref<1600x32xf32, #tpu.memory_space<vmem>>
        %get3A_1623 = arith.constant 0 : i32
        %get3A_1624 = tpu.memref_slice %get3A_1622[%mul3A_1207, %get3A_1623] : memref<1600x32xf32, #tpu.memory_space<vmem>> -> memref<50x32xf32, #tpu.memory_space<vmem>>
        %get3A_1625 = arith.index_cast %get3A_1618 : i32 to index
        %get3A_1626 = arith.constant 16 : index
        %get3A_1627 = tpu.vector_load %get3A_1624[%get3A_1625, %get3A_1626] {strides = array<i32>} : memref<50x32xf32, #tpu.memory_space<vmem>>, vector<1x16xf32>,
        %get3A_1628 = vector.shape_cast %get3A_1627 : vector<1x16xf32> to vector<16xf32>
        %add3A_1629 = arith.addf %add3A_1577, %get3A_1616 : vector<16xf32>
        %add3A_1630 = arith.addf %add3A_1578, %get3A_1628 : vector<16xf32>
        %get3A_1631 = arith.constant 1 : i32
        %get3A_1632 = arith.constant 16 : i32
        %get3A_1633 = arith.constant 0 : i32
        %get3A_1634 = arith.constant 0 : i32
        %get3A_1635 = tpu.memref_slice %arg12[%get3A_1631, %get3A_1633, %get3A_1634] : memref<2x1600x32xf32, #tpu.memory_space<vmem>> -> memref<1x1600x32xf32, #tpu.memory_space<vmem>>
        %get3A_1636 = tpu.memref_squeeze %get3A_1635 : memref<1x1600x32xf32, #tpu.memory_space<vmem>> -> memref<1600x32xf32, #tpu.memory_space<vmem>>
        %get3A_1637 = arith.constant 0 : i32
        %get3A_1638 = tpu.memref_slice %get3A_1636[%mul3A_1207, %get3A_1637] : memref<1600x32xf32, #tpu.memory_space<vmem>> -> memref<50x32xf32, #tpu.memory_space<vmem>>
        %get3A_1639 = arith.index_cast %get3A_1632 : i32 to index
        %get3A_1640 = arith.constant 0 : index
        %get3A_1641 = tpu.vector_load %get3A_1638[%get3A_1639, %get3A_1640] {strides = array<i32>} : memref<50x32xf32, #tpu.memory_space<vmem>>, vector<1x16xf32>,
        %get3A_1642 = vector.shape_cast %get3A_1641 : vector<1x16xf32> to vector<16xf32>
        %get3A_1643 = arith.constant 1 : i32
        %get3A_1644 = arith.constant 16 : i32
        %get3A_1645 = arith.constant 0 : i32
        %get3A_1646 = arith.constant 0 : i32
        %get3A_1647 = tpu.memref_slice %arg12[%get3A_1643, %get3A_1645, %get3A_1646] : memref<2x1600x32xf32, #tpu.memory_space<vmem>> -> memref<1x1600x32xf32, #tpu.memory_space<vmem>>
        %get3A_1648 = tpu.memref_squeeze %get3A_1647 : memref<1x1600x32xf32, #tpu.memory_space<vmem>> -> memref<1600x32xf32, #tpu.memory_space<vmem>>
        %get3A_1649 = arith.constant 0 : i32
        %get3A_1650 = tpu.memref_slice %get3A_1648[%mul3A_1207, %get3A_1649] : memref<1600x32xf32, #tpu.memory_space<vmem>> -> memref<50x32xf32, #tpu.memory_space<vmem>>
        %get3A_1651 = arith.index_cast %get3A_1644 : i32 to index
        %get3A_1652 = arith.constant 16 : index
        %get3A_1653 = tpu.vector_load %get3A_1650[%get3A_1651, %get3A_1652] {strides = array<i32>} : memref<50x32xf32, #tpu.memory_space<vmem>>, vector<1x16xf32>,
        %get3A_1654 = vector.shape_cast %get3A_1653 : vector<1x16xf32> to vector<16xf32>
        %add3A_1655 = arith.addf %add3A_1603, %get3A_1642 : vector<16xf32>
        %add3A_1656 = arith.addf %add3A_1604, %get3A_1654 : vector<16xf32>
        %get3A_1657 = arith.constant 1 : i32
        %get3A_1658 = arith.constant 17 : i32
        %get3A_1659 = arith.constant 0 : i32
        %get3A_1660 = arith.constant 0 : i32
        %get3A_1661 = tpu.memref_slice %arg12[%get3A_1657, %get3A_1659, %get3A_1660] : memref<2x1600x32xf32, #tpu.memory_space<vmem>> -> memref<1x1600x32xf32, #tpu.memory_space<vmem>>
        %get3A_1662 = tpu.memref_squeeze %get3A_1661 : memref<1x1600x32xf32, #tpu.memory_space<vmem>> -> memref<1600x32xf32, #tpu.memory_space<vmem>>
        %get3A_1663 = arith.constant 0 : i32
        %get3A_1664 = tpu.memref_slice %get3A_1662[%mul3A_1207, %get3A_1663] : memref<1600x32xf32, #tpu.memory_space<vmem>> -> memref<50x32xf32, #tpu.memory_space<vmem>>
        %get3A_1665 = arith.index_cast %get3A_1658 : i32 to index
        %get3A_1666 = arith.constant 0 : index
        %get3A_1667 = tpu.vector_load %get3A_1664[%get3A_1665, %get3A_1666] {strides = array<i32>} : memref<50x32xf32, #tpu.memory_space<vmem>>, vector<1x16xf32>,
        %get3A_1668 = vector.shape_cast %get3A_1667 : vector<1x16xf32> to vector<16xf32>
        %get3A_1669 = arith.constant 1 : i32
        %get3A_1670 = arith.constant 17 : i32
        %get3A_1671 = arith.constant 0 : i32
        %get3A_1672 = arith.constant 0 : i32
        %get3A_1673 = tpu.memref_slice %arg12[%get3A_1669, %get3A_1671, %get3A_1672] : memref<2x1600x32xf32, #tpu.memory_space<vmem>> -> memref<1x1600x32xf32, #tpu.memory_space<vmem>>
        %get3A_1674 = tpu.memref_squeeze %get3A_1673 : memref<1x1600x32xf32, #tpu.memory_space<vmem>> -> memref<1600x32xf32, #tpu.memory_space<vmem>>
        %get3A_1675 = arith.constant 0 : i32
        %get3A_1676 = tpu.memref_slice %get3A_1674[%mul3A_1207, %get3A_1675] : memref<1600x32xf32, #tpu.memory_space<vmem>> -> memref<50x32xf32, #tpu.memory_space<vmem>>
        %get3A_1677 = arith.index_cast %get3A_1670 : i32 to index
        %get3A_1678 = arith.constant 16 : index
        %get3A_1679 = tpu.vector_load %get3A_1676[%get3A_1677, %get3A_1678] {strides = array<i32>} : memref<50x32xf32, #tpu.memory_space<vmem>>, vector<1x16xf32>,
        %get3A_1680 = vector.shape_cast %get3A_1679 : vector<1x16xf32> to vector<16xf32>
        %add3A_1681 = arith.addf %add3A_1629, %get3A_1668 : vector<16xf32>
        %add3A_1682 = arith.addf %add3A_1630, %get3A_1680 : vector<16xf32>
        %get3A_1683 = arith.constant 1 : i32
        %get3A_1684 = arith.constant 18 : i32
        %get3A_1685 = arith.constant 0 : i32
        %get3A_1686 = arith.constant 0 : i32
        %get3A_1687 = tpu.memref_slice %arg12[%get3A_1683, %get3A_1685, %get3A_1686] : memref<2x1600x32xf32, #tpu.memory_space<vmem>> -> memref<1x1600x32xf32, #tpu.memory_space<vmem>>
        %get3A_1688 = tpu.memref_squeeze %get3A_1687 : memref<1x1600x32xf32, #tpu.memory_space<vmem>> -> memref<1600x32xf32, #tpu.memory_space<vmem>>
        %get3A_1689 = arith.constant 0 : i32
        %get3A_1690 = tpu.memref_slice %get3A_1688[%mul3A_1207, %get3A_1689] : memref<1600x32xf32, #tpu.memory_space<vmem>> -> memref<50x32xf32, #tpu.memory_space<vmem>>
        %get3A_1691 = arith.index_cast %get3A_1684 : i32 to index
        %get3A_1692 = arith.constant 0 : index
        %get3A_1693 = tpu.vector_load %get3A_1690[%get3A_1691, %get3A_1692] {strides = array<i32>} : memref<50x32xf32, #tpu.memory_space<vmem>>, vector<1x16xf32>,
        %get3A_1694 = vector.shape_cast %get3A_1693 : vector<1x16xf32> to vector<16xf32>
        %get3A_1695 = arith.constant 1 : i32
        %get3A_1696 = arith.constant 18 : i32
        %get3A_1697 = arith.constant 0 : i32
        %get3A_1698 = arith.constant 0 : i32
        %get3A_1699 = tpu.memref_slice %arg12[%get3A_1695, %get3A_1697, %get3A_1698] : memref<2x1600x32xf32, #tpu.memory_space<vmem>> -> memref<1x1600x32xf32, #tpu.memory_space<vmem>>
        %get3A_1700 = tpu.memref_squeeze %get3A_1699 : memref<1x1600x32xf32, #tpu.memory_space<vmem>> -> memref<1600x32xf32, #tpu.memory_space<vmem>>
        %get3A_1701 = arith.constant 0 : i32
        %get3A_1702 = tpu.memref_slice %get3A_1700[%mul3A_1207, %get3A_1701] : memref<1600x32xf32, #tpu.memory_space<vmem>> -> memref<50x32xf32, #tpu.memory_space<vmem>>
        %get3A_1703 = arith.index_cast %get3A_1696 : i32 to index
        %get3A_1704 = arith.constant 16 : index
        %get3A_1705 = tpu.vector_load %get3A_1702[%get3A_1703, %get3A_1704] {strides = array<i32>} : memref<50x32xf32, #tpu.memory_space<vmem>>, vector<1x16xf32>,
        %get3A_1706 = vector.shape_cast %get3A_1705 : vector<1x16xf32> to vector<16xf32>
        %add3A_1707 = arith.addf %add3A_1655, %get3A_1694 : vector<16xf32>
        %add3A_1708 = arith.addf %add3A_1656, %get3A_1706 : vector<16xf32>
        %get3A_1709 = arith.constant 1 : i32
        %get3A_1710 = arith.constant 19 : i32
        %get3A_1711 = arith.constant 0 : i32
        %get3A_1712 = arith.constant 0 : i32
        %get3A_1713 = tpu.memref_slice %arg12[%get3A_1709, %get3A_1711, %get3A_1712] : memref<2x1600x32xf32, #tpu.memory_space<vmem>> -> memref<1x1600x32xf32, #tpu.memory_space<vmem>>
        %get3A_1714 = tpu.memref_squeeze %get3A_1713 : memref<1x1600x32xf32, #tpu.memory_space<vmem>> -> memref<1600x32xf32, #tpu.memory_space<vmem>>
        %get3A_1715 = arith.constant 0 : i32
        %get3A_1716 = tpu.memref_slice %get3A_1714[%mul3A_1207, %get3A_1715] : memref<1600x32xf32, #tpu.memory_space<vmem>> -> memref<50x32xf32, #tpu.memory_space<vmem>>
        %get3A_1717 = arith.index_cast %get3A_1710 : i32 to index
        %get3A_1718 = arith.constant 0 : index
        %get3A_1719 = tpu.vector_load %get3A_1716[%get3A_1717, %get3A_1718] {strides = array<i32>} : memref<50x32xf32, #tpu.memory_space<vmem>>, vector<1x16xf32>,
        %get3A_1720 = vector.shape_cast %get3A_1719 : vector<1x16xf32> to vector<16xf32>
        %get3A_1721 = arith.constant 1 : i32
        %get3A_1722 = arith.constant 19 : i32
        %get3A_1723 = arith.constant 0 : i32
        %get3A_1724 = arith.constant 0 : i32
        %get3A_1725 = tpu.memref_slice %arg12[%get3A_1721, %get3A_1723, %get3A_1724] : memref<2x1600x32xf32, #tpu.memory_space<vmem>> -> memref<1x1600x32xf32, #tpu.memory_space<vmem>>
        %get3A_1726 = tpu.memref_squeeze %get3A_1725 : memref<1x1600x32xf32, #tpu.memory_space<vmem>> -> memref<1600x32xf32, #tpu.memory_space<vmem>>
        %get3A_1727 = arith.constant 0 : i32
        %get3A_1728 = tpu.memref_slice %get3A_1726[%mul3A_1207, %get3A_1727] : memref<1600x32xf32, #tpu.memory_space<vmem>> -> memref<50x32xf32, #tpu.memory_space<vmem>>
        %get3A_1729 = arith.index_cast %get3A_1722 : i32 to index
        %get3A_1730 = arith.constant 16 : index
        %get3A_1731 = tpu.vector_load %get3A_1728[%get3A_1729, %get3A_1730] {strides = array<i32>} : memref<50x32xf32, #tpu.memory_space<vmem>>, vector<1x16xf32>,
        %get3A_1732 = vector.shape_cast %get3A_1731 : vector<1x16xf32> to vector<16xf32>
        %add3A_1733 = arith.addf %add3A_1681, %get3A_1720 : vector<16xf32>
        %add3A_1734 = arith.addf %add3A_1682, %get3A_1732 : vector<16xf32>
        %get3A_1735 = arith.constant 1 : i32
        %get3A_1736 = arith.constant 20 : i32
        %get3A_1737 = arith.constant 0 : i32
        %get3A_1738 = arith.constant 0 : i32
        %get3A_1739 = tpu.memref_slice %arg12[%get3A_1735, %get3A_1737, %get3A_1738] : memref<2x1600x32xf32, #tpu.memory_space<vmem>> -> memref<1x1600x32xf32, #tpu.memory_space<vmem>>
        %get3A_1740 = tpu.memref_squeeze %get3A_1739 : memref<1x1600x32xf32, #tpu.memory_space<vmem>> -> memref<1600x32xf32, #tpu.memory_space<vmem>>
        %get3A_1741 = arith.constant 0 : i32
        %get3A_1742 = tpu.memref_slice %get3A_1740[%mul3A_1207, %get3A_1741] : memref<1600x32xf32, #tpu.memory_space<vmem>> -> memref<50x32xf32, #tpu.memory_space<vmem>>
        %get3A_1743 = arith.index_cast %get3A_1736 : i32 to index
        %get3A_1744 = arith.constant 0 : index
        %get3A_1745 = tpu.vector_load %get3A_1742[%get3A_1743, %get3A_1744] {strides = array<i32>} : memref<50x32xf32, #tpu.memory_space<vmem>>, vector<1x16xf32>,
        %get3A_1746 = vector.shape_cast %get3A_1745 : vector<1x16xf32> to vector<16xf32>
        %get3A_1747 = arith.constant 1 : i32
        %get3A_1748 = arith.constant 20 : i32
        %get3A_1749 = arith.constant 0 : i32
        %get3A_1750 = arith.constant 0 : i32
        %get3A_1751 = tpu.memref_slice %arg12[%get3A_1747, %get3A_1749, %get3A_1750] : memref<2x1600x32xf32, #tpu.memory_space<vmem>> -> memref<1x1600x32xf32, #tpu.memory_space<vmem>>
        %get3A_1752 = tpu.memref_squeeze %get3A_1751 : memref<1x1600x32xf32, #tpu.memory_space<vmem>> -> memref<1600x32xf32, #tpu.memory_space<vmem>>
        %get3A_1753 = arith.constant 0 : i32
        %get3A_1754 = tpu.memref_slice %get3A_1752[%mul3A_1207, %get3A_1753] : memref<1600x32xf32, #tpu.memory_space<vmem>> -> memref<50x32xf32, #tpu.memory_space<vmem>>
        %get3A_1755 = arith.index_cast %get3A_1748 : i32 to index
        %get3A_1756 = arith.constant 16 : index
        %get3A_1757 = tpu.vector_load %get3A_1754[%get3A_1755, %get3A_1756] {strides = array<i32>} : memref<50x32xf32, #tpu.memory_space<vmem>>, vector<1x16xf32>,
        %get3A_1758 = vector.shape_cast %get3A_1757 : vector<1x16xf32> to vector<16xf32>
        %add3A_1759 = arith.addf %add3A_1707, %get3A_1746 : vector<16xf32>
        %add3A_1760 = arith.addf %add3A_1708, %get3A_1758 : vector<16xf32>
        %get3A_1761 = arith.constant 1 : i32
        %get3A_1762 = arith.constant 21 : i32
        %get3A_1763 = arith.constant 0 : i32
        %get3A_1764 = arith.constant 0 : i32
        %get3A_1765 = tpu.memref_slice %arg12[%get3A_1761, %get3A_1763, %get3A_1764] : memref<2x1600x32xf32, #tpu.memory_space<vmem>> -> memref<1x1600x32xf32, #tpu.memory_space<vmem>>
        %get3A_1766 = tpu.memref_squeeze %get3A_1765 : memref<1x1600x32xf32, #tpu.memory_space<vmem>> -> memref<1600x32xf32, #tpu.memory_space<vmem>>
        %get3A_1767 = arith.constant 0 : i32
        %get3A_1768 = tpu.memref_slice %get3A_1766[%mul3A_1207, %get3A_1767] : memref<1600x32xf32, #tpu.memory_space<vmem>> -> memref<50x32xf32, #tpu.memory_space<vmem>>
        %get3A_1769 = arith.index_cast %get3A_1762 : i32 to index
        %get3A_1770 = arith.constant 0 : index
        %get3A_1771 = tpu.vector_load %get3A_1768[%get3A_1769, %get3A_1770] {strides = array<i32>} : memref<50x32xf32, #tpu.memory_space<vmem>>, vector<1x16xf32>,
        %get3A_1772 = vector.shape_cast %get3A_1771 : vector<1x16xf32> to vector<16xf32>
        %get3A_1773 = arith.constant 1 : i32
        %get3A_1774 = arith.constant 21 : i32
        %get3A_1775 = arith.constant 0 : i32
        %get3A_1776 = arith.constant 0 : i32
        %get3A_1777 = tpu.memref_slice %arg12[%get3A_1773, %get3A_1775, %get3A_1776] : memref<2x1600x32xf32, #tpu.memory_space<vmem>> -> memref<1x1600x32xf32, #tpu.memory_space<vmem>>
        %get3A_1778 = tpu.memref_squeeze %get3A_1777 : memref<1x1600x32xf32, #tpu.memory_space<vmem>> -> memref<1600x32xf32, #tpu.memory_space<vmem>>
        %get3A_1779 = arith.constant 0 : i32
        %get3A_1780 = tpu.memref_slice %get3A_1778[%mul3A_1207, %get3A_1779] : memref<1600x32xf32, #tpu.memory_space<vmem>> -> memref<50x32xf32, #tpu.memory_space<vmem>>
        %get3A_1781 = arith.index_cast %get3A_1774 : i32 to index
        %get3A_1782 = arith.constant 16 : index
        %get3A_1783 = tpu.vector_load %get3A_1780[%get3A_1781, %get3A_1782] {strides = array<i32>} : memref<50x32xf32, #tpu.memory_space<vmem>>, vector<1x16xf32>,
        %get3A_1784 = vector.shape_cast %get3A_1783 : vector<1x16xf32> to vector<16xf32>
        %add3A_1785 = arith.addf %add3A_1733, %get3A_1772 : vector<16xf32>
        %add3A_1786 = arith.addf %add3A_1734, %get3A_1784 : vector<16xf32>
        %get3A_1787 = arith.constant 1 : i32
        %get3A_1788 = arith.constant 22 : i32
        %get3A_1789 = arith.constant 0 : i32
        %get3A_1790 = arith.constant 0 : i32
        %get3A_1791 = tpu.memref_slice %arg12[%get3A_1787, %get3A_1789, %get3A_1790] : memref<2x1600x32xf32, #tpu.memory_space<vmem>> -> memref<1x1600x32xf32, #tpu.memory_space<vmem>>
        %get3A_1792 = tpu.memref_squeeze %get3A_1791 : memref<1x1600x32xf32, #tpu.memory_space<vmem>> -> memref<1600x32xf32, #tpu.memory_space<vmem>>
        %get3A_1793 = arith.constant 0 : i32
        %get3A_1794 = tpu.memref_slice %get3A_1792[%mul3A_1207, %get3A_1793] : memref<1600x32xf32, #tpu.memory_space<vmem>> -> memref<50x32xf32, #tpu.memory_space<vmem>>
        %get3A_1795 = arith.index_cast %get3A_1788 : i32 to index
        %get3A_1796 = arith.constant 0 : index
        %get3A_1797 = tpu.vector_load %get3A_1794[%get3A_1795, %get3A_1796] {strides = array<i32>} : memref<50x32xf32, #tpu.memory_space<vmem>>, vector<1x16xf32>,
        %get3A_1798 = vector.shape_cast %get3A_1797 : vector<1x16xf32> to vector<16xf32>
        %get3A_1799 = arith.constant 1 : i32
        %get3A_1800 = arith.constant 22 : i32
        %get3A_1801 = arith.constant 0 : i32
        %get3A_1802 = arith.constant 0 : i32
        %get3A_1803 = tpu.memref_slice %arg12[%get3A_1799, %get3A_1801, %get3A_1802] : memref<2x1600x32xf32, #tpu.memory_space<vmem>> -> memref<1x1600x32xf32, #tpu.memory_space<vmem>>
        %get3A_1804 = tpu.memref_squeeze %get3A_1803 : memref<1x1600x32xf32, #tpu.memory_space<vmem>> -> memref<1600x32xf32, #tpu.memory_space<vmem>>
        %get3A_1805 = arith.constant 0 : i32
        %get3A_1806 = tpu.memref_slice %get3A_1804[%mul3A_1207, %get3A_1805] : memref<1600x32xf32, #tpu.memory_space<vmem>> -> memref<50x32xf32, #tpu.memory_space<vmem>>
        %get3A_1807 = arith.index_cast %get3A_1800 : i32 to index
        %get3A_1808 = arith.constant 16 : index
        %get3A_1809 = tpu.vector_load %get3A_1806[%get3A_1807, %get3A_1808] {strides = array<i32>} : memref<50x32xf32, #tpu.memory_space<vmem>>, vector<1x16xf32>,
        %get3A_1810 = vector.shape_cast %get3A_1809 : vector<1x16xf32> to vector<16xf32>
        %add3A_1811 = arith.addf %add3A_1759, %get3A_1798 : vector<16xf32>
        %add3A_1812 = arith.addf %add3A_1760, %get3A_1810 : vector<16xf32>
        %get3A_1813 = arith.constant 1 : i32
        %get3A_1814 = arith.constant 23 : i32
        %get3A_1815 = arith.constant 0 : i32
        %get3A_1816 = arith.constant 0 : i32
        %get3A_1817 = tpu.memref_slice %arg12[%get3A_1813, %get3A_1815, %get3A_1816] : memref<2x1600x32xf32, #tpu.memory_space<vmem>> -> memref<1x1600x32xf32, #tpu.memory_space<vmem>>
        %get3A_1818 = tpu.memref_squeeze %get3A_1817 : memref<1x1600x32xf32, #tpu.memory_space<vmem>> -> memref<1600x32xf32, #tpu.memory_space<vmem>>
        %get3A_1819 = arith.constant 0 : i32
        %get3A_1820 = tpu.memref_slice %get3A_1818[%mul3A_1207, %get3A_1819] : memref<1600x32xf32, #tpu.memory_space<vmem>> -> memref<50x32xf32, #tpu.memory_space<vmem>>
        %get3A_1821 = arith.index_cast %get3A_1814 : i32 to index
        %get3A_1822 = arith.constant 0 : index
        %get3A_1823 = tpu.vector_load %get3A_1820[%get3A_1821, %get3A_1822] {strides = array<i32>} : memref<50x32xf32, #tpu.memory_space<vmem>>, vector<1x16xf32>,
        %get3A_1824 = vector.shape_cast %get3A_1823 : vector<1x16xf32> to vector<16xf32>
        %get3A_1825 = arith.constant 1 : i32
        %get3A_1826 = arith.constant 23 : i32
        %get3A_1827 = arith.constant 0 : i32
        %get3A_1828 = arith.constant 0 : i32
        %get3A_1829 = tpu.memref_slice %arg12[%get3A_1825, %get3A_1827, %get3A_1828] : memref<2x1600x32xf32, #tpu.memory_space<vmem>> -> memref<1x1600x32xf32, #tpu.memory_space<vmem>>
        %get3A_1830 = tpu.memref_squeeze %get3A_1829 : memref<1x1600x32xf32, #tpu.memory_space<vmem>> -> memref<1600x32xf32, #tpu.memory_space<vmem>>
        %get3A_1831 = arith.constant 0 : i32
        %get3A_1832 = tpu.memref_slice %get3A_1830[%mul3A_1207, %get3A_1831] : memref<1600x32xf32, #tpu.memory_space<vmem>> -> memref<50x32xf32, #tpu.memory_space<vmem>>
        %get3A_1833 = arith.index_cast %get3A_1826 : i32 to index
        %get3A_1834 = arith.constant 16 : index
        %get3A_1835 = tpu.vector_load %get3A_1832[%get3A_1833, %get3A_1834] {strides = array<i32>} : memref<50x32xf32, #tpu.memory_space<vmem>>, vector<1x16xf32>,
        %get3A_1836 = vector.shape_cast %get3A_1835 : vector<1x16xf32> to vector<16xf32>
        %add3A_1837 = arith.addf %add3A_1785, %get3A_1824 : vector<16xf32>
        %add3A_1838 = arith.addf %add3A_1786, %get3A_1836 : vector<16xf32>
        %get3A_1839 = arith.constant 1 : i32
        %get3A_1840 = arith.constant 24 : i32
        %get3A_1841 = arith.constant 0 : i32
        %get3A_1842 = arith.constant 0 : i32
        %get3A_1843 = tpu.memref_slice %arg12[%get3A_1839, %get3A_1841, %get3A_1842] : memref<2x1600x32xf32, #tpu.memory_space<vmem>> -> memref<1x1600x32xf32, #tpu.memory_space<vmem>>
        %get3A_1844 = tpu.memref_squeeze %get3A_1843 : memref<1x1600x32xf32, #tpu.memory_space<vmem>> -> memref<1600x32xf32, #tpu.memory_space<vmem>>
        %get3A_1845 = arith.constant 0 : i32
        %get3A_1846 = tpu.memref_slice %get3A_1844[%mul3A_1207, %get3A_1845] : memref<1600x32xf32, #tpu.memory_space<vmem>> -> memref<50x32xf32, #tpu.memory_space<vmem>>
        %get3A_1847 = arith.index_cast %get3A_1840 : i32 to index
        %get3A_1848 = arith.constant 0 : index
        %get3A_1849 = tpu.vector_load %get3A_1846[%get3A_1847, %get3A_1848] {strides = array<i32>} : memref<50x32xf32, #tpu.memory_space<vmem>>, vector<1x16xf32>,
        %get3A_1850 = vector.shape_cast %get3A_1849 : vector<1x16xf32> to vector<16xf32>
        %get3A_1851 = arith.constant 1 : i32
        %get3A_1852 = arith.constant 24 : i32
        %get3A_1853 = arith.constant 0 : i32
        %get3A_1854 = arith.constant 0 : i32
        %get3A_1855 = tpu.memref_slice %arg12[%get3A_1851, %get3A_1853, %get3A_1854] : memref<2x1600x32xf32, #tpu.memory_space<vmem>> -> memref<1x1600x32xf32, #tpu.memory_space<vmem>>
        %get3A_1856 = tpu.memref_squeeze %get3A_1855 : memref<1x1600x32xf32, #tpu.memory_space<vmem>> -> memref<1600x32xf32, #tpu.memory_space<vmem>>
        %get3A_1857 = arith.constant 0 : i32
        %get3A_1858 = tpu.memref_slice %get3A_1856[%mul3A_1207, %get3A_1857] : memref<1600x32xf32, #tpu.memory_space<vmem>> -> memref<50x32xf32, #tpu.memory_space<vmem>>
        %get3A_1859 = arith.index_cast %get3A_1852 : i32 to index
        %get3A_1860 = arith.constant 16 : index
        %get3A_1861 = tpu.vector_load %get3A_1858[%get3A_1859, %get3A_1860] {strides = array<i32>} : memref<50x32xf32, #tpu.memory_space<vmem>>, vector<1x16xf32>,
        %get3A_1862 = vector.shape_cast %get3A_1861 : vector<1x16xf32> to vector<16xf32>
        %add3A_1863 = arith.addf %add3A_1811, %get3A_1850 : vector<16xf32>
        %add3A_1864 = arith.addf %add3A_1812, %get3A_1862 : vector<16xf32>
        %get3A_1865 = arith.constant 1 : i32
        %get3A_1866 = arith.constant 25 : i32
        %get3A_1867 = arith.constant 0 : i32
        %get3A_1868 = arith.constant 0 : i32
        %get3A_1869 = tpu.memref_slice %arg12[%get3A_1865, %get3A_1867, %get3A_1868] : memref<2x1600x32xf32, #tpu.memory_space<vmem>> -> memref<1x1600x32xf32, #tpu.memory_space<vmem>>
        %get3A_1870 = tpu.memref_squeeze %get3A_1869 : memref<1x1600x32xf32, #tpu.memory_space<vmem>> -> memref<1600x32xf32, #tpu.memory_space<vmem>>
        %get3A_1871 = arith.constant 0 : i32
        %get3A_1872 = tpu.memref_slice %get3A_1870[%mul3A_1207, %get3A_1871] : memref<1600x32xf32, #tpu.memory_space<vmem>> -> memref<50x32xf32, #tpu.memory_space<vmem>>
        %get3A_1873 = arith.index_cast %get3A_1866 : i32 to index
        %get3A_1874 = arith.constant 0 : index
        %get3A_1875 = tpu.vector_load %get3A_1872[%get3A_1873, %get3A_1874] {strides = array<i32>} : memref<50x32xf32, #tpu.memory_space<vmem>>, vector<1x16xf32>,
        %get3A_1876 = vector.shape_cast %get3A_1875 : vector<1x16xf32> to vector<16xf32>
        %get3A_1877 = arith.constant 1 : i32
        %get3A_1878 = arith.constant 25 : i32
        %get3A_1879 = arith.constant 0 : i32
        %get3A_1880 = arith.constant 0 : i32
        %get3A_1881 = tpu.memref_slice %arg12[%get3A_1877, %get3A_1879, %get3A_1880] : memref<2x1600x32xf32, #tpu.memory_space<vmem>> -> memref<1x1600x32xf32, #tpu.memory_space<vmem>>
        %get3A_1882 = tpu.memref_squeeze %get3A_1881 : memref<1x1600x32xf32, #tpu.memory_space<vmem>> -> memref<1600x32xf32, #tpu.memory_space<vmem>>
        %get3A_1883 = arith.constant 0 : i32
        %get3A_1884 = tpu.memref_slice %get3A_1882[%mul3A_1207, %get3A_1883] : memref<1600x32xf32, #tpu.memory_space<vmem>> -> memref<50x32xf32, #tpu.memory_space<vmem>>
        %get3A_1885 = arith.index_cast %get3A_1878 : i32 to index
        %get3A_1886 = arith.constant 16 : index
        %get3A_1887 = tpu.vector_load %get3A_1884[%get3A_1885, %get3A_1886] {strides = array<i32>} : memref<50x32xf32, #tpu.memory_space<vmem>>, vector<1x16xf32>,
        %get3A_1888 = vector.shape_cast %get3A_1887 : vector<1x16xf32> to vector<16xf32>
        %add3A_1889 = arith.addf %add3A_1837, %get3A_1876 : vector<16xf32>
        %add3A_1890 = arith.addf %add3A_1838, %get3A_1888 : vector<16xf32>
        %get3A_1891 = arith.constant 1 : i32
        %get3A_1892 = arith.constant 26 : i32
        %get3A_1893 = arith.constant 0 : i32
        %get3A_1894 = arith.constant 0 : i32
        %get3A_1895 = tpu.memref_slice %arg12[%get3A_1891, %get3A_1893, %get3A_1894] : memref<2x1600x32xf32, #tpu.memory_space<vmem>> -> memref<1x1600x32xf32, #tpu.memory_space<vmem>>
        %get3A_1896 = tpu.memref_squeeze %get3A_1895 : memref<1x1600x32xf32, #tpu.memory_space<vmem>> -> memref<1600x32xf32, #tpu.memory_space<vmem>>
        %get3A_1897 = arith.constant 0 : i32
        %get3A_1898 = tpu.memref_slice %get3A_1896[%mul3A_1207, %get3A_1897] : memref<1600x32xf32, #tpu.memory_space<vmem>> -> memref<50x32xf32, #tpu.memory_space<vmem>>
        %get3A_1899 = arith.index_cast %get3A_1892 : i32 to index
        %get3A_1900 = arith.constant 0 : index
        %get3A_1901 = tpu.vector_load %get3A_1898[%get3A_1899, %get3A_1900] {strides = array<i32>} : memref<50x32xf32, #tpu.memory_space<vmem>>, vector<1x16xf32>,
        %get3A_1902 = vector.shape_cast %get3A_1901 : vector<1x16xf32> to vector<16xf32>
        %get3A_1903 = arith.constant 1 : i32
        %get3A_1904 = arith.constant 26 : i32
        %get3A_1905 = arith.constant 0 : i32
        %get3A_1906 = arith.constant 0 : i32
        %get3A_1907 = tpu.memref_slice %arg12[%get3A_1903, %get3A_1905, %get3A_1906] : memref<2x1600x32xf32, #tpu.memory_space<vmem>> -> memref<1x1600x32xf32, #tpu.memory_space<vmem>>
        %get3A_1908 = tpu.memref_squeeze %get3A_1907 : memref<1x1600x32xf32, #tpu.memory_space<vmem>> -> memref<1600x32xf32, #tpu.memory_space<vmem>>
        %get3A_1909 = arith.constant 0 : i32
        %get3A_1910 = tpu.memref_slice %get3A_1908[%mul3A_1207, %get3A_1909] : memref<1600x32xf32, #tpu.memory_space<vmem>> -> memref<50x32xf32, #tpu.memory_space<vmem>>
        %get3A_1911 = arith.index_cast %get3A_1904 : i32 to index
        %get3A_1912 = arith.constant 16 : index
        %get3A_1913 = tpu.vector_load %get3A_1910[%get3A_1911, %get3A_1912] {strides = array<i32>} : memref<50x32xf32, #tpu.memory_space<vmem>>, vector<1x16xf32>,
        %get3A_1914 = vector.shape_cast %get3A_1913 : vector<1x16xf32> to vector<16xf32>
        %add3A_1915 = arith.addf %add3A_1863, %get3A_1902 : vector<16xf32>
        %add3A_1916 = arith.addf %add3A_1864, %get3A_1914 : vector<16xf32>
        %get3A_1917 = arith.constant 1 : i32
        %get3A_1918 = arith.constant 27 : i32
        %get3A_1919 = arith.constant 0 : i32
        %get3A_1920 = arith.constant 0 : i32
        %get3A_1921 = tpu.memref_slice %arg12[%get3A_1917, %get3A_1919, %get3A_1920] : memref<2x1600x32xf32, #tpu.memory_space<vmem>> -> memref<1x1600x32xf32, #tpu.memory_space<vmem>>
        %get3A_1922 = tpu.memref_squeeze %get3A_1921 : memref<1x1600x32xf32, #tpu.memory_space<vmem>> -> memref<1600x32xf32, #tpu.memory_space<vmem>>
        %get3A_1923 = arith.constant 0 : i32
        %get3A_1924 = tpu.memref_slice %get3A_1922[%mul3A_1207, %get3A_1923] : memref<1600x32xf32, #tpu.memory_space<vmem>> -> memref<50x32xf32, #tpu.memory_space<vmem>>
        %get3A_1925 = arith.index_cast %get3A_1918 : i32 to index
        %get3A_1926 = arith.constant 0 : index
        %get3A_1927 = tpu.vector_load %get3A_1924[%get3A_1925, %get3A_1926] {strides = array<i32>} : memref<50x32xf32, #tpu.memory_space<vmem>>, vector<1x16xf32>,
        %get3A_1928 = vector.shape_cast %get3A_1927 : vector<1x16xf32> to vector<16xf32>
        %get3A_1929 = arith.constant 1 : i32
        %get3A_1930 = arith.constant 27 : i32
        %get3A_1931 = arith.constant 0 : i32
        %get3A_1932 = arith.constant 0 : i32
        %get3A_1933 = tpu.memref_slice %arg12[%get3A_1929, %get3A_1931, %get3A_1932] : memref<2x1600x32xf32, #tpu.memory_space<vmem>> -> memref<1x1600x32xf32, #tpu.memory_space<vmem>>
        %get3A_1934 = tpu.memref_squeeze %get3A_1933 : memref<1x1600x32xf32, #tpu.memory_space<vmem>> -> memref<1600x32xf32, #tpu.memory_space<vmem>>
        %get3A_1935 = arith.constant 0 : i32
        %get3A_1936 = tpu.memref_slice %get3A_1934[%mul3A_1207, %get3A_1935] : memref<1600x32xf32, #tpu.memory_space<vmem>> -> memref<50x32xf32, #tpu.memory_space<vmem>>
        %get3A_1937 = arith.index_cast %get3A_1930 : i32 to index
        %get3A_1938 = arith.constant 16 : index
        %get3A_1939 = tpu.vector_load %get3A_1936[%get3A_1937, %get3A_1938] {strides = array<i32>} : memref<50x32xf32, #tpu.memory_space<vmem>>, vector<1x16xf32>,
        %get3A_1940 = vector.shape_cast %get3A_1939 : vector<1x16xf32> to vector<16xf32>
        %add3A_1941 = arith.addf %add3A_1889, %get3A_1928 : vector<16xf32>
        %add3A_1942 = arith.addf %add3A_1890, %get3A_1940 : vector<16xf32>
        %get3A_1943 = arith.constant 1 : i32
        %get3A_1944 = arith.constant 28 : i32
        %get3A_1945 = arith.constant 0 : i32
        %get3A_1946 = arith.constant 0 : i32
        %get3A_1947 = tpu.memref_slice %arg12[%get3A_1943, %get3A_1945, %get3A_1946] : memref<2x1600x32xf32, #tpu.memory_space<vmem>> -> memref<1x1600x32xf32, #tpu.memory_space<vmem>>
        %get3A_1948 = tpu.memref_squeeze %get3A_1947 : memref<1x1600x32xf32, #tpu.memory_space<vmem>> -> memref<1600x32xf32, #tpu.memory_space<vmem>>
        %get3A_1949 = arith.constant 0 : i32
        %get3A_1950 = tpu.memref_slice %get3A_1948[%mul3A_1207, %get3A_1949] : memref<1600x32xf32, #tpu.memory_space<vmem>> -> memref<50x32xf32, #tpu.memory_space<vmem>>
        %get3A_1951 = arith.index_cast %get3A_1944 : i32 to index
        %get3A_1952 = arith.constant 0 : index
        %get3A_1953 = tpu.vector_load %get3A_1950[%get3A_1951, %get3A_1952] {strides = array<i32>} : memref<50x32xf32, #tpu.memory_space<vmem>>, vector<1x16xf32>,
        %get3A_1954 = vector.shape_cast %get3A_1953 : vector<1x16xf32> to vector<16xf32>
        %get3A_1955 = arith.constant 1 : i32
        %get3A_1956 = arith.constant 28 : i32
        %get3A_1957 = arith.constant 0 : i32
        %get3A_1958 = arith.constant 0 : i32
        %get3A_1959 = tpu.memref_slice %arg12[%get3A_1955, %get3A_1957, %get3A_1958] : memref<2x1600x32xf32, #tpu.memory_space<vmem>> -> memref<1x1600x32xf32, #tpu.memory_space<vmem>>
        %get3A_1960 = tpu.memref_squeeze %get3A_1959 : memref<1x1600x32xf32, #tpu.memory_space<vmem>> -> memref<1600x32xf32, #tpu.memory_space<vmem>>
        %get3A_1961 = arith.constant 0 : i32
        %get3A_1962 = tpu.memref_slice %get3A_1960[%mul3A_1207, %get3A_1961] : memref<1600x32xf32, #tpu.memory_space<vmem>> -> memref<50x32xf32, #tpu.memory_space<vmem>>
        %get3A_1963 = arith.index_cast %get3A_1956 : i32 to index
        %get3A_1964 = arith.constant 16 : index
        %get3A_1965 = tpu.vector_load %get3A_1962[%get3A_1963, %get3A_1964] {strides = array<i32>} : memref<50x32xf32, #tpu.memory_space<vmem>>, vector<1x16xf32>,
        %get3A_1966 = vector.shape_cast %get3A_1965 : vector<1x16xf32> to vector<16xf32>
        %add3A_1967 = arith.addf %add3A_1915, %get3A_1954 : vector<16xf32>
        %add3A_1968 = arith.addf %add3A_1916, %get3A_1966 : vector<16xf32>
        %get3A_1969 = arith.constant 1 : i32
        %get3A_1970 = arith.constant 29 : i32
        %get3A_1971 = arith.constant 0 : i32
        %get3A_1972 = arith.constant 0 : i32
        %get3A_1973 = tpu.memref_slice %arg12[%get3A_1969, %get3A_1971, %get3A_1972] : memref<2x1600x32xf32, #tpu.memory_space<vmem>> -> memref<1x1600x32xf32, #tpu.memory_space<vmem>>
        %get3A_1974 = tpu.memref_squeeze %get3A_1973 : memref<1x1600x32xf32, #tpu.memory_space<vmem>> -> memref<1600x32xf32, #tpu.memory_space<vmem>>
        %get3A_1975 = arith.constant 0 : i32
        %get3A_1976 = tpu.memref_slice %get3A_1974[%mul3A_1207, %get3A_1975] : memref<1600x32xf32, #tpu.memory_space<vmem>> -> memref<50x32xf32, #tpu.memory_space<vmem>>
        %get3A_1977 = arith.index_cast %get3A_1970 : i32 to index
        %get3A_1978 = arith.constant 0 : index
        %get3A_1979 = tpu.vector_load %get3A_1976[%get3A_1977, %get3A_1978] {strides = array<i32>} : memref<50x32xf32, #tpu.memory_space<vmem>>, vector<1x16xf32>,
        %get3A_1980 = vector.shape_cast %get3A_1979 : vector<1x16xf32> to vector<16xf32>
        %get3A_1981 = arith.constant 1 : i32
        %get3A_1982 = arith.constant 29 : i32
        %get3A_1983 = arith.constant 0 : i32
        %get3A_1984 = arith.constant 0 : i32
        %get3A_1985 = tpu.memref_slice %arg12[%get3A_1981, %get3A_1983, %get3A_1984] : memref<2x1600x32xf32, #tpu.memory_space<vmem>> -> memref<1x1600x32xf32, #tpu.memory_space<vmem>>
        %get3A_1986 = tpu.memref_squeeze %get3A_1985 : memref<1x1600x32xf32, #tpu.memory_space<vmem>> -> memref<1600x32xf32, #tpu.memory_space<vmem>>
        %get3A_1987 = arith.constant 0 : i32
        %get3A_1988 = tpu.memref_slice %get3A_1986[%mul3A_1207, %get3A_1987] : memref<1600x32xf32, #tpu.memory_space<vmem>> -> memref<50x32xf32, #tpu.memory_space<vmem>>
        %get3A_1989 = arith.index_cast %get3A_1982 : i32 to index
        %get3A_1990 = arith.constant 16 : index
        %get3A_1991 = tpu.vector_load %get3A_1988[%get3A_1989, %get3A_1990] {strides = array<i32>} : memref<50x32xf32, #tpu.memory_space<vmem>>, vector<1x16xf32>,
        %get3A_1992 = vector.shape_cast %get3A_1991 : vector<1x16xf32> to vector<16xf32>
        %add3A_1993 = arith.addf %add3A_1941, %get3A_1980 : vector<16xf32>
        %add3A_1994 = arith.addf %add3A_1942, %get3A_1992 : vector<16xf32>
        %get3A_1995 = arith.constant 1 : i32
        %get3A_1996 = arith.constant 30 : i32
        %get3A_1997 = arith.constant 0 : i32
        %get3A_1998 = arith.constant 0 : i32
        %get3A_1999 = tpu.memref_slice %arg12[%get3A_1995, %get3A_1997, %get3A_1998] : memref<2x1600x32xf32, #tpu.memory_space<vmem>> -> memref<1x1600x32xf32, #tpu.memory_space<vmem>>
        %get3A_2000 = tpu.memref_squeeze %get3A_1999 : memref<1x1600x32xf32, #tpu.memory_space<vmem>> -> memref<1600x32xf32, #tpu.memory_space<vmem>>
        %get3A_2001 = arith.constant 0 : i32
        %get3A_2002 = tpu.memref_slice %get3A_2000[%mul3A_1207, %get3A_2001] : memref<1600x32xf32, #tpu.memory_space<vmem>> -> memref<50x32xf32, #tpu.memory_space<vmem>>
        %get3A_2003 = arith.index_cast %get3A_1996 : i32 to index
        %get3A_2004 = arith.constant 0 : index
        %get3A_2005 = tpu.vector_load %get3A_2002[%get3A_2003, %get3A_2004] {strides = array<i32>} : memref<50x32xf32, #tpu.memory_space<vmem>>, vector<1x16xf32>,
        %get3A_2006 = vector.shape_cast %get3A_2005 : vector<1x16xf32> to vector<16xf32>
        %get3A_2007 = arith.constant 1 : i32
        %get3A_2008 = arith.constant 30 : i32
        %get3A_2009 = arith.constant 0 : i32
        %get3A_2010 = arith.constant 0 : i32
        %get3A_2011 = tpu.memref_slice %arg12[%get3A_2007, %get3A_2009, %get3A_2010] : memref<2x1600x32xf32, #tpu.memory_space<vmem>> -> memref<1x1600x32xf32, #tpu.memory_space<vmem>>
        %get3A_2012 = tpu.memref_squeeze %get3A_2011 : memref<1x1600x32xf32, #tpu.memory_space<vmem>> -> memref<1600x32xf32, #tpu.memory_space<vmem>>
        %get3A_2013 = arith.constant 0 : i32
        %get3A_2014 = tpu.memref_slice %get3A_2012[%mul3A_1207, %get3A_2013] : memref<1600x32xf32, #tpu.memory_space<vmem>> -> memref<50x32xf32, #tpu.memory_space<vmem>>
        %get3A_2015 = arith.index_cast %get3A_2008 : i32 to index
        %get3A_2016 = arith.constant 16 : index
        %get3A_2017 = tpu.vector_load %get3A_2014[%get3A_2015, %get3A_2016] {strides = array<i32>} : memref<50x32xf32, #tpu.memory_space<vmem>>, vector<1x16xf32>,
        %get3A_2018 = vector.shape_cast %get3A_2017 : vector<1x16xf32> to vector<16xf32>
        %add3A_2019 = arith.addf %add3A_1967, %get3A_2006 : vector<16xf32>
        %add3A_2020 = arith.addf %add3A_1968, %get3A_2018 : vector<16xf32>
        %get3A_2021 = arith.constant 1 : i32
        %get3A_2022 = arith.constant 31 : i32
        %get3A_2023 = arith.constant 0 : i32
        %get3A_2024 = arith.constant 0 : i32
        %get3A_2025 = tpu.memref_slice %arg12[%get3A_2021, %get3A_2023, %get3A_2024] : memref<2x1600x32xf32, #tpu.memory_space<vmem>> -> memref<1x1600x32xf32, #tpu.memory_space<vmem>>
        %get3A_2026 = tpu.memref_squeeze %get3A_2025 : memref<1x1600x32xf32, #tpu.memory_space<vmem>> -> memref<1600x32xf32, #tpu.memory_space<vmem>>
        %get3A_2027 = arith.constant 0 : i32
        %get3A_2028 = tpu.memref_slice %get3A_2026[%mul3A_1207, %get3A_2027] : memref<1600x32xf32, #tpu.memory_space<vmem>> -> memref<50x32xf32, #tpu.memory_space<vmem>>
        %get3A_2029 = arith.index_cast %get3A_2022 : i32 to index
        %get3A_2030 = arith.constant 0 : index
        %get3A_2031 = tpu.vector_load %get3A_2028[%get3A_2029, %get3A_2030] {strides = array<i32>} : memref<50x32xf32, #tpu.memory_space<vmem>>, vector<1x16xf32>,
        %get3A_2032 = vector.shape_cast %get3A_2031 : vector<1x16xf32> to vector<16xf32>
        %get3A_2033 = arith.constant 1 : i32
        %get3A_2034 = arith.constant 31 : i32
        %get3A_2035 = arith.constant 0 : i32
        %get3A_2036 = arith.constant 0 : i32
        %get3A_2037 = tpu.memref_slice %arg12[%get3A_2033, %get3A_2035, %get3A_2036] : memref<2x1600x32xf32, #tpu.memory_space<vmem>> -> memref<1x1600x32xf32, #tpu.memory_space<vmem>>
        %get3A_2038 = tpu.memref_squeeze %get3A_2037 : memref<1x1600x32xf32, #tpu.memory_space<vmem>> -> memref<1600x32xf32, #tpu.memory_space<vmem>>
        %get3A_2039 = arith.constant 0 : i32
        %get3A_2040 = tpu.memref_slice %get3A_2038[%mul3A_1207, %get3A_2039] : memref<1600x32xf32, #tpu.memory_space<vmem>> -> memref<50x32xf32, #tpu.memory_space<vmem>>
        %get3A_2041 = arith.index_cast %get3A_2034 : i32 to index
        %get3A_2042 = arith.constant 16 : index
        %get3A_2043 = tpu.vector_load %get3A_2040[%get3A_2041, %get3A_2042] {strides = array<i32>} : memref<50x32xf32, #tpu.memory_space<vmem>>, vector<1x16xf32>,
        %get3A_2044 = vector.shape_cast %get3A_2043 : vector<1x16xf32> to vector<16xf32>
        %add3A_2045 = arith.addf %add3A_1993, %get3A_2032 : vector<16xf32>
        %add3A_2046 = arith.addf %add3A_1994, %get3A_2044 : vector<16xf32>
        %get3A_2047 = arith.constant 1 : i32
        %get3A_2048 = arith.constant 32 : i32
        %get3A_2049 = arith.constant 0 : i32
        %get3A_2050 = arith.constant 0 : i32
        %get3A_2051 = tpu.memref_slice %arg12[%get3A_2047, %get3A_2049, %get3A_2050] : memref<2x1600x32xf32, #tpu.memory_space<vmem>> -> memref<1x1600x32xf32, #tpu.memory_space<vmem>>
        %get3A_2052 = tpu.memref_squeeze %get3A_2051 : memref<1x1600x32xf32, #tpu.memory_space<vmem>> -> memref<1600x32xf32, #tpu.memory_space<vmem>>
        %get3A_2053 = arith.constant 0 : i32
        %get3A_2054 = tpu.memref_slice %get3A_2052[%mul3A_1207, %get3A_2053] : memref<1600x32xf32, #tpu.memory_space<vmem>> -> memref<50x32xf32, #tpu.memory_space<vmem>>
        %get3A_2055 = arith.index_cast %get3A_2048 : i32 to index
        %get3A_2056 = arith.constant 0 : index
        %get3A_2057 = tpu.vector_load %get3A_2054[%get3A_2055, %get3A_2056] {strides = array<i32>} : memref<50x32xf32, #tpu.memory_space<vmem>>, vector<1x16xf32>,
        %get3A_2058 = vector.shape_cast %get3A_2057 : vector<1x16xf32> to vector<16xf32>
        %get3A_2059 = arith.constant 1 : i32
        %get3A_2060 = arith.constant 32 : i32
        %get3A_2061 = arith.constant 0 : i32
        %get3A_2062 = arith.constant 0 : i32
        %get3A_2063 = tpu.memref_slice %arg12[%get3A_2059, %get3A_2061, %get3A_2062] : memref<2x1600x32xf32, #tpu.memory_space<vmem>> -> memref<1x1600x32xf32, #tpu.memory_space<vmem>>
        %get3A_2064 = tpu.memref_squeeze %get3A_2063 : memref<1x1600x32xf32, #tpu.memory_space<vmem>> -> memref<1600x32xf32, #tpu.memory_space<vmem>>
        %get3A_2065 = arith.constant 0 : i32
        %get3A_2066 = tpu.memref_slice %get3A_2064[%mul3A_1207, %get3A_2065] : memref<1600x32xf32, #tpu.memory_space<vmem>> -> memref<50x32xf32, #tpu.memory_space<vmem>>
        %get3A_2067 = arith.index_cast %get3A_2060 : i32 to index
        %get3A_2068 = arith.constant 16 : index
        %get3A_2069 = tpu.vector_load %get3A_2066[%get3A_2067, %get3A_2068] {strides = array<i32>} : memref<50x32xf32, #tpu.memory_space<vmem>>, vector<1x16xf32>,
        %get3A_2070 = vector.shape_cast %get3A_2069 : vector<1x16xf32> to vector<16xf32>
        %add3A_2071 = arith.addf %add3A_2019, %get3A_2058 : vector<16xf32>
        %add3A_2072 = arith.addf %add3A_2020, %get3A_2070 : vector<16xf32>
        %get3A_2073 = arith.constant 1 : i32
        %get3A_2074 = arith.constant 33 : i32
        %get3A_2075 = arith.constant 0 : i32
        %get3A_2076 = arith.constant 0 : i32
        %get3A_2077 = tpu.memref_slice %arg12[%get3A_2073, %get3A_2075, %get3A_2076] : memref<2x1600x32xf32, #tpu.memory_space<vmem>> -> memref<1x1600x32xf32, #tpu.memory_space<vmem>>
        %get3A_2078 = tpu.memref_squeeze %get3A_2077 : memref<1x1600x32xf32, #tpu.memory_space<vmem>> -> memref<1600x32xf32, #tpu.memory_space<vmem>>
        %get3A_2079 = arith.constant 0 : i32
        %get3A_2080 = tpu.memref_slice %get3A_2078[%mul3A_1207, %get3A_2079] : memref<1600x32xf32, #tpu.memory_space<vmem>> -> memref<50x32xf32, #tpu.memory_space<vmem>>
        %get3A_2081 = arith.index_cast %get3A_2074 : i32 to index
        %get3A_2082 = arith.constant 0 : index
        %get3A_2083 = tpu.vector_load %get3A_2080[%get3A_2081, %get3A_2082] {strides = array<i32>} : memref<50x32xf32, #tpu.memory_space<vmem>>, vector<1x16xf32>,
        %get3A_2084 = vector.shape_cast %get3A_2083 : vector<1x16xf32> to vector<16xf32>
        %get3A_2085 = arith.constant 1 : i32
        %get3A_2086 = arith.constant 33 : i32
        %get3A_2087 = arith.constant 0 : i32
        %get3A_2088 = arith.constant 0 : i32
        %get3A_2089 = tpu.memref_slice %arg12[%get3A_2085, %get3A_2087, %get3A_2088] : memref<2x1600x32xf32, #tpu.memory_space<vmem>> -> memref<1x1600x32xf32, #tpu.memory_space<vmem>>
        %get3A_2090 = tpu.memref_squeeze %get3A_2089 : memref<1x1600x32xf32, #tpu.memory_space<vmem>> -> memref<1600x32xf32, #tpu.memory_space<vmem>>
        %get3A_2091 = arith.constant 0 : i32
        %get3A_2092 = tpu.memref_slice %get3A_2090[%mul3A_1207, %get3A_2091] : memref<1600x32xf32, #tpu.memory_space<vmem>> -> memref<50x32xf32, #tpu.memory_space<vmem>>
        %get3A_2093 = arith.index_cast %get3A_2086 : i32 to index
        %get3A_2094 = arith.constant 16 : index
        %get3A_2095 = tpu.vector_load %get3A_2092[%get3A_2093, %get3A_2094] {strides = array<i32>} : memref<50x32xf32, #tpu.memory_space<vmem>>, vector<1x16xf32>,
        %get3A_2096 = vector.shape_cast %get3A_2095 : vector<1x16xf32> to vector<16xf32>
        %add3A_2097 = arith.addf %add3A_2045, %get3A_2084 : vector<16xf32>
        %add3A_2098 = arith.addf %add3A_2046, %get3A_2096 : vector<16xf32>
        %get3A_2099 = arith.constant 1 : i32
        %get3A_2100 = arith.constant 34 : i32
        %get3A_2101 = arith.constant 0 : i32
        %get3A_2102 = arith.constant 0 : i32
        %get3A_2103 = tpu.memref_slice %arg12[%get3A_2099, %get3A_2101, %get3A_2102] : memref<2x1600x32xf32, #tpu.memory_space<vmem>> -> memref<1x1600x32xf32, #tpu.memory_space<vmem>>
        %get3A_2104 = tpu.memref_squeeze %get3A_2103 : memref<1x1600x32xf32, #tpu.memory_space<vmem>> -> memref<1600x32xf32, #tpu.memory_space<vmem>>
        %get3A_2105 = arith.constant 0 : i32
        %get3A_2106 = tpu.memref_slice %get3A_2104[%mul3A_1207, %get3A_2105] : memref<1600x32xf32, #tpu.memory_space<vmem>> -> memref<50x32xf32, #tpu.memory_space<vmem>>
        %get3A_2107 = arith.index_cast %get3A_2100 : i32 to index
        %get3A_2108 = arith.constant 0 : index
        %get3A_2109 = tpu.vector_load %get3A_2106[%get3A_2107, %get3A_2108] {strides = array<i32>} : memref<50x32xf32, #tpu.memory_space<vmem>>, vector<1x16xf32>,
        %get3A_2110 = vector.shape_cast %get3A_2109 : vector<1x16xf32> to vector<16xf32>
        %get3A_2111 = arith.constant 1 : i32
        %get3A_2112 = arith.constant 34 : i32
        %get3A_2113 = arith.constant 0 : i32
        %get3A_2114 = arith.constant 0 : i32
        %get3A_2115 = tpu.memref_slice %arg12[%get3A_2111, %get3A_2113, %get3A_2114] : memref<2x1600x32xf32, #tpu.memory_space<vmem>> -> memref<1x1600x32xf32, #tpu.memory_space<vmem>>
        %get3A_2116 = tpu.memref_squeeze %get3A_2115 : memref<1x1600x32xf32, #tpu.memory_space<vmem>> -> memref<1600x32xf32, #tpu.memory_space<vmem>>
        %get3A_2117 = arith.constant 0 : i32
        %get3A_2118 = tpu.memref_slice %get3A_2116[%mul3A_1207, %get3A_2117] : memref<1600x32xf32, #tpu.memory_space<vmem>> -> memref<50x32xf32, #tpu.memory_space<vmem>>
        %get3A_2119 = arith.index_cast %get3A_2112 : i32 to index
        %get3A_2120 = arith.constant 16 : index
        %get3A_2121 = tpu.vector_load %get3A_2118[%get3A_2119, %get3A_2120] {strides = array<i32>} : memref<50x32xf32, #tpu.memory_space<vmem>>, vector<1x16xf32>,
        %get3A_2122 = vector.shape_cast %get3A_2121 : vector<1x16xf32> to vector<16xf32>
        %add3A_2123 = arith.addf %add3A_2071, %get3A_2110 : vector<16xf32>
        %add3A_2124 = arith.addf %add3A_2072, %get3A_2122 : vector<16xf32>
        %get3A_2125 = arith.constant 1 : i32
        %get3A_2126 = arith.constant 35 : i32
        %get3A_2127 = arith.constant 0 : i32
        %get3A_2128 = arith.constant 0 : i32
        %get3A_2129 = tpu.memref_slice %arg12[%get3A_2125, %get3A_2127, %get3A_2128] : memref<2x1600x32xf32, #tpu.memory_space<vmem>> -> memref<1x1600x32xf32, #tpu.memory_space<vmem>>
        %get3A_2130 = tpu.memref_squeeze %get3A_2129 : memref<1x1600x32xf32, #tpu.memory_space<vmem>> -> memref<1600x32xf32, #tpu.memory_space<vmem>>
        %get3A_2131 = arith.constant 0 : i32
        %get3A_2132 = tpu.memref_slice %get3A_2130[%mul3A_1207, %get3A_2131] : memref<1600x32xf32, #tpu.memory_space<vmem>> -> memref<50x32xf32, #tpu.memory_space<vmem>>
        %get3A_2133 = arith.index_cast %get3A_2126 : i32 to index
        %get3A_2134 = arith.constant 0 : index
        %get3A_2135 = tpu.vector_load %get3A_2132[%get3A_2133, %get3A_2134] {strides = array<i32>} : memref<50x32xf32, #tpu.memory_space<vmem>>, vector<1x16xf32>,
        %get3A_2136 = vector.shape_cast %get3A_2135 : vector<1x16xf32> to vector<16xf32>
        %get3A_2137 = arith.constant 1 : i32
        %get3A_2138 = arith.constant 35 : i32
        %get3A_2139 = arith.constant 0 : i32
        %get3A_2140 = arith.constant 0 : i32
        %get3A_2141 = tpu.memref_slice %arg12[%get3A_2137, %get3A_2139, %get3A_2140] : memref<2x1600x32xf32, #tpu.memory_space<vmem>> -> memref<1x1600x32xf32, #tpu.memory_space<vmem>>
        %get3A_2142 = tpu.memref_squeeze %get3A_2141 : memref<1x1600x32xf32, #tpu.memory_space<vmem>> -> memref<1600x32xf32, #tpu.memory_space<vmem>>
        %get3A_2143 = arith.constant 0 : i32
        %get3A_2144 = tpu.memref_slice %get3A_2142[%mul3A_1207, %get3A_2143] : memref<1600x32xf32, #tpu.memory_space<vmem>> -> memref<50x32xf32, #tpu.memory_space<vmem>>
        %get3A_2145 = arith.index_cast %get3A_2138 : i32 to index
        %get3A_2146 = arith.constant 16 : index
        %get3A_2147 = tpu.vector_load %get3A_2144[%get3A_2145, %get3A_2146] {strides = array<i32>} : memref<50x32xf32, #tpu.memory_space<vmem>>, vector<1x16xf32>,
        %get3A_2148 = vector.shape_cast %get3A_2147 : vector<1x16xf32> to vector<16xf32>
        %add3A_2149 = arith.addf %add3A_2097, %get3A_2136 : vector<16xf32>
        %add3A_2150 = arith.addf %add3A_2098, %get3A_2148 : vector<16xf32>
        %get3A_2151 = arith.constant 1 : i32
        %get3A_2152 = arith.constant 36 : i32
        %get3A_2153 = arith.constant 0 : i32
        %get3A_2154 = arith.constant 0 : i32
        %get3A_2155 = tpu.memref_slice %arg12[%get3A_2151, %get3A_2153, %get3A_2154] : memref<2x1600x32xf32, #tpu.memory_space<vmem>> -> memref<1x1600x32xf32, #tpu.memory_space<vmem>>
        %get3A_2156 = tpu.memref_squeeze %get3A_2155 : memref<1x1600x32xf32, #tpu.memory_space<vmem>> -> memref<1600x32xf32, #tpu.memory_space<vmem>>
        %get3A_2157 = arith.constant 0 : i32
        %get3A_2158 = tpu.memref_slice %get3A_2156[%mul3A_1207, %get3A_2157] : memref<1600x32xf32, #tpu.memory_space<vmem>> -> memref<50x32xf32, #tpu.memory_space<vmem>>
        %get3A_2159 = arith.index_cast %get3A_2152 : i32 to index
        %get3A_2160 = arith.constant 0 : index
        %get3A_2161 = tpu.vector_load %get3A_2158[%get3A_2159, %get3A_2160] {strides = array<i32>} : memref<50x32xf32, #tpu.memory_space<vmem>>, vector<1x16xf32>,
        %get3A_2162 = vector.shape_cast %get3A_2161 : vector<1x16xf32> to vector<16xf32>
        %get3A_2163 = arith.constant 1 : i32
        %get3A_2164 = arith.constant 36 : i32
        %get3A_2165 = arith.constant 0 : i32
        %get3A_2166 = arith.constant 0 : i32
        %get3A_2167 = tpu.memref_slice %arg12[%get3A_2163, %get3A_2165, %get3A_2166] : memref<2x1600x32xf32, #tpu.memory_space<vmem>> -> memref<1x1600x32xf32, #tpu.memory_space<vmem>>
        %get3A_2168 = tpu.memref_squeeze %get3A_2167 : memref<1x1600x32xf32, #tpu.memory_space<vmem>> -> memref<1600x32xf32, #tpu.memory_space<vmem>>
        %get3A_2169 = arith.constant 0 : i32
        %get3A_2170 = tpu.memref_slice %get3A_2168[%mul3A_1207, %get3A_2169] : memref<1600x32xf32, #tpu.memory_space<vmem>> -> memref<50x32xf32, #tpu.memory_space<vmem>>
        %get3A_2171 = arith.index_cast %get3A_2164 : i32 to index
        %get3A_2172 = arith.constant 16 : index
        %get3A_2173 = tpu.vector_load %get3A_2170[%get3A_2171, %get3A_2172] {strides = array<i32>} : memref<50x32xf32, #tpu.memory_space<vmem>>, vector<1x16xf32>,
        %get3A_2174 = vector.shape_cast %get3A_2173 : vector<1x16xf32> to vector<16xf32>
        %add3A_2175 = arith.addf %add3A_2123, %get3A_2162 : vector<16xf32>
        %add3A_2176 = arith.addf %add3A_2124, %get3A_2174 : vector<16xf32>
        %get3A_2177 = arith.constant 1 : i32
        %get3A_2178 = arith.constant 37 : i32
        %get3A_2179 = arith.constant 0 : i32
        %get3A_2180 = arith.constant 0 : i32
        %get3A_2181 = tpu.memref_slice %arg12[%get3A_2177, %get3A_2179, %get3A_2180] : memref<2x1600x32xf32, #tpu.memory_space<vmem>> -> memref<1x1600x32xf32, #tpu.memory_space<vmem>>
        %get3A_2182 = tpu.memref_squeeze %get3A_2181 : memref<1x1600x32xf32, #tpu.memory_space<vmem>> -> memref<1600x32xf32, #tpu.memory_space<vmem>>
        %get3A_2183 = arith.constant 0 : i32
        %get3A_2184 = tpu.memref_slice %get3A_2182[%mul3A_1207, %get3A_2183] : memref<1600x32xf32, #tpu.memory_space<vmem>> -> memref<50x32xf32, #tpu.memory_space<vmem>>
        %get3A_2185 = arith.index_cast %get3A_2178 : i32 to index
        %get3A_2186 = arith.constant 0 : index
        %get3A_2187 = tpu.vector_load %get3A_2184[%get3A_2185, %get3A_2186] {strides = array<i32>} : memref<50x32xf32, #tpu.memory_space<vmem>>, vector<1x16xf32>,
        %get3A_2188 = vector.shape_cast %get3A_2187 : vector<1x16xf32> to vector<16xf32>
        %get3A_2189 = arith.constant 1 : i32
        %get3A_2190 = arith.constant 37 : i32
        %get3A_2191 = arith.constant 0 : i32
        %get3A_2192 = arith.constant 0 : i32
        %get3A_2193 = tpu.memref_slice %arg12[%get3A_2189, %get3A_2191, %get3A_2192] : memref<2x1600x32xf32, #tpu.memory_space<vmem>> -> memref<1x1600x32xf32, #tpu.memory_space<vmem>>
        %get3A_2194 = tpu.memref_squeeze %get3A_2193 : memref<1x1600x32xf32, #tpu.memory_space<vmem>> -> memref<1600x32xf32, #tpu.memory_space<vmem>>
        %get3A_2195 = arith.constant 0 : i32
        %get3A_2196 = tpu.memref_slice %get3A_2194[%mul3A_1207, %get3A_2195] : memref<1600x32xf32, #tpu.memory_space<vmem>> -> memref<50x32xf32, #tpu.memory_space<vmem>>
        %get3A_2197 = arith.index_cast %get3A_2190 : i32 to index
        %get3A_2198 = arith.constant 16 : index
        %get3A_2199 = tpu.vector_load %get3A_2196[%get3A_2197, %get3A_2198] {strides = array<i32>} : memref<50x32xf32, #tpu.memory_space<vmem>>, vector<1x16xf32>,
        %get3A_2200 = vector.shape_cast %get3A_2199 : vector<1x16xf32> to vector<16xf32>
        %add3A_2201 = arith.addf %add3A_2149, %get3A_2188 : vector<16xf32>
        %add3A_2202 = arith.addf %add3A_2150, %get3A_2200 : vector<16xf32>
        %get3A_2203 = arith.constant 1 : i32
        %get3A_2204 = arith.constant 38 : i32
        %get3A_2205 = arith.constant 0 : i32
        %get3A_2206 = arith.constant 0 : i32
        %get3A_2207 = tpu.memref_slice %arg12[%get3A_2203, %get3A_2205, %get3A_2206] : memref<2x1600x32xf32, #tpu.memory_space<vmem>> -> memref<1x1600x32xf32, #tpu.memory_space<vmem>>
        %get3A_2208 = tpu.memref_squeeze %get3A_2207 : memref<1x1600x32xf32, #tpu.memory_space<vmem>> -> memref<1600x32xf32, #tpu.memory_space<vmem>>
        %get3A_2209 = arith.constant 0 : i32
        %get3A_2210 = tpu.memref_slice %get3A_2208[%mul3A_1207, %get3A_2209] : memref<1600x32xf32, #tpu.memory_space<vmem>> -> memref<50x32xf32, #tpu.memory_space<vmem>>
        %get3A_2211 = arith.index_cast %get3A_2204 : i32 to index
        %get3A_2212 = arith.constant 0 : index
        %get3A_2213 = tpu.vector_load %get3A_2210[%get3A_2211, %get3A_2212] {strides = array<i32>} : memref<50x32xf32, #tpu.memory_space<vmem>>, vector<1x16xf32>,
        %get3A_2214 = vector.shape_cast %get3A_2213 : vector<1x16xf32> to vector<16xf32>
        %get3A_2215 = arith.constant 1 : i32
        %get3A_2216 = arith.constant 38 : i32
        %get3A_2217 = arith.constant 0 : i32
        %get3A_2218 = arith.constant 0 : i32
        %get3A_2219 = tpu.memref_slice %arg12[%get3A_2215, %get3A_2217, %get3A_2218] : memref<2x1600x32xf32, #tpu.memory_space<vmem>> -> memref<1x1600x32xf32, #tpu.memory_space<vmem>>
        %get3A_2220 = tpu.memref_squeeze %get3A_2219 : memref<1x1600x32xf32, #tpu.memory_space<vmem>> -> memref<1600x32xf32, #tpu.memory_space<vmem>>
        %get3A_2221 = arith.constant 0 : i32
        %get3A_2222 = tpu.memref_slice %get3A_2220[%mul3A_1207, %get3A_2221] : memref<1600x32xf32, #tpu.memory_space<vmem>> -> memref<50x32xf32, #tpu.memory_space<vmem>>
        %get3A_2223 = arith.index_cast %get3A_2216 : i32 to index
        %get3A_2224 = arith.constant 16 : index
        %get3A_2225 = tpu.vector_load %get3A_2222[%get3A_2223, %get3A_2224] {strides = array<i32>} : memref<50x32xf32, #tpu.memory_space<vmem>>, vector<1x16xf32>,
        %get3A_2226 = vector.shape_cast %get3A_2225 : vector<1x16xf32> to vector<16xf32>
        %add3A_2227 = arith.addf %add3A_2175, %get3A_2214 : vector<16xf32>
        %add3A_2228 = arith.addf %add3A_2176, %get3A_2226 : vector<16xf32>
        %get3A_2229 = arith.constant 1 : i32
        %get3A_2230 = arith.constant 39 : i32
        %get3A_2231 = arith.constant 0 : i32
        %get3A_2232 = arith.constant 0 : i32
        %get3A_2233 = tpu.memref_slice %arg12[%get3A_2229, %get3A_2231, %get3A_2232] : memref<2x1600x32xf32, #tpu.memory_space<vmem>> -> memref<1x1600x32xf32, #tpu.memory_space<vmem>>
        %get3A_2234 = tpu.memref_squeeze %get3A_2233 : memref<1x1600x32xf32, #tpu.memory_space<vmem>> -> memref<1600x32xf32, #tpu.memory_space<vmem>>
        %get3A_2235 = arith.constant 0 : i32
        %get3A_2236 = tpu.memref_slice %get3A_2234[%mul3A_1207, %get3A_2235] : memref<1600x32xf32, #tpu.memory_space<vmem>> -> memref<50x32xf32, #tpu.memory_space<vmem>>
        %get3A_2237 = arith.index_cast %get3A_2230 : i32 to index
        %get3A_2238 = arith.constant 0 : index
        %get3A_2239 = tpu.vector_load %get3A_2236[%get3A_2237, %get3A_2238] {strides = array<i32>} : memref<50x32xf32, #tpu.memory_space<vmem>>, vector<1x16xf32>,
        %get3A_2240 = vector.shape_cast %get3A_2239 : vector<1x16xf32> to vector<16xf32>
        %get3A_2241 = arith.constant 1 : i32
        %get3A_2242 = arith.constant 39 : i32
        %get3A_2243 = arith.constant 0 : i32
        %get3A_2244 = arith.constant 0 : i32
        %get3A_2245 = tpu.memref_slice %arg12[%get3A_2241, %get3A_2243, %get3A_2244] : memref<2x1600x32xf32, #tpu.memory_space<vmem>> -> memref<1x1600x32xf32, #tpu.memory_space<vmem>>
        %get3A_2246 = tpu.memref_squeeze %get3A_2245 : memref<1x1600x32xf32, #tpu.memory_space<vmem>> -> memref<1600x32xf32, #tpu.memory_space<vmem>>
        %get3A_2247 = arith.constant 0 : i32
        %get3A_2248 = tpu.memref_slice %get3A_2246[%mul3A_1207, %get3A_2247] : memref<1600x32xf32, #tpu.memory_space<vmem>> -> memref<50x32xf32, #tpu.memory_space<vmem>>
        %get3A_2249 = arith.index_cast %get3A_2242 : i32 to index
        %get3A_2250 = arith.constant 16 : index
        %get3A_2251 = tpu.vector_load %get3A_2248[%get3A_2249, %get3A_2250] {strides = array<i32>} : memref<50x32xf32, #tpu.memory_space<vmem>>, vector<1x16xf32>,
        %get3A_2252 = vector.shape_cast %get3A_2251 : vector<1x16xf32> to vector<16xf32>
        %add3A_2253 = arith.addf %add3A_2201, %get3A_2240 : vector<16xf32>
        %add3A_2254 = arith.addf %add3A_2202, %get3A_2252 : vector<16xf32>
        %get3A_2255 = arith.constant 1 : i32
        %get3A_2256 = arith.constant 40 : i32
        %get3A_2257 = arith.constant 0 : i32
        %get3A_2258 = arith.constant 0 : i32
        %get3A_2259 = tpu.memref_slice %arg12[%get3A_2255, %get3A_2257, %get3A_2258] : memref<2x1600x32xf32, #tpu.memory_space<vmem>> -> memref<1x1600x32xf32, #tpu.memory_space<vmem>>
        %get3A_2260 = tpu.memref_squeeze %get3A_2259 : memref<1x1600x32xf32, #tpu.memory_space<vmem>> -> memref<1600x32xf32, #tpu.memory_space<vmem>>
        %get3A_2261 = arith.constant 0 : i32
        %get3A_2262 = tpu.memref_slice %get3A_2260[%mul3A_1207, %get3A_2261] : memref<1600x32xf32, #tpu.memory_space<vmem>> -> memref<50x32xf32, #tpu.memory_space<vmem>>
        %get3A_2263 = arith.index_cast %get3A_2256 : i32 to index
        %get3A_2264 = arith.constant 0 : index
        %get3A_2265 = tpu.vector_load %get3A_2262[%get3A_2263, %get3A_2264] {strides = array<i32>} : memref<50x32xf32, #tpu.memory_space<vmem>>, vector<1x16xf32>,
        %get3A_2266 = vector.shape_cast %get3A_2265 : vector<1x16xf32> to vector<16xf32>
        %get3A_2267 = arith.constant 1 : i32
        %get3A_2268 = arith.constant 40 : i32
        %get3A_2269 = arith.constant 0 : i32
        %get3A_2270 = arith.constant 0 : i32
        %get3A_2271 = tpu.memref_slice %arg12[%get3A_2267, %get3A_2269, %get3A_2270] : memref<2x1600x32xf32, #tpu.memory_space<vmem>> -> memref<1x1600x32xf32, #tpu.memory_space<vmem>>
        %get3A_2272 = tpu.memref_squeeze %get3A_2271 : memref<1x1600x32xf32, #tpu.memory_space<vmem>> -> memref<1600x32xf32, #tpu.memory_space<vmem>>
        %get3A_2273 = arith.constant 0 : i32
        %get3A_2274 = tpu.memref_slice %get3A_2272[%mul3A_1207, %get3A_2273] : memref<1600x32xf32, #tpu.memory_space<vmem>> -> memref<50x32xf32, #tpu.memory_space<vmem>>
        %get3A_2275 = arith.index_cast %get3A_2268 : i32 to index
        %get3A_2276 = arith.constant 16 : index
        %get3A_2277 = tpu.vector_load %get3A_2274[%get3A_2275, %get3A_2276] {strides = array<i32>} : memref<50x32xf32, #tpu.memory_space<vmem>>, vector<1x16xf32>,
        %get3A_2278 = vector.shape_cast %get3A_2277 : vector<1x16xf32> to vector<16xf32>
        %add3A_2279 = arith.addf %add3A_2227, %get3A_2266 : vector<16xf32>
        %add3A_2280 = arith.addf %add3A_2228, %get3A_2278 : vector<16xf32>
        %get3A_2281 = arith.constant 1 : i32
        %get3A_2282 = arith.constant 41 : i32
        %get3A_2283 = arith.constant 0 : i32
        %get3A_2284 = arith.constant 0 : i32
        %get3A_2285 = tpu.memref_slice %arg12[%get3A_2281, %get3A_2283, %get3A_2284] : memref<2x1600x32xf32, #tpu.memory_space<vmem>> -> memref<1x1600x32xf32, #tpu.memory_space<vmem>>
        %get3A_2286 = tpu.memref_squeeze %get3A_2285 : memref<1x1600x32xf32, #tpu.memory_space<vmem>> -> memref<1600x32xf32, #tpu.memory_space<vmem>>
        %get3A_2287 = arith.constant 0 : i32
        %get3A_2288 = tpu.memref_slice %get3A_2286[%mul3A_1207, %get3A_2287] : memref<1600x32xf32, #tpu.memory_space<vmem>> -> memref<50x32xf32, #tpu.memory_space<vmem>>
        %get3A_2289 = arith.index_cast %get3A_2282 : i32 to index
        %get3A_2290 = arith.constant 0 : index
        %get3A_2291 = tpu.vector_load %get3A_2288[%get3A_2289, %get3A_2290] {strides = array<i32>} : memref<50x32xf32, #tpu.memory_space<vmem>>, vector<1x16xf32>,
        %get3A_2292 = vector.shape_cast %get3A_2291 : vector<1x16xf32> to vector<16xf32>
        %get3A_2293 = arith.constant 1 : i32
        %get3A_2294 = arith.constant 41 : i32
        %get3A_2295 = arith.constant 0 : i32
        %get3A_2296 = arith.constant 0 : i32
        %get3A_2297 = tpu.memref_slice %arg12[%get3A_2293, %get3A_2295, %get3A_2296] : memref<2x1600x32xf32, #tpu.memory_space<vmem>> -> memref<1x1600x32xf32, #tpu.memory_space<vmem>>
        %get3A_2298 = tpu.memref_squeeze %get3A_2297 : memref<1x1600x32xf32, #tpu.memory_space<vmem>> -> memref<1600x32xf32, #tpu.memory_space<vmem>>
        %get3A_2299 = arith.constant 0 : i32
        %get3A_2300 = tpu.memref_slice %get3A_2298[%mul3A_1207, %get3A_2299] : memref<1600x32xf32, #tpu.memory_space<vmem>> -> memref<50x32xf32, #tpu.memory_space<vmem>>
        %get3A_2301 = arith.index_cast %get3A_2294 : i32 to index
        %get3A_2302 = arith.constant 16 : index
        %get3A_2303 = tpu.vector_load %get3A_2300[%get3A_2301, %get3A_2302] {strides = array<i32>} : memref<50x32xf32, #tpu.memory_space<vmem>>, vector<1x16xf32>,
        %get3A_2304 = vector.shape_cast %get3A_2303 : vector<1x16xf32> to vector<16xf32>
        %add3A_2305 = arith.addf %add3A_2253, %get3A_2292 : vector<16xf32>
        %add3A_2306 = arith.addf %add3A_2254, %get3A_2304 : vector<16xf32>
        %get3A_2307 = arith.constant 1 : i32
        %get3A_2308 = arith.constant 42 : i32
        %get3A_2309 = arith.constant 0 : i32
        %get3A_2310 = arith.constant 0 : i32
        %get3A_2311 = tpu.memref_slice %arg12[%get3A_2307, %get3A_2309, %get3A_2310] : memref<2x1600x32xf32, #tpu.memory_space<vmem>> -> memref<1x1600x32xf32, #tpu.memory_space<vmem>>
        %get3A_2312 = tpu.memref_squeeze %get3A_2311 : memref<1x1600x32xf32, #tpu.memory_space<vmem>> -> memref<1600x32xf32, #tpu.memory_space<vmem>>
        %get3A_2313 = arith.constant 0 : i32
        %get3A_2314 = tpu.memref_slice %get3A_2312[%mul3A_1207, %get3A_2313] : memref<1600x32xf32, #tpu.memory_space<vmem>> -> memref<50x32xf32, #tpu.memory_space<vmem>>
        %get3A_2315 = arith.index_cast %get3A_2308 : i32 to index
        %get3A_2316 = arith.constant 0 : index
        %get3A_2317 = tpu.vector_load %get3A_2314[%get3A_2315, %get3A_2316] {strides = array<i32>} : memref<50x32xf32, #tpu.memory_space<vmem>>, vector<1x16xf32>,
        %get3A_2318 = vector.shape_cast %get3A_2317 : vector<1x16xf32> to vector<16xf32>
        %get3A_2319 = arith.constant 1 : i32
        %get3A_2320 = arith.constant 42 : i32
        %get3A_2321 = arith.constant 0 : i32
        %get3A_2322 = arith.constant 0 : i32
        %get3A_2323 = tpu.memref_slice %arg12[%get3A_2319, %get3A_2321, %get3A_2322] : memref<2x1600x32xf32, #tpu.memory_space<vmem>> -> memref<1x1600x32xf32, #tpu.memory_space<vmem>>
        %get3A_2324 = tpu.memref_squeeze %get3A_2323 : memref<1x1600x32xf32, #tpu.memory_space<vmem>> -> memref<1600x32xf32, #tpu.memory_space<vmem>>
        %get3A_2325 = arith.constant 0 : i32
        %get3A_2326 = tpu.memref_slice %get3A_2324[%mul3A_1207, %get3A_2325] : memref<1600x32xf32, #tpu.memory_space<vmem>> -> memref<50x32xf32, #tpu.memory_space<vmem>>
        %get3A_2327 = arith.index_cast %get3A_2320 : i32 to index
        %get3A_2328 = arith.constant 16 : index
        %get3A_2329 = tpu.vector_load %get3A_2326[%get3A_2327, %get3A_2328] {strides = array<i32>} : memref<50x32xf32, #tpu.memory_space<vmem>>, vector<1x16xf32>,
        %get3A_2330 = vector.shape_cast %get3A_2329 : vector<1x16xf32> to vector<16xf32>
        %add3A_2331 = arith.addf %add3A_2279, %get3A_2318 : vector<16xf32>
        %add3A_2332 = arith.addf %add3A_2280, %get3A_2330 : vector<16xf32>
        %get3A_2333 = arith.constant 1 : i32
        %get3A_2334 = arith.constant 43 : i32
        %get3A_2335 = arith.constant 0 : i32
        %get3A_2336 = arith.constant 0 : i32
        %get3A_2337 = tpu.memref_slice %arg12[%get3A_2333, %get3A_2335, %get3A_2336] : memref<2x1600x32xf32, #tpu.memory_space<vmem>> -> memref<1x1600x32xf32, #tpu.memory_space<vmem>>
        %get3A_2338 = tpu.memref_squeeze %get3A_2337 : memref<1x1600x32xf32, #tpu.memory_space<vmem>> -> memref<1600x32xf32, #tpu.memory_space<vmem>>
        %get3A_2339 = arith.constant 0 : i32
        %get3A_2340 = tpu.memref_slice %get3A_2338[%mul3A_1207, %get3A_2339] : memref<1600x32xf32, #tpu.memory_space<vmem>> -> memref<50x32xf32, #tpu.memory_space<vmem>>
        %get3A_2341 = arith.index_cast %get3A_2334 : i32 to index
        %get3A_2342 = arith.constant 0 : index
        %get3A_2343 = tpu.vector_load %get3A_2340[%get3A_2341, %get3A_2342] {strides = array<i32>} : memref<50x32xf32, #tpu.memory_space<vmem>>, vector<1x16xf32>,
        %get3A_2344 = vector.shape_cast %get3A_2343 : vector<1x16xf32> to vector<16xf32>
        %get3A_2345 = arith.constant 1 : i32
        %get3A_2346 = arith.constant 43 : i32
        %get3A_2347 = arith.constant 0 : i32
        %get3A_2348 = arith.constant 0 : i32
        %get3A_2349 = tpu.memref_slice %arg12[%get3A_2345, %get3A_2347, %get3A_2348] : memref<2x1600x32xf32, #tpu.memory_space<vmem>> -> memref<1x1600x32xf32, #tpu.memory_space<vmem>>
        %get3A_2350 = tpu.memref_squeeze %get3A_2349 : memref<1x1600x32xf32, #tpu.memory_space<vmem>> -> memref<1600x32xf32, #tpu.memory_space<vmem>>
        %get3A_2351 = arith.constant 0 : i32
        %get3A_2352 = tpu.memref_slice %get3A_2350[%mul3A_1207, %get3A_2351] : memref<1600x32xf32, #tpu.memory_space<vmem>> -> memref<50x32xf32, #tpu.memory_space<vmem>>
        %get3A_2353 = arith.index_cast %get3A_2346 : i32 to index
        %get3A_2354 = arith.constant 16 : index
        %get3A_2355 = tpu.vector_load %get3A_2352[%get3A_2353, %get3A_2354] {strides = array<i32>} : memref<50x32xf32, #tpu.memory_space<vmem>>, vector<1x16xf32>,
        %get3A_2356 = vector.shape_cast %get3A_2355 : vector<1x16xf32> to vector<16xf32>
        %add3A_2357 = arith.addf %add3A_2305, %get3A_2344 : vector<16xf32>
        %add3A_2358 = arith.addf %add3A_2306, %get3A_2356 : vector<16xf32>
        %get3A_2359 = arith.constant 1 : i32
        %get3A_2360 = arith.constant 44 : i32
        %get3A_2361 = arith.constant 0 : i32
        %get3A_2362 = arith.constant 0 : i32
        %get3A_2363 = tpu.memref_slice %arg12[%get3A_2359, %get3A_2361, %get3A_2362] : memref<2x1600x32xf32, #tpu.memory_space<vmem>> -> memref<1x1600x32xf32, #tpu.memory_space<vmem>>
        %get3A_2364 = tpu.memref_squeeze %get3A_2363 : memref<1x1600x32xf32, #tpu.memory_space<vmem>> -> memref<1600x32xf32, #tpu.memory_space<vmem>>
        %get3A_2365 = arith.constant 0 : i32
        %get3A_2366 = tpu.memref_slice %get3A_2364[%mul3A_1207, %get3A_2365] : memref<1600x32xf32, #tpu.memory_space<vmem>> -> memref<50x32xf32, #tpu.memory_space<vmem>>
        %get3A_2367 = arith.index_cast %get3A_2360 : i32 to index
        %get3A_2368 = arith.constant 0 : index
        %get3A_2369 = tpu.vector_load %get3A_2366[%get3A_2367, %get3A_2368] {strides = array<i32>} : memref<50x32xf32, #tpu.memory_space<vmem>>, vector<1x16xf32>,
        %get3A_2370 = vector.shape_cast %get3A_2369 : vector<1x16xf32> to vector<16xf32>
        %get3A_2371 = arith.constant 1 : i32
        %get3A_2372 = arith.constant 44 : i32
        %get3A_2373 = arith.constant 0 : i32
        %get3A_2374 = arith.constant 0 : i32
        %get3A_2375 = tpu.memref_slice %arg12[%get3A_2371, %get3A_2373, %get3A_2374] : memref<2x1600x32xf32, #tpu.memory_space<vmem>> -> memref<1x1600x32xf32, #tpu.memory_space<vmem>>
        %get3A_2376 = tpu.memref_squeeze %get3A_2375 : memref<1x1600x32xf32, #tpu.memory_space<vmem>> -> memref<1600x32xf32, #tpu.memory_space<vmem>>
        %get3A_2377 = arith.constant 0 : i32
        %get3A_2378 = tpu.memref_slice %get3A_2376[%mul3A_1207, %get3A_2377] : memref<1600x32xf32, #tpu.memory_space<vmem>> -> memref<50x32xf32, #tpu.memory_space<vmem>>
        %get3A_2379 = arith.index_cast %get3A_2372 : i32 to index
        %get3A_2380 = arith.constant 16 : index
        %get3A_2381 = tpu.vector_load %get3A_2378[%get3A_2379, %get3A_2380] {strides = array<i32>} : memref<50x32xf32, #tpu.memory_space<vmem>>, vector<1x16xf32>,
        %get3A_2382 = vector.shape_cast %get3A_2381 : vector<1x16xf32> to vector<16xf32>
        %add3A_2383 = arith.addf %add3A_2331, %get3A_2370 : vector<16xf32>
        %add3A_2384 = arith.addf %add3A_2332, %get3A_2382 : vector<16xf32>
        %get3A_2385 = arith.constant 1 : i32
        %get3A_2386 = arith.constant 45 : i32
        %get3A_2387 = arith.constant 0 : i32
        %get3A_2388 = arith.constant 0 : i32
        %get3A_2389 = tpu.memref_slice %arg12[%get3A_2385, %get3A_2387, %get3A_2388] : memref<2x1600x32xf32, #tpu.memory_space<vmem>> -> memref<1x1600x32xf32, #tpu.memory_space<vmem>>
        %get3A_2390 = tpu.memref_squeeze %get3A_2389 : memref<1x1600x32xf32, #tpu.memory_space<vmem>> -> memref<1600x32xf32, #tpu.memory_space<vmem>>
        %get3A_2391 = arith.constant 0 : i32
        %get3A_2392 = tpu.memref_slice %get3A_2390[%mul3A_1207, %get3A_2391] : memref<1600x32xf32, #tpu.memory_space<vmem>> -> memref<50x32xf32, #tpu.memory_space<vmem>>
        %get3A_2393 = arith.index_cast %get3A_2386 : i32 to index
        %get3A_2394 = arith.constant 0 : index
        %get3A_2395 = tpu.vector_load %get3A_2392[%get3A_2393, %get3A_2394] {strides = array<i32>} : memref<50x32xf32, #tpu.memory_space<vmem>>, vector<1x16xf32>,
        %get3A_2396 = vector.shape_cast %get3A_2395 : vector<1x16xf32> to vector<16xf32>
        %get3A_2397 = arith.constant 1 : i32
        %get3A_2398 = arith.constant 45 : i32
        %get3A_2399 = arith.constant 0 : i32
        %get3A_2400 = arith.constant 0 : i32
        %get3A_2401 = tpu.memref_slice %arg12[%get3A_2397, %get3A_2399, %get3A_2400] : memref<2x1600x32xf32, #tpu.memory_space<vmem>> -> memref<1x1600x32xf32, #tpu.memory_space<vmem>>
        %get3A_2402 = tpu.memref_squeeze %get3A_2401 : memref<1x1600x32xf32, #tpu.memory_space<vmem>> -> memref<1600x32xf32, #tpu.memory_space<vmem>>
        %get3A_2403 = arith.constant 0 : i32
        %get3A_2404 = tpu.memref_slice %get3A_2402[%mul3A_1207, %get3A_2403] : memref<1600x32xf32, #tpu.memory_space<vmem>> -> memref<50x32xf32, #tpu.memory_space<vmem>>
        %get3A_2405 = arith.index_cast %get3A_2398 : i32 to index
        %get3A_2406 = arith.constant 16 : index
        %get3A_2407 = tpu.vector_load %get3A_2404[%get3A_2405, %get3A_2406] {strides = array<i32>} : memref<50x32xf32, #tpu.memory_space<vmem>>, vector<1x16xf32>,
        %get3A_2408 = vector.shape_cast %get3A_2407 : vector<1x16xf32> to vector<16xf32>
        %add3A_2409 = arith.addf %add3A_2357, %get3A_2396 : vector<16xf32>
        %add3A_2410 = arith.addf %add3A_2358, %get3A_2408 : vector<16xf32>
        %get3A_2411 = arith.constant 1 : i32
        %get3A_2412 = arith.constant 46 : i32
        %get3A_2413 = arith.constant 0 : i32
        %get3A_2414 = arith.constant 0 : i32
        %get3A_2415 = tpu.memref_slice %arg12[%get3A_2411, %get3A_2413, %get3A_2414] : memref<2x1600x32xf32, #tpu.memory_space<vmem>> -> memref<1x1600x32xf32, #tpu.memory_space<vmem>>
        %get3A_2416 = tpu.memref_squeeze %get3A_2415 : memref<1x1600x32xf32, #tpu.memory_space<vmem>> -> memref<1600x32xf32, #tpu.memory_space<vmem>>
        %get3A_2417 = arith.constant 0 : i32
        %get3A_2418 = tpu.memref_slice %get3A_2416[%mul3A_1207, %get3A_2417] : memref<1600x32xf32, #tpu.memory_space<vmem>> -> memref<50x32xf32, #tpu.memory_space<vmem>>
        %get3A_2419 = arith.index_cast %get3A_2412 : i32 to index
        %get3A_2420 = arith.constant 0 : index
        %get3A_2421 = tpu.vector_load %get3A_2418[%get3A_2419, %get3A_2420] {strides = array<i32>} : memref<50x32xf32, #tpu.memory_space<vmem>>, vector<1x16xf32>,
        %get3A_2422 = vector.shape_cast %get3A_2421 : vector<1x16xf32> to vector<16xf32>
        %get3A_2423 = arith.constant 1 : i32
        %get3A_2424 = arith.constant 46 : i32
        %get3A_2425 = arith.constant 0 : i32
        %get3A_2426 = arith.constant 0 : i32
        %get3A_2427 = tpu.memref_slice %arg12[%get3A_2423, %get3A_2425, %get3A_2426] : memref<2x1600x32xf32, #tpu.memory_space<vmem>> -> memref<1x1600x32xf32, #tpu.memory_space<vmem>>
        %get3A_2428 = tpu.memref_squeeze %get3A_2427 : memref<1x1600x32xf32, #tpu.memory_space<vmem>> -> memref<1600x32xf32, #tpu.memory_space<vmem>>
        %get3A_2429 = arith.constant 0 : i32
        %get3A_2430 = tpu.memref_slice %get3A_2428[%mul3A_1207, %get3A_2429] : memref<1600x32xf32, #tpu.memory_space<vmem>> -> memref<50x32xf32, #tpu.memory_space<vmem>>
        %get3A_2431 = arith.index_cast %get3A_2424 : i32 to index
        %get3A_2432 = arith.constant 16 : index
        %get3A_2433 = tpu.vector_load %get3A_2430[%get3A_2431, %get3A_2432] {strides = array<i32>} : memref<50x32xf32, #tpu.memory_space<vmem>>, vector<1x16xf32>,
        %get3A_2434 = vector.shape_cast %get3A_2433 : vector<1x16xf32> to vector<16xf32>
        %add3A_2435 = arith.addf %add3A_2383, %get3A_2422 : vector<16xf32>
        %add3A_2436 = arith.addf %add3A_2384, %get3A_2434 : vector<16xf32>
        %get3A_2437 = arith.constant 1 : i32
        %get3A_2438 = arith.constant 47 : i32
        %get3A_2439 = arith.constant 0 : i32
        %get3A_2440 = arith.constant 0 : i32
        %get3A_2441 = tpu.memref_slice %arg12[%get3A_2437, %get3A_2439, %get3A_2440] : memref<2x1600x32xf32, #tpu.memory_space<vmem>> -> memref<1x1600x32xf32, #tpu.memory_space<vmem>>
        %get3A_2442 = tpu.memref_squeeze %get3A_2441 : memref<1x1600x32xf32, #tpu.memory_space<vmem>> -> memref<1600x32xf32, #tpu.memory_space<vmem>>
        %get3A_2443 = arith.constant 0 : i32
        %get3A_2444 = tpu.memref_slice %get3A_2442[%mul3A_1207, %get3A_2443] : memref<1600x32xf32, #tpu.memory_space<vmem>> -> memref<50x32xf32, #tpu.memory_space<vmem>>
        %get3A_2445 = arith.index_cast %get3A_2438 : i32 to index
        %get3A_2446 = arith.constant 0 : index
        %get3A_2447 = tpu.vector_load %get3A_2444[%get3A_2445, %get3A_2446] {strides = array<i32>} : memref<50x32xf32, #tpu.memory_space<vmem>>, vector<1x16xf32>,
        %get3A_2448 = vector.shape_cast %get3A_2447 : vector<1x16xf32> to vector<16xf32>
        %get3A_2449 = arith.constant 1 : i32
        %get3A_2450 = arith.constant 47 : i32
        %get3A_2451 = arith.constant 0 : i32
        %get3A_2452 = arith.constant 0 : i32
        %get3A_2453 = tpu.memref_slice %arg12[%get3A_2449, %get3A_2451, %get3A_2452] : memref<2x1600x32xf32, #tpu.memory_space<vmem>> -> memref<1x1600x32xf32, #tpu.memory_space<vmem>>
        %get3A_2454 = tpu.memref_squeeze %get3A_2453 : memref<1x1600x32xf32, #tpu.memory_space<vmem>> -> memref<1600x32xf32, #tpu.memory_space<vmem>>
        %get3A_2455 = arith.constant 0 : i32
        %get3A_2456 = tpu.memref_slice %get3A_2454[%mul3A_1207, %get3A_2455] : memref<1600x32xf32, #tpu.memory_space<vmem>> -> memref<50x32xf32, #tpu.memory_space<vmem>>
        %get3A_2457 = arith.index_cast %get3A_2450 : i32 to index
        %get3A_2458 = arith.constant 16 : index
        %get3A_2459 = tpu.vector_load %get3A_2456[%get3A_2457, %get3A_2458] {strides = array<i32>} : memref<50x32xf32, #tpu.memory_space<vmem>>, vector<1x16xf32>,
        %get3A_2460 = vector.shape_cast %get3A_2459 : vector<1x16xf32> to vector<16xf32>
        %add3A_2461 = arith.addf %add3A_2409, %get3A_2448 : vector<16xf32>
        %add3A_2462 = arith.addf %add3A_2410, %get3A_2460 : vector<16xf32>
        %get3A_2463 = arith.constant 1 : i32
        %get3A_2464 = arith.constant 48 : i32
        %get3A_2465 = arith.constant 0 : i32
        %get3A_2466 = arith.constant 0 : i32
        %get3A_2467 = tpu.memref_slice %arg12[%get3A_2463, %get3A_2465, %get3A_2466] : memref<2x1600x32xf32, #tpu.memory_space<vmem>> -> memref<1x1600x32xf32, #tpu.memory_space<vmem>>
        %get3A_2468 = tpu.memref_squeeze %get3A_2467 : memref<1x1600x32xf32, #tpu.memory_space<vmem>> -> memref<1600x32xf32, #tpu.memory_space<vmem>>
        %get3A_2469 = arith.constant 0 : i32
        %get3A_2470 = tpu.memref_slice %get3A_2468[%mul3A_1207, %get3A_2469] : memref<1600x32xf32, #tpu.memory_space<vmem>> -> memref<50x32xf32, #tpu.memory_space<vmem>>
        %get3A_2471 = arith.index_cast %get3A_2464 : i32 to index
        %get3A_2472 = arith.constant 0 : index
        %get3A_2473 = tpu.vector_load %get3A_2470[%get3A_2471, %get3A_2472] {strides = array<i32>} : memref<50x32xf32, #tpu.memory_space<vmem>>, vector<1x16xf32>,
        %get3A_2474 = vector.shape_cast %get3A_2473 : vector<1x16xf32> to vector<16xf32>
        %get3A_2475 = arith.constant 1 : i32
        %get3A_2476 = arith.constant 48 : i32
        %get3A_2477 = arith.constant 0 : i32
        %get3A_2478 = arith.constant 0 : i32
        %get3A_2479 = tpu.memref_slice %arg12[%get3A_2475, %get3A_2477, %get3A_2478] : memref<2x1600x32xf32, #tpu.memory_space<vmem>> -> memref<1x1600x32xf32, #tpu.memory_space<vmem>>
        %get3A_2480 = tpu.memref_squeeze %get3A_2479 : memref<1x1600x32xf32, #tpu.memory_space<vmem>> -> memref<1600x32xf32, #tpu.memory_space<vmem>>
        %get3A_2481 = arith.constant 0 : i32
        %get3A_2482 = tpu.memref_slice %get3A_2480[%mul3A_1207, %get3A_2481] : memref<1600x32xf32, #tpu.memory_space<vmem>> -> memref<50x32xf32, #tpu.memory_space<vmem>>
        %get3A_2483 = arith.index_cast %get3A_2476 : i32 to index
        %get3A_2484 = arith.constant 16 : index
        %get3A_2485 = tpu.vector_load %get3A_2482[%get3A_2483, %get3A_2484] {strides = array<i32>} : memref<50x32xf32, #tpu.memory_space<vmem>>, vector<1x16xf32>,
        %get3A_2486 = vector.shape_cast %get3A_2485 : vector<1x16xf32> to vector<16xf32>
        %add3A_2487 = arith.addf %add3A_2435, %get3A_2474 : vector<16xf32>
        %add3A_2488 = arith.addf %add3A_2436, %get3A_2486 : vector<16xf32>
        %get3A_2489 = arith.constant 1 : i32
        %get3A_2490 = arith.constant 49 : i32
        %get3A_2491 = arith.constant 0 : i32
        %get3A_2492 = arith.constant 0 : i32
        %get3A_2493 = tpu.memref_slice %arg12[%get3A_2489, %get3A_2491, %get3A_2492] : memref<2x1600x32xf32, #tpu.memory_space<vmem>> -> memref<1x1600x32xf32, #tpu.memory_space<vmem>>
        %get3A_2494 = tpu.memref_squeeze %get3A_2493 : memref<1x1600x32xf32, #tpu.memory_space<vmem>> -> memref<1600x32xf32, #tpu.memory_space<vmem>>
        %get3A_2495 = arith.constant 0 : i32
        %get3A_2496 = tpu.memref_slice %get3A_2494[%mul3A_1207, %get3A_2495] : memref<1600x32xf32, #tpu.memory_space<vmem>> -> memref<50x32xf32, #tpu.memory_space<vmem>>
        %get3A_2497 = arith.index_cast %get3A_2490 : i32 to index
        %get3A_2498 = arith.constant 0 : index
        %get3A_2499 = tpu.vector_load %get3A_2496[%get3A_2497, %get3A_2498] {strides = array<i32>} : memref<50x32xf32, #tpu.memory_space<vmem>>, vector<1x16xf32>,
        %get3A_2500 = vector.shape_cast %get3A_2499 : vector<1x16xf32> to vector<16xf32>
        %get3A_2501 = arith.constant 1 : i32
        %get3A_2502 = arith.constant 49 : i32
        %get3A_2503 = arith.constant 0 : i32
        %get3A_2504 = arith.constant 0 : i32
        %get3A_2505 = tpu.memref_slice %arg12[%get3A_2501, %get3A_2503, %get3A_2504] : memref<2x1600x32xf32, #tpu.memory_space<vmem>> -> memref<1x1600x32xf32, #tpu.memory_space<vmem>>
        %get3A_2506 = tpu.memref_squeeze %get3A_2505 : memref<1x1600x32xf32, #tpu.memory_space<vmem>> -> memref<1600x32xf32, #tpu.memory_space<vmem>>
        %get3A_2507 = arith.constant 0 : i32
        %get3A_2508 = tpu.memref_slice %get3A_2506[%mul3A_1207, %get3A_2507] : memref<1600x32xf32, #tpu.memory_space<vmem>> -> memref<50x32xf32, #tpu.memory_space<vmem>>
        %get3A_2509 = arith.index_cast %get3A_2502 : i32 to index
        %get3A_2510 = arith.constant 16 : index
        %get3A_2511 = tpu.vector_load %get3A_2508[%get3A_2509, %get3A_2510] {strides = array<i32>} : memref<50x32xf32, #tpu.memory_space<vmem>>, vector<1x16xf32>,
        %get3A_2512 = vector.shape_cast %get3A_2511 : vector<1x16xf32> to vector<16xf32>
        %add3A_2513 = arith.addf %add3A_2461, %get3A_2500 : vector<16xf32>
        %add3A_2514 = arith.addf %add3A_2462, %get3A_2512 : vector<16xf32>
        %get3A_2515 = arith.constant 1 : i32
        %get3A_2516 = arith.constant 0 : i32
        %get3A_2517 = arith.constant 0 : i32
        %get3A_2518 = tpu.memref_slice %arg16[%get3A_2515, %get3A_2516, %get3A_2517] : memref<2x32x32xf32, #tpu.memory_space<vmem>> -> memref<1x32x32xf32, #tpu.memory_space<vmem>>
        %get3A_2519 = tpu.memref_squeeze %get3A_2518 : memref<1x32x32xf32, #tpu.memory_space<vmem>> -> memref<32x32xf32, #tpu.memory_space<vmem>>
        %get3A_2520 = arith.constant 0 : i32
        %get3A_2521 = tpu.memref_slice %get3A_2519[%scan3A_1205, %get3A_2520] : memref<32x32xf32, #tpu.memory_space<vmem>> -> memref<1x32xf32, #tpu.memory_space<vmem>>
        %get3A_2522 = tpu.memref_squeeze %get3A_2521 : memref<1x32xf32, #tpu.memory_space<vmem>> -> memref<32xf32, #tpu.memory_space<vmem>>
        %get3A_2523 = arith.constant 0 : index
        %get3A_2524 = tpu.vector_load %get3A_2522[%get3A_2523] {strides = array<i32>} : memref<32xf32, #tpu.memory_space<vmem>>, vector<16xf32>,
        %get3A_2525 = vector.shape_cast %get3A_2524 : vector<16xf32> to vector<16xf32>
        %swap3A = arith.constant 0 : i32
        %swap3A_2526 = tpu.memref_slice %arg19[%scan3A_1205, %swap3A] : memref<32x128xf32, #tpu.memory_space<vmem>> -> memref<1x128xf32, #tpu.memory_space<vmem>>
        %swap3A_2527 = tpu.memref_squeeze %swap3A_2526 : memref<1x128xf32, #tpu.memory_space<vmem>> -> memref<128xf32, #tpu.memory_space<vmem>>
        %swap3A_2528 = arith.constant 0 : index
        %swap3A_2529 = tpu.vector_load %swap3A_2527[%swap3A_2528] {strides = array<i32>} : memref<128xf32, #tpu.memory_space<vmem>>, vector<16xf32>,
        %swap3A_2530 = vector.shape_cast %swap3A_2529 : vector<16xf32> to vector<16xf32>
        %swap3A_2531 = vector.shape_cast %get3A_2525 : vector<16xf32> to vector<16xf32>
        tpu.vector_store %swap3A_2527[%swap3A_2528], %swap3A_2531 {strides = array<i32>} : memref<128xf32, #tpu.memory_space<vmem>>, vector<16xf32>,
        %get3A_2532 = arith.constant 1 : i32
        %get3A_2533 = arith.constant 0 : i32
        %get3A_2534 = arith.constant 0 : i32
        %get3A_2535 = tpu.memref_slice %arg16[%get3A_2532, %get3A_2533, %get3A_2534] : memref<2x32x32xf32, #tpu.memory_space<vmem>> -> memref<1x32x32xf32, #tpu.memory_space<vmem>>
        %get3A_2536 = tpu.memref_squeeze %get3A_2535 : memref<1x32x32xf32, #tpu.memory_space<vmem>> -> memref<32x32xf32, #tpu.memory_space<vmem>>
        %get3A_2537 = arith.constant 0 : i32
        %get3A_2538 = tpu.memref_slice %get3A_2536[%scan3A_1205, %get3A_2537] : memref<32x32xf32, #tpu.memory_space<vmem>> -> memref<1x32xf32, #tpu.memory_space<vmem>>
        %get3A_2539 = tpu.memref_squeeze %get3A_2538 : memref<1x32xf32, #tpu.memory_space<vmem>> -> memref<32xf32, #tpu.memory_space<vmem>>
        %get3A_2540 = arith.constant 16 : index
        %get3A_2541 = tpu.vector_load %get3A_2539[%get3A_2540] {strides = array<i32>} : memref<32xf32, #tpu.memory_space<vmem>>, vector<16xf32>,
        %get3A_2542 = vector.shape_cast %get3A_2541 : vector<16xf32> to vector<16xf32>
        %swap3A_2543 = arith.constant 0 : i32
        %swap3A_2544 = tpu.memref_slice %arg19[%scan3A_1205, %swap3A_2543] : memref<32x128xf32, #tpu.memory_space<vmem>> -> memref<1x128xf32, #tpu.memory_space<vmem>>
        %swap3A_2545 = tpu.memref_squeeze %swap3A_2544 : memref<1x128xf32, #tpu.memory_space<vmem>> -> memref<128xf32, #tpu.memory_space<vmem>>
        %swap3A_2546 = arith.constant 16 : index
        %swap3A_2547 = tpu.vector_load %swap3A_2545[%swap3A_2546] {strides = array<i32>} : memref<128xf32, #tpu.memory_space<vmem>>, vector<16xf32>,
        %swap3A_2548 = vector.shape_cast %swap3A_2547 : vector<16xf32> to vector<16xf32>
        %swap3A_2549 = vector.shape_cast %get3A_2542 : vector<16xf32> to vector<16xf32>
        tpu.vector_store %swap3A_2545[%swap3A_2546], %swap3A_2549 {strides = array<i32>} : memref<128xf32, #tpu.memory_space<vmem>>, vector<16xf32>,
        %get3A_2550 = arith.constant 1 : i32
        %get3A_2551 = arith.constant 0 : i32
        %get3A_2552 = arith.constant 0 : i32
        %get3A_2553 = tpu.memref_slice %arg17[%get3A_2550, %get3A_2551, %get3A_2552] : memref<2x32x32xf32, #tpu.memory_space<vmem>> -> memref<1x32x32xf32, #tpu.memory_space<vmem>>
        %get3A_2554 = tpu.memref_squeeze %get3A_2553 : memref<1x32x32xf32, #tpu.memory_space<vmem>> -> memref<32x32xf32, #tpu.memory_space<vmem>>
        %get3A_2555 = arith.constant 0 : i32
        %get3A_2556 = tpu.memref_slice %get3A_2554[%scan3A_1205, %get3A_2555] : memref<32x32xf32, #tpu.memory_space<vmem>> -> memref<1x32xf32, #tpu.memory_space<vmem>>
        %get3A_2557 = tpu.memref_squeeze %get3A_2556 : memref<1x32xf32, #tpu.memory_space<vmem>> -> memref<32xf32, #tpu.memory_space<vmem>>
        %get3A_2558 = arith.constant 0 : index
        %get3A_2559 = tpu.vector_load %get3A_2557[%get3A_2558] {strides = array<i32>} : memref<32xf32, #tpu.memory_space<vmem>>, vector<16xf32>,
        %get3A_2560 = vector.shape_cast %get3A_2559 : vector<16xf32> to vector<16xf32>
        %swap3A_2561 = arith.constant 0 : i32
        %swap3A_2562 = tpu.memref_slice %arg19[%scan3A_1205, %swap3A_2561] : memref<32x128xf32, #tpu.memory_space<vmem>> -> memref<1x128xf32, #tpu.memory_space<vmem>>
        %swap3A_2563 = tpu.memref_squeeze %swap3A_2562 : memref<1x128xf32, #tpu.memory_space<vmem>> -> memref<128xf32, #tpu.memory_space<vmem>>
        %swap3A_2564 = arith.constant 32 : index
        %swap3A_2565 = tpu.vector_load %swap3A_2563[%swap3A_2564] {strides = array<i32>} : memref<128xf32, #tpu.memory_space<vmem>>, vector<16xf32>,
        %swap3A_2566 = vector.shape_cast %swap3A_2565 : vector<16xf32> to vector<16xf32>
        %swap3A_2567 = vector.shape_cast %get3A_2560 : vector<16xf32> to vector<16xf32>
        tpu.vector_store %swap3A_2563[%swap3A_2564], %swap3A_2567 {strides = array<i32>} : memref<128xf32, #tpu.memory_space<vmem>>, vector<16xf32>,
        %get3A_2568 = arith.constant 1 : i32
        %get3A_2569 = arith.constant 0 : i32
        %get3A_2570 = arith.constant 0 : i32
        %get3A_2571 = tpu.memref_slice %arg17[%get3A_2568, %get3A_2569, %get3A_2570] : memref<2x32x32xf32, #tpu.memory_space<vmem>> -> memref<1x32x32xf32, #tpu.memory_space<vmem>>
        %get3A_2572 = tpu.memref_squeeze %get3A_2571 : memref<1x32x32xf32, #tpu.memory_space<vmem>> -> memref<32x32xf32, #tpu.memory_space<vmem>>
        %get3A_2573 = arith.constant 0 : i32
        %get3A_2574 = tpu.memref_slice %get3A_2572[%scan3A_1205, %get3A_2573] : memref<32x32xf32, #tpu.memory_space<vmem>> -> memref<1x32xf32, #tpu.memory_space<vmem>>
        %get3A_2575 = tpu.memref_squeeze %get3A_2574 : memref<1x32xf32, #tpu.memory_space<vmem>> -> memref<32xf32, #tpu.memory_space<vmem>>
        %get3A_2576 = arith.constant 16 : index
        %get3A_2577 = tpu.vector_load %get3A_2575[%get3A_2576] {strides = array<i32>} : memref<32xf32, #tpu.memory_space<vmem>>, vector<16xf32>,
        %get3A_2578 = vector.shape_cast %get3A_2577 : vector<16xf32> to vector<16xf32>
        %swap3A_2579 = arith.constant 0 : i32
        %swap3A_2580 = tpu.memref_slice %arg19[%scan3A_1205, %swap3A_2579] : memref<32x128xf32, #tpu.memory_space<vmem>> -> memref<1x128xf32, #tpu.memory_space<vmem>>
        %swap3A_2581 = tpu.memref_squeeze %swap3A_2580 : memref<1x128xf32, #tpu.memory_space<vmem>> -> memref<128xf32, #tpu.memory_space<vmem>>
        %swap3A_2582 = arith.constant 48 : index
        %swap3A_2583 = tpu.vector_load %swap3A_2581[%swap3A_2582] {strides = array<i32>} : memref<128xf32, #tpu.memory_space<vmem>>, vector<16xf32>,
        %swap3A_2584 = vector.shape_cast %swap3A_2583 : vector<16xf32> to vector<16xf32>
        %swap3A_2585 = vector.shape_cast %get3A_2578 : vector<16xf32> to vector<16xf32>
        tpu.vector_store %swap3A_2581[%swap3A_2582], %swap3A_2585 {strides = array<i32>} : memref<128xf32, #tpu.memory_space<vmem>>, vector<16xf32>,
        %get3A_2586 = arith.constant 1 : i32
        %get3A_2587 = arith.constant 0 : i32
        %get3A_2588 = arith.constant 0 : i32
        %get3A_2589 = tpu.memref_slice %arg18[%get3A_2586, %get3A_2587, %get3A_2588] : memref<2x32x32xf32, #tpu.memory_space<vmem>> -> memref<1x32x32xf32, #tpu.memory_space<vmem>>
        %get3A_2590 = tpu.memref_squeeze %get3A_2589 : memref<1x32x32xf32, #tpu.memory_space<vmem>> -> memref<32x32xf32, #tpu.memory_space<vmem>>
        %get3A_2591 = arith.constant 0 : i32
        %get3A_2592 = tpu.memref_slice %get3A_2590[%scan3A_1205, %get3A_2591] : memref<32x32xf32, #tpu.memory_space<vmem>> -> memref<1x32xf32, #tpu.memory_space<vmem>>
        %get3A_2593 = tpu.memref_squeeze %get3A_2592 : memref<1x32xf32, #tpu.memory_space<vmem>> -> memref<32xf32, #tpu.memory_space<vmem>>
        %get3A_2594 = arith.constant 0 : index
        %get3A_2595 = tpu.vector_load %get3A_2593[%get3A_2594] {strides = array<i32>} : memref<32xf32, #tpu.memory_space<vmem>>, vector<16xf32>,
        %get3A_2596 = vector.shape_cast %get3A_2595 : vector<16xf32> to vector<16xf32>
        %swap3A_2597 = arith.constant 0 : i32
        %swap3A_2598 = tpu.memref_slice %arg19[%scan3A_1205, %swap3A_2597] : memref<32x128xf32, #tpu.memory_space<vmem>> -> memref<1x128xf32, #tpu.memory_space<vmem>>
        %swap3A_2599 = tpu.memref_squeeze %swap3A_2598 : memref<1x128xf32, #tpu.memory_space<vmem>> -> memref<128xf32, #tpu.memory_space<vmem>>
        %swap3A_2600 = arith.constant 64 : index
        %swap3A_2601 = tpu.vector_load %swap3A_2599[%swap3A_2600] {strides = array<i32>} : memref<128xf32, #tpu.memory_space<vmem>>, vector<16xf32>,
        %swap3A_2602 = vector.shape_cast %swap3A_2601 : vector<16xf32> to vector<16xf32>
        %swap3A_2603 = vector.shape_cast %get3A_2596 : vector<16xf32> to vector<16xf32>
        tpu.vector_store %swap3A_2599[%swap3A_2600], %swap3A_2603 {strides = array<i32>} : memref<128xf32, #tpu.memory_space<vmem>>, vector<16xf32>,
        %get3A_2604 = arith.constant 1 : i32
        %get3A_2605 = arith.constant 0 : i32
        %get3A_2606 = arith.constant 0 : i32
        %get3A_2607 = tpu.memref_slice %arg18[%get3A_2604, %get3A_2605, %get3A_2606] : memref<2x32x32xf32, #tpu.memory_space<vmem>> -> memref<1x32x32xf32, #tpu.memory_space<vmem>>
        %get3A_2608 = tpu.memref_squeeze %get3A_2607 : memref<1x32x32xf32, #tpu.memory_space<vmem>> -> memref<32x32xf32, #tpu.memory_space<vmem>>
        %get3A_2609 = arith.constant 0 : i32
        %get3A_2610 = tpu.memref_slice %get3A_2608[%scan3A_1205, %get3A_2609] : memref<32x32xf32, #tpu.memory_space<vmem>> -> memref<1x32xf32, #tpu.memory_space<vmem>>
        %get3A_2611 = tpu.memref_squeeze %get3A_2610 : memref<1x32xf32, #tpu.memory_space<vmem>> -> memref<32xf32, #tpu.memory_space<vmem>>
        %get3A_2612 = arith.constant 16 : index
        %get3A_2613 = tpu.vector_load %get3A_2611[%get3A_2612] {strides = array<i32>} : memref<32xf32, #tpu.memory_space<vmem>>, vector<16xf32>,
        %get3A_2614 = vector.shape_cast %get3A_2613 : vector<16xf32> to vector<16xf32>
        %swap3A_2615 = arith.constant 0 : i32
        %swap3A_2616 = tpu.memref_slice %arg19[%scan3A_1205, %swap3A_2615] : memref<32x128xf32, #tpu.memory_space<vmem>> -> memref<1x128xf32, #tpu.memory_space<vmem>>
        %swap3A_2617 = tpu.memref_squeeze %swap3A_2616 : memref<1x128xf32, #tpu.memory_space<vmem>> -> memref<128xf32, #tpu.memory_space<vmem>>
        %swap3A_2618 = arith.constant 80 : index
        %swap3A_2619 = tpu.vector_load %swap3A_2617[%swap3A_2618] {strides = array<i32>} : memref<128xf32, #tpu.memory_space<vmem>>, vector<16xf32>,
        %swap3A_2620 = vector.shape_cast %swap3A_2619 : vector<16xf32> to vector<16xf32>
        %swap3A_2621 = vector.shape_cast %get3A_2614 : vector<16xf32> to vector<16xf32>
        tpu.vector_store %swap3A_2617[%swap3A_2618], %swap3A_2621 {strides = array<i32>} : memref<128xf32, #tpu.memory_space<vmem>>, vector<16xf32>,
        %add3A_2622 = arith.addf %add3A_2487, %add3A_2513 : vector<16xf32>
        %mul3A_2623 = arith.mulf %add3A_2622, %broadcast_in_dim3A_3 : vector<16xf32>
        %swap3A_2624 = arith.constant 0 : i32
        %swap3A_2625 = tpu.memref_slice %arg19[%scan3A_1205, %swap3A_2624] : memref<32x128xf32, #tpu.memory_space<vmem>> -> memref<1x128xf32, #tpu.memory_space<vmem>>
        %swap3A_2626 = tpu.memref_squeeze %swap3A_2625 : memref<1x128xf32, #tpu.memory_space<vmem>> -> memref<128xf32, #tpu.memory_space<vmem>>
        %swap3A_2627 = arith.constant 96 : index
        %swap3A_2628 = tpu.vector_load %swap3A_2626[%swap3A_2627] {strides = array<i32>} : memref<128xf32, #tpu.memory_space<vmem>>, vector<16xf32>,
        %swap3A_2629 = vector.shape_cast %swap3A_2628 : vector<16xf32> to vector<16xf32>
        %swap3A_2630 = vector.shape_cast %mul3A_2623 : vector<16xf32> to vector<16xf32>
        tpu.vector_store %swap3A_2626[%swap3A_2627], %swap3A_2630 {strides = array<i32>} : memref<128xf32, #tpu.memory_space<vmem>>, vector<16xf32>,
        %add3A_2631 = arith.addf %add3A_2488, %add3A_2514 : vector<16xf32>
        %mul3A_2632 = arith.mulf %add3A_2631, %broadcast_in_dim3A_3 : vector<16xf32>
        %swap3A_2633 = arith.constant 0 : i32
        %swap3A_2634 = tpu.memref_slice %arg19[%scan3A_1205, %swap3A_2633] : memref<32x128xf32, #tpu.memory_space<vmem>> -> memref<1x128xf32, #tpu.memory_space<vmem>>
        %swap3A_2635 = tpu.memref_squeeze %swap3A_2634 : memref<1x128xf32, #tpu.memory_space<vmem>> -> memref<128xf32, #tpu.memory_space<vmem>>
        %swap3A_2636 = arith.constant 112 : index
        %swap3A_2637 = tpu.vector_load %swap3A_2635[%swap3A_2636] {strides = array<i32>} : memref<128xf32, #tpu.memory_space<vmem>>, vector<16xf32>,
        %swap3A_2638 = vector.shape_cast %swap3A_2637 : vector<16xf32> to vector<16xf32>
        %swap3A_2639 = vector.shape_cast %mul3A_2632 : vector<16xf32> to vector<16xf32>
        tpu.vector_store %swap3A_2635[%swap3A_2636], %swap3A_2639 {strides = array<i32>} : memref<128xf32, #tpu.memory_space<vmem>>, vector<16xf32>,
      }
      %scan3A_1204 = arith.constant 32 : i32
      "tpu.region"() ({
        %run_scoped3A_1205 = tpu.sem_alloc : memref<!tpu.dma_semaphore, #tpu.memory_space<semaphore_mem>>
        %dma_start3A_1206 = arith.constant 0 : i32
        %dma_start3A_1207 = tpu.memref_slice %arg10[%multiple_of3A_1198, %dma_start3A_1206] : memref<16384x128xf32, #tpu.memory_space<hbm>> -> memref<32x128xf32, #tpu.memory_space<hbm>>
        %dma_start3A_1208 = arith.constant 0 : i32
        %dma_start3A_1209 = tpu.memref_slice %arg10[%multiple_of3A_1198, %dma_start3A_1208] : memref<16384x128xf32, #tpu.memory_space<hbm>> -> memref<32x128xf32, #tpu.memory_space<hbm>>
        tpu.enqueue_dma source(%arg19 : memref<32x128xf32, #tpu.memory_space<vmem>>) target(%dma_start3A_1209 : memref<32x128xf32, #tpu.memory_space<hbm>>) target_semaphore(%run_scoped3A_1205 : memref<!tpu.dma_semaphore, #tpu.memory_space<semaphore_mem>>)
        %dma_wait3A_1210 = arith.constant 0 : i32
        %dma_wait3A_1211 = tpu.memref_slice %arg10[%multiple_of3A_1198, %dma_wait3A_1210] : memref<16384x128xf32, #tpu.memory_space<hbm>> -> memref<32x128xf32, #tpu.memory_space<hbm>>
        %dma_wait3A_1212 = arith.constant 0 : i32
        %dma_wait3A_1213 = tpu.memref_slice %arg10[%multiple_of3A_1198, %dma_wait3A_1212] : memref<16384x128xf32, #tpu.memory_space<hbm>> -> memref<32x128xf32, #tpu.memory_space<hbm>>
        tpu.wait_dma2 semaphore(%run_scoped3A_1205 : memref<!tpu.dma_semaphore, #tpu.memory_space<semaphore_mem>>) src(%arg19 : memref<32x128xf32, #tpu.memory_space<vmem>>) dst(%dma_wait3A_1213 : memref<32x128xf32, #tpu.memory_space<hbm>>)
        tpu.yield
      }) : () -> ()
    }
    %scan3A_272 = arith.constant 8 : i32
    return
  }
}

module attributes {stable_mosaic.version = 14 : i64} {
  func.func @_dense_body(%arg0: i32, %arg1: memref<1024x128xf32, #tpu.memory_space<vmem>>, %arg2: memref<128x64xf32, #tpu.memory_space<vmem>>, %arg3: memref<1x64xf32, #tpu.memory_space<vmem>>, %arg4: memref<1024x64xf32, #tpu.memory_space<vmem>>) attributes {dimension_semantics = [#tpu.dimension_semantics<arbitrary>], iteration_bounds = array<i64: 16>, scalar_prefetch = 0 : i64, scratch_operands = 0 : i64, tpu.core_type = #tpu.core_type<tc>, window_params = [{transform_indices = @transform_0, window_bounds = array<i64: 1024, 128>}, {pipeline_mode = #tpu.pipeline_mode<synchronous>, transform_indices = @transform_1, window_bounds = array<i64: 128, 64>}, {pipeline_mode = #tpu.pipeline_mode<synchronous>, transform_indices = @transform_2, window_bounds = array<i64: 1, 64>}, {transform_indices = @transform_3, window_bounds = array<i64: 1024, 64>}]} {
    %get3A = arith.constant 0 : index
    %get3A_0 = arith.constant 0 : index
    %get3A_1 = vector.load %arg1[%get3A, %get3A_0] : memref<1024x128xf32, #tpu.memory_space<vmem>>, vector<1024x128xf32>
    %get3A_2 = arith.constant 0 : index
    %get3A_3 = arith.constant 0 : index
    %get3A_4 = vector.load %arg2[%get3A_2, %get3A_3] : memref<128x64xf32, #tpu.memory_space<vmem>>, vector<128x64xf32>
    %dot_general3A = arith.constant dense<0.000000e+00> : vector<1024x64xf32>
    %dot_general3A_5 = tpu.matmul %get3A_1, %get3A_4, %dot_general3A {dimension_numbers = #tpu.dot_dimension_numbers<[1], [0], [0], [1], [0, 0, 1, 1], [], []>, transpose_lhs_hint = false} : vector<1024x128xf32>, vector<128x64xf32>, vector<1024x64xf32> -> vector<1024x64xf32>
    %get3A_6 = arith.constant 0 : index
    %get3A_7 = arith.constant 0 : index
    %get3A_8 = vector.load %arg3[%get3A_6, %get3A_7] : memref<1x64xf32, #tpu.memory_space<vmem>>, vector<1x64xf32>
    %add3A = vector.broadcast %get3A_8 : vector<1x64xf32> to vector<1024x64xf32>
    %add3A_9 = arith.addf %dot_general3A_5, %add3A : vector<1024x64xf32>
    %max3A = arith.constant 0.000000e+00 : f32
    %max3A_10 = vector.broadcast %max3A : f32 to vector<1024x64xf32>
    %max3A_11 = arith.maximumf %add3A_9, %max3A_10 : vector<1024x64xf32>
    %swap3A = arith.constant 0 : index
    %swap3A_12 = arith.constant 0 : index
    %swap3A_13 = vector.load %arg4[%swap3A, %swap3A_12] : memref<1024x64xf32, #tpu.memory_space<vmem>>, vector<1024x64xf32>
    tpu.vector_store %arg4[%swap3A, %swap3A_12], %max3A_11 {strides = array<i32>} : memref<1024x64xf32, #tpu.memory_space<vmem>>, vector<1024x64xf32>,
    return
  }
  func.func @transform_0(%arg0: i32) -> (i32, i32) {
    %c0_i32 = arith.constant 0 : i32
    %c0_i32_0 = arith.constant 0 : i32
    return %arg0, %c0_i32 : i32, i32
  }
  func.func @transform_1(%arg0: i32) -> (i32, i32) {
    %c0_i32 = arith.constant 0 : i32
    %c0_i32_0 = arith.constant 0 : i32
    %c0_i32_1 = arith.constant 0 : i32
    return %c0_i32, %c0_i32_0 : i32, i32
  }
  func.func @transform_2(%arg0: i32) -> (i32, i32) {
    %c0_i32 = arith.constant 0 : i32
    %c0_i32_0 = arith.constant 0 : i32
    %c0_i32_1 = arith.constant 0 : i32
    return %c0_i32, %c0_i32_0 : i32, i32
  }
  func.func @transform_3(%arg0: i32) -> (i32, i32) {
    %c0_i32 = arith.constant 0 : i32
    %c0_i32_0 = arith.constant 0 : i32
    return %arg0, %c0_i32 : i32, i32
  }
}

</mosaic_0001>

<sc_bundles>
// kernel: kernel.4.cloned.1.call-start
scs
__scs_entry_jumppad:
0x0: {  	(pc) =	sbr.rel $0x88, $3  }
0x1: {  	(tag) =	ssettag $0x0;
	lr =	simm.s32 $0x1  }
0x2: {  	[smem:$0x3F97] =	sst lr;
	_ =	strace $0xD0000000  }
0x3: {  	_ = 	snop  }
0x4: {  	_ = 	snop  }
0x5: {  	_ = 	snop  }
0x6: {  	_ = 	snop  }
0x7: {  	_ = 	snop  }
__scs_overlays_trampoline_lowered:
0x8: {  	[smem:$0x3FA6] =	sst s0  }
0x9: {  	[smem:$0x3FA7] =	sst s1  }
0xa: {  	[smem:$0x3FA8] =	sst s2  }
0xb: {  	[smem:$0x3FA9] =	sst s3  }
0xc: {  	[smem:$0x3FAA] =	sst s4  }
0xd: {  	[smem:$0x3FAB] =	sst s5  }
0xe: {  	[smem:$0x3FAC] =	sst s6  }
0xf: {  	[smem:$0x3FAD] =	sst s7  }
0x10: {  	[smem:$0x3FAE] =	sst s8  }
0x11: {  	[smem:$0x3FAF] =	sst s9;
	s0 =	simm.s32 @!p0 $0x0  }
0x12: {  	s1 =	sld [smem:$0x3F95];
	s0 =	simm.s32 @p0 $0x1  }
0x13: {  	[smem:$0x3FB0] =	sst s0;
	s0 =	simm.s32 @!p1 $0x0  }
0x14: {  	s2 =	sld [smem:$0x3F94];
	s0 =	simm.s32 @p1 $0x1  }
0x15: {  	[smem:$0x3FB1] =	sst s0;
	s0 =	simm.s32 @!p2 $0x0  }
0x16: {  	s3 =	sld [smem:$0x3FDB];
	s0 =	simm.s32 @p2 $0x1  }
0x17: {  	s4 =	simm.s32 $0x1BF5;
	[smem:$0x3FB3] =	sst s0  }
0x18: {  	s0 =	sld [smem:$0x3F96];
	_ =	swait.ge [sflag:s4], $0x0  }
0x19: {  	s7 =	sld [smem:$0x3F97]  }
0x1a: {  	s8 =	sadd.s32 $0xFFFFE003, lr  }
0x1b: {  	s9 =	sadd.s32 $0xFFFFFEF7, lr;
	s5 =	simm.s32 $0xFFFFFFFF;
	p2 =	slt.u32 s8, $0xFFFFF086  }
0x1c: {  	p1 =	slt.u32 s9, $0xF7A;
	s5 =	simm.s32 @!p2 $0x0  }
0x1d: {  	s5 =	simm.s32 @p1 $0x1;
	p0 =	seq.s32 s7, s2  }
0x1e: {  	s7 =	smul.u32 @!p0 $0xF7A, s2;
	p2 =	seq.s32 @!p0 s5, $0x0  }
0x1f: {  	s9 =	smul.u32 $0xF7A, s1;
	s8 =	simm.s32 @!p0 $0x1BF5;
	p2 =	por !p2, p0  }
0x20: {  	[sflag:s8] =	ssyncset.s32 @!p0 $0xFFFFF086;
	s6 =	sadd.s32 @!p0 s3, s7;
	s7 =	simm.s32 @!p0 $0x108  }
0x21: {  	s3 =	sadd.s32 s3, s9;
	s6 =	sadd.s32 @!p0 $0x88, s6;
	s7 =	simm.s32 @p2 $0x1082  }
0x22: {  	[simem:s7], [sflag:s8] =	dma.local @!p0 [hbm:s6], $0xF7A  }
0x23: {  	s9 =	sor.u32 $0xD0000000, s2;
	s6 =	simm.s32 $0x108;
	_ =	swait.ge @!p0 [sflag:s8], $0x0  }
0x24: {  	s3 =	sadd.s32 $0x88, s3;
	s6 =	simm.s32 @!p1 $0x1082;
	[sflag:s4] =	ssyncset.s32 $0xFFFFF086  }
0x25: {  	[simem:s6], [sflag:s4] =	dma.local [hbm:s3], $0xF7A  }
0x26: {  	[smem:$0x3F97] =	sst s1;
	(tag) =	ssettag s2;
	_ =	strace s9  }
0x27: {  	s1 =	sld [smem:$0x3FA7]  }
0x28: {  	s2 =	sld [smem:$0x3FA8]  }
0x29: {  	s4 =	sld [smem:$0x3FAA]  }
0x2a: {  	p0 =	seq.s32 s5, $0x0;
	s5 =	sld [smem:$0x3FAB]  }
0x2b: {  	s6 =	sld [smem:$0x3FAC]  }
0x2c: {  	s7 =	sld [smem:$0x3FAD]  }
0x2d: {  	s3 =	simm.s32 $0x108;
	s8 =	sld [smem:$0x3FAE]  }
0x2e: {  	s3 =	simm.s32 @!p0 $0x1082;
	s9 =	sld [smem:$0x3FAF]  }
0x2f: {  	lr =	sadd.s32 s0, s3;
	s0 =	sld [smem:$0x3FA6]  }
0x30: {  	s3 =	sld [smem:$0x3FA9]  }
0x31: {  	[smem:$0x3FB2] =	sst s10  }
0x32: {  	s10 =	sld [smem:$0x3FB0];
	_ =	sdelay $0x3  }
0x33: {  	p0 =	seq.s32 s10, $0x1;
	s10 =	sld [smem:$0x3FB2];
	_ =	sdelay $0x3  }
0x34: {  	[smem:$0x3FB2] =	sst s10  }
0x35: {  	s10 =	sld [smem:$0x3FB1];
	_ =	sdelay $0x3  }
0x36: {  	p1 =	seq.s32 s10, $0x1;
	s10 =	sld [smem:$0x3FB2];
	_ =	sdelay $0x3  }
0x37: {  	[smem:$0x3FB2] =	sst s10  }
0x38: {  	s10 =	sld [smem:$0x3FB3]  }
0x39: {  	_ = 	snop;
	(pc) =	sbr.ind lr, $3  }
0x3a: {  	_ = 	snop  }
0x3b: {  	_ = 	snop  }
0x3c: {  	p2 =	seq.s32 s10, $0x1;
	s10 =	sld [smem:$0x3FB2]  }
0x3d: {  	_ =	shalt  }
0x3e: {  	_ =	shalt  }
0x3f: {  	_ =	shalt  }
0x40: {  	_ =	shalt  }
0x41: {  	_ =	shalt  }
0x42: {  	_ =	shalt  }
0x43: {  	_ =	shalt  }
0x44: {  	_ =	shalt  }
0x45: {  	_ =	shalt  }
0x46: {  	_ =	shalt  }
0x47: {  	_ =	shalt  }
0x48: {  	_ =	shalt  }
0x49: {  	_ =	shalt  }
0x4a: {  	_ =	shalt  }
0x4b: {  	_ =	shalt  }
0x4c: {  	_ =	shalt  }
0x4d: {  	_ =	shalt  }
0x4e: {  	_ =	shalt  }
0x4f: {  	_ =	shalt  }
0x50: {  	_ =	shalt  }
0x51: {  	_ =	shalt  }
0x52: {  	_ =	shalt  }
0x53: {  	_ =	shalt  }
0x54: {  	_ =	shalt  }
0x55: {  	_ =	shalt  }
0x56: {  	_ =	shalt  }
0x57: {  	_ =	shalt  }
0x58: {  	_ =	shalt  }
0x59: {  	_ =	shalt  }
0x5a: {  	_ =	shalt  }
0x5b: {  	_ =	shalt  }
0x5c: {  	_ =	shalt  }
0x5d: {  	_ =	shalt  }
0x5e: {  	_ =	shalt  }
0x5f: {  	_ =	shalt  }
0x60: {  	_ =	shalt  }
0x61: {  	_ =	shalt  }
0x62: {  	_ =	shalt  }
0x63: {  	_ =	shalt  }
0x64: {  	_ =	shalt  }
0x65: {  	_ =	shalt  }
0x66: {  	_ =	shalt  }
0x67: {  	_ =	shalt  }
0x68: {  	_ =	shalt  }
0x69: {  	_ =	shalt  }
0x6a: {  	_ =	shalt  }
0x6b: {  	_ =	shalt  }
0x6c: {  	_ =	shalt  }
0x6d: {  	_ =	shalt  }
0x6e: {  	_ =	shalt  }
0x6f: {  	_ =	shalt  }
0x70: {  	_ =	shalt  }
0x71: {  	_ =	shalt  }
0x72: {  	_ =	shalt  }
0x73: {  	_ =	shalt  }
0x74: {  	_ =	shalt  }
0x75: {  	_ =	shalt  }
0x76: {  	_ =	shalt  }
0x77: {  	_ =	shalt  }
0x78: {  	_ =	shalt  }
0x79: {  	_ =	shalt  }
0x7a: {  	_ =	shalt  }
0x7b: {  	_ =	shalt  }
0x7c: {  	_ =	shalt  }
0x7d: {  	_ =	shalt  }
0x7e: {  	_ =	shalt  }
0x7f: {  	_ =	shalt  }
0x80: {  	_ =	shalt  }
0x81: {  	_ =	shalt  }
0x82: {  	_ =	shalt  }
0x83: {  	_ =	shalt  }
0x84: {  	_ =	shalt  }
0x85: {  	_ =	shalt  }
0x86: {  	_ =	shalt  }
0x87: {  	_ =	shalt  }
.Lfunc_end0:
.L_simem_size_0:
called_computation_lowered:
.L_overlay_start_0:
0x88: {  	s2 =	sld [smem:$0x3FD9]  }
0x89: {  	s3 =	sld [smem:$0x3FFE];
	_ =	sdelay $0x1  }
0x8a: {  	s1 =	srdreg.scid  }
0x8b: {  	s0 =	sand.u32 $0x1, s1  }
0x8c: {  	s17 =	sshll.u32 s0, $0xA;
	s2 =	sadd.s32 s3, s2  }
0x8d: {  	s2 =	sadd.s32 s2, s17  }
0x8e: {  	[smem:$0x3FBE] =	sst s2  }
0x8f: {  	_ = 	snop  }
0x90: {  	s2 =	sld [smem:$0x3FC9]  }
0x91: {  	s18 =	sld [smem:$0x3FC8]  }
0x92: {  	s4 =	sld [smem:$0x3FC7]  }
0x93: {  	s5 =	sld [smem:$0x3FD0];
	(tm) =	ssettm $0x1  }
0x94: {  	s6 =	sld [smem:$0x3FFB];
	_ =	sdelay $0x3  }
0x95: {  	_ =	strace s6  }
0x96: {  	s6 =	sld [smem:$0x3FFC];
	_ =	sdelay $0x3  }
0x97: {  	_ =	strace s6  }
0x98: {  	s6 =	sld [smem:$0x3FFD];
	_ =	sdelay $0x3  }
0x99: {  	_ =	strace s6  }
0x9a: {  	_ =	strace $0x8FFFFFFF  }
0x9b: {  	s19 =	sld [smem:$0x3FDB];
	_ =	sdelay $0x1  }
0x9c: {  	s7 =	simm.s32 $_scs_section_size  }
0x9d: {  	s8 =	simm.s32 $_size__tile_overlayer_lowered;
	s9 =	simm.s32 $_tile_overlayer_lowered  }
0x9e: {  	s22 =	simm.s32 $0x1BFF;
	s21 =	sshll.u32 s9, $0x1;
	s6 =	sadd.s32 s7, s19  }
0x9f: {  	s10 =	simm.s32 $0x0;
	s20 =	sshll.u32 s8, $0x1;
	s8 =	sadd.s32 s21, s6  }
0xa0: {  	[timem:s10], [sflag:s22] =	dma.local [hbm:s8], s20  }
0xa1: {  	_ =	swait.ge [sflag:s22], s20  }
0xa2: {  	s7 =	ssub.s32 $0x0, s20;
	[sflag:s22] =	ssyncset.done $0x0  }
0xa3: {  	[sflag:s22] =	ssyncadd.s32 s7;
	_ =	sdelay $0x1  }
0xa4: {  	s23 =	simm.s32 $0x1B8B  }
0xa5: {  	_ =	swait.ge [sflag:s23], $0x1  }
0xa6: {  	[sflag:s23] =	ssyncset.done $0x0  }
0xa7: {  	s25 =	simm.s32 $0x1B8E;
	s24 =	sld [smem:$0x3FFE];
	[sflag:s23] =	ssyncadd.s32 $0xFFFFFFFF  }
0xa8: {  	s26 =	simm.s32 $execute0_lowered;
	[smem:$0x3FD2] =	sst s25  }
0xa9: {  	s8 =	sshll.u32 s26, $0x1;
	_ =	strace $0x80000046;
	[dreg:$0x1] =	wrdreg $0xFFFFFFFF  }
0xaa: {  	s28 =	simm.s32 $_size_execute0_lowered;
	s6 =	sadd.s32 s6, s8;
	[dreg:$0x0] =	wrdreg $0x0  }
0xab: {  	s8 =	sshll.u32 s28, $0x1;
	[dreg:$0x2] =	wrdreg s6  }
0xac: {  	[dreg:$0x3] =	wrdreg s8  }
0xad: {  	[dreg:$0x4] =	wrdreg $0xC0  }
0xae: {  	_ =	task [dreg:s10], $0x5FFFF  }
0xaf: {  	[dreg:$0x1] =	wrdreg $0xFFFFFFFF  }
0xb0: {  	[dreg:$0x0] =	wrdreg $0x60  }
0xb1: {  	[dreg:$0x2] =	wrdreg s2  }
0xb2: {  	[dreg:$0x3] =	wrdreg s18  }
0xb3: {  	[dreg:$0x4] =	wrdreg s4  }
0xb4: {  	[dreg:$0x5] =	wrdreg s5  }
0xb5: {  	[dreg:$0x6] =	wrdreg s24  }
0xb6: {  	[dreg:$0x7] =	wrdreg $0x9  }
0xb7: {  	_ =	task.clear_ibuf [dreg:s10], $0x8FFFF;
	_ =	strace $0x90000046  }
0xb8: {  	s29 =	simm.s32 $0x9;
	_ =	strace $0x80000048  }
0xb9: {  	_ =	swait.ge [sflag:s29], $0x1  }
0xba: {  	[sflag:s29] =	ssyncadd.s32 $0xFFFFFFFF  }
0xbb: {  	_ =	strace $0x90000048  }
0xbc: {  	_ =	sfence  }
0xbd: {  	s30 =	sld [smem:$0x0];
	_ =	sdelay $0x2  }
0xbe: {  	s31 =	sshll.u32 s1, $0xD;
	s1 =	sshrl.u32 s1, $0x2  }
0xbf: {  	s3 =	sand.u32 $0x4000, s31;
	s1 =	sadd.s32 s1, s30  }
0xc0: {  	s0 =	sor.u32 s3, s0;
	s1 =	sshll.u32 s1, $0x11  }
0xc1: {  	s0 =	sor.u32 s1, s0  }
0xc2: {  	s0 =	sadd.s32 $0x8F2B, s0  }
0xc3: {  	[sflag:s0] =	ssyncadd.remote.s32 $0x1  }
0xc4: {  	_ =	sfence.sel $0xFFFF  }
0xc5: {  	[dreg:$0x0] =	wrdreg $0xFFFFFFFF;
	(pc) =	sbr.abs _section_cstart, $3  }
0xc6: {  	[dreg:$0x1] =	wrdreg $0xFFFFFFFF  }
0xc7: {  	_ =	task.clear_ibuf [dreg:s10], $0x2FFFF;
	_ =	strace $0x9FFFFFFF  }
0xc8: {  	(tm) =	ssettm $0x7FFFFFFF  }
0xc9: {  	_ =	shalt  }
tec
execute0_lowered:
.L_overlay_start_1:
0x0: {  	(tag) =	ssettag $0x1  }
0x1: {  	s1 =	rddreg [dreg:$0x0]  }
0x2: {  	s2 =	rddreg [dreg:$0x1]  }
0x3: {  	s3 =	rddreg [dreg:$0x2]  }
0x4: {  	s4 =	rddreg [dreg:$0x3]  }
0x5: {  	s0 =	rddreg [dreg:$0x4];
	s5 =	srdreg.scid;
	s6 =	simm.s32 $0x0  }
0x6: {  	s7 =	stileid.u32;
	s20 =	simm.s32 $0x3;
	s29 =	simm.s32 $0x40  }
0x7: {  	s28 =	simm.s32 $0x19CE0;
	s30 =	simm.s32 $0x19D20;
	s18 =	simm.s32 $0x1  }
0x8: {  	s17 =	simm.s32 $0x1B540;
	s5 =	sand.u32 $0x1, s5;
	[smem:$0x7FF] =	sst s6  }
0x9: {  	s7 =	sshll.u32 s7, $0xA;
	s9 =	sadd.s32 $0x1400, s0;
	s10 =	sadd.s32 $0xF43800, s0  }
0xa: {  	s11 =	sadd.s32 $0x1600, s0;
	s8 =	sshll.u32 s5, $0x9;
	_ =	strace $0x80000047  }
0xb: {  	s5 =	ssub.s32 $0x2, s5;
	s12 =	sor.u32 s8, s7;
	s7 =	sadd.s32 $0x187E00, s0  }
0xc: {  	s8 =	sadd.s32 $0x1200, s0;
	s21 =	sshrl.u32 s5, $0x1;
	s13 =	smul.u32 $0x32, s12  }
0xd: {  	s0 =	ssub.s32 s5, s21;
	s23 =	sshrl.u32 s12, $0x3;
	s26 =	sshll.u32 s12, $0x4  }
0xe: {  	s31 =	sor.u32 $0x40, s12;
	s19 =	sor.u32 $0x20, s12;
	s21 =	simm.s32 $0x80  }
0xf: {  	s24 =	sadd.s32 s1, s23;
	s25 =	sadd.s32 s2, s23;
	[dreg:$0xa] =	wrdreg s31  }
0x10: {  	s5 =	sadd.s32 s3, s23;
	s16 =	sadd.s32 s11, s26;
	[dreg:$0x7] =	wrdreg s24  }
0x11: {  	s0 =	smax.u32 s0, $0x1;
	s26 =	simm.s32 $0x19CA0;
	[dreg:$0x8] =	wrdreg s25  }
0x12: {  	s23 =	simm.s32 $0x2;
	s13 =	sshrl.u32 s13, $0x3;
	[dreg:$0x9] =	wrdreg s5  }
0x13: {  	[dreg:$0xb] =	wrdreg s0;
	s5 =	simm.s32 $0x0;
	s22 =	sadd.s32 s4, s13  }
0x14: {  	s13 =	simm.s32 $0x20;
	[dreg:$0x6] =	wrdreg s22;
	s22 =	simm.s32 $0x640  }
.LBB2_1:
0x15: {  	[dreg:$0xc] =	wrdreg s5  }
0x16: {  	s0 =	rddreg [dreg:$0x6]  }
0x17: {  	[tilespmem:s6], [sflag:$0x3] =	stream.linear.gather [hbm4b:s0+s6], $0x640, $0x38;
	[tilespmem:$0x1C540] =	vst v63  }
0x18: {  	_ =	swait.ge [sflag:s20], $0x640  }
0x19: {  	[sflag:s20] =	ssyncset.done $0x0  }
0x1a: {  	s31 =	simm.s32 $0xC80;
	[sflag:s20] =	ssyncadd.s32 $0xFFFFF9C0  }
0x1b: {  	[tilespmem:s31], [sflag:$0x1] =	stream.indirect.gather [hbm4b:s10+s21], $0x20, s6, s21, $0xb8;
	[tilespmem:$0x1C540] =	vst v63  }
0x1c: {  	s5 =	simm.s32 $0x1C80  }
0x1d: {  	[tilespmem:s5], [sflag:$0x1] =	stream.indirect.gather [hbm4b:s10+s21], $0x20, s21, s21, $0xb8;
	[tilespmem:$0x1C540] =	vst v63  }
0x1e: {  	s12 =	simm.s32 $0x100;
	s14 =	simm.s32 $0x2C80  }
0x1f: {  	[tilespmem:s14], [sflag:$0x1] =	stream.indirect.gather [hbm4b:s10+s21], $0x20, s12, s21, $0xb8;
	[tilespmem:$0x1C540] =	vst v63  }
0x20: {  	s15 =	simm.s32 $0x180;
	s24 =	simm.s32 $0x3C80  }
0x21: {  	[tilespmem:s24], [sflag:$0x1] =	stream.indirect.gather [hbm4b:s10+s21], $0x20, s15, s21, $0xb8;
	[tilespmem:$0x1C540] =	vst v63  }
0x22: {  	s25 =	simm.s32 $0x200;
	s31 =	simm.s32 $0x4C80  }
0x23: {  	[tilespmem:s31], [sflag:$0x1] =	stream.indirect.gather [hbm4b:s10+s21], $0x20, s25, s21, $0xb8;
	[tilespmem:$0x1C540] =	vst v63  }
0x24: {  	s12 =	simm.s32 $0x280;
	s14 =	simm.s32 $0x5C80  }
0x25: {  	[tilespmem:s14], [sflag:$0x1] =	stream.indirect.gather [hbm4b:s10+s21], $0x20, s12, s21, $0xb8;
	[tilespmem:$0x1C540] =	vst v63  }
0x26: {  	s15 =	simm.s32 $0x300;
	s24 =	simm.s32 $0x6C80  }
0x27: {  	[tilespmem:s24], [sflag:$0x1] =	stream.indirect.gather [hbm4b:s10+s21], $0x20, s15, s21, $0xb8;
	[tilespmem:$0x1C540] =	vst v63  }
0x28: {  	s25 =	simm.s32 $0x380;
	s31 =	simm.s32 $0x7C80  }
0x29: {  	[tilespmem:s31], [sflag:$0x1] =	stream.indirect.gather [hbm4b:s10+s21], $0x20, s25, s21, $0xb8;
	[tilespmem:$0x1C540] =	vst v63  }
0x2a: {  	s12 =	simm.s32 $0x400;
	s14 =	simm.s32 $0x8C80  }
0x2b: {  	[tilespmem:s14], [sflag:$0x1] =	stream.indirect.gather [hbm4b:s10+s21], $0x20, s12, s21, $0xb8;
	[tilespmem:$0x1C540] =	vst v63  }
0x2c: {  	s15 =	simm.s32 $0x480;
	s24 =	simm.s32 $0x9C80  }
0x2d: {  	[tilespmem:s24], [sflag:$0x1] =	stream.indirect.gather [hbm4b:s10+s21], $0x20, s15, s21, $0xb8;
	[tilespmem:$0x1C540] =	vst v63  }
0x2e: {  	s25 =	simm.s32 $0x500;
	s31 =	simm.s32 $0xAC80  }
0x2f: {  	[tilespmem:s31], [sflag:$0x1] =	stream.indirect.gather [hbm4b:s10+s21], $0x20, s25, s21, $0xb8;
	[tilespmem:$0x1C540] =	vst v63  }
0x30: {  	s12 =	simm.s32 $0x580;
	s14 =	simm.s32 $0xBC80  }
0x31: {  	[tilespmem:s14], [sflag:$0x1] =	stream.indirect.gather [hbm4b:s10+s21], $0x20, s12, s21, $0xb8;
	[tilespmem:$0x1C540] =	vst v63  }
0x32: {  	s15 =	simm.s32 $0x600;
	s24 =	simm.s32 $0xCC80  }
0x33: {  	[tilespmem:s24], [sflag:$0x1] =	stream.indirect.gather [hbm4b:s10+s29], $0x20, s15, s29, $0xb8;
	[tilespmem:$0x1C540] =	vst v63  }
0x34: {  	s25 =	rddreg [dreg:$0x7];
	s31 =	simm.s32 $0x19C80  }
0x35: {  	[tilespmem:s31], [sflag:$0x3] =	stream.linear.gather [hbm4b:s25+s6], $0x20, $0x38;
	[tilespmem:$0x1C540] =	vst v63  }
0x36: {  	_ =	swait.ge [sflag:s20], $0x20  }
0x37: {  	[sflag:s20] =	ssyncset.done $0x0  }
0x38: {  	s12 =	simm.s32 $0x19CC0;
	s14 =	rddreg [dreg:$0x8];
	[sflag:s20] =	ssyncadd.s32 $0xFFFFFFE0  }
0x39: {  	[tilespmem:s12], [sflag:$0x3] =	stream.linear.gather [hbm4b:s14+s6], $0x20, $0x38;
	[tilespmem:$0x1C540] =	vst v63  }
0x3a: {  	_ =	swait.ge [sflag:s20], $0x20  }
0x3b: {  	[sflag:s20] =	ssyncset.done $0x0  }
0x3c: {  	s14 =	simm.s32 $0x19D00;
	s15 =	rddreg [dreg:$0x9];
	[sflag:s20] =	ssyncadd.s32 $0xFFFFFFE0  }
0x3d: {  	[tilespmem:s14], [sflag:$0x3] =	stream.linear.gather [hbm4b:s15+s6], $0x20, $0x38;
	[tilespmem:$0x1C540] =	vst v63  }
0x3e: {  	_ =	swait.ge [sflag:s20], $0x20  }
0x3f: {  	[sflag:s20] =	ssyncset.done $0x0  }
0x40: {  	s24 =	simm.s32 $0x19D40;
	[sflag:s20] =	ssyncadd.s32 $0xFFFFFFE0  }
0x41: {  	[tilespmem:s24], [sflag:$0x1] =	stream.indirect.gather [hbm4b:s7+s13], $0x20, s31, s13, $0xb8;
	[tilespmem:$0x1C540] =	vst v63  }
0x42: {  	s25 =	simm.s32 $0x1A540  }
0x43: {  	[tilespmem:s25], [sflag:$0x1] =	stream.indirect.gather [hbm4b:s8+s13], $0x20, s12, s13, $0xb8;
	[tilespmem:$0x1C540] =	vst v63  }
0x44: {  	s31 =	simm.s32 $0x1AD40;
	s24 =	simm.s32 $0x0  }
0x45: {  	[tilespmem:s31], [sflag:$0x1] =	stream.indirect.gather [hbm4b:s9+s13], $0x20, s14, s13, $0xb8;
	[tilespmem:$0x1C540] =	vst v63  }
.LBB2_2:
0x46: {  	s31 =	sshll.u32 s24, $0x6  }
0x47: {  	s25 =	sor.u32 s19, s31  }
0x48: {  	s0 =	smul.u32 $0x32, s25;
	_ =	sdelay $0x1  }
0x49: {  	s0 =	sshrl.u32 s0, $0x3  }
0x4a: {  	s14 =	simm.s32 $0x0;
	s0 =	sadd.s32 s4, s0  }
0x4b: {  	[tilespmem:s22], [sflag:$0x3] =	stream.linear.gather [hbm4b:s0+s14], $0x640, $0x38;
	[tilespmem:$0x1C540] =	vst v63  }
0x4c: {  	_ =	swait.ge [sflag:s20], $0x640  }
0x4d: {  	[sflag:s20] =	ssyncset.done $0x0  }
0x4e: {  	s12 =	simm.s32 $0xD480;
	[sflag:s20] =	ssyncadd.s32 $0xFFFFF9C0  }
0x4f: {  	[tilespmem:s12], [sflag:$0x2] =	stream.indirect.gather [hbm4b:s10+s21], $0x20, s22, s21, $0xb8;
	[tilespmem:$0x1C540] =	vst v63  }
0x50: {  	s15 =	simm.s32 $0x6C0;
	s5 =	simm.s32 $0xE480  }
0x51: {  	[tilespmem:s5], [sflag:$0x2] =	stream.indirect.gather [hbm4b:s10+s21], $0x20, s15, s21, $0xb8;
	[tilespmem:$0x1C540] =	vst v63  }
0x52: {  	s12 =	simm.s32 $0x740;
	s15 =	simm.s32 $0xF480  }
0x53: {  	[tilespmem:s15], [sflag:$0x2] =	stream.indirect.gather [hbm4b:s10+s21], $0x20, s12, s21, $0xb8;
	[tilespmem:$0x1C540] =	vst v63  }
0x54: {  	s12 =	simm.s32 $0x7C0;
	s15 =	simm.s32 $0x10480  }
0x55: {  	[tilespmem:s15], [sflag:$0x2] =	stream.indirect.gather [hbm4b:s10+s21], $0x20, s12, s21, $0xb8;
	[tilespmem:$0x1C540] =	vst v63  }
0x56: {  	s12 =	simm.s32 $0x840;
	s15 =	simm.s32 $0x11480  }
0x57: {  	[tilespmem:s15], [sflag:$0x2] =	stream.indirect.gather [hbm4b:s10+s21], $0x20, s12, s21, $0xb8;
	[tilespmem:$0x1C540] =	vst v63  }
0x58: {  	s12 =	simm.s32 $0x8C0;
	s15 =	simm.s32 $0x12480  }
0x59: {  	[tilespmem:s15], [sflag:$0x2] =	stream.indirect.gather [hbm4b:s10+s21], $0x20, s12, s21, $0xb8;
	[tilespmem:$0x1C540] =	vst v63  }
0x5a: {  	s12 =	simm.s32 $0x940;
	s15 =	simm.s32 $0x13480  }
0x5b: {  	[tilespmem:s15], [sflag:$0x2] =	stream.indirect.gather [hbm4b:s10+s21], $0x20, s12, s21, $0xb8;
	[tilespmem:$0x1C540] =	vst v63  }
0x5c: {  	s12 =	simm.s32 $0x9C0;
	s15 =	simm.s32 $0x14480  }
0x5d: {  	[tilespmem:s15], [sflag:$0x2] =	stream.indirect.gather [hbm4b:s10+s21], $0x20, s12, s21, $0xb8;
	[tilespmem:$0x1C540] =	vst v63  }
0x5e: {  	s12 =	simm.s32 $0xA40;
	s15 =	simm.s32 $0x15480  }
0x5f: {  	[tilespmem:s15], [sflag:$0x2] =	stream.indirect.gather [hbm4b:s10+s21], $0x20, s12, s21, $0xb8;
	[tilespmem:$0x1C540] =	vst v63  }
0x60: {  	s12 =	simm.s32 $0xAC0;
	s15 =	simm.s32 $0x16480  }
0x61: {  	[tilespmem:s15], [sflag:$0x2] =	stream.indirect.gather [hbm4b:s10+s21], $0x20, s12, s21, $0xb8;
	[tilespmem:$0x1C540] =	vst v63  }
0x62: {  	s12 =	simm.s32 $0xB40;
	s15 =	simm.s32 $0x17480  }
0x63: {  	[tilespmem:s15], [sflag:$0x2] =	stream.indirect.gather [hbm4b:s10+s21], $0x20, s12, s21, $0xb8;
	[tilespmem:$0x1C540] =	vst v63  }
0x64: {  	s12 =	simm.s32 $0xBC0;
	s15 =	simm.s32 $0x18480  }
0x65: {  	[tilespmem:s15], [sflag:$0x2] =	stream.indirect.gather [hbm4b:s10+s21], $0x20, s12, s21, $0xb8;
	[tilespmem:$0x1C540] =	vst v63  }
0x66: {  	s0 =	sshrl.u32 s25, $0x3;
	s12 =	simm.s32 $0xC40;
	s15 =	simm.s32 $0x19480  }
0x67: {  	[tilespmem:s15], [sflag:$0x2] =	stream.indirect.gather [hbm4b:s10+s29], $0x20, s12, s29, $0xb8;
	[tilespmem:$0x1C540] =	vst v63  }
0x68: {  	s12 =	sadd.s32 s1, s0  }
0x69: {  	[tilespmem:s26], [sflag:$0x3] =	stream.linear.gather [hbm4b:s12+s14], $0x20, $0x38;
	[tilespmem:$0x1C540] =	vst v63  }
0x6a: {  	_ =	swait.ge [sflag:s20], $0x20  }
0x6b: {  	[sflag:s20] =	ssyncset.done $0x0  }
0x6c: {  	s15 =	sadd.s32 s2, s0;
	[sflag:s20] =	ssyncadd.s32 $0xFFFFFFE0  }
0x6d: {  	[tilespmem:s28], [sflag:$0x3] =	stream.linear.gather [hbm4b:s15+s14], $0x20, $0x38;
	[tilespmem:$0x1C540] =	vst v63  }
0x6e: {  	_ =	swait.ge [sflag:s20], $0x20  }
0x6f: {  	[sflag:s20] =	ssyncset.done $0x0  }
0x70: {  	s0 =	sadd.s32 s3, s0;
	[sflag:s20] =	ssyncadd.s32 $0xFFFFFFE0  }
0x71: {  	[tilespmem:s30], [sflag:$0x3] =	stream.linear.gather [hbm4b:s0+s14], $0x20, $0x38;
	[tilespmem:$0x1C540] =	vst v63  }
0x72: {  	_ =	swait.ge [sflag:s20], $0x20  }
0x73: {  	[sflag:s20] =	ssyncset.done $0x0  }
0x74: {  	s5 =	simm.s32 $0x1A140;
	[sflag:s20] =	ssyncadd.s32 $0xFFFFFFE0  }
0x75: {  	[tilespmem:s5], [sflag:$0x2] =	stream.indirect.gather [hbm4b:s7+s13], $0x20, s26, s13, $0xb8;
	[tilespmem:$0x1C540] =	vst v63  }
0x76: {  	s12 =	simm.s32 $0x1A940  }
0x77: {  	[tilespmem:s12], [sflag:$0x2] =	stream.indirect.gather [hbm4b:s8+s13], $0x20, s28, s13, $0xb8;
	[tilespmem:$0x1C540] =	vst v63  }
0x78: {  	s15 =	simm.s32 $0x1B140  }
0x79: {  	[tilespmem:s15], [sflag:$0x2] =	stream.indirect.gather [hbm4b:s9+s13], $0x20, s30, s13, $0xb8;
	[tilespmem:$0x1C540] =	vst v63  }
0x7a: {  	_ =	swait.ge [sflag:s18], $0x1000  }
0x7b: {  	[sflag:s18] =	ssyncset.done $0x0  }
0x7c: {  	[sflag:s18] =	ssyncadd.s32 $0xFFFFF000  }
0x7d: {  	_ =	swait.ge [sflag:s18], $0x1000  }
0x7e: {  	[sflag:s18] =	ssyncset.done $0x0  }
0x7f: {  	[sflag:s18] =	ssyncadd.s32 $0xFFFFF000  }
0x80: {  	_ =	swait.ge [sflag:s18], $0x1000  }
0x81: {  	[sflag:s18] =	ssyncset.done $0x0  }
0x82: {  	[sflag:s18] =	ssyncadd.s32 $0xFFFFF000  }
0x83: {  	_ =	swait.ge [sflag:s18], $0x1000  }
0x84: {  	[sflag:s18] =	ssyncset.done $0x0  }
0x85: {  	[sflag:s18] =	ssyncadd.s32 $0xFFFFF000  }
0x86: {  	_ =	swait.ge [sflag:s18], $0x1000  }
0x87: {  	[sflag:s18] =	ssyncset.done $0x0  }
0x88: {  	[sflag:s18] =	ssyncadd.s32 $0xFFFFF000  }
0x89: {  	_ =	swait.ge [sflag:s18], $0x1000  }
0x8a: {  	[sflag:s18] =	ssyncset.done $0x0  }
0x8b: {  	[sflag:s18] =	ssyncadd.s32 $0xFFFFF000  }
0x8c: {  	_ =	swait.ge [sflag:s18], $0x1000  }
0x8d: {  	[sflag:s18] =	ssyncset.done $0x0  }
0x8e: {  	[sflag:s18] =	ssyncadd.s32 $0xFFFFF000  }
0x8f: {  	_ =	swait.ge [sflag:s18], $0x1000  }
0x90: {  	[sflag:s18] =	ssyncset.done $0x0  }
0x91: {  	[sflag:s18] =	ssyncadd.s32 $0xFFFFF000  }
0x92: {  	_ =	swait.ge [sflag:s18], $0x1000  }
0x93: {  	[sflag:s18] =	ssyncset.done $0x0  }
0x94: {  	[sflag:s18] =	ssyncadd.s32 $0xFFFFF000  }
0x95: {  	_ =	swait.ge [sflag:s18], $0x1000  }
0x96: {  	[sflag:s18] =	ssyncset.done $0x0  }
0x97: {  	[sflag:s18] =	ssyncadd.s32 $0xFFFFF000  }
0x98: {  	_ =	swait.ge [sflag:s18], $0x1000  }
0x99: {  	[sflag:s18] =	ssyncset.done $0x0  }
0x9a: {  	[sflag:s18] =	ssyncadd.s32 $0xFFFFF000  }
0x9b: {  	_ =	swait.ge [sflag:s18], $0x1000  }
0x9c: {  	[sflag:s18] =	ssyncset.done $0x0  }
0x9d: {  	[sflag:s18] =	ssyncadd.s32 $0xFFFFF000  }
0x9e: {  	_ =	swait.ge [sflag:s18], $0x800  }
0x9f: {  	[sflag:s18] =	ssyncset.done $0x0  }
0xa0: {  	[sflag:s18] =	ssyncadd.s32 $0xFFFFF800  }
0xa1: {  	_ =	swait.ge [sflag:s18], $0x400  }
0xa2: {  	[sflag:s18] =	ssyncset.done $0x0  }
0xa3: {  	[sflag:s18] =	ssyncadd.s32 $0xFFFFFC00  }
0xa4: {  	_ =	swait.ge [sflag:s18], $0x400  }
0xa5: {  	[sflag:s18] =	ssyncset.done $0x0  }
0xa6: {  	[sflag:s18] =	ssyncadd.s32 $0xFFFFFC00  }
0xa7: {  	_ =	swait.ge [sflag:s18], $0x400  }
0xa8: {  	[sflag:s18] =	ssyncset.done $0x0  }
0xa9: {  	s0 =	simm.s32 $0xFA0;
	s5 =	simm.s32 $0x1B580;
	[sflag:s18] =	ssyncadd.s32 $0xFFFFFC00  }
.LBB2_3:
0xaa: {  	v0 =	vld [tilespmem:s0+$0xFFFFFCE0]  }
0xab: {  	v1 =	vld [tilespmem:s0+$0xFFFFFCF0]  }
0xac: {  	v2 =	vld [tilespmem:s0+$0xFFFFFD00]  }
0xad: {  	v3 =	vld [tilespmem:s0+$0xFFFFFD10]  }
0xae: {  	v4 =	vld [tilespmem:s0+$0xFFFFFD20]  }
0xaf: {  	v5 =	vld [tilespmem:s0+$0xFFFFFD30]  }
0xb0: {  	v6 =	vld [tilespmem:s0+$0xFFFFFD40]  }
0xb1: {  	v7 =	vld [tilespmem:s0+$0xFFFFFD50]  }
0xb2: {  	v8 =	vld [tilespmem:s0+$0xFFFFFD60]  }
0xb3: {  	v9 =	vld [tilespmem:s0+$0xFFFFFD70]  }
0xb4: {  	v10 =	vld [tilespmem:s0+$0xFFFFFD80]  }
0xb5: {  	v11 =	vld [tilespmem:s0+$0xFFFFFD90]  }
0xb6: {  	v12 =	vld [tilespmem:s0+$0xFFFFFDA0]  }
0xb7: {  	v13 =	vld [tilespmem:s0+$0xFFFFFDB0]  }
0xb8: {  	v14 =	vld [tilespmem:s0+$0xFFFFFDC0]  }
0xb9: {  	v15 =	vld [tilespmem:s0+$0xFFFFFDD0]  }
0xba: {  	v16 =	vld [tilespmem:s0+$0xFFFFFDE0]  }
0xbb: {  	v17 =	vld [tilespmem:s0+$0xFFFFFDF0]  }
0xbc: {  	v18 =	vld [tilespmem:s0+$0xFFFFFE00]  }
0xbd: {  	v19 =	vld [tilespmem:s0+$0xFFFFFE10]  }
0xbe: {  	v20 =	vld [tilespmem:s0+$0xFFFFFE20]  }
0xbf: {  	v21 =	vld [tilespmem:s0+$0xFFFFFE30]  }
0xc0: {  	v22 =	vld [tilespmem:s0+$0xFFFFFE40]  }
0xc1: {  	v23 =	vld [tilespmem:s0+$0xFFFFFE50]  }
0xc2: {  	v24 =	vld [tilespmem:s0+$0xFFFFFE60]  }
0xc3: {  	v25 =	vld [tilespmem:s0+$0xFFFFFE70]  }
0xc4: {  	v26 =	vld [tilespmem:s0+$0xFFFFFE80]  }
0xc5: {  	v27 =	vld [tilespmem:s0+$0xFFFFFE90]  }
0xc6: {  	v28 =	vld [tilespmem:s0+$0xFFFFFEA0]  }
0xc7: {  	v29 =	vld [tilespmem:s0+$0xFFFFFEB0]  }
0xc8: {  	v30 =	vld [tilespmem:s0+$0xFFFFFEC0]  }
0xc9: {  	v31 =	vld [tilespmem:s0+$0xFFFFFED0]  }
0xca: {  	v32 =	vld [tilespmem:s0+$0xFFFFFEE0]  }
0xcb: {  	v33 =	vld [tilespmem:s0+$0xFFFFFEF0]  }
0xcc: {  	v34 =	vld [tilespmem:s0+$0xFFFFFF00]  }
0xcd: {  	v35 =	vld [tilespmem:s0+$0xFFFFFF10]  }
0xce: {  	v36 =	vld [tilespmem:s0+$0xFFFFFF20]  }
0xcf: {  	v37 =	vld [tilespmem:s0+$0xFFFFFF30]  }
0xd0: {  	v38 =	vld [tilespmem:s0+$0xFFFFFF40]  }
0xd1: {  	v39 =	vld [tilespmem:s0+$0xFFFFFF50]  }
0xd2: {  	v40 =	vld [tilespmem:s0+$0xFFFFFF60]  }
0xd3: {  	v41 =	vld [tilespmem:s0+$0xFFFFFF70]  }
0xd4: {  	v42 =	vld [tilespmem:s0+$0xFFFFFF80]  }
0xd5: {  	v43 =	vld [tilespmem:s0+$0xFFFFFF90]  }
0xd6: {  	v44 =	vld [tilespmem:s0+$0xFFFFFFA0]  }
0xd7: {  	v45 =	vld [tilespmem:s0+$0xFFFFFFB0]  }
0xd8: {  	v46 =	vld [tilespmem:s0+$0xFFFFFFC0]  }
0xd9: {  	v47 =	vld [tilespmem:s0+$0xFFFFFFD0]  }
0xda: {  	v48 =	vld [tilespmem:s0+$0xFFFFFFE0]  }
0xdb: {  	v49 =	vld [tilespmem:s0+$0xFFFFFFF0]  }
0xdc: {  	v50 =	vld [tilespmem:s0+$0x0]  }
0xdd: {  	v51 =	vld [tilespmem:s0+$0x10]  }
0xde: {  	v52 =	vld [tilespmem:s0+$0x20]  }
0xdf: {  	v53 =	vld [tilespmem:s0+$0x30]  }
0xe0: {  	v54 =	vld [tilespmem:s0+$0x40]  }
0xe1: {  	v55 =	vld [tilespmem:s0+$0x50]  }
0xe2: {  	v56 =	vld [tilespmem:s0+$0x60]  }
0xe3: {  	v57 =	vld [tilespmem:s0+$0x70]  }
0xe4: {  	v58 =	vld [tilespmem:s0+$0x80]  }
0xe5: {  	v63 =	vld [tilespmem:s0+$0xB0]  }
0xe6: {  	v61 =	vld [tilespmem:s0+$0xD0]  }
0xe7: {  	v59 =	vld [tilespmem:s0+$0x90]  }
0xe8: {  	v60 =	vld [tilespmem:s0+$0xA0]  }
0xe9: {  	v62 =	vld [tilespmem:s0+$0xC0]  }
0xea: {  	[tilespmem:$0x1FF10] =	vst v63;
	v63 =	vld [tilespmem:s0+$0xE0]  }
0xeb: {  	[tilespmem:$0x1FF20] =	vst v61;
	v61 =	vld [tilespmem:s0+$0xF0];
	v0 =	vadd.f32 $0.0e+00, v0  }
0xec: {  	[tilespmem:$0x1FF00] =	vst v49;
	v49 =	vld [tilespmem:s0+$0x150];
	v1 =	vadd.f32 $0.0e+00, v1  }
0xed: {  	v2 =	vadd.f32 $0.0e+00, v2;
	v0 =	vadd.f32 v4, v0;
	v4 =	vld [tilespmem:s0+$0x1E0]  }
0xee: {  	v3 =	vadd.f32 $0.0e+00, v3;
	v1 =	vadd.f32 v5, v1;
	v5 =	vld [tilespmem:s0+$0x1F0]  }
0xef: {  	v2 =	vadd.f32 v6, v2;
	v6 =	vld [tilespmem:s0+$0x200]  }
0xf0: {  	v3 =	vadd.f32 v7, v3;
	v7 =	vld [tilespmem:s0+$0x210]  }
0xf1: {  	v0 =	vadd.f32 v8, v0;
	v8 =	vld [tilespmem:s0+$0x220]  }
0xf2: {  	v1 =	vadd.f32 v9, v1;
	v9 =	vld [tilespmem:s0+$0x230]  }
0xf3: {  	v2 =	vadd.f32 v10, v2;
	v10 =	vld [tilespmem:s0+$0x240]  }
0xf4: {  	[tilespmem:$0x1FF80] =	vst v49;
	v49 =	vld [tilespmem:s0+$0x160]  }
0xf5: {  	v3 =	vadd.f32 v11, v3;
	v11 =	vld [tilespmem:s0+$0x250]  }
0xf6: {  	[tilespmem:$0x1FF40] =	vst v61;
	v61 =	vld [tilespmem:s0+$0x100]  }
0xf7: {  	[tilespmem:$0x1FF30] =	vst v63;
	v63 =	vld [tilespmem:s0+$0x110];
	v2 =	vadd.f32 v14, v2  }
0xf8: {  	v0 =	vadd.f32 v12, v0;
	v3 =	vadd.f32 v15, v3;
	v12 =	vld [tilespmem:s0+$0x260]  }
0xf9: {  	v2 =	vadd.f32 v18, v2;
	[tilespmem:$0x1FF90] =	vst v49;
	v49 =	vld [tilespmem:s0+$0x170]  }
0xfa: {  	v1 =	vadd.f32 v13, v1;
	v13 =	vld [tilespmem:s0+$0x270];
	v3 =	vadd.f32 v19, v3  }
0xfb: {  	v14 =	vld [tilespmem:s0+$0x280];
	v2 =	vadd.f32 v22, v2  }
0xfc: {  	[tilespmem:$0x1FF50] =	vst v63;
	v63 =	vld [tilespmem:s0+$0x120];
	v3 =	vadd.f32 v23, v3  }
0xfd: {  	v15 =	vld [tilespmem:s0+$0x290];
	v0 =	vadd.f32 v16, v0;
	v2 =	vadd.f32 v26, v2  }
0xfe: {  	v1 =	vadd.f32 v17, v1;
	v3 =	vadd.f32 v27, v3;
	[tilespmem:$0x1FFB0] =	vst v49;
	v49 =	vld [tilespmem:s0+$0x180]  }
0xff: {  	v0 =	vadd.f32 v20, v0;
	v2 =	vadd.f32 v30, v2;
	v30 =	vld [tilespmem:s0+$0x2A0]  }
0x100: {  	v1 =	vadd.f32 v21, v1;
	v3 =	vadd.f32 v31, v3;
	v31 =	vld [tilespmem:s0+$0x2B0]  }
0x101: {  	v0 =	vadd.f32 v24, v0;
	[tilespmem:$0x1FF60] =	vst v63;
	v63 =	vld [tilespmem:s0+$0x130]  }
0x102: {  	v1 =	vadd.f32 v25, v1;
	v2 =	vadd.f32 v34, v2;
	v34 =	vld [tilespmem:s0+$0x2C0]  }
0x103: {  	v0 =	vadd.f32 v28, v0;
	[tilespmem:$0x1FFA0] =	vst v49;
	v49 =	vld [tilespmem:s0+$0x190]  }
0x104: {  	s12 =	sshra.s32 s14, $0x2;
	v1 =	vadd.f32 v29, v1;
	v3 =	vadd.f32 v35, v3;
	v35 =	vld [tilespmem:s0+$0x2D0]  }
0x105: {  	v0 =	vadd.f32 v32, v0;
	v2 =	vadd.f32 v38, v2;
	v38 =	vld [tilespmem:s12+$0x19D40]  }
0x106: {  	v1 =	vadd.f32 v33, v1;
	v3 =	vadd.f32 v39, v3;
	v39 =	vld [tilespmem:s0+$0x2E0]  }
0x107: {  	v0 =	vadd.f32 v36, v0;
	[tilespmem:$0x1FF70] =	vst v63;
	v63 =	vld [tilespmem:s0+$0x140]  }
0x108: {  	v1 =	vadd.f32 v37, v1;
	[tilespmem:$0x1FFC0] =	vst v49;
	v49 =	vld [tilespmem:s0+$0x1A0]  }
0x109: {  	v0 =	vadd.f32 v40, v0;
	v2 =	vadd.f32 v42, v2;
	v42 =	vld [tilespmem:s0+$0x2F0]  }
0x10a: {  	v1 =	vadd.f32 v41, v1;
	v3 =	vadd.f32 v43, v3;
	v43 =	vld [tilespmem:s0+$0x300]  }
0x10b: {  	v0 =	vadd.f32 v44, v0;
	v44 =	vld [tilespmem:s0+$0x310]  }
0x10c: {  	v1 =	vadd.f32 v45, v1;
	v45 =	vld [tilespmem:$0x1FF00]  }
0x10d: {  	[tilespmem:$0x1FFD0] =	vst v49;
	v49 =	vld [tilespmem:s0+$0x1B0]  }
0x10e: {  	v2 =	vadd.f32 v46, v2;
	v46 =	vld [tilespmem:$0x1FF10]  }
0x10f: {  	v3 =	vadd.f32 v47, v3;
	v47 =	vld [tilespmem:$0x1FF20]  }
0x110: {  	v0 =	vadd.f32 v48, v0;
	v48 =	vld [tilespmem:$0x1FF30]  }
0x111: {  	v2 =	vadd.f32 v50, v2;
	v50 =	vld [tilespmem:$0x1FF40]  }
0x112: {  	[tilespmem:$0x1FFF0] =	vst v49;
	v49 =	vld [tilespmem:s0+$0x1C0]  }
0x113: {  	v3 =	vadd.f32 v51, v3;
	v51 =	vld [tilespmem:$0x1FF50]  }
0x114: {  	v0 =	vadd.f32 v52, v0;
	v52 =	vld [tilespmem:$0x1FF60]  }
0x115: {  	v2 =	vadd.f32 v54, v2;
	v54 =	vld [tilespmem:$0x1FF80]  }
0x116: {  	v3 =	vadd.f32 v55, v3;
	v55 =	vld [tilespmem:$0x1FF90]  }
0x117: {  	v1 =	vadd.f32 v45, v1;
	v0 =	vadd.f32 v56, v0;
	v56 =	vld [tilespmem:$0x1FFA0];
	[tilespmem:$0x1FFE0] =	vst v49  }
0x118: {  	v49 =	vld [tilespmem:s0+$0x1D0];
	[tilespmem:s5+$0xFFFFFFC0] =	vst v38  }
0x119: {  	v1 =	vadd.f32 v53, v1;
	v20 =	vld [tilespmem:s12+$0x19D50]  }
0x11a: {  	v2 =	vadd.f32 v58, v2;
	v58 =	vld [tilespmem:$0x1FFB0]  }
0x11b: {  	v3 =	vadd.f32 v59, v3;
	v59 =	vld [tilespmem:$0x1FFC0];
	v1 =	vadd.f32 v57, v1  }
0x11c: {  	v53 =	vld [tilespmem:$0x1FF70];
	v0 =	vadd.f32 v60, v0;
	v2 =	vadd.f32 v62, v2  }
0x11d: {  	v3 =	vadd.f32 v47, v3;
	v60 =	vld [tilespmem:$0x1FFD0];
	v1 =	vadd.f32 v46, v1  }
0x11e: {  	v0 =	vadd.f32 v48, v0;
	v2 =	vadd.f32 v61, v2;
	v61 =	vld [tilespmem:$0x1FFE0];
	[tilespmem:s5+$0xFFFFFFD0] =	vst v20  }
0x11f: {  	v3 =	vadd.f32 v51, v3;
	v1 =	vadd.f32 v50, v1;
	v20 =	vld [tilespmem:s12+$0x1A540]  }
0x120: {  	v0 =	vadd.f32 v52, v0;
	v2 =	vadd.f32 v63, v2;
	v62 =	vld [tilespmem:$0x1FFF0]  }
0x121: {  	v3 =	vadd.f32 v54, v3;
	v1 =	vadd.f32 v53, v1  }
0x122: {  	v0 =	vadd.f32 v55, v0;
	v2 =	vadd.f32 v56, v2  }
0x123: {  	v3 =	vadd.f32 v59, v3;
	v1 =	vadd.f32 v58, v1  }
0x124: {  	v0 =	vadd.f32 v60, v0;
	v2 =	vadd.f32 v61, v2;
	[tilespmem:s5+$0xFFFFFFE0] =	vst v20  }
0x125: {  	v1 =	vadd.f32 v62, v1;
	v3 =	vadd.f32 v49, v3;
	v57 =	vld [tilespmem:s12+$0x1A550]  }
0x126: {  	v0 =	vadd.f32 v4, v0;
	v2 =	vadd.f32 v6, v2  }
0x127: {  	v1 =	vadd.f32 v5, v1;
	v3 =	vadd.f32 v7, v3  }
0x128: {  	v0 =	vadd.f32 v8, v0;
	v2 =	vadd.f32 v10, v2  }
0x129: {  	v1 =	vadd.f32 v9, v1;
	v3 =	vadd.f32 v11, v3  }
0x12a: {  	v0 =	vadd.f32 v12, v0;
	v2 =	vadd.f32 v14, v2;
	[tilespmem:s5+$0xFFFFFFF0] =	vst v57  }
0x12b: {  	v1 =	vadd.f32 v13, v1;
	v3 =	vadd.f32 v15, v3;
	v63 =	vld [tilespmem:s12+$0x1AD40]  }
0x12c: {  	v0 =	vadd.f32 v30, v0;
	v2 =	vadd.f32 v34, v2  }
0x12d: {  	v1 =	vadd.f32 v31, v1;
	v3 =	vadd.f32 v35, v3  }
0x12e: {  	v0 =	vadd.f32 v39, v0;
	v2 =	vadd.f32 v43, v2  }
0x12f: {  	v1 =	vadd.f32 v42, v1;
	v3 =	vadd.f32 v44, v3  }
0x130: {  	v0 =	vadd.f32 v2, v0;
	[tilespmem:s5+$0x0] =	vst v63  }
0x131: {  	p0 =	sne.s32 s14, $0xF80;
	v1 =	vadd.f32 v3, v1;
	v4 =	vld [tilespmem:s12+$0x1AD50]  }
.Ltmp0:
0x132: {  	v0 =	vmul.f32 $1.999999960e-02, v0;
	(pc) =	sbr.rel @p0 .LBB2_3-.Ltmp0, $4  }
0x133: {  	v1 =	vmul.f32 $1.999999960e-02, v1  }
0x134: {  	[tilespmem:s5+$0x20] =	vst v0  }
0x135: {  	[tilespmem:s5+$0x30] =	vst v1  }
0x136: {  	s14 =	sadd.s32 $0x80, s14;
	s0 =	sadd.s32 $0x640, s0;
	[tilespmem:s5+$0x10] =	vst v4;
	s5 =	sadd.s32 $0x80, s5  }
0x137: {  	s0 =	sshll.u32 s24, $0xA;
	p0 =	seq.s32 s24, $0x7  }
.Ltmp1:
0x138: {  	s0 =	sadd.s32 s0, s16;
	(pc) =	sbr.rel @p0 .LBB2_6-.Ltmp1, $4  }
0x139: {  	[hbm4b:s0+s6] =	stream.linear.scatter [tilespmem:s17], [sflag:$0x3], $0x1000, $0x38;
	[tilespmem:$0x1C540] =	vst v63  }
0x13a: {  	_ =	swait.ge [sflag:s20], $0x1000  }
0x13b: {  	[sflag:s20] =	ssyncset.done $0x0  }
0x13c: {  	[sflag:s20] =	ssyncadd.s32 $0xFFFFF000  }
0x13d: {  	s0 =	rddreg [dreg:$0xa]  }
0x13e: {  	s0 =	sadd.s32 s31, s0  }
0x13f: {  	s5 =	smul.u32 $0x32, s0;
	_ =	sdelay $0x1  }
0x140: {  	s5 =	sshrl.u32 s5, $0x3  }
0x141: {  	s5 =	sadd.s32 s4, s5  }
0x142: {  	[tilespmem:s6], [sflag:$0x3] =	stream.linear.gather [hbm4b:s5+s6], $0x640, $0x38;
	[tilespmem:$0x1C540] =	vst v63  }
0x143: {  	_ =	swait.ge [sflag:s20], $0x640  }
0x144: {  	[sflag:s20] =	ssyncset.done $0x0  }
0x145: {  	s14 =	simm.s32 $0xC80;
	[sflag:s20] =	ssyncadd.s32 $0xFFFFF9C0  }
0x146: {  	[tilespmem:s14], [sflag:$0x1] =	stream.indirect.gather [hbm4b:s10+s21], $0x20, s6, s21, $0xb8;
	[tilespmem:$0x1C540] =	vst v63  }
0x147: {  	s15 =	simm.s32 $0x1C80  }
0x148: {  	[tilespmem:s15], [sflag:$0x1] =	stream.indirect.gather [hbm4b:s10+s21], $0x20, s21, s21, $0xb8;
	[tilespmem:$0x1C540] =	vst v63  }
0x149: {  	s12 =	simm.s32 $0x2C80;
	s31 =	simm.s32 $0x100  }
0x14a: {  	[tilespmem:s12], [sflag:$0x1] =	stream.indirect.gather [hbm4b:s10+s21], $0x20, s31, s21, $0xb8;
	[tilespmem:$0x1C540] =	vst v63  }
0x14b: {  	s14 =	simm.s32 $0x3C80;
	s12 =	simm.s32 $0x180  }
0x14c: {  	[tilespmem:s14], [sflag:$0x1] =	stream.indirect.gather [hbm4b:s10+s21], $0x20, s12, s21, $0xb8;
	[tilespmem:$0x1C540] =	vst v63  }
0x14d: {  	s15 =	simm.s32 $0x200;
	s31 =	simm.s32 $0x4C80  }
0x14e: {  	[tilespmem:s31], [sflag:$0x1] =	stream.indirect.gather [hbm4b:s10+s21], $0x20, s15, s21, $0xb8;
	[tilespmem:$0x1C540] =	vst v63  }
0x14f: {  	s12 =	simm.s32 $0x280;
	s14 =	simm.s32 $0x5C80  }
0x150: {  	[tilespmem:s14], [sflag:$0x1] =	stream.indirect.gather [hbm4b:s10+s21], $0x20, s12, s21, $0xb8;
	[tilespmem:$0x1C540] =	vst v63  }
0x151: {  	s15 =	simm.s32 $0x300;
	s31 =	simm.s32 $0x6C80  }
0x152: {  	[tilespmem:s31], [sflag:$0x1] =	stream.indirect.gather [hbm4b:s10+s21], $0x20, s15, s21, $0xb8;
	[tilespmem:$0x1C540] =	vst v63  }
0x153: {  	s12 =	simm.s32 $0x380;
	s14 =	simm.s32 $0x7C80  }
0x154: {  	[tilespmem:s14], [sflag:$0x1] =	stream.indirect.gather [hbm4b:s10+s21], $0x20, s12, s21, $0xb8;
	[tilespmem:$0x1C540] =	vst v63  }
0x155: {  	s15 =	simm.s32 $0x400;
	s31 =	simm.s32 $0x8C80  }
0x156: {  	[tilespmem:s31], [sflag:$0x1] =	stream.indirect.gather [hbm4b:s10+s21], $0x20, s15, s21, $0xb8;
	[tilespmem:$0x1C540] =	vst v63  }
0x157: {  	s12 =	simm.s32 $0x480;
	s14 =	simm.s32 $0x9C80  }
0x158: {  	[tilespmem:s14], [sflag:$0x1] =	stream.indirect.gather [hbm4b:s10+s21], $0x20, s12, s21, $0xb8;
	[tilespmem:$0x1C540] =	vst v63  }
0x159: {  	s15 =	simm.s32 $0x500;
	s31 =	simm.s32 $0xAC80  }
0x15a: {  	[tilespmem:s31], [sflag:$0x1] =	stream.indirect.gather [hbm4b:s10+s21], $0x20, s15, s21, $0xb8;
	[tilespmem:$0x1C540] =	vst v63  }
0x15b: {  	s12 =	simm.s32 $0x580;
	s14 =	simm.s32 $0xBC80  }
0x15c: {  	[tilespmem:s14], [sflag:$0x1] =	stream.indirect.gather [hbm4b:s10+s21], $0x20, s12, s21, $0xb8;
	[tilespmem:$0x1C540] =	vst v63  }
0x15d: {  	s0 =	sshrl.u32 s0, $0x3;
	s15 =	simm.s32 $0x600;
	s31 =	simm.s32 $0xCC80  }
0x15e: {  	[tilespmem:s31], [sflag:$0x1] =	stream.indirect.gather [hbm4b:s10+s29], $0x20, s15, s29, $0xb8;
	[tilespmem:$0x1C540] =	vst v63  }
0x15f: {  	s14 =	sadd.s32 s1, s0;
	s12 =	simm.s32 $0x19C80  }
0x160: {  	[tilespmem:s12], [sflag:$0x3] =	stream.linear.gather [hbm4b:s14+s6], $0x20, $0x38;
	[tilespmem:$0x1C540] =	vst v63  }
0x161: {  	_ =	swait.ge [sflag:s20], $0x20  }
0x162: {  	[sflag:s20] =	ssyncset.done $0x0  }
0x163: {  	s15 =	sadd.s32 s2, s0;
	s14 =	simm.s32 $0x19CC0;
	[sflag:s20] =	ssyncadd.s32 $0xFFFFFFE0  }
0x164: {  	[tilespmem:s14], [sflag:$0x3] =	stream.linear.gather [hbm4b:s15+s6], $0x20, $0x38;
	[tilespmem:$0x1C540] =	vst v63  }
0x165: {  	_ =	swait.ge [sflag:s20], $0x20  }
0x166: {  	[sflag:s20] =	ssyncset.done $0x0  }
0x167: {  	s5 =	simm.s32 $0x19D00;
	s0 =	sadd.s32 s3, s0;
	[sflag:s20] =	ssyncadd.s32 $0xFFFFFFE0  }
0x168: {  	[tilespmem:s5], [sflag:$0x3] =	stream.linear.gather [hbm4b:s0+s6], $0x20, $0x38;
	[tilespmem:$0x1C540] =	vst v63  }
0x169: {  	_ =	swait.ge [sflag:s20], $0x20  }
0x16a: {  	[sflag:s20] =	ssyncset.done $0x0  }
0x16b: {  	s31 =	simm.s32 $0x19D40;
	[sflag:s20] =	ssyncadd.s32 $0xFFFFFFE0  }
0x16c: {  	[tilespmem:s31], [sflag:$0x1] =	stream.indirect.gather [hbm4b:s7+s13], $0x20, s12, s13, $0xb8;
	[tilespmem:$0x1C540] =	vst v63  }
0x16d: {  	s15 =	simm.s32 $0x1A540  }
0x16e: {  	[tilespmem:s15], [sflag:$0x1] =	stream.indirect.gather [hbm4b:s8+s13], $0x20, s14, s13, $0xb8;
	[tilespmem:$0x1C540] =	vst v63  }
0x16f: {  	s31 =	simm.s32 $0x1AD40  }
0x170: {  	[tilespmem:s31], [sflag:$0x1] =	stream.indirect.gather [hbm4b:s9+s13], $0x20, s5, s13, $0xb8;
	[tilespmem:$0x1C540] =	vst v63  }
.LBB2_6:
0x171: {  	_ =	swait.ge [sflag:s23], $0x1000  }
0x172: {  	[sflag:s23] =	ssyncset.done $0x0  }
0x173: {  	[sflag:s23] =	ssyncadd.s32 $0xFFFFF000  }
0x174: {  	_ =	swait.ge [sflag:s23], $0x1000  }
0x175: {  	[sflag:s23] =	ssyncset.done $0x0  }
0x176: {  	[sflag:s23] =	ssyncadd.s32 $0xFFFFF000  }
0x177: {  	_ =	swait.ge [sflag:s23], $0x1000  }
0x178: {  	[sflag:s23] =	ssyncset.done $0x0  }
0x179: {  	[sflag:s23] =	ssyncadd.s32 $0xFFFFF000  }
0x17a: {  	_ =	swait.ge [sflag:s23], $0x1000  }
0x17b: {  	[sflag:s23] =	ssyncset.done $0x0  }
0x17c: {  	[sflag:s23] =	ssyncadd.s32 $0xFFFFF000  }
0x17d: {  	_ =	swait.ge [sflag:s23], $0x1000  }
0x17e: {  	[sflag:s23] =	ssyncset.done $0x0  }
0x17f: {  	[sflag:s23] =	ssyncadd.s32 $0xFFFFF000  }
0x180: {  	_ =	swait.ge [sflag:s23], $0x1000  }
0x181: {  	[sflag:s23] =	ssyncset.done $0x0  }
0x182: {  	[sflag:s23] =	ssyncadd.s32 $0xFFFFF000  }
0x183: {  	_ =	swait.ge [sflag:s23], $0x1000  }
0x184: {  	[sflag:s23] =	ssyncset.done $0x0  }
0x185: {  	[sflag:s23] =	ssyncadd.s32 $0xFFFFF000  }
0x186: {  	_ =	swait.ge [sflag:s23], $0x1000  }
0x187: {  	[sflag:s23] =	ssyncset.done $0x0  }
0x188: {  	[sflag:s23] =	ssyncadd.s32 $0xFFFFF000  }
0x189: {  	_ =	swait.ge [sflag:s23], $0x1000  }
0x18a: {  	[sflag:s23] =	ssyncset.done $0x0  }
0x18b: {  	[sflag:s23] =	ssyncadd.s32 $0xFFFFF000  }
0x18c: {  	_ =	swait.ge [sflag:s23], $0x1000  }
0x18d: {  	[sflag:s23] =	ssyncset.done $0x0  }
0x18e: {  	[sflag:s23] =	ssyncadd.s32 $0xFFFFF000  }
0x18f: {  	_ =	swait.ge [sflag:s23], $0x1000  }
0x190: {  	[sflag:s23] =	ssyncset.done $0x0  }
0x191: {  	[sflag:s23] =	ssyncadd.s32 $0xFFFFF000  }
0x192: {  	_ =	swait.ge [sflag:s23], $0x1000  }
0x193: {  	[sflag:s23] =	ssyncset.done $0x0  }
0x194: {  	[sflag:s23] =	ssyncadd.s32 $0xFFFFF000  }
0x195: {  	_ =	swait.ge [sflag:s23], $0x800  }
0x196: {  	[sflag:s23] =	ssyncset.done $0x0  }
0x197: {  	[sflag:s23] =	ssyncadd.s32 $0xFFFFF800  }
0x198: {  	_ =	swait.ge [sflag:s23], $0x400  }
0x199: {  	[sflag:s23] =	ssyncset.done $0x0  }
0x19a: {  	[sflag:s23] =	ssyncadd.s32 $0xFFFFFC00  }
0x19b: {  	_ =	swait.ge [sflag:s23], $0x400  }
0x19c: {  	[sflag:s23] =	ssyncset.done $0x0  }
0x19d: {  	[sflag:s23] =	ssyncadd.s32 $0xFFFFFC00  }
0x19e: {  	s14 =	simm.s32 $0x0;
	_ =	swait.ge [sflag:s23], $0x400  }
0x19f: {  	s31 =	simm.s32 $0x1B580;
	s15 =	simm.s32 $0x1A150;
	[sflag:s23] =	ssyncset.done $0x0  }
0x1a0: {  	s0 =	simm.s32 $0x1A950;
	s5 =	simm.s32 $0x1B150;
	[sflag:s23] =	ssyncadd.s32 $0xFFFFFC00  }
.LBB2_7:
0x1a1: {  	s12 =	sshra.s32 s14, $0x2  }
0x1a2: {  	v0 =	vld [tilespmem:s12+$0xD480]  }
0x1a3: {  	v1 =	vld [tilespmem:s12+$0xD490]  }
0x1a4: {  	v2 =	vld [tilespmem:s12+$0xD4A0]  }
0x1a5: {  	v3 =	vld [tilespmem:s12+$0xD4B0]  }
0x1a6: {  	v4 =	vld [tilespmem:s12+$0xD4C0]  }
0x1a7: {  	v5 =	vld [tilespmem:s12+$0xD4D0]  }
0x1a8: {  	v6 =	vld [tilespmem:s12+$0xD4E0]  }
0x1a9: {  	v7 =	vld [tilespmem:s12+$0xD4F0]  }
0x1aa: {  	v8 =	vld [tilespmem:s12+$0xD500]  }
0x1ab: {  	v9 =	vld [tilespmem:s12+$0xD510]  }
0x1ac: {  	v10 =	vld [tilespmem:s12+$0xD520]  }
0x1ad: {  	v11 =	vld [tilespmem:s12+$0xD530]  }
0x1ae: {  	v12 =	vld [tilespmem:s12+$0xD540]  }
0x1af: {  	v13 =	vld [tilespmem:s12+$0xD550]  }
0x1b0: {  	v14 =	vld [tilespmem:s12+$0xD560]  }
0x1b1: {  	v15 =	vld [tilespmem:s12+$0xD570]  }
0x1b2: {  	v16 =	vld [tilespmem:s12+$0xD580]  }
0x1b3: {  	v17 =	vld [tilespmem:s12+$0xD590]  }
0x1b4: {  	v18 =	vld [tilespmem:s12+$0xD5A0]  }
0x1b5: {  	v19 =	vld [tilespmem:s12+$0xD5B0]  }
0x1b6: {  	v20 =	vld [tilespmem:s12+$0xD5C0]  }
0x1b7: {  	v21 =	vld [tilespmem:s12+$0xD5D0]  }
0x1b8: {  	v22 =	vld [tilespmem:s12+$0xD5E0]  }
0x1b9: {  	v23 =	vld [tilespmem:s12+$0xD5F0]  }
0x1ba: {  	v24 =	vld [tilespmem:s12+$0xD600]  }
0x1bb: {  	v25 =	vld [tilespmem:s12+$0xD610]  }
0x1bc: {  	v26 =	vld [tilespmem:s12+$0xD620]  }
0x1bd: {  	v27 =	vld [tilespmem:s12+$0xD630]  }
0x1be: {  	v28 =	vld [tilespmem:s12+$0xD640]  }
0x1bf: {  	v29 =	vld [tilespmem:s12+$0xD650]  }
0x1c0: {  	v30 =	vld [tilespmem:s12+$0xD660]  }
0x1c1: {  	v31 =	vld [tilespmem:s12+$0xD670]  }
0x1c2: {  	v32 =	vld [tilespmem:s12+$0xD680]  }
0x1c3: {  	v33 =	vld [tilespmem:s12+$0xD690]  }
0x1c4: {  	v34 =	vld [tilespmem:s12+$0xD6A0]  }
0x1c5: {  	v35 =	vld [tilespmem:s12+$0xD6B0]  }
0x1c6: {  	v36 =	vld [tilespmem:s12+$0xD6C0]  }
0x1c7: {  	v37 =	vld [tilespmem:s12+$0xD6D0]  }
0x1c8: {  	v38 =	vld [tilespmem:s12+$0xD6E0]  }
0x1c9: {  	v39 =	vld [tilespmem:s12+$0xD6F0]  }
0x1ca: {  	v40 =	vld [tilespmem:s12+$0xD700]  }
0x1cb: {  	v41 =	vld [tilespmem:s12+$0xD710]  }
0x1cc: {  	v42 =	vld [tilespmem:s12+$0xD720]  }
0x1cd: {  	v43 =	vld [tilespmem:s12+$0xD730]  }
0x1ce: {  	v44 =	vld [tilespmem:s12+$0xD740]  }
0x1cf: {  	v45 =	vld [tilespmem:s12+$0xD750]  }
0x1d0: {  	v46 =	vld [tilespmem:s12+$0xD760]  }
0x1d1: {  	v47 =	vld [tilespmem:s12+$0xD770]  }
0x1d2: {  	v48 =	vld [tilespmem:s12+$0xD780]  }
0x1d3: {  	v49 =	vld [tilespmem:s12+$0xD790]  }
0x1d4: {  	v50 =	vld [tilespmem:s12+$0xD7A0]  }
0x1d5: {  	v51 =	vld [tilespmem:s12+$0xD7B0]  }
0x1d6: {  	v52 =	vld [tilespmem:s12+$0xD7C0]  }
0x1d7: {  	v53 =	vld [tilespmem:s12+$0xD7D0]  }
0x1d8: {  	v54 =	vld [tilespmem:s12+$0xD7E0]  }
0x1d9: {  	v55 =	vld [tilespmem:s12+$0xD7F0]  }
0x1da: {  	v56 =	vld [tilespmem:s12+$0xD800]  }
0x1db: {  	v57 =	vld [tilespmem:s12+$0xD810]  }
0x1dc: {  	v58 =	vld [tilespmem:s12+$0xD820]  }
0x1dd: {  	v63 =	vld [tilespmem:s12+$0xD850]  }
0x1de: {  	v61 =	vld [tilespmem:s12+$0xD870]  }
0x1df: {  	v59 =	vld [tilespmem:s12+$0xD830]  }
0x1e0: {  	v60 =	vld [tilespmem:s12+$0xD840]  }
0x1e1: {  	v62 =	vld [tilespmem:s12+$0xD860]  }
0x1e2: {  	[tilespmem:$0x1FE10] =	vst v63;
	v63 =	vld [tilespmem:s12+$0xD880]  }
0x1e3: {  	[tilespmem:$0x1FE20] =	vst v61;
	v61 =	vld [tilespmem:s12+$0xD890];
	v0 =	vadd.f32 $0.0e+00, v0  }
0x1e4: {  	[tilespmem:$0x1FE00] =	vst v49;
	v49 =	vld [tilespmem:s12+$0xD8F0];
	v1 =	vadd.f32 $0.0e+00, v1  }
0x1e5: {  	v2 =	vadd.f32 $0.0e+00, v2;
	v0 =	vadd.f32 v4, v0;
	v4 =	vld [tilespmem:s12+$0xD980]  }
0x1e6: {  	v3 =	vadd.f32 $0.0e+00, v3;
	v1 =	vadd.f32 v5, v1;
	v5 =	vld [tilespmem:s12+$0xD990]  }
0x1e7: {  	v2 =	vadd.f32 v6, v2;
	v6 =	vld [tilespmem:s12+$0xD9A0]  }
0x1e8: {  	v3 =	vadd.f32 v7, v3;
	v7 =	vld [tilespmem:s12+$0xD9B0]  }
0x1e9: {  	v0 =	vadd.f32 v8, v0;
	v8 =	vld [tilespmem:s12+$0xD9C0]  }
0x1ea: {  	v1 =	vadd.f32 v9, v1;
	v9 =	vld [tilespmem:s12+$0xD9D0]  }
0x1eb: {  	v2 =	vadd.f32 v10, v2;
	v10 =	vld [tilespmem:s12+$0xD9E0]  }
0x1ec: {  	[tilespmem:$0x1FE80] =	vst v49;
	v49 =	vld [tilespmem:s12+$0xD900]  }
0x1ed: {  	v3 =	vadd.f32 v11, v3;
	v11 =	vld [tilespmem:s12+$0xD9F0]  }
0x1ee: {  	[tilespmem:$0x1FE40] =	vst v61;
	v61 =	vld [tilespmem:s12+$0xD8A0]  }
0x1ef: {  	[tilespmem:$0x1FE30] =	vst v63;
	v63 =	vld [tilespmem:s12+$0xD8B0];
	v2 =	vadd.f32 v14, v2  }
0x1f0: {  	v0 =	vadd.f32 v12, v0;
	v3 =	vadd.f32 v15, v3;
	v12 =	vld [tilespmem:s12+$0xDA00]  }
0x1f1: {  	v2 =	vadd.f32 v18, v2;
	[tilespmem:$0x1FE90] =	vst v49;
	v49 =	vld [tilespmem:s12+$0xD910]  }
0x1f2: {  	v1 =	vadd.f32 v13, v1;
	v13 =	vld [tilespmem:s12+$0xDA10];
	v3 =	vadd.f32 v19, v3  }
0x1f3: {  	v14 =	vld [tilespmem:s12+$0xDA20];
	v2 =	vadd.f32 v22, v2  }
0x1f4: {  	[tilespmem:$0x1FE50] =	vst v63;
	v63 =	vld [tilespmem:s12+$0xD8C0];
	v3 =	vadd.f32 v23, v3  }
0x1f5: {  	v15 =	vld [tilespmem:s12+$0xDA30];
	v0 =	vadd.f32 v16, v0;
	v2 =	vadd.f32 v26, v2  }
0x1f6: {  	v1 =	vadd.f32 v17, v1;
	v3 =	vadd.f32 v27, v3;
	[tilespmem:$0x1FEB0] =	vst v49;
	v49 =	vld [tilespmem:s12+$0xD920]  }
0x1f7: {  	v0 =	vadd.f32 v20, v0;
	v2 =	vadd.f32 v30, v2;
	v30 =	vld [tilespmem:s12+$0xDA40]  }
0x1f8: {  	v1 =	vadd.f32 v21, v1;
	v3 =	vadd.f32 v31, v3;
	v31 =	vld [tilespmem:s12+$0xDA50]  }
0x1f9: {  	v0 =	vadd.f32 v24, v0;
	[tilespmem:$0x1FE60] =	vst v63;
	v63 =	vld [tilespmem:s12+$0xD8D0]  }
0x1fa: {  	v1 =	vadd.f32 v25, v1;
	v2 =	vadd.f32 v34, v2;
	v34 =	vld [tilespmem:s12+$0xDA60]  }
0x1fb: {  	v0 =	vadd.f32 v28, v0;
	[tilespmem:$0x1FEA0] =	vst v49;
	v49 =	vld [tilespmem:s12+$0xD930]  }
0x1fc: {  	v1 =	vadd.f32 v29, v1;
	v3 =	vadd.f32 v35, v3;
	v35 =	vld [tilespmem:s12+$0xDA70]  }
0x1fd: {  	v0 =	vadd.f32 v32, v0;
	v2 =	vadd.f32 v38, v2;
	v38 =	vld [tilespmem:s15+$0xFFFFFFF0]  }
0x1fe: {  	v1 =	vadd.f32 v33, v1;
	v3 =	vadd.f32 v39, v3;
	v39 =	vld [tilespmem:s12+$0xDA80]  }
0x1ff: {  	v0 =	vadd.f32 v36, v0;
	[tilespmem:$0x1FE70] =	vst v63;
	v63 =	vld [tilespmem:s12+$0xD8E0]  }
0x200: {  	v1 =	vadd.f32 v37, v1;
	[tilespmem:$0x1FEC0] =	vst v49;
	v49 =	vld [tilespmem:s12+$0xD940]  }
0x201: {  	v0 =	vadd.f32 v40, v0;
	v2 =	vadd.f32 v42, v2;
	v42 =	vld [tilespmem:s12+$0xDA90]  }
0x202: {  	v1 =	vadd.f32 v41, v1;
	v3 =	vadd.f32 v43, v3;
	v43 =	vld [tilespmem:s12+$0xDAA0]  }
0x203: {  	v0 =	vadd.f32 v44, v0;
	v44 =	vld [tilespmem:s12+$0xDAB0]  }
0x204: {  	v1 =	vadd.f32 v45, v1;
	v45 =	vld [tilespmem:$0x1FE00]  }
0x205: {  	[tilespmem:$0x1FED0] =	vst v49;
	v49 =	vld [tilespmem:s12+$0xD950]  }
0x206: {  	v2 =	vadd.f32 v46, v2;
	v46 =	vld [tilespmem:$0x1FE10]  }
0x207: {  	v3 =	vadd.f32 v47, v3;
	v47 =	vld [tilespmem:$0x1FE20]  }
0x208: {  	v0 =	vadd.f32 v48, v0;
	v48 =	vld [tilespmem:$0x1FE30]  }
0x209: {  	v2 =	vadd.f32 v50, v2;
	v50 =	vld [tilespmem:$0x1FE40]  }
0x20a: {  	[tilespmem:$0x1FEF0] =	vst v49;
	v49 =	vld [tilespmem:s12+$0xD960]  }
0x20b: {  	v3 =	vadd.f32 v51, v3;
	v51 =	vld [tilespmem:$0x1FE50]  }
0x20c: {  	v0 =	vadd.f32 v52, v0;
	v52 =	vld [tilespmem:$0x1FE60]  }
0x20d: {  	v2 =	vadd.f32 v54, v2;
	v54 =	vld [tilespmem:$0x1FE80]  }
0x20e: {  	v3 =	vadd.f32 v55, v3;
	v55 =	vld [tilespmem:$0x1FE90]  }
0x20f: {  	v1 =	vadd.f32 v45, v1;
	v0 =	vadd.f32 v56, v0;
	v56 =	vld [tilespmem:$0x1FEA0];
	[tilespmem:$0x1FEE0] =	vst v49  }
0x210: {  	v49 =	vld [tilespmem:s12+$0xD970];
	[tilespmem:s31+$0xFFFFFFC0] =	vst v38  }
0x211: {  	v1 =	vadd.f32 v53, v1;
	v20 =	vld [tilespmem:s15+$0x0]  }
0x212: {  	v2 =	vadd.f32 v58, v2;
	v58 =	vld [tilespmem:$0x1FEB0]  }
0x213: {  	v3 =	vadd.f32 v59, v3;
	v59 =	vld [tilespmem:$0x1FEC0];
	v1 =	vadd.f32 v57, v1  }
0x214: {  	v53 =	vld [tilespmem:$0x1FE70];
	v0 =	vadd.f32 v60, v0;
	v2 =	vadd.f32 v62, v2  }
0x215: {  	v3 =	vadd.f32 v47, v3;
	v60 =	vld [tilespmem:$0x1FED0];
	v1 =	vadd.f32 v46, v1  }
0x216: {  	v0 =	vadd.f32 v48, v0;
	v2 =	vadd.f32 v61, v2;
	v61 =	vld [tilespmem:$0x1FEE0];
	[tilespmem:s31+$0xFFFFFFD0] =	vst v20  }
0x217: {  	v3 =	vadd.f32 v51, v3;
	v1 =	vadd.f32 v50, v1;
	v20 =	vld [tilespmem:s0+$0xFFFFFFF0]  }
0x218: {  	v0 =	vadd.f32 v52, v0;
	v2 =	vadd.f32 v63, v2;
	v62 =	vld [tilespmem:$0x1FEF0]  }
0x219: {  	v3 =	vadd.f32 v54, v3;
	v1 =	vadd.f32 v53, v1  }
0x21a: {  	v0 =	vadd.f32 v55, v0;
	v2 =	vadd.f32 v56, v2  }
0x21b: {  	v3 =	vadd.f32 v59, v3;
	v1 =	vadd.f32 v58, v1  }
0x21c: {  	v0 =	vadd.f32 v60, v0;
	v2 =	vadd.f32 v61, v2;
	[tilespmem:s31+$0xFFFFFFE0] =	vst v20  }
0x21d: {  	v1 =	vadd.f32 v62, v1;
	v3 =	vadd.f32 v49, v3;
	v57 =	vld [tilespmem:s0+$0x0]  }
0x21e: {  	v0 =	vadd.f32 v4, v0;
	v2 =	vadd.f32 v6, v2  }
0x21f: {  	v1 =	vadd.f32 v5, v1;
	v3 =	vadd.f32 v7, v3  }
0x220: {  	v0 =	vadd.f32 v8, v0;
	v2 =	vadd.f32 v10, v2  }
0x221: {  	v1 =	vadd.f32 v9, v1;
	v3 =	vadd.f32 v11, v3  }
0x222: {  	v0 =	vadd.f32 v12, v0;
	v2 =	vadd.f32 v14, v2;
	[tilespmem:s31+$0xFFFFFFF0] =	vst v57  }
0x223: {  	v1 =	vadd.f32 v13, v1;
	v3 =	vadd.f32 v15, v3;
	v63 =	vld [tilespmem:s5+$0xFFFFFFF0]  }
0x224: {  	v0 =	vadd.f32 v30, v0;
	v2 =	vadd.f32 v34, v2  }
0x225: {  	v1 =	vadd.f32 v31, v1;
	v3 =	vadd.f32 v35, v3  }
0x226: {  	v0 =	vadd.f32 v39, v0;
	v2 =	vadd.f32 v43, v2  }
0x227: {  	v1 =	vadd.f32 v42, v1;
	v3 =	vadd.f32 v44, v3  }
0x228: {  	v0 =	vadd.f32 v2, v0;
	[tilespmem:s31+$0x0] =	vst v63  }
0x229: {  	p0 =	sne.s32 s14, $0x30700;
	v1 =	vadd.f32 v3, v1;
	v4 =	vld [tilespmem:s5+$0x0]  }
.Ltmp2:
0x22a: {  	v0 =	vmul.f32 $1.999999960e-02, v0;
	(pc) =	sbr.rel @p0 .LBB2_7-.Ltmp2, $4  }
0x22b: {  	v1 =	vmul.f32 $1.999999960e-02, v1  }
0x22c: {  	[tilespmem:s31+$0x20] =	vst v0  }
0x22d: {  	s14 =	sadd.s32 $0x1900, s14;
	s15 =	sadd.s32 $0x20, s15;
	[tilespmem:s31+$0x30] =	vst v1  }
0x22e: {  	s0 =	sadd.s32 $0x20, s0;
	s5 =	sadd.s32 $0x20, s5;
	[tilespmem:s31+$0x10] =	vst v4;
	s31 =	sadd.s32 $0x80, s31  }
0x22f: {  	s24 =	sadd.s32 $0x1, s24  }
0x230: {  	s0 =	sshll.u32 s25, $0x4;
	p0 =	sne.s32 s24, $0x8  }
.Ltmp3:
0x231: {  	s0 =	sadd.s32 s11, s0;
	(pc) =	sbr.rel @p0 .LBB2_2-.Ltmp3, $4  }
0x232: {  	[hbm4b:s0+s6] =	stream.linear.scatter [tilespmem:s17], [sflag:$0x3], $0x1000, $0x38;
	[tilespmem:$0x1C540] =	vst v63  }
0x233: {  	_ =	swait.ge [sflag:s20], $0x1000  }
0x234: {  	[sflag:s20] =	ssyncset.done $0x0  }
0x235: {  	[sflag:s20] =	ssyncadd.s32 $0xFFFFF000  }
0x236: {  	s5 =	rddreg [dreg:$0xc]  }
0x237: {  	s0 =	rddreg [dreg:$0xb];
	s5 =	sadd.s32 $0x1, s5  }
0x238: {  	p0 =	sne.s32 s5, s0  }
.Ltmp4:
0x239: {  	_ = 	snop;
	(pc) =	sbr.rel @p0 .LBB2_1-.Ltmp4, $1  }
0x23a: {  	_ =	sdelay $0x3  }
0x23b: {  	_ =	sfence.sel $0x180000  }
0x23c: {  	[bflag:$0x0] =	sbarrier.arrive $0xFFFF  }
0x23d: {  	_ =	strace $0x90000047  }
0x23e: {  	s0 =	stileid.u32;
	[bflag:$0x2] =	sbarrier.arrive $0xFFFF  }
0x23f: {  	p0 =	sne.s32 s0, $0x0;
	s0 =	rddreg [dreg:$0x5]  }
0x240: {  	s0 =	sadd.s32 @!p0 $0x100000, s0  }
0x241: {  	[sflag:s0] =	ssyncadd.tile.s32 @!p0 $0x1;
	_ =	shalt  }
.Lfunc_end2:
_tile_overlayer_lowered:
.L_overlay_start_2:
0x242: {  	(tag) =	ssettag $0x2  }
0x243: {  	s0 =	rddreg [dreg:$0x0];
	s2 =	stileid.u32  }
0x244: {  	s1 =	rddreg [dreg:$0x1];
	p0 =	sne.s32 s2, $0x0  }
0x245: {  	s3 =	rddreg [dreg:$0x2];
	[bflag:$0x3] =	sbarrier.arrive $0xFFFF;
	s2 =	simm.s32 @!p0 $0x1C03  }
0x246: {  	[timem:s3], [sflag:s2] =	dma.local @!p0 [hbm:s0], s1  }
0x247: {  	s0 =	simm.s32 @!p0 $0x3  }
0x248: {  	_ =	swait.ge @!p0 [sflag:s0], s1  }
0x249: {  	s1 =	ssub.s32 @!p0 $0x0, s1;
	[sflag:s0] =	ssyncset.done @!p0 $0x0  }
0x24a: {  	[sflag:s0] =	ssyncadd.s32 @!p0 s1  }
0x24b: {  	[bflag:$0x3] =	sbarrier.arrive $0xFFFF  }
0x24c: {  	_ =	shalt  }

</sc_bundles>
